<compile_context>
chip_gen: v7x
topology: tpu7x:2x2x1
jax: 0.10.2.dev20260603
libtpu: 0.0.44.dev20260713+nightly
codegen_flags: <defaults>
</compile_context>

<pallas_src>
import functools

import jax
import jax.numpy as jnp
from jax import lax
from jax.experimental import pallas as pl
from jax.experimental.pallas import tpu as pltpu
from jax.experimental.pallas import tpu_sc as plsc

NC = 2
NS = 16
NW = NC * NS
CHUNK = 128
LANES = 16


def _mesh():
    return plsc.VectorSubcoreMesh(
        core_axis_name="c", subcore_axis_name="s",
        num_cores=NC, num_subcores=NS)


@functools.lru_cache(maxsize=None)
def _make_scatter(e_pad, eid, n):
    per_w = e_pad // NW
    nch = per_w // CHUNK
    acc_rows = -(-(n + 1) // (NS * CHUNK)) * (NS * CHUNK)
    zpt = acc_rows // NS

    def body(ea_hbm, idx_hbm, lin_hbm, zero_hbm, out_hbm,
             idx_v, lin_v, idx_a, idx_b, row_a, row_b, acc, sem_a, sem_b):
        cid = lax.axis_index("c")
        sid = lax.axis_index("s")
        wid = sid * NC + cid

        pltpu.sync_copy(zero_hbm.at[pl.ds(sid * zpt, zpt)],
                        acc.at[pl.ds(sid * zpt, zpt)])
        plsc.subcore_barrier()

        pltpu.sync_copy(idx_hbm.at[wid], idx_v)
        pltpu.sync_copy(lin_hbm.at[wid], lin_v)

        def _stage_add(j, idx_c, row_v):
            for k in range(CHUNK // LANES):
                s = pl.ds(k * LANES, LANES)
                idx_c[s] = idx_v[j, s]
            pltpu.sync_copy(row_v, acc.at[idx_c], add=True)

        pltpu.async_copy(ea_hbm.at[lin_v.at[0]], row_a, sem_a)

        def pair(i, carry):
            j0 = 2 * i
            j1 = j0 + 1

            @pl.when(j1 < nch)
            def _():
                pltpu.async_copy(ea_hbm.at[lin_v.at[j1]], row_b, sem_b)
            pltpu.make_async_copy(ea_hbm.at[lin_v.at[j0]], row_a, sem_a).wait()
            _stage_add(j0, idx_a, row_a)

            @pl.when(j0 + 2 < nch)
            def _():
                pltpu.async_copy(ea_hbm.at[lin_v.at[j0 + 2]], row_a, sem_a)

            @pl.when(j1 < nch)
            def _():
                pltpu.make_async_copy(
                    ea_hbm.at[lin_v.at[j1]], row_b, sem_b).wait()
                _stage_add(j1, idx_b, row_b)
            return carry
        lax.fori_loop(0, (nch + 1) // 2, pair, 0)
        plsc.subcore_barrier()

        pltpu.sync_copy(acc.at[pl.ds(sid * zpt, zpt)],
                        out_hbm.at[pl.ds(cid * acc_rows + sid * zpt, zpt)])

    return pl.kernel(
        body,
        out_type=jax.ShapeDtypeStruct((NC * acc_rows, eid), jnp.float32),
        mesh=_mesh(),
        scratch_types=[
            pltpu.VMEM((nch, CHUNK), jnp.int32),
            pltpu.VMEM((nch, CHUNK), jnp.int32),
            pltpu.VMEM((CHUNK,), jnp.int32),
            pltpu.VMEM((CHUNK,), jnp.int32),
            pltpu.VMEM((CHUNK, eid), jnp.float32),
            pltpu.VMEM((CHUNK, eid), jnp.float32),
            pltpu.VMEM_SHARED((acc_rows, eid), jnp.float32),
            pltpu.SemaphoreType.DMA,
            pltpu.SemaphoreType.DMA,
        ],
        compiler_params=pltpu.CompilerParams(use_tc_tiling_on_sc=False),
    )


@functools.lru_cache(maxsize=None)
def _make_gather(e_pad, eid, n_pad):
    per_w = e_pad // NW
    nch = per_w // CHUNK
    rpt = n_pad // NS
    b_spmem = 2 * n_pad * eid + 900_000 <= 2_000_000

    def body(a_hbm, b_hbm, dsti_hbm, srci_hbm, g_hbm,
             idxd_v, idxs_v, a0, b0, a1, b1, a_s, b_s, sa0, sb0, sa1, sb1):
        cid = lax.axis_index("c")
        sid = lax.axis_index("s")
        wid = sid * NC + cid
        base = wid * per_w
        b_src = b_s if b_spmem else b_hbm
        pltpu.sync_copy(a_hbm.at[pl.ds(sid * rpt, rpt)],
                        a_s.at[pl.ds(sid * rpt, rpt)])
        if b_spmem:
            pltpu.sync_copy(b_hbm.at[pl.ds(sid * rpt, rpt)],
                            b_s.at[pl.ds(sid * rpt, rpt)])
        pltpu.sync_copy(dsti_hbm.at[wid], idxd_v)
        pltpu.sync_copy(srci_hbm.at[wid], idxs_v)
        plsc.subcore_barrier()

        def _compute_store(j, ba, bb):
            def rowfn(r, c2):
                for k in range(eid // LANES):
                    s = pl.ds(k * LANES, LANES)
                    ba[r, s] = jnp.maximum(ba[r, s] + bb[r, s], 0.0)
                return c2
            lax.fori_loop(0, CHUNK, rowfn, 0)
            pltpu.sync_copy(ba, g_hbm.at[pl.ds(base + j * CHUNK, CHUNK)])

        pltpu.async_copy(a_s.at[idxd_v.at[0]], a0, sa0)
        pltpu.async_copy(b_src.at[idxs_v.at[0]], b0, sb0)

        def pair(i, carry):
            j0 = 2 * i
            j1 = j0 + 1

            @pl.when(j1 < nch)
            def _():
                pltpu.async_copy(a_s.at[idxd_v.at[j1]], a1, sa1)
                pltpu.async_copy(b_src.at[idxs_v.at[j1]], b1, sb1)
            pltpu.make_async_copy(a_s.at[idxd_v.at[j0]], a0, sa0).wait()
            pltpu.make_async_copy(b_src.at[idxs_v.at[j0]], b0, sb0).wait()
            _compute_store(j0, a0, b0)

            @pl.when(j0 + 2 < nch)
            def _():
                pltpu.async_copy(a_s.at[idxd_v.at[j0 + 2]], a0, sa0)
                pltpu.async_copy(b_src.at[idxs_v.at[j0 + 2]], b0, sb0)

            @pl.when(j1 < nch)
            def _():
                pltpu.make_async_copy(a_s.at[idxd_v.at[j1]], a1, sa1).wait()
                pltpu.make_async_copy(b_src.at[idxs_v.at[j1]], b1, sb1).wait()
                _compute_store(j1, a1, b1)
            return carry
        lax.fori_loop(0, (nch + 1) // 2, pair, 0)

    return pl.kernel(
        body,
        out_type=jax.ShapeDtypeStruct((e_pad, eid), jnp.float32),
        mesh=_mesh(),
        scratch_types=[
            pltpu.VMEM((nch, CHUNK), jnp.int32),
            pltpu.VMEM((nch, CHUNK), jnp.int32),
            pltpu.VMEM((CHUNK, eid), jnp.float32),
            pltpu.VMEM((CHUNK, eid), jnp.float32),
            pltpu.VMEM((CHUNK, eid), jnp.float32),
            pltpu.VMEM((CHUNK, eid), jnp.float32),
            pltpu.VMEM_SHARED((n_pad, eid), jnp.float32),
            pltpu.VMEM_SHARED((n_pad if b_spmem else 8, eid), jnp.float32),
            pltpu.SemaphoreType.DMA,
            pltpu.SemaphoreType.DMA,
            pltpu.SemaphoreType.DMA,
            pltpu.SemaphoreType.DMA,
        ],
        compiler_params=pltpu.CompilerParams(use_tc_tiling_on_sc=False),
    )


def _full_spec(shape):
    return pl.BlockSpec(shape, lambda *_: tuple(0 for _ in shape))


def _node_dense(h, aggr2, p, last):
    n, nid = h.shape
    eid = p['lin0']['W'].shape[0]
    hdim = p['lin1']['W'].shape[0]
    w0t = p['lin0']['W'].T
    b0 = p['lin0']['b'][None, :]
    w1 = p['lin1']['W']
    w1at = w1[:, :eid].T
    w1bt = w1[:, eid:].T
    b1 = p['lin1']['b'][None, :]
    f32 = jnp.float32

    if last:
        def body(h_ref, pp_ref, w0t_ref, b0_ref, w1at_ref, w1bt_ref, b1_ref,
                 hn_ref):
            h_ = h_ref[...]
            aggr = pp_ref[0, :n] + pp_ref[1, :n]
            t0 = jnp.maximum(
                jnp.dot(h_, w0t_ref[...], preferred_element_type=f32)
                + b0_ref[...], 0.0)
            hn_ref[...] = jnp.maximum(
                jnp.dot(t0, w1at_ref[...], preferred_element_type=f32)
                + jnp.dot(aggr, w1bt_ref[...], preferred_element_type=f32)
                + b1_ref[...], 0.0)
        return pl.pallas_call(
            body,
            out_shape=jax.ShapeDtypeStruct((n, hdim), f32),
        )(h, aggr2, w0t, b0, w1at, w1bt, b1)

    w3 = p['lin3']['W']
    w3at = w3[:, :nid].T
    w3bt = w3[:, nid:].T
    b3 = p['lin3']['b'][None, :]

    def body(h_ref, pp_ref, w0t_ref, b0_ref, w1at_ref, w1bt_ref, b1_ref,
             w3at_ref, w3bt_ref, b3_ref, hn_ref, a_ref, b_ref):
        h_ = h_ref[...]
        aggr = pp_ref[0, :n] + pp_ref[1, :n]
        t0 = jnp.maximum(
            jnp.dot(h_, w0t_ref[...], preferred_element_type=f32)
            + b0_ref[...], 0.0)
        hn_ref[...] = jnp.maximum(
            jnp.dot(t0, w1at_ref[...], preferred_element_type=f32)
            + jnp.dot(aggr, w1bt_ref[...], preferred_element_type=f32)
            + b1_ref[...], 0.0)
        a_ref[...] = (jnp.dot(h_, w3at_ref[...], preferred_element_type=f32)
                      + b3_ref[...])
        b_ref[...] = jnp.dot(h_, w3bt_ref[...], preferred_element_type=f32)

    return pl.pallas_call(
        body,
        out_shape=[
            jax.ShapeDtypeStruct((n, hdim), f32),
            jax.ShapeDtypeStruct((n, eid), f32),
            jax.ShapeDtypeStruct((n, eid), f32),
        ],
    )(h, aggr2, w0t, b0, w1at, w1bt, b1, w3at, w3bt, b3)


def _edge_dense(ea, g, p):
    e_pad, eidi = ea.shape
    hdim = p['lin2']['W'].shape[0]
    odim = p['lin4']['W'].shape[0]
    w2t = p['lin2']['W'].T
    b2 = p['lin2']['b'][None, :]
    w4 = p['lin4']['W']
    w4at = w4[:, :hdim].T
    w4bt = w4[:, hdim:].T
    b4 = p['lin4']['b'][None, :]
    f32 = jnp.float32
    be = 4096
    grid = (e_pad // be,)

    gdim = g.shape[1]

    def body(ea_ref, g_ref, w2t_ref, b2_ref, w4at_ref, w4bt_ref,
             b4_ref, out_ref):
        c1 = jnp.maximum(
            jnp.dot(ea_ref[...], w2t_ref[...], preferred_element_type=f32)
            + b2_ref[...], 0.0)
        out_ref[...] = jnp.maximum(
            jnp.dot(c1, w4at_ref[...], preferred_element_type=f32)
            + jnp.dot(g_ref[...], w4bt_ref[...], preferred_element_type=f32)
            + b4_ref[...], 0.0)

    return pl.pallas_call(
        body,
        grid=grid,
        in_specs=[
            pl.BlockSpec((be, eidi), lambda i: (i, 0)),
            pl.BlockSpec((be, gdim), lambda i: (i, 0)),
            _full_spec(w2t.shape),
            _full_spec(b2.shape),
            _full_spec(w4at.shape),
            _full_spec(w4bt.shape),
            _full_spec(b4.shape),
        ],
        out_specs=pl.BlockSpec((be, odim), lambda i: (i, 0)),
        out_shape=jax.ShapeDtypeStruct((e_pad, odim), f32),
    )(ea, g, w2t, b2, w4at, w4bt, b4)


def kernel(x, edge_index, edge_attr, params):
    n = x.shape[0]
    e = edge_attr.shape[0]
    per_w = -(-e // (NW * CHUNK)) * CHUNK
    e_pad = per_w * NW
    nch = per_w // CHUNK
    pad = e_pad - e

    src = edge_index[0].astype(jnp.int32)
    dst = edge_index[1].astype(jnp.int32)
    dst_s = jnp.concatenate(
        [dst, jnp.full((pad,), n, jnp.int32)]).reshape(NW, nch, CHUNK)
    dst_g = jnp.concatenate(
        [dst, jnp.zeros((pad,), jnp.int32)]).reshape(NW, nch, CHUNK)
    src_g = jnp.concatenate(
        [src, jnp.zeros((pad,), jnp.int32)]).reshape(NW, nch, CHUNK)
    ea = jnp.pad(edge_attr, ((0, pad), (0, 0)))

    lin_idx = jnp.arange(e_pad, dtype=jnp.int32).reshape(NW, nch, CHUNK)

    def _mk_aggr(ea_):
        acc_rows = -(-(n + 1) // (NS * CHUNK)) * (NS * CHUNK)
        eid_ = ea_.shape[1]
        zero = jnp.zeros((acc_rows, eid_), jnp.float32)
        real = _make_scatter(e_pad, eid_, n)(ea_, dst_s, lin_idx, zero)
        return real.reshape(NC, -1, eid_)

    aggr2 = _mk_aggr(ea)
    h = x
    n_layers = len(params)
    for l, p in enumerate(params):
        if l == n_layers - 1:
            h = _node_dense(h, aggr2, p, last=True)
        else:
            h, a_t, b_t = _node_dense(h, aggr2, p, last=False)
            n_pad = -(-n // (NS * 8)) * (NS * 8)
            a_p = jnp.pad(a_t, ((0, n_pad - n), (0, 0)))
            b_p = jnp.pad(b_t, ((0, n_pad - n), (0, 0)))
            g = _make_gather(e_pad, a_t.shape[1], n_pad)(
                a_p, b_p, dst_g, src_g)
            ea = _edge_dense(ea, g, p)
            aggr2 = _mk_aggr(ea)
    return h

# --- scband reference (transcript-rebuilt; emitter-appended) ---
"""Pipeline reference for scband-weave-encoder-44641890075076 (READ-ONLY COPY).

The authoritative reference and input builder live on the scoring server;
editing this copy changes nothing except your own understanding.
"""

import jax, jax.numpy as jnp
import numpy as np


def _mk_lin(key, din, dout):
    kw, kb = jax.random.split(key)
    s = 1.0 / np.sqrt(din)
    return {
        'W': jax.random.uniform(kw, (dout, din), minval=-s, maxval=s, dtype=jnp.float32),
        'b': jax.random.uniform(kb, (dout,), minval=-s, maxval=s, dtype=jnp.float32),
    }


def _linear(p, x):
    return x @ p['W'].T + p['b']


def _make_params(key, node_in_dim=128, edge_in_dim=16, node_hidden_dim=64, edge_hidden_dim=64, num_layers=4):
    params = []
    for layer in range(num_layers):
        nid = node_in_dim if layer == 0 else node_hidden_dim
        eid = edge_in_dim if layer == 0 else edge_hidden_dim
        key, k0, k1, k2, k3, k4 = jax.random.split(key, 6)
        params.append({
            'lin0': _mk_lin(k0, nid, eid),
            'lin1': _mk_lin(k1, eid * 2, node_hidden_dim),
            'lin2': _mk_lin(k2, eid, edge_hidden_dim),
            'lin3': _mk_lin(k3, nid * 2, eid),
            'lin4': _mk_lin(k4, edge_hidden_dim + eid, edge_hidden_dim),
        })
    return params


def setup_inputs(seed: int = 0) -> dict:
    key = jax.random.key(seed)
    k_x, k_ei, k_ea, k_p = jax.random.split(key, 4)
    N, E = 10000, 320000
    x = jax.random.normal(k_x, (N, 128), dtype=jnp.float32)
    edge_index = jax.random.randint(k_ei, (2, E), 0, N, dtype=jnp.int64)
    edge_attr = jax.random.normal(k_ea, (E, 16), dtype=jnp.float32)
    params = _make_params(k_p)
    return {'x': x, 'edge_index': edge_index, 'edge_attr': edge_attr, 'params': params}


def reference(x, edge_index, edge_attr, params):
    # Weave_encoder forward with only_nodes=True
    N = x.shape[0]
    src = edge_index[0]
    dst = edge_index[1]
    h = x
    ea = edge_attr
    for p in params:
        # propagate: message = edge_attr, aggr='sum' at dst nodes
        aggr = jax.ops.segment_sum(ea, dst, num_segments=N)
        # update
        inner = jnp.concatenate([jax.nn.relu(_linear(p['lin0'], h)), aggr], axis=1)
        h_new = jax.nn.relu(_linear(p['lin1'], inner))
        # edge_update (uses old node features)
        x_i = h[dst]
        x_j = h[src]
        c1 = jax.nn.relu(_linear(p['lin2'], ea))
        c2 = jax.nn.relu(_linear(p['lin3'], jnp.concatenate([x_i, x_j], axis=1)))
        ea = jax.nn.relu(_linear(p['lin4'], jnp.concatenate([c1, c2], axis=1)))
        h = h_new
    return h

if __name__ == "__main__":
    import jax
    _d = setup_inputs()
    print(jax.jit(kernel)(*tuple(_d.values())))

</pallas_src>

<mosaic_0001>
#map = affine_map<(d0, d1) -> (0, 0)>
#map1 = affine_map<(d0, d1) -> (0, 0, 0)>
module attributes {stable_mosaic.version = 14 : i64} {
  func.func @body(%arg0: i32, %arg1: i32, %arg2: memref<323584x64xf32, #tpu.memory_space<hbm>>, %arg3: memref<32x79x128xi32, #tpu.memory_space<hbm>>, %arg4: memref<32x79x128xi32, #tpu.memory_space<hbm>>, %arg5: memref<10240x64xf32, #tpu.memory_space<hbm>>, %arg6: memref<20480x64xf32, #tpu.memory_space<hbm>>, %arg7: memref<79x128xi32, #tpu.memory_space<vmem>>, %arg8: memref<79x128xi32, #tpu.memory_space<vmem>>, %arg9: memref<128xi32, #tpu.memory_space<vmem>>, %arg10: memref<128xi32, #tpu.memory_space<vmem>>, %arg11: memref<128x64xf32, #tpu.memory_space<vmem>>, %arg12: memref<128x64xf32, #tpu.memory_space<vmem>>, %arg13: memref<10240x64xf32, #tpu.memory_space<vmem_shared>>, %arg14: memref<!tpu.dma_semaphore, #tpu.memory_space<semaphore_mem>>, %arg15: memref<!tpu.dma_semaphore, #tpu.memory_space<semaphore_mem>>) attributes {dimension_semantics = [#tpu.dimension_semantics<core_parallel>, #tpu.dimension_semantics<subcore_parallel>], iteration_bounds = array<i64: 2, 16>, scalar_prefetch = 0 : i64, scratch_operands = 9 : i64, tpu.core_type = #tpu.core_type<sc_vector_subcore>, window_params = [{transform_indices = #map}, {transform_indices = #map1}, {transform_indices = #map1}, {transform_indices = #map}, {transform_indices = #map}]} {
    %mul3A = arith.constant 2 : i32
    %mul3A_0 = arith.muli %arg1, %mul3A : i32
    %add3A = arith.addi %mul3A_0, %arg0 : i32
    %mul3A_1 = arith.constant 640 : i32
    %mul3A_2 = arith.muli %arg1, %mul3A_1 : i32
    %mul3A_3 = arith.constant 640 : i32
    %mul3A_4 = arith.muli %arg1, %mul3A_3 : i32
    "tpu.region"() ({
      %run_scoped3A = tpu.sem_alloc : memref<!tpu.dma_semaphore, #tpu.memory_space<semaphore_mem>>
      %dma_start3A_24 = arith.constant 0 : i32
      %dma_start3A_25 = tpu.memref_slice %arg13[%mul3A_4, %dma_start3A_24] : memref<10240x64xf32, #tpu.memory_space<vmem_shared>> -> memref<640x64xf32, #tpu.memory_space<vmem_shared>>
      %dma_start3A_26 = arith.constant 0 : i32
      %dma_start3A_27 = tpu.memref_slice %arg5[%mul3A_2, %dma_start3A_26] : memref<10240x64xf32, #tpu.memory_space<hbm>> -> memref<640x64xf32, #tpu.memory_space<hbm>>
      tpu.enqueue_dma source(%dma_start3A_27 : memref<640x64xf32, #tpu.memory_space<hbm>>) target(%dma_start3A_25 : memref<640x64xf32, #tpu.memory_space<vmem_shared>>) target_semaphore(%run_scoped3A : memref<!tpu.dma_semaphore, #tpu.memory_space<semaphore_mem>>)
      %dma_wait3A = arith.constant 0 : i32
      %dma_wait3A_28 = tpu.memref_slice %arg13[%mul3A_4, %dma_wait3A] : memref<10240x64xf32, #tpu.memory_space<vmem_shared>> -> memref<640x64xf32, #tpu.memory_space<vmem_shared>>
      %dma_wait3A_29 = arith.constant 0 : i32
      %dma_wait3A_30 = tpu.memref_slice %arg5[%mul3A_2, %dma_wait3A_29] : memref<10240x64xf32, #tpu.memory_space<hbm>> -> memref<640x64xf32, #tpu.memory_space<hbm>>
      tpu.wait_dma2 semaphore(%run_scoped3A : memref<!tpu.dma_semaphore, #tpu.memory_space<semaphore_mem>>) src(%dma_wait3A_30 : memref<640x64xf32, #tpu.memory_space<hbm>>) dst(%dma_wait3A_28 : memref<640x64xf32, #tpu.memory_space<vmem_shared>>)
      tpu.yield
    }) : () -> ()
    %barrier3A = arith.constant 0 : index
    tpu.barrier barrier_id(%barrier3A)
    "tpu.region"() ({
      %run_scoped3A = tpu.sem_alloc : memref<!tpu.dma_semaphore, #tpu.memory_space<semaphore_mem>>
      %dma_start3A_24 = arith.constant 0 : i32
      %dma_start3A_25 = arith.constant 0 : i32
      %dma_start3A_26 = tpu.memref_slice %arg3[%add3A, %dma_start3A_24, %dma_start3A_25] : memref<32x79x128xi32, #tpu.memory_space<hbm>> -> memref<1x79x128xi32, #tpu.memory_space<hbm>>
      %dma_start3A_27 = tpu.memref_squeeze %dma_start3A_26 : memref<1x79x128xi32, #tpu.memory_space<hbm>> -> memref<79x128xi32, #tpu.memory_space<hbm>>
      %dma_start3A_28 = arith.constant 0 : i32
      %dma_start3A_29 = arith.constant 0 : i32
      %dma_start3A_30 = tpu.memref_slice %arg3[%add3A, %dma_start3A_28, %dma_start3A_29] : memref<32x79x128xi32, #tpu.memory_space<hbm>> -> memref<1x79x128xi32, #tpu.memory_space<hbm>>
      %dma_start3A_31 = tpu.memref_squeeze %dma_start3A_30 : memref<1x79x128xi32, #tpu.memory_space<hbm>> -> memref<79x128xi32, #tpu.memory_space<hbm>>
      tpu.enqueue_dma source(%dma_start3A_31 : memref<79x128xi32, #tpu.memory_space<hbm>>) target(%arg7 : memref<79x128xi32, #tpu.memory_space<vmem>>) target_semaphore(%run_scoped3A : memref<!tpu.dma_semaphore, #tpu.memory_space<semaphore_mem>>)
      %dma_wait3A = arith.constant 0 : i32
      %dma_wait3A_32 = arith.constant 0 : i32
      %dma_wait3A_33 = tpu.memref_slice %arg3[%add3A, %dma_wait3A, %dma_wait3A_32] : memref<32x79x128xi32, #tpu.memory_space<hbm>> -> memref<1x79x128xi32, #tpu.memory_space<hbm>>
      %dma_wait3A_34 = tpu.memref_squeeze %dma_wait3A_33 : memref<1x79x128xi32, #tpu.memory_space<hbm>> -> memref<79x128xi32, #tpu.memory_space<hbm>>
      %dma_wait3A_35 = arith.constant 0 : i32
      %dma_wait3A_36 = arith.constant 0 : i32
      %dma_wait3A_37 = tpu.memref_slice %arg3[%add3A, %dma_wait3A_35, %dma_wait3A_36] : memref<32x79x128xi32, #tpu.memory_space<hbm>> -> memref<1x79x128xi32, #tpu.memory_space<hbm>>
      %dma_wait3A_38 = tpu.memref_squeeze %dma_wait3A_37 : memref<1x79x128xi32, #tpu.memory_space<hbm>> -> memref<79x128xi32, #tpu.memory_space<hbm>>
      tpu.wait_dma2 semaphore(%run_scoped3A : memref<!tpu.dma_semaphore, #tpu.memory_space<semaphore_mem>>) src(%dma_wait3A_38 : memref<79x128xi32, #tpu.memory_space<hbm>>) dst(%arg7 : memref<79x128xi32, #tpu.memory_space<vmem>>)
      tpu.yield
    }) : () -> ()
    "tpu.region"() ({
      %run_scoped3A = tpu.sem_alloc : memref<!tpu.dma_semaphore, #tpu.memory_space<semaphore_mem>>
      %dma_start3A_24 = arith.constant 0 : i32
      %dma_start3A_25 = arith.constant 0 : i32
      %dma_start3A_26 = tpu.memref_slice %arg4[%add3A, %dma_start3A_24, %dma_start3A_25] : memref<32x79x128xi32, #tpu.memory_space<hbm>> -> memref<1x79x128xi32, #tpu.memory_space<hbm>>
      %dma_start3A_27 = tpu.memref_squeeze %dma_start3A_26 : memref<1x79x128xi32, #tpu.memory_space<hbm>> -> memref<79x128xi32, #tpu.memory_space<hbm>>
      %dma_start3A_28 = arith.constant 0 : i32
      %dma_start3A_29 = arith.constant 0 : i32
      %dma_start3A_30 = tpu.memref_slice %arg4[%add3A, %dma_start3A_28, %dma_start3A_29] : memref<32x79x128xi32, #tpu.memory_space<hbm>> -> memref<1x79x128xi32, #tpu.memory_space<hbm>>
      %dma_start3A_31 = tpu.memref_squeeze %dma_start3A_30 : memref<1x79x128xi32, #tpu.memory_space<hbm>> -> memref<79x128xi32, #tpu.memory_space<hbm>>
      tpu.enqueue_dma source(%dma_start3A_31 : memref<79x128xi32, #tpu.memory_space<hbm>>) target(%arg8 : memref<79x128xi32, #tpu.memory_space<vmem>>) target_semaphore(%run_scoped3A : memref<!tpu.dma_semaphore, #tpu.memory_space<semaphore_mem>>)
      %dma_wait3A = arith.constant 0 : i32
      %dma_wait3A_32 = arith.constant 0 : i32
      %dma_wait3A_33 = tpu.memref_slice %arg4[%add3A, %dma_wait3A, %dma_wait3A_32] : memref<32x79x128xi32, #tpu.memory_space<hbm>> -> memref<1x79x128xi32, #tpu.memory_space<hbm>>
      %dma_wait3A_34 = tpu.memref_squeeze %dma_wait3A_33 : memref<1x79x128xi32, #tpu.memory_space<hbm>> -> memref<79x128xi32, #tpu.memory_space<hbm>>
      %dma_wait3A_35 = arith.constant 0 : i32
      %dma_wait3A_36 = arith.constant 0 : i32
      %dma_wait3A_37 = tpu.memref_slice %arg4[%add3A, %dma_wait3A_35, %dma_wait3A_36] : memref<32x79x128xi32, #tpu.memory_space<hbm>> -> memref<1x79x128xi32, #tpu.memory_space<hbm>>
      %dma_wait3A_38 = tpu.memref_squeeze %dma_wait3A_37 : memref<1x79x128xi32, #tpu.memory_space<hbm>> -> memref<79x128xi32, #tpu.memory_space<hbm>>
      tpu.wait_dma2 semaphore(%run_scoped3A : memref<!tpu.dma_semaphore, #tpu.memory_space<semaphore_mem>>) src(%dma_wait3A_38 : memref<79x128xi32, #tpu.memory_space<hbm>>) dst(%arg8 : memref<79x128xi32, #tpu.memory_space<vmem>>)
      tpu.yield
    }) : () -> ()
    %dma_start3A = arith.constant 0 : i32
    %dma_start3A_5 = arith.constant 0 : i32
    %dma_start3A_6 = tpu.memref_slice %arg8[%dma_start3A, %dma_start3A_5] : memref<79x128xi32, #tpu.memory_space<vmem>> -> memref<1x128xi32, #tpu.memory_space<vmem>>
    %dma_start3A_7 = tpu.memref_squeeze %dma_start3A_6 : memref<1x128xi32, #tpu.memory_space<vmem>> -> memref<128xi32, #tpu.memory_space<vmem>>
    %dma_start3A_8 = arith.constant 0 : i32
    %dma_start3A_9 = arith.constant 0 : i32
    %dma_start3A_10 = tpu.memref_slice %arg2[%dma_start3A_8, %dma_start3A_9] : memref<323584x64xf32, #tpu.memory_space<hbm>> -> memref<323584x64xf32, #tpu.memory_space<hbm>>
    tpu.enqueue_indirect_dma source(%dma_start3A_10 : memref<323584x64xf32, #tpu.memory_space<hbm>>) target(%arg11 : memref<128x64xf32, #tpu.memory_space<vmem>>) offsets(%dma_start3A_7 : memref<128xi32, #tpu.memory_space<vmem>>) semaphore(%arg14 : memref<!tpu.dma_semaphore, #tpu.memory_space<semaphore_mem>>)
    %scan3A = arith.constant 0 : i32
    %scan3A_11 = arith.constant 0 : i32
    %scan3A_12 = arith.constant 40 : i32
    %scan3A_13 = arith.addi %scan3A_11, %scan3A_12 : i32
    %scan3A_14 = arith.constant 1 : i32
    scf.for %scan3A_24 = %scan3A_11 to %scan3A_13 step %scan3A_14  : i32 {
      %mul3A_25 = arith.constant 2 : i32
      %mul3A_26 = arith.muli %mul3A_25, %scan3A_24 : i32
      %add3A_27 = arith.constant 1 : i32
      %add3A_28 = arith.addi %mul3A_26, %add3A_27 : i32
      %lt3A = arith.constant 79 : i32
      %lt3A_29 = arith.cmpi slt, %add3A_28, %lt3A : i32
      %convert_element_type3A = arith.extui %lt3A_29 : i1 to i32
      %cond3A = arith.constant 0 : i32
      %cond3A_30 = arith.cmpi ne, %convert_element_type3A, %cond3A : i32
      scf.if %cond3A_30 {
        %dma_start3A_110 = arith.constant 0 : i32
        %dma_start3A_111 = tpu.memref_slice %arg8[%add3A_28, %dma_start3A_110] : memref<79x128xi32, #tpu.memory_space<vmem>> -> memref<1x128xi32, #tpu.memory_space<vmem>>
        %dma_start3A_112 = tpu.memref_squeeze %dma_start3A_111 : memref<1x128xi32, #tpu.memory_space<vmem>> -> memref<128xi32, #tpu.memory_space<vmem>>
        %dma_start3A_113 = arith.constant 0 : i32
        %dma_start3A_114 = arith.constant 0 : i32
        %dma_start3A_115 = tpu.memref_slice %arg2[%dma_start3A_113, %dma_start3A_114] : memref<323584x64xf32, #tpu.memory_space<hbm>> -> memref<323584x64xf32, #tpu.memory_space<hbm>>
        tpu.enqueue_indirect_dma source(%dma_start3A_115 : memref<323584x64xf32, #tpu.memory_space<hbm>>) target(%arg12 : memref<128x64xf32, #tpu.memory_space<vmem>>) offsets(%dma_start3A_112 : memref<128xi32, #tpu.memory_space<vmem>>) semaphore(%arg15 : memref<!tpu.dma_semaphore, #tpu.memory_space<semaphore_mem>>)
      } else {
      }
      %dma_wait3A = arith.constant 0 : i32
      %dma_wait3A_31 = tpu.memref_slice %arg8[%mul3A_26, %dma_wait3A] : memref<79x128xi32, #tpu.memory_space<vmem>> -> memref<1x128xi32, #tpu.memory_space<vmem>>
      %dma_wait3A_32 = tpu.memref_squeeze %dma_wait3A_31 : memref<1x128xi32, #tpu.memory_space<vmem>> -> memref<128xi32, #tpu.memory_space<vmem>>
      %dma_wait3A_33 = arith.constant 0 : i32
      %dma_wait3A_34 = arith.constant 0 : i32
      %dma_wait3A_35 = tpu.memref_slice %arg2[%dma_wait3A_33, %dma_wait3A_34] : memref<323584x64xf32, #tpu.memory_space<hbm>> -> memref<323584x64xf32, #tpu.memory_space<hbm>>
      tpu.wait_indirect_dma semaphore(%arg14 : memref<!tpu.dma_semaphore, #tpu.memory_space<semaphore_mem>>) src(%dma_wait3A_35 : memref<323584x64xf32, #tpu.memory_space<hbm>>) dst(%arg11 : memref<128x64xf32, #tpu.memory_space<vmem>>)
      %get3A = arith.index_cast %mul3A_26 : i32 to index
      %get3A_36 = arith.constant 0 : index
      %get3A_37 = tpu.vector_load %arg7[%get3A, %get3A_36] {strides = array<i32>} : memref<79x128xi32, #tpu.memory_space<vmem>>, vector<1x16xi32>,
      %get3A_38 = vector.shape_cast %get3A_37 : vector<1x16xi32> to vector<16xi32>
      %swap3A = arith.constant 0 : index
      %swap3A_39 = tpu.vector_load %arg9[%swap3A] {strides = array<i32>} : memref<128xi32, #tpu.memory_space<vmem>>, vector<16xi32>,
      %swap3A_40 = vector.shape_cast %swap3A_39 : vector<16xi32> to vector<16xi32>
      %swap3A_41 = vector.shape_cast %get3A_38 : vector<16xi32> to vector<16xi32>
      tpu.vector_store %arg9[%swap3A], %swap3A_41 {strides = array<i32>} : memref<128xi32, #tpu.memory_space<vmem>>, vector<16xi32>,
      %get3A_42 = arith.index_cast %mul3A_26 : i32 to index
      %get3A_43 = arith.constant 16 : index
      %get3A_44 = tpu.vector_load %arg7[%get3A_42, %get3A_43] {strides = array<i32>} : memref<79x128xi32, #tpu.memory_space<vmem>>, vector<1x16xi32>,
      %get3A_45 = vector.shape_cast %get3A_44 : vector<1x16xi32> to vector<16xi32>
      %swap3A_46 = arith.constant 16 : index
      %swap3A_47 = tpu.vector_load %arg9[%swap3A_46] {strides = array<i32>} : memref<128xi32, #tpu.memory_space<vmem>>, vector<16xi32>,
      %swap3A_48 = vector.shape_cast %swap3A_47 : vector<16xi32> to vector<16xi32>
      %swap3A_49 = vector.shape_cast %get3A_45 : vector<16xi32> to vector<16xi32>
      tpu.vector_store %arg9[%swap3A_46], %swap3A_49 {strides = array<i32>} : memref<128xi32, #tpu.memory_space<vmem>>, vector<16xi32>,
      %get3A_50 = arith.index_cast %mul3A_26 : i32 to index
      %get3A_51 = arith.constant 32 : index
      %get3A_52 = tpu.vector_load %arg7[%get3A_50, %get3A_51] {strides = array<i32>} : memref<79x128xi32, #tpu.memory_space<vmem>>, vector<1x16xi32>,
      %get3A_53 = vector.shape_cast %get3A_52 : vector<1x16xi32> to vector<16xi32>
      %swap3A_54 = arith.constant 32 : index
      %swap3A_55 = tpu.vector_load %arg9[%swap3A_54] {strides = array<i32>} : memref<128xi32, #tpu.memory_space<vmem>>, vector<16xi32>,
      %swap3A_56 = vector.shape_cast %swap3A_55 : vector<16xi32> to vector<16xi32>
      %swap3A_57 = vector.shape_cast %get3A_53 : vector<16xi32> to vector<16xi32>
      tpu.vector_store %arg9[%swap3A_54], %swap3A_57 {strides = array<i32>} : memref<128xi32, #tpu.memory_space<vmem>>, vector<16xi32>,
      %get3A_58 = arith.index_cast %mul3A_26 : i32 to index
      %get3A_59 = arith.constant 48 : index
      %get3A_60 = tpu.vector_load %arg7[%get3A_58, %get3A_59] {strides = array<i32>} : memref<79x128xi32, #tpu.memory_space<vmem>>, vector<1x16xi32>,
      %get3A_61 = vector.shape_cast %get3A_60 : vector<1x16xi32> to vector<16xi32>
      %swap3A_62 = arith.constant 48 : index
      %swap3A_63 = tpu.vector_load %arg9[%swap3A_62] {strides = array<i32>} : memref<128xi32, #tpu.memory_space<vmem>>, vector<16xi32>,
      %swap3A_64 = vector.shape_cast %swap3A_63 : vector<16xi32> to vector<16xi32>
      %swap3A_65 = vector.shape_cast %get3A_61 : vector<16xi32> to vector<16xi32>
      tpu.vector_store %arg9[%swap3A_62], %swap3A_65 {strides = array<i32>} : memref<128xi32, #tpu.memory_space<vmem>>, vector<16xi32>,
      %get3A_66 = arith.index_cast %mul3A_26 : i32 to index
      %get3A_67 = arith.constant 64 : index
      %get3A_68 = tpu.vector_load %arg7[%get3A_66, %get3A_67] {strides = array<i32>} : memref<79x128xi32, #tpu.memory_space<vmem>>, vector<1x16xi32>,
      %get3A_69 = vector.shape_cast %get3A_68 : vector<1x16xi32> to vector<16xi32>
      %swap3A_70 = arith.constant 64 : index
      %swap3A_71 = tpu.vector_load %arg9[%swap3A_70] {strides = array<i32>} : memref<128xi32, #tpu.memory_space<vmem>>, vector<16xi32>,
      %swap3A_72 = vector.shape_cast %swap3A_71 : vector<16xi32> to vector<16xi32>
      %swap3A_73 = vector.shape_cast %get3A_69 : vector<16xi32> to vector<16xi32>
      tpu.vector_store %arg9[%swap3A_70], %swap3A_73 {strides = array<i32>} : memref<128xi32, #tpu.memory_space<vmem>>, vector<16xi32>,
      %get3A_74 = arith.index_cast %mul3A_26 : i32 to index
      %get3A_75 = arith.constant 80 : index
      %get3A_76 = tpu.vector_load %arg7[%get3A_74, %get3A_75] {strides = array<i32>} : memref<79x128xi32, #tpu.memory_space<vmem>>, vector<1x16xi32>,
      %get3A_77 = vector.shape_cast %get3A_76 : vector<1x16xi32> to vector<16xi32>
      %swap3A_78 = arith.constant 80 : index
      %swap3A_79 = tpu.vector_load %arg9[%swap3A_78] {strides = array<i32>} : memref<128xi32, #tpu.memory_space<vmem>>, vector<16xi32>,
      %swap3A_80 = vector.shape_cast %swap3A_79 : vector<16xi32> to vector<16xi32>
      %swap3A_81 = vector.shape_cast %get3A_77 : vector<16xi32> to vector<16xi32>
      tpu.vector_store %arg9[%swap3A_78], %swap3A_81 {strides = array<i32>} : memref<128xi32, #tpu.memory_space<vmem>>, vector<16xi32>,
      %get3A_82 = arith.index_cast %mul3A_26 : i32 to index
      %get3A_83 = arith.constant 96 : index
      %get3A_84 = tpu.vector_load %arg7[%get3A_82, %get3A_83] {strides = array<i32>} : memref<79x128xi32, #tpu.memory_space<vmem>>, vector<1x16xi32>,
      %get3A_85 = vector.shape_cast %get3A_84 : vector<1x16xi32> to vector<16xi32>
      %swap3A_86 = arith.constant 96 : index
      %swap3A_87 = tpu.vector_load %arg9[%swap3A_86] {strides = array<i32>} : memref<128xi32, #tpu.memory_space<vmem>>, vector<16xi32>,
      %swap3A_88 = vector.shape_cast %swap3A_87 : vector<16xi32> to vector<16xi32>
      %swap3A_89 = vector.shape_cast %get3A_85 : vector<16xi32> to vector<16xi32>
      tpu.vector_store %arg9[%swap3A_86], %swap3A_89 {strides = array<i32>} : memref<128xi32, #tpu.memory_space<vmem>>, vector<16xi32>,
      %get3A_90 = arith.index_cast %mul3A_26 : i32 to index
      %get3A_91 = arith.constant 112 : index
      %get3A_92 = tpu.vector_load %arg7[%get3A_90, %get3A_91] {strides = array<i32>} : memref<79x128xi32, #tpu.memory_space<vmem>>, vector<1x16xi32>,
      %get3A_93 = vector.shape_cast %get3A_92 : vector<1x16xi32> to vector<16xi32>
      %swap3A_94 = arith.constant 112 : index
      %swap3A_95 = tpu.vector_load %arg9[%swap3A_94] {strides = array<i32>} : memref<128xi32, #tpu.memory_space<vmem>>, vector<16xi32>,
      %swap3A_96 = vector.shape_cast %swap3A_95 : vector<16xi32> to vector<16xi32>
      %swap3A_97 = vector.shape_cast %get3A_93 : vector<16xi32> to vector<16xi32>
      tpu.vector_store %arg9[%swap3A_94], %swap3A_97 {strides = array<i32>} : memref<128xi32, #tpu.memory_space<vmem>>, vector<16xi32>,
      "tpu.region"() ({
        %run_scoped3A = tpu.sem_alloc : memref<!tpu.dma_semaphore, #tpu.memory_space<semaphore_mem>>
        %dma_start3A_110 = arith.constant 0 : i32
        %dma_start3A_111 = arith.constant 0 : i32
        %dma_start3A_112 = tpu.memref_slice %arg13[%dma_start3A_110, %dma_start3A_111] : memref<10240x64xf32, #tpu.memory_space<vmem_shared>> -> memref<10240x64xf32, #tpu.memory_space<vmem_shared>>
        tpu.enqueue_indirect_dma source(%arg11 : memref<128x64xf32, #tpu.memory_space<vmem>>) target(%dma_start3A_112 : memref<10240x64xf32, #tpu.memory_space<vmem_shared>>) offsets(%arg9 : memref<128xi32, #tpu.memory_space<vmem>>) semaphore(%run_scoped3A : memref<!tpu.dma_semaphore, #tpu.memory_space<semaphore_mem>>) {add = true}
        %dma_wait3A_113 = arith.constant 0 : i32
        %dma_wait3A_114 = arith.constant 0 : i32
        %dma_wait3A_115 = tpu.memref_slice %arg13[%dma_wait3A_113, %dma_wait3A_114] : memref<10240x64xf32, #tpu.memory_space<vmem_shared>> -> memref<10240x64xf32, #tpu.memory_space<vmem_shared>>
        tpu.wait_indirect_dma semaphore(%run_scoped3A : memref<!tpu.dma_semaphore, #tpu.memory_space<semaphore_mem>>) src(%arg11 : memref<128x64xf32, #tpu.memory_space<vmem>>) dst(%dma_wait3A_115 : memref<10240x64xf32, #tpu.memory_space<vmem_shared>>)
        tpu.yield
      }) : () -> ()
      %add3A_98 = arith.constant 2 : i32
      %add3A_99 = arith.addi %mul3A_26, %add3A_98 : i32
      %lt3A_100 = arith.constant 79 : i32
      %lt3A_101 = arith.cmpi slt, %add3A_99, %lt3A_100 : i32
      %convert_element_type3A_102 = arith.extui %lt3A_101 : i1 to i32
      %cond3A_103 = arith.constant 0 : i32
      %cond3A_104 = arith.cmpi ne, %convert_element_type3A_102, %cond3A_103 : i32
      scf.if %cond3A_104 {
        %add3A_110 = arith.constant 2 : i32
        %add3A_111 = arith.addi %mul3A_26, %add3A_110 : i32
        %dma_start3A_112 = arith.constant 0 : i32
        %dma_start3A_113 = tpu.memref_slice %arg8[%add3A_111, %dma_start3A_112] : memref<79x128xi32, #tpu.memory_space<vmem>> -> memref<1x128xi32, #tpu.memory_space<vmem>>
        %dma_start3A_114 = tpu.memref_squeeze %dma_start3A_113 : memref<1x128xi32, #tpu.memory_space<vmem>> -> memref<128xi32, #tpu.memory_space<vmem>>
        %dma_start3A_115 = arith.constant 0 : i32
        %dma_start3A_116 = arith.constant 0 : i32
        %dma_start3A_117 = tpu.memref_slice %arg2[%dma_start3A_115, %dma_start3A_116] : memref<323584x64xf32, #tpu.memory_space<hbm>> -> memref<323584x64xf32, #tpu.memory_space<hbm>>
        tpu.enqueue_indirect_dma source(%dma_start3A_117 : memref<323584x64xf32, #tpu.memory_space<hbm>>) target(%arg11 : memref<128x64xf32, #tpu.memory_space<vmem>>) offsets(%dma_start3A_114 : memref<128xi32, #tpu.memory_space<vmem>>) semaphore(%arg14 : memref<!tpu.dma_semaphore, #tpu.memory_space<semaphore_mem>>)
      } else {
      }
      %lt3A_105 = arith.constant 79 : i32
      %lt3A_106 = arith.cmpi slt, %add3A_28, %lt3A_105 : i32
      %convert_element_type3A_107 = arith.extui %lt3A_106 : i1 to i32
      %cond3A_108 = arith.constant 0 : i32
      %cond3A_109 = arith.cmpi ne, %convert_element_type3A_107, %cond3A_108 : i32
      scf.if %cond3A_109 {
        %dma_wait3A_110 = arith.constant 0 : i32
        %dma_wait3A_111 = tpu.memref_slice %arg8[%add3A_28, %dma_wait3A_110] : memref<79x128xi32, #tpu.memory_space<vmem>> -> memref<1x128xi32, #tpu.memory_space<vmem>>
        %dma_wait3A_112 = tpu.memref_squeeze %dma_wait3A_111 : memref<1x128xi32, #tpu.memory_space<vmem>> -> memref<128xi32, #tpu.memory_space<vmem>>
        %dma_wait3A_113 = arith.constant 0 : i32
        %dma_wait3A_114 = arith.constant 0 : i32
        %dma_wait3A_115 = tpu.memref_slice %arg2[%dma_wait3A_113, %dma_wait3A_114] : memref<323584x64xf32, #tpu.memory_space<hbm>> -> memref<323584x64xf32, #tpu.memory_space<hbm>>
        tpu.wait_indirect_dma semaphore(%arg15 : memref<!tpu.dma_semaphore, #tpu.memory_space<semaphore_mem>>) src(%dma_wait3A_115 : memref<323584x64xf32, #tpu.memory_space<hbm>>) dst(%arg12 : memref<128x64xf32, #tpu.memory_space<vmem>>)
        %get3A_116 = arith.index_cast %add3A_28 : i32 to index
        %get3A_117 = arith.constant 0 : index
        %get3A_118 = tpu.vector_load %arg7[%get3A_116, %get3A_117] {strides = array<i32>} : memref<79x128xi32, #tpu.memory_space<vmem>>, vector<1x16xi32>,
        %get3A_119 = vector.shape_cast %get3A_118 : vector<1x16xi32> to vector<16xi32>
        %swap3A_120 = arith.constant 0 : index
        %swap3A_121 = tpu.vector_load %arg10[%swap3A_120] {strides = array<i32>} : memref<128xi32, #tpu.memory_space<vmem>>, vector<16xi32>,
        %swap3A_122 = vector.shape_cast %swap3A_121 : vector<16xi32> to vector<16xi32>
        %swap3A_123 = vector.shape_cast %get3A_119 : vector<16xi32> to vector<16xi32>
        tpu.vector_store %arg10[%swap3A_120], %swap3A_123 {strides = array<i32>} : memref<128xi32, #tpu.memory_space<vmem>>, vector<16xi32>,
        %get3A_124 = arith.index_cast %add3A_28 : i32 to index
        %get3A_125 = arith.constant 16 : index
        %get3A_126 = tpu.vector_load %arg7[%get3A_124, %get3A_125] {strides = array<i32>} : memref<79x128xi32, #tpu.memory_space<vmem>>, vector<1x16xi32>,
        %get3A_127 = vector.shape_cast %get3A_126 : vector<1x16xi32> to vector<16xi32>
        %swap3A_128 = arith.constant 16 : index
        %swap3A_129 = tpu.vector_load %arg10[%swap3A_128] {strides = array<i32>} : memref<128xi32, #tpu.memory_space<vmem>>, vector<16xi32>,
        %swap3A_130 = vector.shape_cast %swap3A_129 : vector<16xi32> to vector<16xi32>
        %swap3A_131 = vector.shape_cast %get3A_127 : vector<16xi32> to vector<16xi32>
        tpu.vector_store %arg10[%swap3A_128], %swap3A_131 {strides = array<i32>} : memref<128xi32, #tpu.memory_space<vmem>>, vector<16xi32>,
        %get3A_132 = arith.index_cast %add3A_28 : i32 to index
        %get3A_133 = arith.constant 32 : index
        %get3A_134 = tpu.vector_load %arg7[%get3A_132, %get3A_133] {strides = array<i32>} : memref<79x128xi32, #tpu.memory_space<vmem>>, vector<1x16xi32>,
        %get3A_135 = vector.shape_cast %get3A_134 : vector<1x16xi32> to vector<16xi32>
        %swap3A_136 = arith.constant 32 : index
        %swap3A_137 = tpu.vector_load %arg10[%swap3A_136] {strides = array<i32>} : memref<128xi32, #tpu.memory_space<vmem>>, vector<16xi32>,
        %swap3A_138 = vector.shape_cast %swap3A_137 : vector<16xi32> to vector<16xi32>
        %swap3A_139 = vector.shape_cast %get3A_135 : vector<16xi32> to vector<16xi32>
        tpu.vector_store %arg10[%swap3A_136], %swap3A_139 {strides = array<i32>} : memref<128xi32, #tpu.memory_space<vmem>>, vector<16xi32>,
        %get3A_140 = arith.index_cast %add3A_28 : i32 to index
        %get3A_141 = arith.constant 48 : index
        %get3A_142 = tpu.vector_load %arg7[%get3A_140, %get3A_141] {strides = array<i32>} : memref<79x128xi32, #tpu.memory_space<vmem>>, vector<1x16xi32>,
        %get3A_143 = vector.shape_cast %get3A_142 : vector<1x16xi32> to vector<16xi32>
        %swap3A_144 = arith.constant 48 : index
        %swap3A_145 = tpu.vector_load %arg10[%swap3A_144] {strides = array<i32>} : memref<128xi32, #tpu.memory_space<vmem>>, vector<16xi32>,
        %swap3A_146 = vector.shape_cast %swap3A_145 : vector<16xi32> to vector<16xi32>
        %swap3A_147 = vector.shape_cast %get3A_143 : vector<16xi32> to vector<16xi32>
        tpu.vector_store %arg10[%swap3A_144], %swap3A_147 {strides = array<i32>} : memref<128xi32, #tpu.memory_space<vmem>>, vector<16xi32>,
        %get3A_148 = arith.index_cast %add3A_28 : i32 to index
        %get3A_149 = arith.constant 64 : index
        %get3A_150 = tpu.vector_load %arg7[%get3A_148, %get3A_149] {strides = array<i32>} : memref<79x128xi32, #tpu.memory_space<vmem>>, vector<1x16xi32>,
        %get3A_151 = vector.shape_cast %get3A_150 : vector<1x16xi32> to vector<16xi32>
        %swap3A_152 = arith.constant 64 : index
        %swap3A_153 = tpu.vector_load %arg10[%swap3A_152] {strides = array<i32>} : memref<128xi32, #tpu.memory_space<vmem>>, vector<16xi32>,
        %swap3A_154 = vector.shape_cast %swap3A_153 : vector<16xi32> to vector<16xi32>
        %swap3A_155 = vector.shape_cast %get3A_151 : vector<16xi32> to vector<16xi32>
        tpu.vector_store %arg10[%swap3A_152], %swap3A_155 {strides = array<i32>} : memref<128xi32, #tpu.memory_space<vmem>>, vector<16xi32>,
        %get3A_156 = arith.index_cast %add3A_28 : i32 to index
        %get3A_157 = arith.constant 80 : index
        %get3A_158 = tpu.vector_load %arg7[%get3A_156, %get3A_157] {strides = array<i32>} : memref<79x128xi32, #tpu.memory_space<vmem>>, vector<1x16xi32>,
        %get3A_159 = vector.shape_cast %get3A_158 : vector<1x16xi32> to vector<16xi32>
        %swap3A_160 = arith.constant 80 : index
        %swap3A_161 = tpu.vector_load %arg10[%swap3A_160] {strides = array<i32>} : memref<128xi32, #tpu.memory_space<vmem>>, vector<16xi32>,
        %swap3A_162 = vector.shape_cast %swap3A_161 : vector<16xi32> to vector<16xi32>
        %swap3A_163 = vector.shape_cast %get3A_159 : vector<16xi32> to vector<16xi32>
        tpu.vector_store %arg10[%swap3A_160], %swap3A_163 {strides = array<i32>} : memref<128xi32, #tpu.memory_space<vmem>>, vector<16xi32>,
        %get3A_164 = arith.index_cast %add3A_28 : i32 to index
        %get3A_165 = arith.constant 96 : index
        %get3A_166 = tpu.vector_load %arg7[%get3A_164, %get3A_165] {strides = array<i32>} : memref<79x128xi32, #tpu.memory_space<vmem>>, vector<1x16xi32>,
        %get3A_167 = vector.shape_cast %get3A_166 : vector<1x16xi32> to vector<16xi32>
        %swap3A_168 = arith.constant 96 : index
        %swap3A_169 = tpu.vector_load %arg10[%swap3A_168] {strides = array<i32>} : memref<128xi32, #tpu.memory_space<vmem>>, vector<16xi32>,
        %swap3A_170 = vector.shape_cast %swap3A_169 : vector<16xi32> to vector<16xi32>
        %swap3A_171 = vector.shape_cast %get3A_167 : vector<16xi32> to vector<16xi32>
        tpu.vector_store %arg10[%swap3A_168], %swap3A_171 {strides = array<i32>} : memref<128xi32, #tpu.memory_space<vmem>>, vector<16xi32>,
        %get3A_172 = arith.index_cast %add3A_28 : i32 to index
        %get3A_173 = arith.constant 112 : index
        %get3A_174 = tpu.vector_load %arg7[%get3A_172, %get3A_173] {strides = array<i32>} : memref<79x128xi32, #tpu.memory_space<vmem>>, vector<1x16xi32>,
        %get3A_175 = vector.shape_cast %get3A_174 : vector<1x16xi32> to vector<16xi32>
        %swap3A_176 = arith.constant 112 : index
        %swap3A_177 = tpu.vector_load %arg10[%swap3A_176] {strides = array<i32>} : memref<128xi32, #tpu.memory_space<vmem>>, vector<16xi32>,
        %swap3A_178 = vector.shape_cast %swap3A_177 : vector<16xi32> to vector<16xi32>
        %swap3A_179 = vector.shape_cast %get3A_175 : vector<16xi32> to vector<16xi32>
        tpu.vector_store %arg10[%swap3A_176], %swap3A_179 {strides = array<i32>} : memref<128xi32, #tpu.memory_space<vmem>>, vector<16xi32>,
        "tpu.region"() ({
          %run_scoped3A = tpu.sem_alloc : memref<!tpu.dma_semaphore, #tpu.memory_space<semaphore_mem>>
          %dma_start3A_180 = arith.constant 0 : i32
          %dma_start3A_181 = arith.constant 0 : i32
          %dma_start3A_182 = tpu.memref_slice %arg13[%dma_start3A_180, %dma_start3A_181] : memref<10240x64xf32, #tpu.memory_space<vmem_shared>> -> memref<10240x64xf32, #tpu.memory_space<vmem_shared>>
          tpu.enqueue_indirect_dma source(%arg12 : memref<128x64xf32, #tpu.memory_space<vmem>>) target(%dma_start3A_182 : memref<10240x64xf32, #tpu.memory_space<vmem_shared>>) offsets(%arg10 : memref<128xi32, #tpu.memory_space<vmem>>) semaphore(%run_scoped3A : memref<!tpu.dma_semaphore, #tpu.memory_space<semaphore_mem>>) {add = true}
          %dma_wait3A_183 = arith.constant 0 : i32
          %dma_wait3A_184 = arith.constant 0 : i32
          %dma_wait3A_185 = tpu.memref_slice %arg13[%dma_wait3A_183, %dma_wait3A_184] : memref<10240x64xf32, #tpu.memory_space<vmem_shared>> -> memref<10240x64xf32, #tpu.memory_space<vmem_shared>>
          tpu.wait_indirect_dma semaphore(%run_scoped3A : memref<!tpu.dma_semaphore, #tpu.memory_space<semaphore_mem>>) src(%arg12 : memref<128x64xf32, #tpu.memory_space<vmem>>) dst(%dma_wait3A_185 : memref<10240x64xf32, #tpu.memory_space<vmem_shared>>)
          tpu.yield
        }) : () -> ()
      } else {
      }
    }
    %scan3A_15 = arith.constant 40 : i32
    %barrier3A_16 = arith.constant 0 : index
    tpu.barrier barrier_id(%barrier3A_16)
    %mul3A_17 = arith.constant 640 : i32
    %mul3A_18 = arith.muli %arg1, %mul3A_17 : i32
    %mul3A_19 = arith.constant 10240 : i32
    %mul3A_20 = arith.muli %arg0, %mul3A_19 : i32
    %mul3A_21 = arith.constant 640 : i32
    %mul3A_22 = arith.muli %arg1, %mul3A_21 : i32
    %add3A_23 = arith.addi %mul3A_20, %mul3A_22 : i32
    "tpu.region"() ({
      %run_scoped3A = tpu.sem_alloc : memref<!tpu.dma_semaphore, #tpu.memory_space<semaphore_mem>>
      %dma_start3A_24 = arith.constant 0 : i32
      %dma_start3A_25 = tpu.memref_slice %arg6[%add3A_23, %dma_start3A_24] : memref<20480x64xf32, #tpu.memory_space<hbm>> -> memref<640x64xf32, #tpu.memory_space<hbm>>
      %dma_start3A_26 = arith.constant 0 : i32
      %dma_start3A_27 = tpu.memref_slice %arg13[%mul3A_18, %dma_start3A_26] : memref<10240x64xf32, #tpu.memory_space<vmem_shared>> -> memref<640x64xf32, #tpu.memory_space<vmem_shared>>
      tpu.enqueue_dma source(%dma_start3A_27 : memref<640x64xf32, #tpu.memory_space<vmem_shared>>) target(%dma_start3A_25 : memref<640x64xf32, #tpu.memory_space<hbm>>) target_semaphore(%run_scoped3A : memref<!tpu.dma_semaphore, #tpu.memory_space<semaphore_mem>>)
      %dma_wait3A = arith.constant 0 : i32
      %dma_wait3A_28 = tpu.memref_slice %arg6[%add3A_23, %dma_wait3A] : memref<20480x64xf32, #tpu.memory_space<hbm>> -> memref<640x64xf32, #tpu.memory_space<hbm>>
      %dma_wait3A_29 = arith.constant 0 : i32
      %dma_wait3A_30 = tpu.memref_slice %arg13[%mul3A_18, %dma_wait3A_29] : memref<10240x64xf32, #tpu.memory_space<vmem_shared>> -> memref<640x64xf32, #tpu.memory_space<vmem_shared>>
      tpu.wait_dma2 semaphore(%run_scoped3A : memref<!tpu.dma_semaphore, #tpu.memory_space<semaphore_mem>>) src(%dma_wait3A_30 : memref<640x64xf32, #tpu.memory_space<vmem_shared>>) dst(%dma_wait3A_28 : memref<640x64xf32, #tpu.memory_space<hbm>>)
      tpu.yield
    }) : () -> ()
    return
  }
}

#map = affine_map<(d0, d1) -> (0, 0)>
#map1 = affine_map<(d0, d1) -> (0, 0, 0)>
module attributes {stable_mosaic.version = 14 : i64} {
  func.func @body(%arg0: i32, %arg1: i32, %arg2: memref<10112x64xf32, #tpu.memory_space<hbm>>, %arg3: memref<10112x64xf32, #tpu.memory_space<hbm>>, %arg4: memref<32x79x128xi32, #tpu.memory_space<hbm>>, %arg5: memref<32x79x128xi32, #tpu.memory_space<hbm>>, %arg6: memref<323584x64xf32, #tpu.memory_space<hbm>>, %arg7: memref<79x128xi32, #tpu.memory_space<vmem>>, %arg8: memref<79x128xi32, #tpu.memory_space<vmem>>, %arg9: memref<128x64xf32, #tpu.memory_space<vmem>>, %arg10: memref<128x64xf32, #tpu.memory_space<vmem>>, %arg11: memref<128x64xf32, #tpu.memory_space<vmem>>, %arg12: memref<128x64xf32, #tpu.memory_space<vmem>>, %arg13: memref<10112x64xf32, #tpu.memory_space<vmem_shared>>, %arg14: memref<8x64xf32, #tpu.memory_space<vmem_shared>>, %arg15: memref<!tpu.dma_semaphore, #tpu.memory_space<semaphore_mem>>, %arg16: memref<!tpu.dma_semaphore, #tpu.memory_space<semaphore_mem>>, %arg17: memref<!tpu.dma_semaphore, #tpu.memory_space<semaphore_mem>>, %arg18: memref<!tpu.dma_semaphore, #tpu.memory_space<semaphore_mem>>) attributes {dimension_semantics = [#tpu.dimension_semantics<core_parallel>, #tpu.dimension_semantics<subcore_parallel>], iteration_bounds = array<i64: 2, 16>, scalar_prefetch = 0 : i64, scratch_operands = 12 : i64, tpu.core_type = #tpu.core_type<sc_vector_subcore>, window_params = [{transform_indices = #map}, {transform_indices = #map}, {transform_indices = #map1}, {transform_indices = #map1}, {transform_indices = #map}]} {
    %mul3A = arith.constant 2 : i32
    %mul3A_0 = arith.muli %arg1, %mul3A : i32
    %add3A = arith.addi %mul3A_0, %arg0 : i32
    %mul3A_1 = arith.constant 10112 : i32
    %mul3A_2 = arith.muli %add3A, %mul3A_1 : i32
    %mul3A_3 = arith.constant 632 : i32
    %mul3A_4 = arith.muli %arg1, %mul3A_3 : i32
    %mul3A_5 = arith.constant 632 : i32
    %mul3A_6 = arith.muli %arg1, %mul3A_5 : i32
    "tpu.region"() ({
      %run_scoped3A = tpu.sem_alloc : memref<!tpu.dma_semaphore, #tpu.memory_space<semaphore_mem>>
      %dma_start3A_25 = arith.constant 0 : i32
      %dma_start3A_26 = tpu.memref_slice %arg13[%mul3A_6, %dma_start3A_25] : memref<10112x64xf32, #tpu.memory_space<vmem_shared>> -> memref<632x64xf32, #tpu.memory_space<vmem_shared>>
      %dma_start3A_27 = arith.constant 0 : i32
      %dma_start3A_28 = tpu.memref_slice %arg2[%mul3A_4, %dma_start3A_27] : memref<10112x64xf32, #tpu.memory_space<hbm>> -> memref<632x64xf32, #tpu.memory_space<hbm>>
      tpu.enqueue_dma source(%dma_start3A_28 : memref<632x64xf32, #tpu.memory_space<hbm>>) target(%dma_start3A_26 : memref<632x64xf32, #tpu.memory_space<vmem_shared>>) target_semaphore(%run_scoped3A : memref<!tpu.dma_semaphore, #tpu.memory_space<semaphore_mem>>)
      %dma_wait3A = arith.constant 0 : i32
      %dma_wait3A_29 = tpu.memref_slice %arg13[%mul3A_6, %dma_wait3A] : memref<10112x64xf32, #tpu.memory_space<vmem_shared>> -> memref<632x64xf32, #tpu.memory_space<vmem_shared>>
      %dma_wait3A_30 = arith.constant 0 : i32
      %dma_wait3A_31 = tpu.memref_slice %arg2[%mul3A_4, %dma_wait3A_30] : memref<10112x64xf32, #tpu.memory_space<hbm>> -> memref<632x64xf32, #tpu.memory_space<hbm>>
      tpu.wait_dma2 semaphore(%run_scoped3A : memref<!tpu.dma_semaphore, #tpu.memory_space<semaphore_mem>>) src(%dma_wait3A_31 : memref<632x64xf32, #tpu.memory_space<hbm>>) dst(%dma_wait3A_29 : memref<632x64xf32, #tpu.memory_space<vmem_shared>>)
      tpu.yield
    }) : () -> ()
    "tpu.region"() ({
      %run_scoped3A = tpu.sem_alloc : memref<!tpu.dma_semaphore, #tpu.memory_space<semaphore_mem>>
      %dma_start3A_25 = arith.constant 0 : i32
      %dma_start3A_26 = arith.constant 0 : i32
      %dma_start3A_27 = tpu.memref_slice %arg4[%add3A, %dma_start3A_25, %dma_start3A_26] : memref<32x79x128xi32, #tpu.memory_space<hbm>> -> memref<1x79x128xi32, #tpu.memory_space<hbm>>
      %dma_start3A_28 = tpu.memref_squeeze %dma_start3A_27 : memref<1x79x128xi32, #tpu.memory_space<hbm>> -> memref<79x128xi32, #tpu.memory_space<hbm>>
      %dma_start3A_29 = arith.constant 0 : i32
      %dma_start3A_30 = arith.constant 0 : i32
      %dma_start3A_31 = tpu.memref_slice %arg4[%add3A, %dma_start3A_29, %dma_start3A_30] : memref<32x79x128xi32, #tpu.memory_space<hbm>> -> memref<1x79x128xi32, #tpu.memory_space<hbm>>
      %dma_start3A_32 = tpu.memref_squeeze %dma_start3A_31 : memref<1x79x128xi32, #tpu.memory_space<hbm>> -> memref<79x128xi32, #tpu.memory_space<hbm>>
      tpu.enqueue_dma source(%dma_start3A_32 : memref<79x128xi32, #tpu.memory_space<hbm>>) target(%arg7 : memref<79x128xi32, #tpu.memory_space<vmem>>) target_semaphore(%run_scoped3A : memref<!tpu.dma_semaphore, #tpu.memory_space<semaphore_mem>>)
      %dma_wait3A = arith.constant 0 : i32
      %dma_wait3A_33 = arith.constant 0 : i32
      %dma_wait3A_34 = tpu.memref_slice %arg4[%add3A, %dma_wait3A, %dma_wait3A_33] : memref<32x79x128xi32, #tpu.memory_space<hbm>> -> memref<1x79x128xi32, #tpu.memory_space<hbm>>
      %dma_wait3A_35 = tpu.memref_squeeze %dma_wait3A_34 : memref<1x79x128xi32, #tpu.memory_space<hbm>> -> memref<79x128xi32, #tpu.memory_space<hbm>>
      %dma_wait3A_36 = arith.constant 0 : i32
      %dma_wait3A_37 = arith.constant 0 : i32
      %dma_wait3A_38 = tpu.memref_slice %arg4[%add3A, %dma_wait3A_36, %dma_wait3A_37] : memref<32x79x128xi32, #tpu.memory_space<hbm>> -> memref<1x79x128xi32, #tpu.memory_space<hbm>>
      %dma_wait3A_39 = tpu.memref_squeeze %dma_wait3A_38 : memref<1x79x128xi32, #tpu.memory_space<hbm>> -> memref<79x128xi32, #tpu.memory_space<hbm>>
      tpu.wait_dma2 semaphore(%run_scoped3A : memref<!tpu.dma_semaphore, #tpu.memory_space<semaphore_mem>>) src(%dma_wait3A_39 : memref<79x128xi32, #tpu.memory_space<hbm>>) dst(%arg7 : memref<79x128xi32, #tpu.memory_space<vmem>>)
      tpu.yield
    }) : () -> ()
    "tpu.region"() ({
      %run_scoped3A = tpu.sem_alloc : memref<!tpu.dma_semaphore, #tpu.memory_space<semaphore_mem>>
      %dma_start3A_25 = arith.constant 0 : i32
      %dma_start3A_26 = arith.constant 0 : i32
      %dma_start3A_27 = tpu.memref_slice %arg5[%add3A, %dma_start3A_25, %dma_start3A_26] : memref<32x79x128xi32, #tpu.memory_space<hbm>> -> memref<1x79x128xi32, #tpu.memory_space<hbm>>
      %dma_start3A_28 = tpu.memref_squeeze %dma_start3A_27 : memref<1x79x128xi32, #tpu.memory_space<hbm>> -> memref<79x128xi32, #tpu.memory_space<hbm>>
      %dma_start3A_29 = arith.constant 0 : i32
      %dma_start3A_30 = arith.constant 0 : i32
      %dma_start3A_31 = tpu.memref_slice %arg5[%add3A, %dma_start3A_29, %dma_start3A_30] : memref<32x79x128xi32, #tpu.memory_space<hbm>> -> memref<1x79x128xi32, #tpu.memory_space<hbm>>
      %dma_start3A_32 = tpu.memref_squeeze %dma_start3A_31 : memref<1x79x128xi32, #tpu.memory_space<hbm>> -> memref<79x128xi32, #tpu.memory_space<hbm>>
      tpu.enqueue_dma source(%dma_start3A_32 : memref<79x128xi32, #tpu.memory_space<hbm>>) target(%arg8 : memref<79x128xi32, #tpu.memory_space<vmem>>) target_semaphore(%run_scoped3A : memref<!tpu.dma_semaphore, #tpu.memory_space<semaphore_mem>>)
      %dma_wait3A = arith.constant 0 : i32
      %dma_wait3A_33 = arith.constant 0 : i32
      %dma_wait3A_34 = tpu.memref_slice %arg5[%add3A, %dma_wait3A, %dma_wait3A_33] : memref<32x79x128xi32, #tpu.memory_space<hbm>> -> memref<1x79x128xi32, #tpu.memory_space<hbm>>
      %dma_wait3A_35 = tpu.memref_squeeze %dma_wait3A_34 : memref<1x79x128xi32, #tpu.memory_space<hbm>> -> memref<79x128xi32, #tpu.memory_space<hbm>>
      %dma_wait3A_36 = arith.constant 0 : i32
      %dma_wait3A_37 = arith.constant 0 : i32
      %dma_wait3A_38 = tpu.memref_slice %arg5[%add3A, %dma_wait3A_36, %dma_wait3A_37] : memref<32x79x128xi32, #tpu.memory_space<hbm>> -> memref<1x79x128xi32, #tpu.memory_space<hbm>>
      %dma_wait3A_39 = tpu.memref_squeeze %dma_wait3A_38 : memref<1x79x128xi32, #tpu.memory_space<hbm>> -> memref<79x128xi32, #tpu.memory_space<hbm>>
      tpu.wait_dma2 semaphore(%run_scoped3A : memref<!tpu.dma_semaphore, #tpu.memory_space<semaphore_mem>>) src(%dma_wait3A_39 : memref<79x128xi32, #tpu.memory_space<hbm>>) dst(%arg8 : memref<79x128xi32, #tpu.memory_space<vmem>>)
      tpu.yield
    }) : () -> ()
    %barrier3A = arith.constant 0 : index
    tpu.barrier barrier_id(%barrier3A)
    %dma_start3A = arith.constant 0 : i32
    %dma_start3A_7 = arith.constant 0 : i32
    %dma_start3A_8 = tpu.memref_slice %arg7[%dma_start3A, %dma_start3A_7] : memref<79x128xi32, #tpu.memory_space<vmem>> -> memref<1x128xi32, #tpu.memory_space<vmem>>
    %dma_start3A_9 = tpu.memref_squeeze %dma_start3A_8 : memref<1x128xi32, #tpu.memory_space<vmem>> -> memref<128xi32, #tpu.memory_space<vmem>>
    %dma_start3A_10 = arith.constant 0 : i32
    %dma_start3A_11 = arith.constant 0 : i32
    %dma_start3A_12 = tpu.memref_slice %arg13[%dma_start3A_10, %dma_start3A_11] : memref<10112x64xf32, #tpu.memory_space<vmem_shared>> -> memref<10112x64xf32, #tpu.memory_space<vmem_shared>>
    tpu.enqueue_indirect_dma source(%dma_start3A_12 : memref<10112x64xf32, #tpu.memory_space<vmem_shared>>) target(%arg9 : memref<128x64xf32, #tpu.memory_space<vmem>>) offsets(%dma_start3A_9 : memref<128xi32, #tpu.memory_space<vmem>>) semaphore(%arg15 : memref<!tpu.dma_semaphore, #tpu.memory_space<semaphore_mem>>)
    %dma_start3A_13 = arith.constant 0 : i32
    %dma_start3A_14 = arith.constant 0 : i32
    %dma_start3A_15 = tpu.memref_slice %arg8[%dma_start3A_13, %dma_start3A_14] : memref<79x128xi32, #tpu.memory_space<vmem>> -> memref<1x128xi32, #tpu.memory_space<vmem>>
    %dma_start3A_16 = tpu.memref_squeeze %dma_start3A_15 : memref<1x128xi32, #tpu.memory_space<vmem>> -> memref<128xi32, #tpu.memory_space<vmem>>
    %dma_start3A_17 = arith.constant 0 : i32
    %dma_start3A_18 = arith.constant 0 : i32
    %dma_start3A_19 = tpu.memref_slice %arg3[%dma_start3A_17, %dma_start3A_18] : memref<10112x64xf32, #tpu.memory_space<hbm>> -> memref<10112x64xf32, #tpu.memory_space<hbm>>
    tpu.enqueue_indirect_dma source(%dma_start3A_19 : memref<10112x64xf32, #tpu.memory_space<hbm>>) target(%arg10 : memref<128x64xf32, #tpu.memory_space<vmem>>) offsets(%dma_start3A_16 : memref<128xi32, #tpu.memory_space<vmem>>) semaphore(%arg16 : memref<!tpu.dma_semaphore, #tpu.memory_space<semaphore_mem>>)
    %scan3A = arith.constant 0 : i32
    %scan3A_20 = arith.constant 0 : i32
    %scan3A_21 = arith.constant 40 : i32
    %scan3A_22 = arith.addi %scan3A_20, %scan3A_21 : i32
    %scan3A_23 = arith.constant 1 : i32
    scf.for %scan3A_25 = %scan3A_20 to %scan3A_22 step %scan3A_23  : i32 {
      %mul3A_26 = arith.constant 2 : i32
      %mul3A_27 = arith.muli %mul3A_26, %scan3A_25 : i32
      %add3A_28 = arith.constant 1 : i32
      %add3A_29 = arith.addi %mul3A_27, %add3A_28 : i32
      %lt3A = arith.constant 79 : i32
      %lt3A_30 = arith.cmpi slt, %add3A_29, %lt3A : i32
      %convert_element_type3A = arith.extui %lt3A_30 : i1 to i32
      %cond3A = arith.constant 0 : i32
      %cond3A_31 = arith.cmpi ne, %convert_element_type3A, %cond3A : i32
      scf.if %cond3A_31 {
        %dma_start3A_64 = arith.constant 0 : i32
        %dma_start3A_65 = tpu.memref_slice %arg7[%add3A_29, %dma_start3A_64] : memref<79x128xi32, #tpu.memory_space<vmem>> -> memref<1x128xi32, #tpu.memory_space<vmem>>
        %dma_start3A_66 = tpu.memref_squeeze %dma_start3A_65 : memref<1x128xi32, #tpu.memory_space<vmem>> -> memref<128xi32, #tpu.memory_space<vmem>>
        %dma_start3A_67 = arith.constant 0 : i32
        %dma_start3A_68 = arith.constant 0 : i32
        %dma_start3A_69 = tpu.memref_slice %arg13[%dma_start3A_67, %dma_start3A_68] : memref<10112x64xf32, #tpu.memory_space<vmem_shared>> -> memref<10112x64xf32, #tpu.memory_space<vmem_shared>>
        tpu.enqueue_indirect_dma source(%dma_start3A_69 : memref<10112x64xf32, #tpu.memory_space<vmem_shared>>) target(%arg11 : memref<128x64xf32, #tpu.memory_space<vmem>>) offsets(%dma_start3A_66 : memref<128xi32, #tpu.memory_space<vmem>>) semaphore(%arg17 : memref<!tpu.dma_semaphore, #tpu.memory_space<semaphore_mem>>)
        %dma_start3A_70 = arith.constant 0 : i32
        %dma_start3A_71 = tpu.memref_slice %arg8[%add3A_29, %dma_start3A_70] : memref<79x128xi32, #tpu.memory_space<vmem>> -> memref<1x128xi32, #tpu.memory_space<vmem>>
        %dma_start3A_72 = tpu.memref_squeeze %dma_start3A_71 : memref<1x128xi32, #tpu.memory_space<vmem>> -> memref<128xi32, #tpu.memory_space<vmem>>
        %dma_start3A_73 = arith.constant 0 : i32
        %dma_start3A_74 = arith.constant 0 : i32
        %dma_start3A_75 = tpu.memref_slice %arg3[%dma_start3A_73, %dma_start3A_74] : memref<10112x64xf32, #tpu.memory_space<hbm>> -> memref<10112x64xf32, #tpu.memory_space<hbm>>
        tpu.enqueue_indirect_dma source(%dma_start3A_75 : memref<10112x64xf32, #tpu.memory_space<hbm>>) target(%arg12 : memref<128x64xf32, #tpu.memory_space<vmem>>) offsets(%dma_start3A_72 : memref<128xi32, #tpu.memory_space<vmem>>) semaphore(%arg18 : memref<!tpu.dma_semaphore, #tpu.memory_space<semaphore_mem>>)
      } else {
      }
      %dma_wait3A = arith.constant 0 : i32
      %dma_wait3A_32 = tpu.memref_slice %arg7[%mul3A_27, %dma_wait3A] : memref<79x128xi32, #tpu.memory_space<vmem>> -> memref<1x128xi32, #tpu.memory_space<vmem>>
      %dma_wait3A_33 = tpu.memref_squeeze %dma_wait3A_32 : memref<1x128xi32, #tpu.memory_space<vmem>> -> memref<128xi32, #tpu.memory_space<vmem>>
      %dma_wait3A_34 = arith.constant 0 : i32
      %dma_wait3A_35 = arith.constant 0 : i32
      %dma_wait3A_36 = tpu.memref_slice %arg13[%dma_wait3A_34, %dma_wait3A_35] : memref<10112x64xf32, #tpu.memory_space<vmem_shared>> -> memref<10112x64xf32, #tpu.memory_space<vmem_shared>>
      tpu.wait_indirect_dma semaphore(%arg15 : memref<!tpu.dma_semaphore, #tpu.memory_space<semaphore_mem>>) src(%dma_wait3A_36 : memref<10112x64xf32, #tpu.memory_space<vmem_shared>>) dst(%arg9 : memref<128x64xf32, #tpu.memory_space<vmem>>)
      %dma_wait3A_37 = arith.constant 0 : i32
      %dma_wait3A_38 = tpu.memref_slice %arg8[%mul3A_27, %dma_wait3A_37] : memref<79x128xi32, #tpu.memory_space<vmem>> -> memref<1x128xi32, #tpu.memory_space<vmem>>
      %dma_wait3A_39 = tpu.memref_squeeze %dma_wait3A_38 : memref<1x128xi32, #tpu.memory_space<vmem>> -> memref<128xi32, #tpu.memory_space<vmem>>
      %dma_wait3A_40 = arith.constant 0 : i32
      %dma_wait3A_41 = arith.constant 0 : i32
      %dma_wait3A_42 = tpu.memref_slice %arg3[%dma_wait3A_40, %dma_wait3A_41] : memref<10112x64xf32, #tpu.memory_space<hbm>> -> memref<10112x64xf32, #tpu.memory_space<hbm>>
      tpu.wait_indirect_dma semaphore(%arg16 : memref<!tpu.dma_semaphore, #tpu.memory_space<semaphore_mem>>) src(%dma_wait3A_42 : memref<10112x64xf32, #tpu.memory_space<hbm>>) dst(%arg10 : memref<128x64xf32, #tpu.memory_space<vmem>>)
      %scan3A_43 = arith.constant 0 : i32
      %scan3A_44 = arith.constant 0 : i32
      %scan3A_45 = arith.constant 128 : i32
      %scan3A_46 = arith.addi %scan3A_44, %scan3A_45 : i32
      %scan3A_47 = arith.constant 1 : i32
      scf.for %scan3A_64 = %scan3A_44 to %scan3A_46 step %scan3A_47  : i32 {
        %get3A = arith.index_cast %scan3A_64 : i32 to index
        %get3A_65 = arith.constant 0 : index
        %get3A_66 = tpu.vector_load %arg9[%get3A, %get3A_65] {strides = array<i32>} : memref<128x64xf32, #tpu.memory_space<vmem>>, vector<1x16xf32>,
        %get3A_67 = vector.shape_cast %get3A_66 : vector<1x16xf32> to vector<16xf32>
        %get3A_68 = arith.index_cast %scan3A_64 : i32 to index
        %get3A_69 = arith.constant 0 : index
        %get3A_70 = tpu.vector_load %arg10[%get3A_68, %get3A_69] {strides = array<i32>} : memref<128x64xf32, #tpu.memory_space<vmem>>, vector<1x16xf32>,
        %get3A_71 = vector.shape_cast %get3A_70 : vector<1x16xf32> to vector<16xf32>
        %add3A_72 = arith.addf %get3A_67, %get3A_71 : vector<16xf32>
        %max3A = arith.constant 0.000000e+00 : f32
        %max3A_73 = vector.broadcast %max3A : f32 to vector<16xf32>
        %max3A_74 = arith.maximumf %add3A_72, %max3A_73 : vector<16xf32>
        %swap3A = arith.index_cast %scan3A_64 : i32 to index
        %swap3A_75 = arith.constant 0 : index
        %swap3A_76 = tpu.vector_load %arg9[%swap3A, %swap3A_75] {strides = array<i32>} : memref<128x64xf32, #tpu.memory_space<vmem>>, vector<1x16xf32>,
        %swap3A_77 = vector.shape_cast %swap3A_76 : vector<1x16xf32> to vector<16xf32>
        %swap3A_78 = vector.shape_cast %max3A_74 : vector<16xf32> to vector<1x16xf32>
        tpu.vector_store %arg9[%swap3A, %swap3A_75], %swap3A_78 {strides = array<i32>} : memref<128x64xf32, #tpu.memory_space<vmem>>, vector<1x16xf32>,
        %get3A_79 = arith.index_cast %scan3A_64 : i32 to index
        %get3A_80 = arith.constant 16 : index
        %get3A_81 = tpu.vector_load %arg9[%get3A_79, %get3A_80] {strides = array<i32>} : memref<128x64xf32, #tpu.memory_space<vmem>>, vector<1x16xf32>,
        %get3A_82 = vector.shape_cast %get3A_81 : vector<1x16xf32> to vector<16xf32>
        %get3A_83 = arith.index_cast %scan3A_64 : i32 to index
        %get3A_84 = arith.constant 16 : index
        %get3A_85 = tpu.vector_load %arg10[%get3A_83, %get3A_84] {strides = array<i32>} : memref<128x64xf32, #tpu.memory_space<vmem>>, vector<1x16xf32>,
        %get3A_86 = vector.shape_cast %get3A_85 : vector<1x16xf32> to vector<16xf32>
        %add3A_87 = arith.addf %get3A_82, %get3A_86 : vector<16xf32>
        %max3A_88 = arith.constant 0.000000e+00 : f32
        %max3A_89 = vector.broadcast %max3A_88 : f32 to vector<16xf32>
        %max3A_90 = arith.maximumf %add3A_87, %max3A_89 : vector<16xf32>
        %swap3A_91 = arith.index_cast %scan3A_64 : i32 to index
        %swap3A_92 = arith.constant 16 : index
        %swap3A_93 = tpu.vector_load %arg9[%swap3A_91, %swap3A_92] {strides = array<i32>} : memref<128x64xf32, #tpu.memory_space<vmem>>, vector<1x16xf32>,
        %swap3A_94 = vector.shape_cast %swap3A_93 : vector<1x16xf32> to vector<16xf32>
        %swap3A_95 = vector.shape_cast %max3A_90 : vector<16xf32> to vector<1x16xf32>
        tpu.vector_store %arg9[%swap3A_91, %swap3A_92], %swap3A_95 {strides = array<i32>} : memref<128x64xf32, #tpu.memory_space<vmem>>, vector<1x16xf32>,
        %get3A_96 = arith.index_cast %scan3A_64 : i32 to index
        %get3A_97 = arith.constant 32 : index
        %get3A_98 = tpu.vector_load %arg9[%get3A_96, %get3A_97] {strides = array<i32>} : memref<128x64xf32, #tpu.memory_space<vmem>>, vector<1x16xf32>,
        %get3A_99 = vector.shape_cast %get3A_98 : vector<1x16xf32> to vector<16xf32>
        %get3A_100 = arith.index_cast %scan3A_64 : i32 to index
        %get3A_101 = arith.constant 32 : index
        %get3A_102 = tpu.vector_load %arg10[%get3A_100, %get3A_101] {strides = array<i32>} : memref<128x64xf32, #tpu.memory_space<vmem>>, vector<1x16xf32>,
        %get3A_103 = vector.shape_cast %get3A_102 : vector<1x16xf32> to vector<16xf32>
        %add3A_104 = arith.addf %get3A_99, %get3A_103 : vector<16xf32>
        %max3A_105 = arith.constant 0.000000e+00 : f32
        %max3A_106 = vector.broadcast %max3A_105 : f32 to vector<16xf32>
        %max3A_107 = arith.maximumf %add3A_104, %max3A_106 : vector<16xf32>
        %swap3A_108 = arith.index_cast %scan3A_64 : i32 to index
        %swap3A_109 = arith.constant 32 : index
        %swap3A_110 = tpu.vector_load %arg9[%swap3A_108, %swap3A_109] {strides = array<i32>} : memref<128x64xf32, #tpu.memory_space<vmem>>, vector<1x16xf32>,
        %swap3A_111 = vector.shape_cast %swap3A_110 : vector<1x16xf32> to vector<16xf32>
        %swap3A_112 = vector.shape_cast %max3A_107 : vector<16xf32> to vector<1x16xf32>
        tpu.vector_store %arg9[%swap3A_108, %swap3A_109], %swap3A_112 {strides = array<i32>} : memref<128x64xf32, #tpu.memory_space<vmem>>, vector<1x16xf32>,
        %get3A_113 = arith.index_cast %scan3A_64 : i32 to index
        %get3A_114 = arith.constant 48 : index
        %get3A_115 = tpu.vector_load %arg9[%get3A_113, %get3A_114] {strides = array<i32>} : memref<128x64xf32, #tpu.memory_space<vmem>>, vector<1x16xf32>,
        %get3A_116 = vector.shape_cast %get3A_115 : vector<1x16xf32> to vector<16xf32>
        %get3A_117 = arith.index_cast %scan3A_64 : i32 to index
        %get3A_118 = arith.constant 48 : index
        %get3A_119 = tpu.vector_load %arg10[%get3A_117, %get3A_118] {strides = array<i32>} : memref<128x64xf32, #tpu.memory_space<vmem>>, vector<1x16xf32>,
        %get3A_120 = vector.shape_cast %get3A_119 : vector<1x16xf32> to vector<16xf32>
        %add3A_121 = arith.addf %get3A_116, %get3A_120 : vector<16xf32>
        %max3A_122 = arith.constant 0.000000e+00 : f32
        %max3A_123 = vector.broadcast %max3A_122 : f32 to vector<16xf32>
        %max3A_124 = arith.maximumf %add3A_121, %max3A_123 : vector<16xf32>
        %swap3A_125 = arith.index_cast %scan3A_64 : i32 to index
        %swap3A_126 = arith.constant 48 : index
        %swap3A_127 = tpu.vector_load %arg9[%swap3A_125, %swap3A_126] {strides = array<i32>} : memref<128x64xf32, #tpu.memory_space<vmem>>, vector<1x16xf32>,
        %swap3A_128 = vector.shape_cast %swap3A_127 : vector<1x16xf32> to vector<16xf32>
        %swap3A_129 = vector.shape_cast %max3A_124 : vector<16xf32> to vector<1x16xf32>
        tpu.vector_store %arg9[%swap3A_125, %swap3A_126], %swap3A_129 {strides = array<i32>} : memref<128x64xf32, #tpu.memory_space<vmem>>, vector<1x16xf32>,
      }
      %scan3A_48 = arith.constant 128 : i32
      %mul3A_49 = arith.constant 128 : i32
      %mul3A_50 = arith.muli %mul3A_27, %mul3A_49 : i32
      %add3A_51 = arith.addi %mul3A_2, %mul3A_50 : i32
      "tpu.region"() ({
        %run_scoped3A = tpu.sem_alloc : memref<!tpu.dma_semaphore, #tpu.memory_space<semaphore_mem>>
        %dma_start3A_64 = arith.constant 0 : i32
        %dma_start3A_65 = tpu.memref_slice %arg6[%add3A_51, %dma_start3A_64] : memref<323584x64xf32, #tpu.memory_space<hbm>> -> memref<128x64xf32, #tpu.memory_space<hbm>>
        %dma_start3A_66 = arith.constant 0 : i32
        %dma_start3A_67 = tpu.memref_slice %arg6[%add3A_51, %dma_start3A_66] : memref<323584x64xf32, #tpu.memory_space<hbm>> -> memref<128x64xf32, #tpu.memory_space<hbm>>
        tpu.enqueue_dma source(%arg9 : memref<128x64xf32, #tpu.memory_space<vmem>>) target(%dma_start3A_67 : memref<128x64xf32, #tpu.memory_space<hbm>>) target_semaphore(%run_scoped3A : memref<!tpu.dma_semaphore, #tpu.memory_space<semaphore_mem>>)
        %dma_wait3A_68 = arith.constant 0 : i32
        %dma_wait3A_69 = tpu.memref_slice %arg6[%add3A_51, %dma_wait3A_68] : memref<323584x64xf32, #tpu.memory_space<hbm>> -> memref<128x64xf32, #tpu.memory_space<hbm>>
        %dma_wait3A_70 = arith.constant 0 : i32
        %dma_wait3A_71 = tpu.memref_slice %arg6[%add3A_51, %dma_wait3A_70] : memref<323584x64xf32, #tpu.memory_space<hbm>> -> memref<128x64xf32, #tpu.memory_space<hbm>>
        tpu.wait_dma2 semaphore(%run_scoped3A : memref<!tpu.dma_semaphore, #tpu.memory_space<semaphore_mem>>) src(%arg9 : memref<128x64xf32, #tpu.memory_space<vmem>>) dst(%dma_wait3A_71 : memref<128x64xf32, #tpu.memory_space<hbm>>)
        tpu.yield
      }) : () -> ()
      %add3A_52 = arith.constant 2 : i32
      %add3A_53 = arith.addi %mul3A_27, %add3A_52 : i32
      %lt3A_54 = arith.constant 79 : i32
      %lt3A_55 = arith.cmpi slt, %add3A_53, %lt3A_54 : i32
      %convert_element_type3A_56 = arith.extui %lt3A_55 : i1 to i32
      %cond3A_57 = arith.constant 0 : i32
      %cond3A_58 = arith.cmpi ne, %convert_element_type3A_56, %cond3A_57 : i32
      scf.if %cond3A_58 {
        %add3A_64 = arith.constant 2 : i32
        %add3A_65 = arith.addi %mul3A_27, %add3A_64 : i32
        %dma_start3A_66 = arith.constant 0 : i32
        %dma_start3A_67 = tpu.memref_slice %arg7[%add3A_65, %dma_start3A_66] : memref<79x128xi32, #tpu.memory_space<vmem>> -> memref<1x128xi32, #tpu.memory_space<vmem>>
        %dma_start3A_68 = tpu.memref_squeeze %dma_start3A_67 : memref<1x128xi32, #tpu.memory_space<vmem>> -> memref<128xi32, #tpu.memory_space<vmem>>
        %dma_start3A_69 = arith.constant 0 : i32
        %dma_start3A_70 = arith.constant 0 : i32
        %dma_start3A_71 = tpu.memref_slice %arg13[%dma_start3A_69, %dma_start3A_70] : memref<10112x64xf32, #tpu.memory_space<vmem_shared>> -> memref<10112x64xf32, #tpu.memory_space<vmem_shared>>
        tpu.enqueue_indirect_dma source(%dma_start3A_71 : memref<10112x64xf32, #tpu.memory_space<vmem_shared>>) target(%arg9 : memref<128x64xf32, #tpu.memory_space<vmem>>) offsets(%dma_start3A_68 : memref<128xi32, #tpu.memory_space<vmem>>) semaphore(%arg15 : memref<!tpu.dma_semaphore, #tpu.memory_space<semaphore_mem>>)
        %add3A_72 = arith.constant 2 : i32
        %add3A_73 = arith.addi %mul3A_27, %add3A_72 : i32
        %dma_start3A_74 = arith.constant 0 : i32
        %dma_start3A_75 = tpu.memref_slice %arg8[%add3A_73, %dma_start3A_74] : memref<79x128xi32, #tpu.memory_space<vmem>> -> memref<1x128xi32, #tpu.memory_space<vmem>>
        %dma_start3A_76 = tpu.memref_squeeze %dma_start3A_75 : memref<1x128xi32, #tpu.memory_space<vmem>> -> memref<128xi32, #tpu.memory_space<vmem>>
        %dma_start3A_77 = arith.constant 0 : i32
        %dma_start3A_78 = arith.constant 0 : i32
        %dma_start3A_79 = tpu.memref_slice %arg3[%dma_start3A_77, %dma_start3A_78] : memref<10112x64xf32, #tpu.memory_space<hbm>> -> memref<10112x64xf32, #tpu.memory_space<hbm>>
        tpu.enqueue_indirect_dma source(%dma_start3A_79 : memref<10112x64xf32, #tpu.memory_space<hbm>>) target(%arg10 : memref<128x64xf32, #tpu.memory_space<vmem>>) offsets(%dma_start3A_76 : memref<128xi32, #tpu.memory_space<vmem>>) semaphore(%arg16 : memref<!tpu.dma_semaphore, #tpu.memory_space<semaphore_mem>>)
      } else {
      }
      %lt3A_59 = arith.constant 79 : i32
      %lt3A_60 = arith.cmpi slt, %add3A_29, %lt3A_59 : i32
      %convert_element_type3A_61 = arith.extui %lt3A_60 : i1 to i32
      %cond3A_62 = arith.constant 0 : i32
      %cond3A_63 = arith.cmpi ne, %convert_element_type3A_61, %cond3A_62 : i32
      scf.if %cond3A_63 {
        %dma_wait3A_64 = arith.constant 0 : i32
        %dma_wait3A_65 = tpu.memref_slice %arg7[%add3A_29, %dma_wait3A_64] : memref<79x128xi32, #tpu.memory_space<vmem>> -> memref<1x128xi32, #tpu.memory_space<vmem>>
        %dma_wait3A_66 = tpu.memref_squeeze %dma_wait3A_65 : memref<1x128xi32, #tpu.memory_space<vmem>> -> memref<128xi32, #tpu.memory_space<vmem>>
        %dma_wait3A_67 = arith.constant 0 : i32
        %dma_wait3A_68 = arith.constant 0 : i32
        %dma_wait3A_69 = tpu.memref_slice %arg13[%dma_wait3A_67, %dma_wait3A_68] : memref<10112x64xf32, #tpu.memory_space<vmem_shared>> -> memref<10112x64xf32, #tpu.memory_space<vmem_shared>>
        tpu.wait_indirect_dma semaphore(%arg17 : memref<!tpu.dma_semaphore, #tpu.memory_space<semaphore_mem>>) src(%dma_wait3A_69 : memref<10112x64xf32, #tpu.memory_space<vmem_shared>>) dst(%arg11 : memref<128x64xf32, #tpu.memory_space<vmem>>)
        %dma_wait3A_70 = arith.constant 0 : i32
        %dma_wait3A_71 = tpu.memref_slice %arg8[%add3A_29, %dma_wait3A_70] : memref<79x128xi32, #tpu.memory_space<vmem>> -> memref<1x128xi32, #tpu.memory_space<vmem>>
        %dma_wait3A_72 = tpu.memref_squeeze %dma_wait3A_71 : memref<1x128xi32, #tpu.memory_space<vmem>> -> memref<128xi32, #tpu.memory_space<vmem>>
        %dma_wait3A_73 = arith.constant 0 : i32
        %dma_wait3A_74 = arith.constant 0 : i32
        %dma_wait3A_75 = tpu.memref_slice %arg3[%dma_wait3A_73, %dma_wait3A_74] : memref<10112x64xf32, #tpu.memory_space<hbm>> -> memref<10112x64xf32, #tpu.memory_space<hbm>>
        tpu.wait_indirect_dma semaphore(%arg18 : memref<!tpu.dma_semaphore, #tpu.memory_space<semaphore_mem>>) src(%dma_wait3A_75 : memref<10112x64xf32, #tpu.memory_space<hbm>>) dst(%arg12 : memref<128x64xf32, #tpu.memory_space<vmem>>)
        %scan3A_76 = arith.constant 0 : i32
        %scan3A_77 = arith.constant 0 : i32
        %scan3A_78 = arith.constant 128 : i32
        %scan3A_79 = arith.addi %scan3A_77, %scan3A_78 : i32
        %scan3A_80 = arith.constant 1 : i32
        scf.for %scan3A_85 = %scan3A_77 to %scan3A_79 step %scan3A_80  : i32 {
          %get3A = arith.index_cast %scan3A_85 : i32 to index
          %get3A_86 = arith.constant 0 : index
          %get3A_87 = tpu.vector_load %arg11[%get3A, %get3A_86] {strides = array<i32>} : memref<128x64xf32, #tpu.memory_space<vmem>>, vector<1x16xf32>,
          %get3A_88 = vector.shape_cast %get3A_87 : vector<1x16xf32> to vector<16xf32>
          %get3A_89 = arith.index_cast %scan3A_85 : i32 to index
          %get3A_90 = arith.constant 0 : index
          %get3A_91 = tpu.vector_load %arg12[%get3A_89, %get3A_90] {strides = array<i32>} : memref<128x64xf32, #tpu.memory_space<vmem>>, vector<1x16xf32>,
          %get3A_92 = vector.shape_cast %get3A_91 : vector<1x16xf32> to vector<16xf32>
          %add3A_93 = arith.addf %get3A_88, %get3A_92 : vector<16xf32>
          %max3A = arith.constant 0.000000e+00 : f32
          %max3A_94 = vector.broadcast %max3A : f32 to vector<16xf32>
          %max3A_95 = arith.maximumf %add3A_93, %max3A_94 : vector<16xf32>
          %swap3A = arith.index_cast %scan3A_85 : i32 to index
          %swap3A_96 = arith.constant 0 : index
          %swap3A_97 = tpu.vector_load %arg11[%swap3A, %swap3A_96] {strides = array<i32>} : memref<128x64xf32, #tpu.memory_space<vmem>>, vector<1x16xf32>,
          %swap3A_98 = vector.shape_cast %swap3A_97 : vector<1x16xf32> to vector<16xf32>
          %swap3A_99 = vector.shape_cast %max3A_95 : vector<16xf32> to vector<1x16xf32>
          tpu.vector_store %arg11[%swap3A, %swap3A_96], %swap3A_99 {strides = array<i32>} : memref<128x64xf32, #tpu.memory_space<vmem>>, vector<1x16xf32>,
          %get3A_100 = arith.index_cast %scan3A_85 : i32 to index
          %get3A_101 = arith.constant 16 : index
          %get3A_102 = tpu.vector_load %arg11[%get3A_100, %get3A_101] {strides = array<i32>} : memref<128x64xf32, #tpu.memory_space<vmem>>, vector<1x16xf32>,
          %get3A_103 = vector.shape_cast %get3A_102 : vector<1x16xf32> to vector<16xf32>
          %get3A_104 = arith.index_cast %scan3A_85 : i32 to index
          %get3A_105 = arith.constant 16 : index
          %get3A_106 = tpu.vector_load %arg12[%get3A_104, %get3A_105] {strides = array<i32>} : memref<128x64xf32, #tpu.memory_space<vmem>>, vector<1x16xf32>,
          %get3A_107 = vector.shape_cast %get3A_106 : vector<1x16xf32> to vector<16xf32>
          %add3A_108 = arith.addf %get3A_103, %get3A_107 : vector<16xf32>
          %max3A_109 = arith.constant 0.000000e+00 : f32
          %max3A_110 = vector.broadcast %max3A_109 : f32 to vector<16xf32>
          %max3A_111 = arith.maximumf %add3A_108, %max3A_110 : vector<16xf32>
          %swap3A_112 = arith.index_cast %scan3A_85 : i32 to index
          %swap3A_113 = arith.constant 16 : index
          %swap3A_114 = tpu.vector_load %arg11[%swap3A_112, %swap3A_113] {strides = array<i32>} : memref<128x64xf32, #tpu.memory_space<vmem>>, vector<1x16xf32>,
          %swap3A_115 = vector.shape_cast %swap3A_114 : vector<1x16xf32> to vector<16xf32>
          %swap3A_116 = vector.shape_cast %max3A_111 : vector<16xf32> to vector<1x16xf32>
          tpu.vector_store %arg11[%swap3A_112, %swap3A_113], %swap3A_116 {strides = array<i32>} : memref<128x64xf32, #tpu.memory_space<vmem>>, vector<1x16xf32>,
          %get3A_117 = arith.index_cast %scan3A_85 : i32 to index
          %get3A_118 = arith.constant 32 : index
          %get3A_119 = tpu.vector_load %arg11[%get3A_117, %get3A_118] {strides = array<i32>} : memref<128x64xf32, #tpu.memory_space<vmem>>, vector<1x16xf32>,
          %get3A_120 = vector.shape_cast %get3A_119 : vector<1x16xf32> to vector<16xf32>
          %get3A_121 = arith.index_cast %scan3A_85 : i32 to index
          %get3A_122 = arith.constant 32 : index
          %get3A_123 = tpu.vector_load %arg12[%get3A_121, %get3A_122] {strides = array<i32>} : memref<128x64xf32, #tpu.memory_space<vmem>>, vector<1x16xf32>,
          %get3A_124 = vector.shape_cast %get3A_123 : vector<1x16xf32> to vector<16xf32>
          %add3A_125 = arith.addf %get3A_120, %get3A_124 : vector<16xf32>
          %max3A_126 = arith.constant 0.000000e+00 : f32
          %max3A_127 = vector.broadcast %max3A_126 : f32 to vector<16xf32>
          %max3A_128 = arith.maximumf %add3A_125, %max3A_127 : vector<16xf32>
          %swap3A_129 = arith.index_cast %scan3A_85 : i32 to index
          %swap3A_130 = arith.constant 32 : index
          %swap3A_131 = tpu.vector_load %arg11[%swap3A_129, %swap3A_130] {strides = array<i32>} : memref<128x64xf32, #tpu.memory_space<vmem>>, vector<1x16xf32>,
          %swap3A_132 = vector.shape_cast %swap3A_131 : vector<1x16xf32> to vector<16xf32>
          %swap3A_133 = vector.shape_cast %max3A_128 : vector<16xf32> to vector<1x16xf32>
          tpu.vector_store %arg11[%swap3A_129, %swap3A_130], %swap3A_133 {strides = array<i32>} : memref<128x64xf32, #tpu.memory_space<vmem>>, vector<1x16xf32>,
          %get3A_134 = arith.index_cast %scan3A_85 : i32 to index
          %get3A_135 = arith.constant 48 : index
          %get3A_136 = tpu.vector_load %arg11[%get3A_134, %get3A_135] {strides = array<i32>} : memref<128x64xf32, #tpu.memory_space<vmem>>, vector<1x16xf32>,
          %get3A_137 = vector.shape_cast %get3A_136 : vector<1x16xf32> to vector<16xf32>
          %get3A_138 = arith.index_cast %scan3A_85 : i32 to index
          %get3A_139 = arith.constant 48 : index
          %get3A_140 = tpu.vector_load %arg12[%get3A_138, %get3A_139] {strides = array<i32>} : memref<128x64xf32, #tpu.memory_space<vmem>>, vector<1x16xf32>,
          %get3A_141 = vector.shape_cast %get3A_140 : vector<1x16xf32> to vector<16xf32>
          %add3A_142 = arith.addf %get3A_137, %get3A_141 : vector<16xf32>
          %max3A_143 = arith.constant 0.000000e+00 : f32
          %max3A_144 = vector.broadcast %max3A_143 : f32 to vector<16xf32>
          %max3A_145 = arith.maximumf %add3A_142, %max3A_144 : vector<16xf32>
          %swap3A_146 = arith.index_cast %scan3A_85 : i32 to index
          %swap3A_147 = arith.constant 48 : index
          %swap3A_148 = tpu.vector_load %arg11[%swap3A_146, %swap3A_147] {strides = array<i32>} : memref<128x64xf32, #tpu.memory_space<vmem>>, vector<1x16xf32>,
          %swap3A_149 = vector.shape_cast %swap3A_148 : vector<1x16xf32> to vector<16xf32>
          %swap3A_150 = vector.shape_cast %max3A_145 : vector<16xf32> to vector<1x16xf32>
          tpu.vector_store %arg11[%swap3A_146, %swap3A_147], %swap3A_150 {strides = array<i32>} : memref<128x64xf32, #tpu.memory_space<vmem>>, vector<1x16xf32>,
        }
        %scan3A_81 = arith.constant 128 : i32
        %mul3A_82 = arith.constant 128 : i32
        %mul3A_83 = arith.muli %add3A_29, %mul3A_82 : i32
        %add3A_84 = arith.addi %mul3A_2, %mul3A_83 : i32
        "tpu.region"() ({
          %run_scoped3A = tpu.sem_alloc : memref<!tpu.dma_semaphore, #tpu.memory_space<semaphore_mem>>
          %dma_start3A_85 = arith.constant 0 : i32
          %dma_start3A_86 = tpu.memref_slice %arg6[%add3A_84, %dma_start3A_85] : memref<323584x64xf32, #tpu.memory_space<hbm>> -> memref<128x64xf32, #tpu.memory_space<hbm>>
          %dma_start3A_87 = arith.constant 0 : i32
          %dma_start3A_88 = tpu.memref_slice %arg6[%add3A_84, %dma_start3A_87] : memref<323584x64xf32, #tpu.memory_space<hbm>> -> memref<128x64xf32, #tpu.memory_space<hbm>>
          tpu.enqueue_dma source(%arg11 : memref<128x64xf32, #tpu.memory_space<vmem>>) target(%dma_start3A_88 : memref<128x64xf32, #tpu.memory_space<hbm>>) target_semaphore(%run_scoped3A : memref<!tpu.dma_semaphore, #tpu.memory_space<semaphore_mem>>)
          %dma_wait3A_89 = arith.constant 0 : i32
          %dma_wait3A_90 = tpu.memref_slice %arg6[%add3A_84, %dma_wait3A_89] : memref<323584x64xf32, #tpu.memory_space<hbm>> -> memref<128x64xf32, #tpu.memory_space<hbm>>
          %dma_wait3A_91 = arith.constant 0 : i32
          %dma_wait3A_92 = tpu.memref_slice %arg6[%add3A_84, %dma_wait3A_91] : memref<323584x64xf32, #tpu.memory_space<hbm>> -> memref<128x64xf32, #tpu.memory_space<hbm>>
          tpu.wait_dma2 semaphore(%run_scoped3A : memref<!tpu.dma_semaphore, #tpu.memory_space<semaphore_mem>>) src(%arg11 : memref<128x64xf32, #tpu.memory_space<vmem>>) dst(%dma_wait3A_92 : memref<128x64xf32, #tpu.memory_space<hbm>>)
          tpu.yield
        }) : () -> ()
      } else {
      }
    }
    %scan3A_24 = arith.constant 40 : i32
    return
  }
}

#map = affine_map<(d0, d1) -> (0, 0)>
#map1 = affine_map<(d0, d1) -> (0, 0, 0)>
module attributes {stable_mosaic.version = 14 : i64} {
  func.func @body(%arg0: i32, %arg1: i32, %arg2: memref<10112x16xf32, #tpu.memory_space<hbm>>, %arg3: memref<10112x16xf32, #tpu.memory_space<hbm>>, %arg4: memref<32x79x128xi32, #tpu.memory_space<hbm>>, %arg5: memref<32x79x128xi32, #tpu.memory_space<hbm>>, %arg6: memref<323584x16xf32, #tpu.memory_space<hbm>>, %arg7: memref<79x128xi32, #tpu.memory_space<vmem>>, %arg8: memref<79x128xi32, #tpu.memory_space<vmem>>, %arg9: memref<128x16xf32, #tpu.memory_space<vmem>>, %arg10: memref<128x16xf32, #tpu.memory_space<vmem>>, %arg11: memref<128x16xf32, #tpu.memory_space<vmem>>, %arg12: memref<128x16xf32, #tpu.memory_space<vmem>>, %arg13: memref<10112x16xf32, #tpu.memory_space<vmem_shared>>, %arg14: memref<10112x16xf32, #tpu.memory_space<vmem_shared>>, %arg15: memref<!tpu.dma_semaphore, #tpu.memory_space<semaphore_mem>>, %arg16: memref<!tpu.dma_semaphore, #tpu.memory_space<semaphore_mem>>, %arg17: memref<!tpu.dma_semaphore, #tpu.memory_space<semaphore_mem>>, %arg18: memref<!tpu.dma_semaphore, #tpu.memory_space<semaphore_mem>>) attributes {dimension_semantics = [#tpu.dimension_semantics<core_parallel>, #tpu.dimension_semantics<subcore_parallel>], iteration_bounds = array<i64: 2, 16>, scalar_prefetch = 0 : i64, scratch_operands = 12 : i64, tpu.core_type = #tpu.core_type<sc_vector_subcore>, window_params = [{transform_indices = #map}, {transform_indices = #map}, {transform_indices = #map1}, {transform_indices = #map1}, {transform_indices = #map}]} {
    %mul3A = arith.constant 2 : i32
    %mul3A_0 = arith.muli %arg1, %mul3A : i32
    %add3A = arith.addi %mul3A_0, %arg0 : i32
    %mul3A_1 = arith.constant 10112 : i32
    %mul3A_2 = arith.muli %add3A, %mul3A_1 : i32
    %mul3A_3 = arith.constant 632 : i32
    %mul3A_4 = arith.muli %arg1, %mul3A_3 : i32
    %mul3A_5 = arith.constant 632 : i32
    %mul3A_6 = arith.muli %arg1, %mul3A_5 : i32
    "tpu.region"() ({
      %run_scoped3A = tpu.sem_alloc : memref<!tpu.dma_semaphore, #tpu.memory_space<semaphore_mem>>
      %dma_start3A_29 = arith.constant 0 : i32
      %dma_start3A_30 = tpu.memref_slice %arg13[%mul3A_6, %dma_start3A_29] : memref<10112x16xf32, #tpu.memory_space<vmem_shared>> -> memref<632x16xf32, #tpu.memory_space<vmem_shared>>
      %dma_start3A_31 = arith.constant 0 : i32
      %dma_start3A_32 = tpu.memref_slice %arg2[%mul3A_4, %dma_start3A_31] : memref<10112x16xf32, #tpu.memory_space<hbm>> -> memref<632x16xf32, #tpu.memory_space<hbm>>
      tpu.enqueue_dma source(%dma_start3A_32 : memref<632x16xf32, #tpu.memory_space<hbm>>) target(%dma_start3A_30 : memref<632x16xf32, #tpu.memory_space<vmem_shared>>) target_semaphore(%run_scoped3A : memref<!tpu.dma_semaphore, #tpu.memory_space<semaphore_mem>>)
      %dma_wait3A = arith.constant 0 : i32
      %dma_wait3A_33 = tpu.memref_slice %arg13[%mul3A_6, %dma_wait3A] : memref<10112x16xf32, #tpu.memory_space<vmem_shared>> -> memref<632x16xf32, #tpu.memory_space<vmem_shared>>
      %dma_wait3A_34 = arith.constant 0 : i32
      %dma_wait3A_35 = tpu.memref_slice %arg2[%mul3A_4, %dma_wait3A_34] : memref<10112x16xf32, #tpu.memory_space<hbm>> -> memref<632x16xf32, #tpu.memory_space<hbm>>
      tpu.wait_dma2 semaphore(%run_scoped3A : memref<!tpu.dma_semaphore, #tpu.memory_space<semaphore_mem>>) src(%dma_wait3A_35 : memref<632x16xf32, #tpu.memory_space<hbm>>) dst(%dma_wait3A_33 : memref<632x16xf32, #tpu.memory_space<vmem_shared>>)
      tpu.yield
    }) : () -> ()
    %mul3A_7 = arith.constant 632 : i32
    %mul3A_8 = arith.muli %arg1, %mul3A_7 : i32
    %mul3A_9 = arith.constant 632 : i32
    %mul3A_10 = arith.muli %arg1, %mul3A_9 : i32
    "tpu.region"() ({
      %run_scoped3A = tpu.sem_alloc : memref<!tpu.dma_semaphore, #tpu.memory_space<semaphore_mem>>
      %dma_start3A_29 = arith.constant 0 : i32
      %dma_start3A_30 = tpu.memref_slice %arg14[%mul3A_10, %dma_start3A_29] : memref<10112x16xf32, #tpu.memory_space<vmem_shared>> -> memref<632x16xf32, #tpu.memory_space<vmem_shared>>
      %dma_start3A_31 = arith.constant 0 : i32
      %dma_start3A_32 = tpu.memref_slice %arg3[%mul3A_8, %dma_start3A_31] : memref<10112x16xf32, #tpu.memory_space<hbm>> -> memref<632x16xf32, #tpu.memory_space<hbm>>
      tpu.enqueue_dma source(%dma_start3A_32 : memref<632x16xf32, #tpu.memory_space<hbm>>) target(%dma_start3A_30 : memref<632x16xf32, #tpu.memory_space<vmem_shared>>) target_semaphore(%run_scoped3A : memref<!tpu.dma_semaphore, #tpu.memory_space<semaphore_mem>>)
      %dma_wait3A = arith.constant 0 : i32
      %dma_wait3A_33 = tpu.memref_slice %arg14[%mul3A_10, %dma_wait3A] : memref<10112x16xf32, #tpu.memory_space<vmem_shared>> -> memref<632x16xf32, #tpu.memory_space<vmem_shared>>
      %dma_wait3A_34 = arith.constant 0 : i32
      %dma_wait3A_35 = tpu.memref_slice %arg3[%mul3A_8, %dma_wait3A_34] : memref<10112x16xf32, #tpu.memory_space<hbm>> -> memref<632x16xf32, #tpu.memory_space<hbm>>
      tpu.wait_dma2 semaphore(%run_scoped3A : memref<!tpu.dma_semaphore, #tpu.memory_space<semaphore_mem>>) src(%dma_wait3A_35 : memref<632x16xf32, #tpu.memory_space<hbm>>) dst(%dma_wait3A_33 : memref<632x16xf32, #tpu.memory_space<vmem_shared>>)
      tpu.yield
    }) : () -> ()
    "tpu.region"() ({
      %run_scoped3A = tpu.sem_alloc : memref<!tpu.dma_semaphore, #tpu.memory_space<semaphore_mem>>
      %dma_start3A_29 = arith.constant 0 : i32
      %dma_start3A_30 = arith.constant 0 : i32
      %dma_start3A_31 = tpu.memref_slice %arg4[%add3A, %dma_start3A_29, %dma_start3A_30] : memref<32x79x128xi32, #tpu.memory_space<hbm>> -> memref<1x79x128xi32, #tpu.memory_space<hbm>>
      %dma_start3A_32 = tpu.memref_squeeze %dma_start3A_31 : memref<1x79x128xi32, #tpu.memory_space<hbm>> -> memref<79x128xi32, #tpu.memory_space<hbm>>
      %dma_start3A_33 = arith.constant 0 : i32
      %dma_start3A_34 = arith.constant 0 : i32
      %dma_start3A_35 = tpu.memref_slice %arg4[%add3A, %dma_start3A_33, %dma_start3A_34] : memref<32x79x128xi32, #tpu.memory_space<hbm>> -> memref<1x79x128xi32, #tpu.memory_space<hbm>>
      %dma_start3A_36 = tpu.memref_squeeze %dma_start3A_35 : memref<1x79x128xi32, #tpu.memory_space<hbm>> -> memref<79x128xi32, #tpu.memory_space<hbm>>
      tpu.enqueue_dma source(%dma_start3A_36 : memref<79x128xi32, #tpu.memory_space<hbm>>) target(%arg7 : memref<79x128xi32, #tpu.memory_space<vmem>>) target_semaphore(%run_scoped3A : memref<!tpu.dma_semaphore, #tpu.memory_space<semaphore_mem>>)
      %dma_wait3A = arith.constant 0 : i32
      %dma_wait3A_37 = arith.constant 0 : i32
      %dma_wait3A_38 = tpu.memref_slice %arg4[%add3A, %dma_wait3A, %dma_wait3A_37] : memref<32x79x128xi32, #tpu.memory_space<hbm>> -> memref<1x79x128xi32, #tpu.memory_space<hbm>>
      %dma_wait3A_39 = tpu.memref_squeeze %dma_wait3A_38 : memref<1x79x128xi32, #tpu.memory_space<hbm>> -> memref<79x128xi32, #tpu.memory_space<hbm>>
      %dma_wait3A_40 = arith.constant 0 : i32
      %dma_wait3A_41 = arith.constant 0 : i32
      %dma_wait3A_42 = tpu.memref_slice %arg4[%add3A, %dma_wait3A_40, %dma_wait3A_41] : memref<32x79x128xi32, #tpu.memory_space<hbm>> -> memref<1x79x128xi32, #tpu.memory_space<hbm>>
      %dma_wait3A_43 = tpu.memref_squeeze %dma_wait3A_42 : memref<1x79x128xi32, #tpu.memory_space<hbm>> -> memref<79x128xi32, #tpu.memory_space<hbm>>
      tpu.wait_dma2 semaphore(%run_scoped3A : memref<!tpu.dma_semaphore, #tpu.memory_space<semaphore_mem>>) src(%dma_wait3A_43 : memref<79x128xi32, #tpu.memory_space<hbm>>) dst(%arg7 : memref<79x128xi32, #tpu.memory_space<vmem>>)
      tpu.yield
    }) : () -> ()
    "tpu.region"() ({
      %run_scoped3A = tpu.sem_alloc : memref<!tpu.dma_semaphore, #tpu.memory_space<semaphore_mem>>
      %dma_start3A_29 = arith.constant 0 : i32
      %dma_start3A_30 = arith.constant 0 : i32
      %dma_start3A_31 = tpu.memref_slice %arg5[%add3A, %dma_start3A_29, %dma_start3A_30] : memref<32x79x128xi32, #tpu.memory_space<hbm>> -> memref<1x79x128xi32, #tpu.memory_space<hbm>>
      %dma_start3A_32 = tpu.memref_squeeze %dma_start3A_31 : memref<1x79x128xi32, #tpu.memory_space<hbm>> -> memref<79x128xi32, #tpu.memory_space<hbm>>
      %dma_start3A_33 = arith.constant 0 : i32
      %dma_start3A_34 = arith.constant 0 : i32
      %dma_start3A_35 = tpu.memref_slice %arg5[%add3A, %dma_start3A_33, %dma_start3A_34] : memref<32x79x128xi32, #tpu.memory_space<hbm>> -> memref<1x79x128xi32, #tpu.memory_space<hbm>>
      %dma_start3A_36 = tpu.memref_squeeze %dma_start3A_35 : memref<1x79x128xi32, #tpu.memory_space<hbm>> -> memref<79x128xi32, #tpu.memory_space<hbm>>
      tpu.enqueue_dma source(%dma_start3A_36 : memref<79x128xi32, #tpu.memory_space<hbm>>) target(%arg8 : memref<79x128xi32, #tpu.memory_space<vmem>>) target_semaphore(%run_scoped3A : memref<!tpu.dma_semaphore, #tpu.memory_space<semaphore_mem>>)
      %dma_wait3A = arith.constant 0 : i32
      %dma_wait3A_37 = arith.constant 0 : i32
      %dma_wait3A_38 = tpu.memref_slice %arg5[%add3A, %dma_wait3A, %dma_wait3A_37] : memref<32x79x128xi32, #tpu.memory_space<hbm>> -> memref<1x79x128xi32, #tpu.memory_space<hbm>>
      %dma_wait3A_39 = tpu.memref_squeeze %dma_wait3A_38 : memref<1x79x128xi32, #tpu.memory_space<hbm>> -> memref<79x128xi32, #tpu.memory_space<hbm>>
      %dma_wait3A_40 = arith.constant 0 : i32
      %dma_wait3A_41 = arith.constant 0 : i32
      %dma_wait3A_42 = tpu.memref_slice %arg5[%add3A, %dma_wait3A_40, %dma_wait3A_41] : memref<32x79x128xi32, #tpu.memory_space<hbm>> -> memref<1x79x128xi32, #tpu.memory_space<hbm>>
      %dma_wait3A_43 = tpu.memref_squeeze %dma_wait3A_42 : memref<1x79x128xi32, #tpu.memory_space<hbm>> -> memref<79x128xi32, #tpu.memory_space<hbm>>
      tpu.wait_dma2 semaphore(%run_scoped3A : memref<!tpu.dma_semaphore, #tpu.memory_space<semaphore_mem>>) src(%dma_wait3A_43 : memref<79x128xi32, #tpu.memory_space<hbm>>) dst(%arg8 : memref<79x128xi32, #tpu.memory_space<vmem>>)
      tpu.yield
    }) : () -> ()
    %barrier3A = arith.constant 0 : index
    tpu.barrier barrier_id(%barrier3A)
    %dma_start3A = arith.constant 0 : i32
    %dma_start3A_11 = arith.constant 0 : i32
    %dma_start3A_12 = tpu.memref_slice %arg7[%dma_start3A, %dma_start3A_11] : memref<79x128xi32, #tpu.memory_space<vmem>> -> memref<1x128xi32, #tpu.memory_space<vmem>>
    %dma_start3A_13 = tpu.memref_squeeze %dma_start3A_12 : memref<1x128xi32, #tpu.memory_space<vmem>> -> memref<128xi32, #tpu.memory_space<vmem>>
    %dma_start3A_14 = arith.constant 0 : i32
    %dma_start3A_15 = arith.constant 0 : i32
    %dma_start3A_16 = tpu.memref_slice %arg13[%dma_start3A_14, %dma_start3A_15] : memref<10112x16xf32, #tpu.memory_space<vmem_shared>> -> memref<10112x16xf32, #tpu.memory_space<vmem_shared>>
    tpu.enqueue_indirect_dma source(%dma_start3A_16 : memref<10112x16xf32, #tpu.memory_space<vmem_shared>>) target(%arg9 : memref<128x16xf32, #tpu.memory_space<vmem>>) offsets(%dma_start3A_13 : memref<128xi32, #tpu.memory_space<vmem>>) semaphore(%arg15 : memref<!tpu.dma_semaphore, #tpu.memory_space<semaphore_mem>>)
    %dma_start3A_17 = arith.constant 0 : i32
    %dma_start3A_18 = arith.constant 0 : i32
    %dma_start3A_19 = tpu.memref_slice %arg8[%dma_start3A_17, %dma_start3A_18] : memref<79x128xi32, #tpu.memory_space<vmem>> -> memref<1x128xi32, #tpu.memory_space<vmem>>
    %dma_start3A_20 = tpu.memref_squeeze %dma_start3A_19 : memref<1x128xi32, #tpu.memory_space<vmem>> -> memref<128xi32, #tpu.memory_space<vmem>>
    %dma_start3A_21 = arith.constant 0 : i32
    %dma_start3A_22 = arith.constant 0 : i32
    %dma_start3A_23 = tpu.memref_slice %arg14[%dma_start3A_21, %dma_start3A_22] : memref<10112x16xf32, #tpu.memory_space<vmem_shared>> -> memref<10112x16xf32, #tpu.memory_space<vmem_shared>>
    tpu.enqueue_indirect_dma source(%dma_start3A_23 : memref<10112x16xf32, #tpu.memory_space<vmem_shared>>) target(%arg10 : memref<128x16xf32, #tpu.memory_space<vmem>>) offsets(%dma_start3A_20 : memref<128xi32, #tpu.memory_space<vmem>>) semaphore(%arg16 : memref<!tpu.dma_semaphore, #tpu.memory_space<semaphore_mem>>)
    %scan3A = arith.constant 0 : i32
    %scan3A_24 = arith.constant 0 : i32
    %scan3A_25 = arith.constant 40 : i32
    %scan3A_26 = arith.addi %scan3A_24, %scan3A_25 : i32
    %scan3A_27 = arith.constant 1 : i32
    scf.for %scan3A_29 = %scan3A_24 to %scan3A_26 step %scan3A_27  : i32 {
      %mul3A_30 = arith.constant 2 : i32
      %mul3A_31 = arith.muli %mul3A_30, %scan3A_29 : i32
      %add3A_32 = arith.constant 1 : i32
      %add3A_33 = arith.addi %mul3A_31, %add3A_32 : i32
      %lt3A = arith.constant 79 : i32
      %lt3A_34 = arith.cmpi slt, %add3A_33, %lt3A : i32
      %convert_element_type3A = arith.extui %lt3A_34 : i1 to i32
      %cond3A = arith.constant 0 : i32
      %cond3A_35 = arith.cmpi ne, %convert_element_type3A, %cond3A : i32
      scf.if %cond3A_35 {
        %dma_start3A_68 = arith.constant 0 : i32
        %dma_start3A_69 = tpu.memref_slice %arg7[%add3A_33, %dma_start3A_68] : memref<79x128xi32, #tpu.memory_space<vmem>> -> memref<1x128xi32, #tpu.memory_space<vmem>>
        %dma_start3A_70 = tpu.memref_squeeze %dma_start3A_69 : memref<1x128xi32, #tpu.memory_space<vmem>> -> memref<128xi32, #tpu.memory_space<vmem>>
        %dma_start3A_71 = arith.constant 0 : i32
        %dma_start3A_72 = arith.constant 0 : i32
        %dma_start3A_73 = tpu.memref_slice %arg13[%dma_start3A_71, %dma_start3A_72] : memref<10112x16xf32, #tpu.memory_space<vmem_shared>> -> memref<10112x16xf32, #tpu.memory_space<vmem_shared>>
        tpu.enqueue_indirect_dma source(%dma_start3A_73 : memref<10112x16xf32, #tpu.memory_space<vmem_shared>>) target(%arg11 : memref<128x16xf32, #tpu.memory_space<vmem>>) offsets(%dma_start3A_70 : memref<128xi32, #tpu.memory_space<vmem>>) semaphore(%arg17 : memref<!tpu.dma_semaphore, #tpu.memory_space<semaphore_mem>>)
        %dma_start3A_74 = arith.constant 0 : i32
        %dma_start3A_75 = tpu.memref_slice %arg8[%add3A_33, %dma_start3A_74] : memref<79x128xi32, #tpu.memory_space<vmem>> -> memref<1x128xi32, #tpu.memory_space<vmem>>
        %dma_start3A_76 = tpu.memref_squeeze %dma_start3A_75 : memref<1x128xi32, #tpu.memory_space<vmem>> -> memref<128xi32, #tpu.memory_space<vmem>>
        %dma_start3A_77 = arith.constant 0 : i32
        %dma_start3A_78 = arith.constant 0 : i32
        %dma_start3A_79 = tpu.memref_slice %arg14[%dma_start3A_77, %dma_start3A_78] : memref<10112x16xf32, #tpu.memory_space<vmem_shared>> -> memref<10112x16xf32, #tpu.memory_space<vmem_shared>>
        tpu.enqueue_indirect_dma source(%dma_start3A_79 : memref<10112x16xf32, #tpu.memory_space<vmem_shared>>) target(%arg12 : memref<128x16xf32, #tpu.memory_space<vmem>>) offsets(%dma_start3A_76 : memref<128xi32, #tpu.memory_space<vmem>>) semaphore(%arg18 : memref<!tpu.dma_semaphore, #tpu.memory_space<semaphore_mem>>)
      } else {
      }
      %dma_wait3A = arith.constant 0 : i32
      %dma_wait3A_36 = tpu.memref_slice %arg7[%mul3A_31, %dma_wait3A] : memref<79x128xi32, #tpu.memory_space<vmem>> -> memref<1x128xi32, #tpu.memory_space<vmem>>
      %dma_wait3A_37 = tpu.memref_squeeze %dma_wait3A_36 : memref<1x128xi32, #tpu.memory_space<vmem>> -> memref<128xi32, #tpu.memory_space<vmem>>
      %dma_wait3A_38 = arith.constant 0 : i32
      %dma_wait3A_39 = arith.constant 0 : i32
      %dma_wait3A_40 = tpu.memref_slice %arg13[%dma_wait3A_38, %dma_wait3A_39] : memref<10112x16xf32, #tpu.memory_space<vmem_shared>> -> memref<10112x16xf32, #tpu.memory_space<vmem_shared>>
      tpu.wait_indirect_dma semaphore(%arg15 : memref<!tpu.dma_semaphore, #tpu.memory_space<semaphore_mem>>) src(%dma_wait3A_40 : memref<10112x16xf32, #tpu.memory_space<vmem_shared>>) dst(%arg9 : memref<128x16xf32, #tpu.memory_space<vmem>>)
      %dma_wait3A_41 = arith.constant 0 : i32
      %dma_wait3A_42 = tpu.memref_slice %arg8[%mul3A_31, %dma_wait3A_41] : memref<79x128xi32, #tpu.memory_space<vmem>> -> memref<1x128xi32, #tpu.memory_space<vmem>>
      %dma_wait3A_43 = tpu.memref_squeeze %dma_wait3A_42 : memref<1x128xi32, #tpu.memory_space<vmem>> -> memref<128xi32, #tpu.memory_space<vmem>>
      %dma_wait3A_44 = arith.constant 0 : i32
      %dma_wait3A_45 = arith.constant 0 : i32
      %dma_wait3A_46 = tpu.memref_slice %arg14[%dma_wait3A_44, %dma_wait3A_45] : memref<10112x16xf32, #tpu.memory_space<vmem_shared>> -> memref<10112x16xf32, #tpu.memory_space<vmem_shared>>
      tpu.wait_indirect_dma semaphore(%arg16 : memref<!tpu.dma_semaphore, #tpu.memory_space<semaphore_mem>>) src(%dma_wait3A_46 : memref<10112x16xf32, #tpu.memory_space<vmem_shared>>) dst(%arg10 : memref<128x16xf32, #tpu.memory_space<vmem>>)
      %scan3A_47 = arith.constant 0 : i32
      %scan3A_48 = arith.constant 0 : i32
      %scan3A_49 = arith.constant 128 : i32
      %scan3A_50 = arith.addi %scan3A_48, %scan3A_49 : i32
      %scan3A_51 = arith.constant 1 : i32
      scf.for %scan3A_68 = %scan3A_48 to %scan3A_50 step %scan3A_51  : i32 {
        %get3A = arith.index_cast %scan3A_68 : i32 to index
        %get3A_69 = arith.constant 0 : index
        %get3A_70 = tpu.vector_load %arg9[%get3A, %get3A_69] {strides = array<i32>} : memref<128x16xf32, #tpu.memory_space<vmem>>, vector<1x16xf32>,
        %get3A_71 = vector.shape_cast %get3A_70 : vector<1x16xf32> to vector<16xf32>
        %get3A_72 = arith.index_cast %scan3A_68 : i32 to index
        %get3A_73 = arith.constant 0 : index
        %get3A_74 = tpu.vector_load %arg10[%get3A_72, %get3A_73] {strides = array<i32>} : memref<128x16xf32, #tpu.memory_space<vmem>>, vector<1x16xf32>,
        %get3A_75 = vector.shape_cast %get3A_74 : vector<1x16xf32> to vector<16xf32>
        %add3A_76 = arith.addf %get3A_71, %get3A_75 : vector<16xf32>
        %max3A = arith.constant 0.000000e+00 : f32
        %max3A_77 = vector.broadcast %max3A : f32 to vector<16xf32>
        %max3A_78 = arith.maximumf %add3A_76, %max3A_77 : vector<16xf32>
        %swap3A = arith.index_cast %scan3A_68 : i32 to index
        %swap3A_79 = arith.constant 0 : index
        %swap3A_80 = tpu.vector_load %arg9[%swap3A, %swap3A_79] {strides = array<i32>} : memref<128x16xf32, #tpu.memory_space<vmem>>, vector<1x16xf32>,
        %swap3A_81 = vector.shape_cast %swap3A_80 : vector<1x16xf32> to vector<16xf32>
        %swap3A_82 = vector.shape_cast %max3A_78 : vector<16xf32> to vector<1x16xf32>
        tpu.vector_store %arg9[%swap3A, %swap3A_79], %swap3A_82 {strides = array<i32>} : memref<128x16xf32, #tpu.memory_space<vmem>>, vector<1x16xf32>,
      }
      %scan3A_52 = arith.constant 128 : i32
      %mul3A_53 = arith.constant 128 : i32
      %mul3A_54 = arith.muli %mul3A_31, %mul3A_53 : i32
      %add3A_55 = arith.addi %mul3A_2, %mul3A_54 : i32
      "tpu.region"() ({
        %run_scoped3A = tpu.sem_alloc : memref<!tpu.dma_semaphore, #tpu.memory_space<semaphore_mem>>
        %dma_start3A_68 = arith.constant 0 : i32
        %dma_start3A_69 = tpu.memref_slice %arg6[%add3A_55, %dma_start3A_68] : memref<323584x16xf32, #tpu.memory_space<hbm>> -> memref<128x16xf32, #tpu.memory_space<hbm>>
        %dma_start3A_70 = arith.constant 0 : i32
        %dma_start3A_71 = tpu.memref_slice %arg6[%add3A_55, %dma_start3A_70] : memref<323584x16xf32, #tpu.memory_space<hbm>> -> memref<128x16xf32, #tpu.memory_space<hbm>>
        tpu.enqueue_dma source(%arg9 : memref<128x16xf32, #tpu.memory_space<vmem>>) target(%dma_start3A_71 : memref<128x16xf32, #tpu.memory_space<hbm>>) target_semaphore(%run_scoped3A : memref<!tpu.dma_semaphore, #tpu.memory_space<semaphore_mem>>)
        %dma_wait3A_72 = arith.constant 0 : i32
        %dma_wait3A_73 = tpu.memref_slice %arg6[%add3A_55, %dma_wait3A_72] : memref<323584x16xf32, #tpu.memory_space<hbm>> -> memref<128x16xf32, #tpu.memory_space<hbm>>
        %dma_wait3A_74 = arith.constant 0 : i32
        %dma_wait3A_75 = tpu.memref_slice %arg6[%add3A_55, %dma_wait3A_74] : memref<323584x16xf32, #tpu.memory_space<hbm>> -> memref<128x16xf32, #tpu.memory_space<hbm>>
        tpu.wait_dma2 semaphore(%run_scoped3A : memref<!tpu.dma_semaphore, #tpu.memory_space<semaphore_mem>>) src(%arg9 : memref<128x16xf32, #tpu.memory_space<vmem>>) dst(%dma_wait3A_75 : memref<128x16xf32, #tpu.memory_space<hbm>>)
        tpu.yield
      }) : () -> ()
      %add3A_56 = arith.constant 2 : i32
      %add3A_57 = arith.addi %mul3A_31, %add3A_56 : i32
      %lt3A_58 = arith.constant 79 : i32
      %lt3A_59 = arith.cmpi slt, %add3A_57, %lt3A_58 : i32
      %convert_element_type3A_60 = arith.extui %lt3A_59 : i1 to i32
      %cond3A_61 = arith.constant 0 : i32
      %cond3A_62 = arith.cmpi ne, %convert_element_type3A_60, %cond3A_61 : i32
      scf.if %cond3A_62 {
        %add3A_68 = arith.constant 2 : i32
        %add3A_69 = arith.addi %mul3A_31, %add3A_68 : i32
        %dma_start3A_70 = arith.constant 0 : i32
        %dma_start3A_71 = tpu.memref_slice %arg7[%add3A_69, %dma_start3A_70] : memref<79x128xi32, #tpu.memory_space<vmem>> -> memref<1x128xi32, #tpu.memory_space<vmem>>
        %dma_start3A_72 = tpu.memref_squeeze %dma_start3A_71 : memref<1x128xi32, #tpu.memory_space<vmem>> -> memref<128xi32, #tpu.memory_space<vmem>>
        %dma_start3A_73 = arith.constant 0 : i32
        %dma_start3A_74 = arith.constant 0 : i32
        %dma_start3A_75 = tpu.memref_slice %arg13[%dma_start3A_73, %dma_start3A_74] : memref<10112x16xf32, #tpu.memory_space<vmem_shared>> -> memref<10112x16xf32, #tpu.memory_space<vmem_shared>>
        tpu.enqueue_indirect_dma source(%dma_start3A_75 : memref<10112x16xf32, #tpu.memory_space<vmem_shared>>) target(%arg9 : memref<128x16xf32, #tpu.memory_space<vmem>>) offsets(%dma_start3A_72 : memref<128xi32, #tpu.memory_space<vmem>>) semaphore(%arg15 : memref<!tpu.dma_semaphore, #tpu.memory_space<semaphore_mem>>)
        %add3A_76 = arith.constant 2 : i32
        %add3A_77 = arith.addi %mul3A_31, %add3A_76 : i32
        %dma_start3A_78 = arith.constant 0 : i32
        %dma_start3A_79 = tpu.memref_slice %arg8[%add3A_77, %dma_start3A_78] : memref<79x128xi32, #tpu.memory_space<vmem>> -> memref<1x128xi32, #tpu.memory_space<vmem>>
        %dma_start3A_80 = tpu.memref_squeeze %dma_start3A_79 : memref<1x128xi32, #tpu.memory_space<vmem>> -> memref<128xi32, #tpu.memory_space<vmem>>
        %dma_start3A_81 = arith.constant 0 : i32
        %dma_start3A_82 = arith.constant 0 : i32
        %dma_start3A_83 = tpu.memref_slice %arg14[%dma_start3A_81, %dma_start3A_82] : memref<10112x16xf32, #tpu.memory_space<vmem_shared>> -> memref<10112x16xf32, #tpu.memory_space<vmem_shared>>
        tpu.enqueue_indirect_dma source(%dma_start3A_83 : memref<10112x16xf32, #tpu.memory_space<vmem_shared>>) target(%arg10 : memref<128x16xf32, #tpu.memory_space<vmem>>) offsets(%dma_start3A_80 : memref<128xi32, #tpu.memory_space<vmem>>) semaphore(%arg16 : memref<!tpu.dma_semaphore, #tpu.memory_space<semaphore_mem>>)
      } else {
      }
      %lt3A_63 = arith.constant 79 : i32
      %lt3A_64 = arith.cmpi slt, %add3A_33, %lt3A_63 : i32
      %convert_element_type3A_65 = arith.extui %lt3A_64 : i1 to i32
      %cond3A_66 = arith.constant 0 : i32
      %cond3A_67 = arith.cmpi ne, %convert_element_type3A_65, %cond3A_66 : i32
      scf.if %cond3A_67 {
        %dma_wait3A_68 = arith.constant 0 : i32
        %dma_wait3A_69 = tpu.memref_slice %arg7[%add3A_33, %dma_wait3A_68] : memref<79x128xi32, #tpu.memory_space<vmem>> -> memref<1x128xi32, #tpu.memory_space<vmem>>
        %dma_wait3A_70 = tpu.memref_squeeze %dma_wait3A_69 : memref<1x128xi32, #tpu.memory_space<vmem>> -> memref<128xi32, #tpu.memory_space<vmem>>
        %dma_wait3A_71 = arith.constant 0 : i32
        %dma_wait3A_72 = arith.constant 0 : i32
        %dma_wait3A_73 = tpu.memref_slice %arg13[%dma_wait3A_71, %dma_wait3A_72] : memref<10112x16xf32, #tpu.memory_space<vmem_shared>> -> memref<10112x16xf32, #tpu.memory_space<vmem_shared>>
        tpu.wait_indirect_dma semaphore(%arg17 : memref<!tpu.dma_semaphore, #tpu.memory_space<semaphore_mem>>) src(%dma_wait3A_73 : memref<10112x16xf32, #tpu.memory_space<vmem_shared>>) dst(%arg11 : memref<128x16xf32, #tpu.memory_space<vmem>>)
        %dma_wait3A_74 = arith.constant 0 : i32
        %dma_wait3A_75 = tpu.memref_slice %arg8[%add3A_33, %dma_wait3A_74] : memref<79x128xi32, #tpu.memory_space<vmem>> -> memref<1x128xi32, #tpu.memory_space<vmem>>
        %dma_wait3A_76 = tpu.memref_squeeze %dma_wait3A_75 : memref<1x128xi32, #tpu.memory_space<vmem>> -> memref<128xi32, #tpu.memory_space<vmem>>
        %dma_wait3A_77 = arith.constant 0 : i32
        %dma_wait3A_78 = arith.constant 0 : i32
        %dma_wait3A_79 = tpu.memref_slice %arg14[%dma_wait3A_77, %dma_wait3A_78] : memref<10112x16xf32, #tpu.memory_space<vmem_shared>> -> memref<10112x16xf32, #tpu.memory_space<vmem_shared>>
        tpu.wait_indirect_dma semaphore(%arg18 : memref<!tpu.dma_semaphore, #tpu.memory_space<semaphore_mem>>) src(%dma_wait3A_79 : memref<10112x16xf32, #tpu.memory_space<vmem_shared>>) dst(%arg12 : memref<128x16xf32, #tpu.memory_space<vmem>>)
        %scan3A_80 = arith.constant 0 : i32
        %scan3A_81 = arith.constant 0 : i32
        %scan3A_82 = arith.constant 128 : i32
        %scan3A_83 = arith.addi %scan3A_81, %scan3A_82 : i32
        %scan3A_84 = arith.constant 1 : i32
        scf.for %scan3A_89 = %scan3A_81 to %scan3A_83 step %scan3A_84  : i32 {
          %get3A = arith.index_cast %scan3A_89 : i32 to index
          %get3A_90 = arith.constant 0 : index
          %get3A_91 = tpu.vector_load %arg11[%get3A, %get3A_90] {strides = array<i32>} : memref<128x16xf32, #tpu.memory_space<vmem>>, vector<1x16xf32>,
          %get3A_92 = vector.shape_cast %get3A_91 : vector<1x16xf32> to vector<16xf32>
          %get3A_93 = arith.index_cast %scan3A_89 : i32 to index
          %get3A_94 = arith.constant 0 : index
          %get3A_95 = tpu.vector_load %arg12[%get3A_93, %get3A_94] {strides = array<i32>} : memref<128x16xf32, #tpu.memory_space<vmem>>, vector<1x16xf32>,
          %get3A_96 = vector.shape_cast %get3A_95 : vector<1x16xf32> to vector<16xf32>
          %add3A_97 = arith.addf %get3A_92, %get3A_96 : vector<16xf32>
          %max3A = arith.constant 0.000000e+00 : f32
          %max3A_98 = vector.broadcast %max3A : f32 to vector<16xf32>
          %max3A_99 = arith.maximumf %add3A_97, %max3A_98 : vector<16xf32>
          %swap3A = arith.index_cast %scan3A_89 : i32 to index
          %swap3A_100 = arith.constant 0 : index
          %swap3A_101 = tpu.vector_load %arg11[%swap3A, %swap3A_100] {strides = array<i32>} : memref<128x16xf32, #tpu.memory_space<vmem>>, vector<1x16xf32>,
          %swap3A_102 = vector.shape_cast %swap3A_101 : vector<1x16xf32> to vector<16xf32>
          %swap3A_103 = vector.shape_cast %max3A_99 : vector<16xf32> to vector<1x16xf32>
          tpu.vector_store %arg11[%swap3A, %swap3A_100], %swap3A_103 {strides = array<i32>} : memref<128x16xf32, #tpu.memory_space<vmem>>, vector<1x16xf32>,
        }
        %scan3A_85 = arith.constant 128 : i32
        %mul3A_86 = arith.constant 128 : i32
        %mul3A_87 = arith.muli %add3A_33, %mul3A_86 : i32
        %add3A_88 = arith.addi %mul3A_2, %mul3A_87 : i32
        "tpu.region"() ({
          %run_scoped3A = tpu.sem_alloc : memref<!tpu.dma_semaphore, #tpu.memory_space<semaphore_mem>>
          %dma_start3A_89 = arith.constant 0 : i32
          %dma_start3A_90 = tpu.memref_slice %arg6[%add3A_88, %dma_start3A_89] : memref<323584x16xf32, #tpu.memory_space<hbm>> -> memref<128x16xf32, #tpu.memory_space<hbm>>
          %dma_start3A_91 = arith.constant 0 : i32
          %dma_start3A_92 = tpu.memref_slice %arg6[%add3A_88, %dma_start3A_91] : memref<323584x16xf32, #tpu.memory_space<hbm>> -> memref<128x16xf32, #tpu.memory_space<hbm>>
          tpu.enqueue_dma source(%arg11 : memref<128x16xf32, #tpu.memory_space<vmem>>) target(%dma_start3A_92 : memref<128x16xf32, #tpu.memory_space<hbm>>) target_semaphore(%run_scoped3A : memref<!tpu.dma_semaphore, #tpu.memory_space<semaphore_mem>>)
          %dma_wait3A_93 = arith.constant 0 : i32
          %dma_wait3A_94 = tpu.memref_slice %arg6[%add3A_88, %dma_wait3A_93] : memref<323584x16xf32, #tpu.memory_space<hbm>> -> memref<128x16xf32, #tpu.memory_space<hbm>>
          %dma_wait3A_95 = arith.constant 0 : i32
          %dma_wait3A_96 = tpu.memref_slice %arg6[%add3A_88, %dma_wait3A_95] : memref<323584x16xf32, #tpu.memory_space<hbm>> -> memref<128x16xf32, #tpu.memory_space<hbm>>
          tpu.wait_dma2 semaphore(%run_scoped3A : memref<!tpu.dma_semaphore, #tpu.memory_space<semaphore_mem>>) src(%arg11 : memref<128x16xf32, #tpu.memory_space<vmem>>) dst(%dma_wait3A_96 : memref<128x16xf32, #tpu.memory_space<hbm>>)
          tpu.yield
        }) : () -> ()
      } else {
      }
    }
    %scan3A_28 = arith.constant 40 : i32
    return
  }
}

#map = affine_map<(d0, d1) -> (0, 0)>
#map1 = affine_map<(d0, d1) -> (0, 0, 0)>
module attributes {stable_mosaic.version = 14 : i64} {
  func.func @body(%arg0: i32, %arg1: i32, %arg2: memref<323584x16xf32, #tpu.memory_space<hbm>>, %arg3: memref<32x79x128xi32, #tpu.memory_space<hbm>>, %arg4: memref<32x79x128xi32, #tpu.memory_space<hbm>>, %arg5: memref<10240x16xf32, #tpu.memory_space<hbm>>, %arg6: memref<20480x16xf32, #tpu.memory_space<hbm>>, %arg7: memref<79x128xi32, #tpu.memory_space<vmem>>, %arg8: memref<79x128xi32, #tpu.memory_space<vmem>>, %arg9: memref<128xi32, #tpu.memory_space<vmem>>, %arg10: memref<128xi32, #tpu.memory_space<vmem>>, %arg11: memref<128x16xf32, #tpu.memory_space<vmem>>, %arg12: memref<128x16xf32, #tpu.memory_space<vmem>>, %arg13: memref<10240x16xf32, #tpu.memory_space<vmem_shared>>, %arg14: memref<!tpu.dma_semaphore, #tpu.memory_space<semaphore_mem>>, %arg15: memref<!tpu.dma_semaphore, #tpu.memory_space<semaphore_mem>>) attributes {dimension_semantics = [#tpu.dimension_semantics<core_parallel>, #tpu.dimension_semantics<subcore_parallel>], iteration_bounds = array<i64: 2, 16>, scalar_prefetch = 0 : i64, scratch_operands = 9 : i64, tpu.core_type = #tpu.core_type<sc_vector_subcore>, window_params = [{transform_indices = #map}, {transform_indices = #map1}, {transform_indices = #map1}, {transform_indices = #map}, {transform_indices = #map}]} {
    %mul3A = arith.constant 2 : i32
    %mul3A_0 = arith.muli %arg1, %mul3A : i32
    %add3A = arith.addi %mul3A_0, %arg0 : i32
    %mul3A_1 = arith.constant 640 : i32
    %mul3A_2 = arith.muli %arg1, %mul3A_1 : i32
    %mul3A_3 = arith.constant 640 : i32
    %mul3A_4 = arith.muli %arg1, %mul3A_3 : i32
    "tpu.region"() ({
      %run_scoped3A = tpu.sem_alloc : memref<!tpu.dma_semaphore, #tpu.memory_space<semaphore_mem>>
      %dma_start3A_24 = arith.constant 0 : i32
      %dma_start3A_25 = tpu.memref_slice %arg13[%mul3A_4, %dma_start3A_24] : memref<10240x16xf32, #tpu.memory_space<vmem_shared>> -> memref<640x16xf32, #tpu.memory_space<vmem_shared>>
      %dma_start3A_26 = arith.constant 0 : i32
      %dma_start3A_27 = tpu.memref_slice %arg5[%mul3A_2, %dma_start3A_26] : memref<10240x16xf32, #tpu.memory_space<hbm>> -> memref<640x16xf32, #tpu.memory_space<hbm>>
      tpu.enqueue_dma source(%dma_start3A_27 : memref<640x16xf32, #tpu.memory_space<hbm>>) target(%dma_start3A_25 : memref<640x16xf32, #tpu.memory_space<vmem_shared>>) target_semaphore(%run_scoped3A : memref<!tpu.dma_semaphore, #tpu.memory_space<semaphore_mem>>)
      %dma_wait3A = arith.constant 0 : i32
      %dma_wait3A_28 = tpu.memref_slice %arg13[%mul3A_4, %dma_wait3A] : memref<10240x16xf32, #tpu.memory_space<vmem_shared>> -> memref<640x16xf32, #tpu.memory_space<vmem_shared>>
      %dma_wait3A_29 = arith.constant 0 : i32
      %dma_wait3A_30 = tpu.memref_slice %arg5[%mul3A_2, %dma_wait3A_29] : memref<10240x16xf32, #tpu.memory_space<hbm>> -> memref<640x16xf32, #tpu.memory_space<hbm>>
      tpu.wait_dma2 semaphore(%run_scoped3A : memref<!tpu.dma_semaphore, #tpu.memory_space<semaphore_mem>>) src(%dma_wait3A_30 : memref<640x16xf32, #tpu.memory_space<hbm>>) dst(%dma_wait3A_28 : memref<640x16xf32, #tpu.memory_space<vmem_shared>>)
      tpu.yield
    }) : () -> ()
    %barrier3A = arith.constant 0 : index
    tpu.barrier barrier_id(%barrier3A)
    "tpu.region"() ({
      %run_scoped3A = tpu.sem_alloc : memref<!tpu.dma_semaphore, #tpu.memory_space<semaphore_mem>>
      %dma_start3A_24 = arith.constant 0 : i32
      %dma_start3A_25 = arith.constant 0 : i32
      %dma_start3A_26 = tpu.memref_slice %arg3[%add3A, %dma_start3A_24, %dma_start3A_25] : memref<32x79x128xi32, #tpu.memory_space<hbm>> -> memref<1x79x128xi32, #tpu.memory_space<hbm>>
      %dma_start3A_27 = tpu.memref_squeeze %dma_start3A_26 : memref<1x79x128xi32, #tpu.memory_space<hbm>> -> memref<79x128xi32, #tpu.memory_space<hbm>>
      %dma_start3A_28 = arith.constant 0 : i32
      %dma_start3A_29 = arith.constant 0 : i32
      %dma_start3A_30 = tpu.memref_slice %arg3[%add3A, %dma_start3A_28, %dma_start3A_29] : memref<32x79x128xi32, #tpu.memory_space<hbm>> -> memref<1x79x128xi32, #tpu.memory_space<hbm>>
      %dma_start3A_31 = tpu.memref_squeeze %dma_start3A_30 : memref<1x79x128xi32, #tpu.memory_space<hbm>> -> memref<79x128xi32, #tpu.memory_space<hbm>>
      tpu.enqueue_dma source(%dma_start3A_31 : memref<79x128xi32, #tpu.memory_space<hbm>>) target(%arg7 : memref<79x128xi32, #tpu.memory_space<vmem>>) target_semaphore(%run_scoped3A : memref<!tpu.dma_semaphore, #tpu.memory_space<semaphore_mem>>)
      %dma_wait3A = arith.constant 0 : i32
      %dma_wait3A_32 = arith.constant 0 : i32
      %dma_wait3A_33 = tpu.memref_slice %arg3[%add3A, %dma_wait3A, %dma_wait3A_32] : memref<32x79x128xi32, #tpu.memory_space<hbm>> -> memref<1x79x128xi32, #tpu.memory_space<hbm>>
      %dma_wait3A_34 = tpu.memref_squeeze %dma_wait3A_33 : memref<1x79x128xi32, #tpu.memory_space<hbm>> -> memref<79x128xi32, #tpu.memory_space<hbm>>
      %dma_wait3A_35 = arith.constant 0 : i32
      %dma_wait3A_36 = arith.constant 0 : i32
      %dma_wait3A_37 = tpu.memref_slice %arg3[%add3A, %dma_wait3A_35, %dma_wait3A_36] : memref<32x79x128xi32, #tpu.memory_space<hbm>> -> memref<1x79x128xi32, #tpu.memory_space<hbm>>
      %dma_wait3A_38 = tpu.memref_squeeze %dma_wait3A_37 : memref<1x79x128xi32, #tpu.memory_space<hbm>> -> memref<79x128xi32, #tpu.memory_space<hbm>>
      tpu.wait_dma2 semaphore(%run_scoped3A : memref<!tpu.dma_semaphore, #tpu.memory_space<semaphore_mem>>) src(%dma_wait3A_38 : memref<79x128xi32, #tpu.memory_space<hbm>>) dst(%arg7 : memref<79x128xi32, #tpu.memory_space<vmem>>)
      tpu.yield
    }) : () -> ()
    "tpu.region"() ({
      %run_scoped3A = tpu.sem_alloc : memref<!tpu.dma_semaphore, #tpu.memory_space<semaphore_mem>>
      %dma_start3A_24 = arith.constant 0 : i32
      %dma_start3A_25 = arith.constant 0 : i32
      %dma_start3A_26 = tpu.memref_slice %arg4[%add3A, %dma_start3A_24, %dma_start3A_25] : memref<32x79x128xi32, #tpu.memory_space<hbm>> -> memref<1x79x128xi32, #tpu.memory_space<hbm>>
      %dma_start3A_27 = tpu.memref_squeeze %dma_start3A_26 : memref<1x79x128xi32, #tpu.memory_space<hbm>> -> memref<79x128xi32, #tpu.memory_space<hbm>>
      %dma_start3A_28 = arith.constant 0 : i32
      %dma_start3A_29 = arith.constant 0 : i32
      %dma_start3A_30 = tpu.memref_slice %arg4[%add3A, %dma_start3A_28, %dma_start3A_29] : memref<32x79x128xi32, #tpu.memory_space<hbm>> -> memref<1x79x128xi32, #tpu.memory_space<hbm>>
      %dma_start3A_31 = tpu.memref_squeeze %dma_start3A_30 : memref<1x79x128xi32, #tpu.memory_space<hbm>> -> memref<79x128xi32, #tpu.memory_space<hbm>>
      tpu.enqueue_dma source(%dma_start3A_31 : memref<79x128xi32, #tpu.memory_space<hbm>>) target(%arg8 : memref<79x128xi32, #tpu.memory_space<vmem>>) target_semaphore(%run_scoped3A : memref<!tpu.dma_semaphore, #tpu.memory_space<semaphore_mem>>)
      %dma_wait3A = arith.constant 0 : i32
      %dma_wait3A_32 = arith.constant 0 : i32
      %dma_wait3A_33 = tpu.memref_slice %arg4[%add3A, %dma_wait3A, %dma_wait3A_32] : memref<32x79x128xi32, #tpu.memory_space<hbm>> -> memref<1x79x128xi32, #tpu.memory_space<hbm>>
      %dma_wait3A_34 = tpu.memref_squeeze %dma_wait3A_33 : memref<1x79x128xi32, #tpu.memory_space<hbm>> -> memref<79x128xi32, #tpu.memory_space<hbm>>
      %dma_wait3A_35 = arith.constant 0 : i32
      %dma_wait3A_36 = arith.constant 0 : i32
      %dma_wait3A_37 = tpu.memref_slice %arg4[%add3A, %dma_wait3A_35, %dma_wait3A_36] : memref<32x79x128xi32, #tpu.memory_space<hbm>> -> memref<1x79x128xi32, #tpu.memory_space<hbm>>
      %dma_wait3A_38 = tpu.memref_squeeze %dma_wait3A_37 : memref<1x79x128xi32, #tpu.memory_space<hbm>> -> memref<79x128xi32, #tpu.memory_space<hbm>>
      tpu.wait_dma2 semaphore(%run_scoped3A : memref<!tpu.dma_semaphore, #tpu.memory_space<semaphore_mem>>) src(%dma_wait3A_38 : memref<79x128xi32, #tpu.memory_space<hbm>>) dst(%arg8 : memref<79x128xi32, #tpu.memory_space<vmem>>)
      tpu.yield
    }) : () -> ()
    %dma_start3A = arith.constant 0 : i32
    %dma_start3A_5 = arith.constant 0 : i32
    %dma_start3A_6 = tpu.memref_slice %arg8[%dma_start3A, %dma_start3A_5] : memref<79x128xi32, #tpu.memory_space<vmem>> -> memref<1x128xi32, #tpu.memory_space<vmem>>
    %dma_start3A_7 = tpu.memref_squeeze %dma_start3A_6 : memref<1x128xi32, #tpu.memory_space<vmem>> -> memref<128xi32, #tpu.memory_space<vmem>>
    %dma_start3A_8 = arith.constant 0 : i32
    %dma_start3A_9 = arith.constant 0 : i32
    %dma_start3A_10 = tpu.memref_slice %arg2[%dma_start3A_8, %dma_start3A_9] : memref<323584x16xf32, #tpu.memory_space<hbm>> -> memref<323584x16xf32, #tpu.memory_space<hbm>>
    tpu.enqueue_indirect_dma source(%dma_start3A_10 : memref<323584x16xf32, #tpu.memory_space<hbm>>) target(%arg11 : memref<128x16xf32, #tpu.memory_space<vmem>>) offsets(%dma_start3A_7 : memref<128xi32, #tpu.memory_space<vmem>>) semaphore(%arg14 : memref<!tpu.dma_semaphore, #tpu.memory_space<semaphore_mem>>)
    %scan3A = arith.constant 0 : i32
    %scan3A_11 = arith.constant 0 : i32
    %scan3A_12 = arith.constant 40 : i32
    %scan3A_13 = arith.addi %scan3A_11, %scan3A_12 : i32
    %scan3A_14 = arith.constant 1 : i32
    scf.for %scan3A_24 = %scan3A_11 to %scan3A_13 step %scan3A_14  : i32 {
      %mul3A_25 = arith.constant 2 : i32
      %mul3A_26 = arith.muli %mul3A_25, %scan3A_24 : i32
      %add3A_27 = arith.constant 1 : i32
      %add3A_28 = arith.addi %mul3A_26, %add3A_27 : i32
      %lt3A = arith.constant 79 : i32
      %lt3A_29 = arith.cmpi slt, %add3A_28, %lt3A : i32
      %convert_element_type3A = arith.extui %lt3A_29 : i1 to i32
      %cond3A = arith.constant 0 : i32
      %cond3A_30 = arith.cmpi ne, %convert_element_type3A, %cond3A : i32
      scf.if %cond3A_30 {
        %dma_start3A_110 = arith.constant 0 : i32
        %dma_start3A_111 = tpu.memref_slice %arg8[%add3A_28, %dma_start3A_110] : memref<79x128xi32, #tpu.memory_space<vmem>> -> memref<1x128xi32, #tpu.memory_space<vmem>>
        %dma_start3A_112 = tpu.memref_squeeze %dma_start3A_111 : memref<1x128xi32, #tpu.memory_space<vmem>> -> memref<128xi32, #tpu.memory_space<vmem>>
        %dma_start3A_113 = arith.constant 0 : i32
        %dma_start3A_114 = arith.constant 0 : i32
        %dma_start3A_115 = tpu.memref_slice %arg2[%dma_start3A_113, %dma_start3A_114] : memref<323584x16xf32, #tpu.memory_space<hbm>> -> memref<323584x16xf32, #tpu.memory_space<hbm>>
        tpu.enqueue_indirect_dma source(%dma_start3A_115 : memref<323584x16xf32, #tpu.memory_space<hbm>>) target(%arg12 : memref<128x16xf32, #tpu.memory_space<vmem>>) offsets(%dma_start3A_112 : memref<128xi32, #tpu.memory_space<vmem>>) semaphore(%arg15 : memref<!tpu.dma_semaphore, #tpu.memory_space<semaphore_mem>>)
      } else {
      }
      %dma_wait3A = arith.constant 0 : i32
      %dma_wait3A_31 = tpu.memref_slice %arg8[%mul3A_26, %dma_wait3A] : memref<79x128xi32, #tpu.memory_space<vmem>> -> memref<1x128xi32, #tpu.memory_space<vmem>>
      %dma_wait3A_32 = tpu.memref_squeeze %dma_wait3A_31 : memref<1x128xi32, #tpu.memory_space<vmem>> -> memref<128xi32, #tpu.memory_space<vmem>>
      %dma_wait3A_33 = arith.constant 0 : i32
      %dma_wait3A_34 = arith.constant 0 : i32
      %dma_wait3A_35 = tpu.memref_slice %arg2[%dma_wait3A_33, %dma_wait3A_34] : memref<323584x16xf32, #tpu.memory_space<hbm>> -> memref<323584x16xf32, #tpu.memory_space<hbm>>
      tpu.wait_indirect_dma semaphore(%arg14 : memref<!tpu.dma_semaphore, #tpu.memory_space<semaphore_mem>>) src(%dma_wait3A_35 : memref<323584x16xf32, #tpu.memory_space<hbm>>) dst(%arg11 : memref<128x16xf32, #tpu.memory_space<vmem>>)
      %get3A = arith.index_cast %mul3A_26 : i32 to index
      %get3A_36 = arith.constant 0 : index
      %get3A_37 = tpu.vector_load %arg7[%get3A, %get3A_36] {strides = array<i32>} : memref<79x128xi32, #tpu.memory_space<vmem>>, vector<1x16xi32>,
      %get3A_38 = vector.shape_cast %get3A_37 : vector<1x16xi32> to vector<16xi32>
      %swap3A = arith.constant 0 : index
      %swap3A_39 = tpu.vector_load %arg9[%swap3A] {strides = array<i32>} : memref<128xi32, #tpu.memory_space<vmem>>, vector<16xi32>,
      %swap3A_40 = vector.shape_cast %swap3A_39 : vector<16xi32> to vector<16xi32>
      %swap3A_41 = vector.shape_cast %get3A_38 : vector<16xi32> to vector<16xi32>
      tpu.vector_store %arg9[%swap3A], %swap3A_41 {strides = array<i32>} : memref<128xi32, #tpu.memory_space<vmem>>, vector<16xi32>,
      %get3A_42 = arith.index_cast %mul3A_26 : i32 to index
      %get3A_43 = arith.constant 16 : index
      %get3A_44 = tpu.vector_load %arg7[%get3A_42, %get3A_43] {strides = array<i32>} : memref<79x128xi32, #tpu.memory_space<vmem>>, vector<1x16xi32>,
      %get3A_45 = vector.shape_cast %get3A_44 : vector<1x16xi32> to vector<16xi32>
      %swap3A_46 = arith.constant 16 : index
      %swap3A_47 = tpu.vector_load %arg9[%swap3A_46] {strides = array<i32>} : memref<128xi32, #tpu.memory_space<vmem>>, vector<16xi32>,
      %swap3A_48 = vector.shape_cast %swap3A_47 : vector<16xi32> to vector<16xi32>
      %swap3A_49 = vector.shape_cast %get3A_45 : vector<16xi32> to vector<16xi32>
      tpu.vector_store %arg9[%swap3A_46], %swap3A_49 {strides = array<i32>} : memref<128xi32, #tpu.memory_space<vmem>>, vector<16xi32>,
      %get3A_50 = arith.index_cast %mul3A_26 : i32 to index
      %get3A_51 = arith.constant 32 : index
      %get3A_52 = tpu.vector_load %arg7[%get3A_50, %get3A_51] {strides = array<i32>} : memref<79x128xi32, #tpu.memory_space<vmem>>, vector<1x16xi32>,
      %get3A_53 = vector.shape_cast %get3A_52 : vector<1x16xi32> to vector<16xi32>
      %swap3A_54 = arith.constant 32 : index
      %swap3A_55 = tpu.vector_load %arg9[%swap3A_54] {strides = array<i32>} : memref<128xi32, #tpu.memory_space<vmem>>, vector<16xi32>,
      %swap3A_56 = vector.shape_cast %swap3A_55 : vector<16xi32> to vector<16xi32>
      %swap3A_57 = vector.shape_cast %get3A_53 : vector<16xi32> to vector<16xi32>
      tpu.vector_store %arg9[%swap3A_54], %swap3A_57 {strides = array<i32>} : memref<128xi32, #tpu.memory_space<vmem>>, vector<16xi32>,
      %get3A_58 = arith.index_cast %mul3A_26 : i32 to index
      %get3A_59 = arith.constant 48 : index
      %get3A_60 = tpu.vector_load %arg7[%get3A_58, %get3A_59] {strides = array<i32>} : memref<79x128xi32, #tpu.memory_space<vmem>>, vector<1x16xi32>,
      %get3A_61 = vector.shape_cast %get3A_60 : vector<1x16xi32> to vector<16xi32>
      %swap3A_62 = arith.constant 48 : index
      %swap3A_63 = tpu.vector_load %arg9[%swap3A_62] {strides = array<i32>} : memref<128xi32, #tpu.memory_space<vmem>>, vector<16xi32>,
      %swap3A_64 = vector.shape_cast %swap3A_63 : vector<16xi32> to vector<16xi32>
      %swap3A_65 = vector.shape_cast %get3A_61 : vector<16xi32> to vector<16xi32>
      tpu.vector_store %arg9[%swap3A_62], %swap3A_65 {strides = array<i32>} : memref<128xi32, #tpu.memory_space<vmem>>, vector<16xi32>,
      %get3A_66 = arith.index_cast %mul3A_26 : i32 to index
      %get3A_67 = arith.constant 64 : index
      %get3A_68 = tpu.vector_load %arg7[%get3A_66, %get3A_67] {strides = array<i32>} : memref<79x128xi32, #tpu.memory_space<vmem>>, vector<1x16xi32>,
      %get3A_69 = vector.shape_cast %get3A_68 : vector<1x16xi32> to vector<16xi32>
      %swap3A_70 = arith.constant 64 : index
      %swap3A_71 = tpu.vector_load %arg9[%swap3A_70] {strides = array<i32>} : memref<128xi32, #tpu.memory_space<vmem>>, vector<16xi32>,
      %swap3A_72 = vector.shape_cast %swap3A_71 : vector<16xi32> to vector<16xi32>
      %swap3A_73 = vector.shape_cast %get3A_69 : vector<16xi32> to vector<16xi32>
      tpu.vector_store %arg9[%swap3A_70], %swap3A_73 {strides = array<i32>} : memref<128xi32, #tpu.memory_space<vmem>>, vector<16xi32>,
      %get3A_74 = arith.index_cast %mul3A_26 : i32 to index
      %get3A_75 = arith.constant 80 : index
      %get3A_76 = tpu.vector_load %arg7[%get3A_74, %get3A_75] {strides = array<i32>} : memref<79x128xi32, #tpu.memory_space<vmem>>, vector<1x16xi32>,
      %get3A_77 = vector.shape_cast %get3A_76 : vector<1x16xi32> to vector<16xi32>
      %swap3A_78 = arith.constant 80 : index
      %swap3A_79 = tpu.vector_load %arg9[%swap3A_78] {strides = array<i32>} : memref<128xi32, #tpu.memory_space<vmem>>, vector<16xi32>,
      %swap3A_80 = vector.shape_cast %swap3A_79 : vector<16xi32> to vector<16xi32>
      %swap3A_81 = vector.shape_cast %get3A_77 : vector<16xi32> to vector<16xi32>
      tpu.vector_store %arg9[%swap3A_78], %swap3A_81 {strides = array<i32>} : memref<128xi32, #tpu.memory_space<vmem>>, vector<16xi32>,
      %get3A_82 = arith.index_cast %mul3A_26 : i32 to index
      %get3A_83 = arith.constant 96 : index
      %get3A_84 = tpu.vector_load %arg7[%get3A_82, %get3A_83] {strides = array<i32>} : memref<79x128xi32, #tpu.memory_space<vmem>>, vector<1x16xi32>,
      %get3A_85 = vector.shape_cast %get3A_84 : vector<1x16xi32> to vector<16xi32>
      %swap3A_86 = arith.constant 96 : index
      %swap3A_87 = tpu.vector_load %arg9[%swap3A_86] {strides = array<i32>} : memref<128xi32, #tpu.memory_space<vmem>>, vector<16xi32>,
      %swap3A_88 = vector.shape_cast %swap3A_87 : vector<16xi32> to vector<16xi32>
      %swap3A_89 = vector.shape_cast %get3A_85 : vector<16xi32> to vector<16xi32>
      tpu.vector_store %arg9[%swap3A_86], %swap3A_89 {strides = array<i32>} : memref<128xi32, #tpu.memory_space<vmem>>, vector<16xi32>,
      %get3A_90 = arith.index_cast %mul3A_26 : i32 to index
      %get3A_91 = arith.constant 112 : index
      %get3A_92 = tpu.vector_load %arg7[%get3A_90, %get3A_91] {strides = array<i32>} : memref<79x128xi32, #tpu.memory_space<vmem>>, vector<1x16xi32>,
      %get3A_93 = vector.shape_cast %get3A_92 : vector<1x16xi32> to vector<16xi32>
      %swap3A_94 = arith.constant 112 : index
      %swap3A_95 = tpu.vector_load %arg9[%swap3A_94] {strides = array<i32>} : memref<128xi32, #tpu.memory_space<vmem>>, vector<16xi32>,
      %swap3A_96 = vector.shape_cast %swap3A_95 : vector<16xi32> to vector<16xi32>
      %swap3A_97 = vector.shape_cast %get3A_93 : vector<16xi32> to vector<16xi32>
      tpu.vector_store %arg9[%swap3A_94], %swap3A_97 {strides = array<i32>} : memref<128xi32, #tpu.memory_space<vmem>>, vector<16xi32>,
      "tpu.region"() ({
        %run_scoped3A = tpu.sem_alloc : memref<!tpu.dma_semaphore, #tpu.memory_space<semaphore_mem>>
        %dma_start3A_110 = arith.constant 0 : i32
        %dma_start3A_111 = arith.constant 0 : i32
        %dma_start3A_112 = tpu.memref_slice %arg13[%dma_start3A_110, %dma_start3A_111] : memref<10240x16xf32, #tpu.memory_space<vmem_shared>> -> memref<10240x16xf32, #tpu.memory_space<vmem_shared>>
        tpu.enqueue_indirect_dma source(%arg11 : memref<128x16xf32, #tpu.memory_space<vmem>>) target(%dma_start3A_112 : memref<10240x16xf32, #tpu.memory_space<vmem_shared>>) offsets(%arg9 : memref<128xi32, #tpu.memory_space<vmem>>) semaphore(%run_scoped3A : memref<!tpu.dma_semaphore, #tpu.memory_space<semaphore_mem>>) {add = true}
        %dma_wait3A_113 = arith.constant 0 : i32
        %dma_wait3A_114 = arith.constant 0 : i32
        %dma_wait3A_115 = tpu.memref_slice %arg13[%dma_wait3A_113, %dma_wait3A_114] : memref<10240x16xf32, #tpu.memory_space<vmem_shared>> -> memref<10240x16xf32, #tpu.memory_space<vmem_shared>>
        tpu.wait_indirect_dma semaphore(%run_scoped3A : memref<!tpu.dma_semaphore, #tpu.memory_space<semaphore_mem>>) src(%arg11 : memref<128x16xf32, #tpu.memory_space<vmem>>) dst(%dma_wait3A_115 : memref<10240x16xf32, #tpu.memory_space<vmem_shared>>)
        tpu.yield
      }) : () -> ()
      %add3A_98 = arith.constant 2 : i32
      %add3A_99 = arith.addi %mul3A_26, %add3A_98 : i32
      %lt3A_100 = arith.constant 79 : i32
      %lt3A_101 = arith.cmpi slt, %add3A_99, %lt3A_100 : i32
      %convert_element_type3A_102 = arith.extui %lt3A_101 : i1 to i32
      %cond3A_103 = arith.constant 0 : i32
      %cond3A_104 = arith.cmpi ne, %convert_element_type3A_102, %cond3A_103 : i32
      scf.if %cond3A_104 {
        %add3A_110 = arith.constant 2 : i32
        %add3A_111 = arith.addi %mul3A_26, %add3A_110 : i32
        %dma_start3A_112 = arith.constant 0 : i32
        %dma_start3A_113 = tpu.memref_slice %arg8[%add3A_111, %dma_start3A_112] : memref<79x128xi32, #tpu.memory_space<vmem>> -> memref<1x128xi32, #tpu.memory_space<vmem>>
        %dma_start3A_114 = tpu.memref_squeeze %dma_start3A_113 : memref<1x128xi32, #tpu.memory_space<vmem>> -> memref<128xi32, #tpu.memory_space<vmem>>
        %dma_start3A_115 = arith.constant 0 : i32
        %dma_start3A_116 = arith.constant 0 : i32
        %dma_start3A_117 = tpu.memref_slice %arg2[%dma_start3A_115, %dma_start3A_116] : memref<323584x16xf32, #tpu.memory_space<hbm>> -> memref<323584x16xf32, #tpu.memory_space<hbm>>
        tpu.enqueue_indirect_dma source(%dma_start3A_117 : memref<323584x16xf32, #tpu.memory_space<hbm>>) target(%arg11 : memref<128x16xf32, #tpu.memory_space<vmem>>) offsets(%dma_start3A_114 : memref<128xi32, #tpu.memory_space<vmem>>) semaphore(%arg14 : memref<!tpu.dma_semaphore, #tpu.memory_space<semaphore_mem>>)
      } else {
      }
      %lt3A_105 = arith.constant 79 : i32
      %lt3A_106 = arith.cmpi slt, %add3A_28, %lt3A_105 : i32
      %convert_element_type3A_107 = arith.extui %lt3A_106 : i1 to i32
      %cond3A_108 = arith.constant 0 : i32
      %cond3A_109 = arith.cmpi ne, %convert_element_type3A_107, %cond3A_108 : i32
      scf.if %cond3A_109 {
        %dma_wait3A_110 = arith.constant 0 : i32
        %dma_wait3A_111 = tpu.memref_slice %arg8[%add3A_28, %dma_wait3A_110] : memref<79x128xi32, #tpu.memory_space<vmem>> -> memref<1x128xi32, #tpu.memory_space<vmem>>
        %dma_wait3A_112 = tpu.memref_squeeze %dma_wait3A_111 : memref<1x128xi32, #tpu.memory_space<vmem>> -> memref<128xi32, #tpu.memory_space<vmem>>
        %dma_wait3A_113 = arith.constant 0 : i32
        %dma_wait3A_114 = arith.constant 0 : i32
        %dma_wait3A_115 = tpu.memref_slice %arg2[%dma_wait3A_113, %dma_wait3A_114] : memref<323584x16xf32, #tpu.memory_space<hbm>> -> memref<323584x16xf32, #tpu.memory_space<hbm>>
        tpu.wait_indirect_dma semaphore(%arg15 : memref<!tpu.dma_semaphore, #tpu.memory_space<semaphore_mem>>) src(%dma_wait3A_115 : memref<323584x16xf32, #tpu.memory_space<hbm>>) dst(%arg12 : memref<128x16xf32, #tpu.memory_space<vmem>>)
        %get3A_116 = arith.index_cast %add3A_28 : i32 to index
        %get3A_117 = arith.constant 0 : index
        %get3A_118 = tpu.vector_load %arg7[%get3A_116, %get3A_117] {strides = array<i32>} : memref<79x128xi32, #tpu.memory_space<vmem>>, vector<1x16xi32>,
        %get3A_119 = vector.shape_cast %get3A_118 : vector<1x16xi32> to vector<16xi32>
        %swap3A_120 = arith.constant 0 : index
        %swap3A_121 = tpu.vector_load %arg10[%swap3A_120] {strides = array<i32>} : memref<128xi32, #tpu.memory_space<vmem>>, vector<16xi32>,
        %swap3A_122 = vector.shape_cast %swap3A_121 : vector<16xi32> to vector<16xi32>
        %swap3A_123 = vector.shape_cast %get3A_119 : vector<16xi32> to vector<16xi32>
        tpu.vector_store %arg10[%swap3A_120], %swap3A_123 {strides = array<i32>} : memref<128xi32, #tpu.memory_space<vmem>>, vector<16xi32>,
        %get3A_124 = arith.index_cast %add3A_28 : i32 to index
        %get3A_125 = arith.constant 16 : index
        %get3A_126 = tpu.vector_load %arg7[%get3A_124, %get3A_125] {strides = array<i32>} : memref<79x128xi32, #tpu.memory_space<vmem>>, vector<1x16xi32>,
        %get3A_127 = vector.shape_cast %get3A_126 : vector<1x16xi32> to vector<16xi32>
        %swap3A_128 = arith.constant 16 : index
        %swap3A_129 = tpu.vector_load %arg10[%swap3A_128] {strides = array<i32>} : memref<128xi32, #tpu.memory_space<vmem>>, vector<16xi32>,
        %swap3A_130 = vector.shape_cast %swap3A_129 : vector<16xi32> to vector<16xi32>
        %swap3A_131 = vector.shape_cast %get3A_127 : vector<16xi32> to vector<16xi32>
        tpu.vector_store %arg10[%swap3A_128], %swap3A_131 {strides = array<i32>} : memref<128xi32, #tpu.memory_space<vmem>>, vector<16xi32>,
        %get3A_132 = arith.index_cast %add3A_28 : i32 to index
        %get3A_133 = arith.constant 32 : index
        %get3A_134 = tpu.vector_load %arg7[%get3A_132, %get3A_133] {strides = array<i32>} : memref<79x128xi32, #tpu.memory_space<vmem>>, vector<1x16xi32>,
        %get3A_135 = vector.shape_cast %get3A_134 : vector<1x16xi32> to vector<16xi32>
        %swap3A_136 = arith.constant 32 : index
        %swap3A_137 = tpu.vector_load %arg10[%swap3A_136] {strides = array<i32>} : memref<128xi32, #tpu.memory_space<vmem>>, vector<16xi32>,
        %swap3A_138 = vector.shape_cast %swap3A_137 : vector<16xi32> to vector<16xi32>
        %swap3A_139 = vector.shape_cast %get3A_135 : vector<16xi32> to vector<16xi32>
        tpu.vector_store %arg10[%swap3A_136], %swap3A_139 {strides = array<i32>} : memref<128xi32, #tpu.memory_space<vmem>>, vector<16xi32>,
        %get3A_140 = arith.index_cast %add3A_28 : i32 to index
        %get3A_141 = arith.constant 48 : index
        %get3A_142 = tpu.vector_load %arg7[%get3A_140, %get3A_141] {strides = array<i32>} : memref<79x128xi32, #tpu.memory_space<vmem>>, vector<1x16xi32>,
        %get3A_143 = vector.shape_cast %get3A_142 : vector<1x16xi32> to vector<16xi32>
        %swap3A_144 = arith.constant 48 : index
        %swap3A_145 = tpu.vector_load %arg10[%swap3A_144] {strides = array<i32>} : memref<128xi32, #tpu.memory_space<vmem>>, vector<16xi32>,
        %swap3A_146 = vector.shape_cast %swap3A_145 : vector<16xi32> to vector<16xi32>
        %swap3A_147 = vector.shape_cast %get3A_143 : vector<16xi32> to vector<16xi32>
        tpu.vector_store %arg10[%swap3A_144], %swap3A_147 {strides = array<i32>} : memref<128xi32, #tpu.memory_space<vmem>>, vector<16xi32>,
        %get3A_148 = arith.index_cast %add3A_28 : i32 to index
        %get3A_149 = arith.constant 64 : index
        %get3A_150 = tpu.vector_load %arg7[%get3A_148, %get3A_149] {strides = array<i32>} : memref<79x128xi32, #tpu.memory_space<vmem>>, vector<1x16xi32>,
        %get3A_151 = vector.shape_cast %get3A_150 : vector<1x16xi32> to vector<16xi32>
        %swap3A_152 = arith.constant 64 : index
        %swap3A_153 = tpu.vector_load %arg10[%swap3A_152] {strides = array<i32>} : memref<128xi32, #tpu.memory_space<vmem>>, vector<16xi32>,
        %swap3A_154 = vector.shape_cast %swap3A_153 : vector<16xi32> to vector<16xi32>
        %swap3A_155 = vector.shape_cast %get3A_151 : vector<16xi32> to vector<16xi32>
        tpu.vector_store %arg10[%swap3A_152], %swap3A_155 {strides = array<i32>} : memref<128xi32, #tpu.memory_space<vmem>>, vector<16xi32>,
        %get3A_156 = arith.index_cast %add3A_28 : i32 to index
        %get3A_157 = arith.constant 80 : index
        %get3A_158 = tpu.vector_load %arg7[%get3A_156, %get3A_157] {strides = array<i32>} : memref<79x128xi32, #tpu.memory_space<vmem>>, vector<1x16xi32>,
        %get3A_159 = vector.shape_cast %get3A_158 : vector<1x16xi32> to vector<16xi32>
        %swap3A_160 = arith.constant 80 : index
        %swap3A_161 = tpu.vector_load %arg10[%swap3A_160] {strides = array<i32>} : memref<128xi32, #tpu.memory_space<vmem>>, vector<16xi32>,
        %swap3A_162 = vector.shape_cast %swap3A_161 : vector<16xi32> to vector<16xi32>
        %swap3A_163 = vector.shape_cast %get3A_159 : vector<16xi32> to vector<16xi32>
        tpu.vector_store %arg10[%swap3A_160], %swap3A_163 {strides = array<i32>} : memref<128xi32, #tpu.memory_space<vmem>>, vector<16xi32>,
        %get3A_164 = arith.index_cast %add3A_28 : i32 to index
        %get3A_165 = arith.constant 96 : index
        %get3A_166 = tpu.vector_load %arg7[%get3A_164, %get3A_165] {strides = array<i32>} : memref<79x128xi32, #tpu.memory_space<vmem>>, vector<1x16xi32>,
        %get3A_167 = vector.shape_cast %get3A_166 : vector<1x16xi32> to vector<16xi32>
        %swap3A_168 = arith.constant 96 : index
        %swap3A_169 = tpu.vector_load %arg10[%swap3A_168] {strides = array<i32>} : memref<128xi32, #tpu.memory_space<vmem>>, vector<16xi32>,
        %swap3A_170 = vector.shape_cast %swap3A_169 : vector<16xi32> to vector<16xi32>
        %swap3A_171 = vector.shape_cast %get3A_167 : vector<16xi32> to vector<16xi32>
        tpu.vector_store %arg10[%swap3A_168], %swap3A_171 {strides = array<i32>} : memref<128xi32, #tpu.memory_space<vmem>>, vector<16xi32>,
        %get3A_172 = arith.index_cast %add3A_28 : i32 to index
        %get3A_173 = arith.constant 112 : index
        %get3A_174 = tpu.vector_load %arg7[%get3A_172, %get3A_173] {strides = array<i32>} : memref<79x128xi32, #tpu.memory_space<vmem>>, vector<1x16xi32>,
        %get3A_175 = vector.shape_cast %get3A_174 : vector<1x16xi32> to vector<16xi32>
        %swap3A_176 = arith.constant 112 : index
        %swap3A_177 = tpu.vector_load %arg10[%swap3A_176] {strides = array<i32>} : memref<128xi32, #tpu.memory_space<vmem>>, vector<16xi32>,
        %swap3A_178 = vector.shape_cast %swap3A_177 : vector<16xi32> to vector<16xi32>
        %swap3A_179 = vector.shape_cast %get3A_175 : vector<16xi32> to vector<16xi32>
        tpu.vector_store %arg10[%swap3A_176], %swap3A_179 {strides = array<i32>} : memref<128xi32, #tpu.memory_space<vmem>>, vector<16xi32>,
        "tpu.region"() ({
          %run_scoped3A = tpu.sem_alloc : memref<!tpu.dma_semaphore, #tpu.memory_space<semaphore_mem>>
          %dma_start3A_180 = arith.constant 0 : i32
          %dma_start3A_181 = arith.constant 0 : i32
          %dma_start3A_182 = tpu.memref_slice %arg13[%dma_start3A_180, %dma_start3A_181] : memref<10240x16xf32, #tpu.memory_space<vmem_shared>> -> memref<10240x16xf32, #tpu.memory_space<vmem_shared>>
          tpu.enqueue_indirect_dma source(%arg12 : memref<128x16xf32, #tpu.memory_space<vmem>>) target(%dma_start3A_182 : memref<10240x16xf32, #tpu.memory_space<vmem_shared>>) offsets(%arg10 : memref<128xi32, #tpu.memory_space<vmem>>) semaphore(%run_scoped3A : memref<!tpu.dma_semaphore, #tpu.memory_space<semaphore_mem>>) {add = true}
          %dma_wait3A_183 = arith.constant 0 : i32
          %dma_wait3A_184 = arith.constant 0 : i32
          %dma_wait3A_185 = tpu.memref_slice %arg13[%dma_wait3A_183, %dma_wait3A_184] : memref<10240x16xf32, #tpu.memory_space<vmem_shared>> -> memref<10240x16xf32, #tpu.memory_space<vmem_shared>>
          tpu.wait_indirect_dma semaphore(%run_scoped3A : memref<!tpu.dma_semaphore, #tpu.memory_space<semaphore_mem>>) src(%arg12 : memref<128x16xf32, #tpu.memory_space<vmem>>) dst(%dma_wait3A_185 : memref<10240x16xf32, #tpu.memory_space<vmem_shared>>)
          tpu.yield
        }) : () -> ()
      } else {
      }
    }
    %scan3A_15 = arith.constant 40 : i32
    %barrier3A_16 = arith.constant 0 : index
    tpu.barrier barrier_id(%barrier3A_16)
    %mul3A_17 = arith.constant 640 : i32
    %mul3A_18 = arith.muli %arg1, %mul3A_17 : i32
    %mul3A_19 = arith.constant 10240 : i32
    %mul3A_20 = arith.muli %arg0, %mul3A_19 : i32
    %mul3A_21 = arith.constant 640 : i32
    %mul3A_22 = arith.muli %arg1, %mul3A_21 : i32
    %add3A_23 = arith.addi %mul3A_20, %mul3A_22 : i32
    "tpu.region"() ({
      %run_scoped3A = tpu.sem_alloc : memref<!tpu.dma_semaphore, #tpu.memory_space<semaphore_mem>>
      %dma_start3A_24 = arith.constant 0 : i32
      %dma_start3A_25 = tpu.memref_slice %arg6[%add3A_23, %dma_start3A_24] : memref<20480x16xf32, #tpu.memory_space<hbm>> -> memref<640x16xf32, #tpu.memory_space<hbm>>
      %dma_start3A_26 = arith.constant 0 : i32
      %dma_start3A_27 = tpu.memref_slice %arg13[%mul3A_18, %dma_start3A_26] : memref<10240x16xf32, #tpu.memory_space<vmem_shared>> -> memref<640x16xf32, #tpu.memory_space<vmem_shared>>
      tpu.enqueue_dma source(%dma_start3A_27 : memref<640x16xf32, #tpu.memory_space<vmem_shared>>) target(%dma_start3A_25 : memref<640x16xf32, #tpu.memory_space<hbm>>) target_semaphore(%run_scoped3A : memref<!tpu.dma_semaphore, #tpu.memory_space<semaphore_mem>>)
      %dma_wait3A = arith.constant 0 : i32
      %dma_wait3A_28 = tpu.memref_slice %arg6[%add3A_23, %dma_wait3A] : memref<20480x16xf32, #tpu.memory_space<hbm>> -> memref<640x16xf32, #tpu.memory_space<hbm>>
      %dma_wait3A_29 = arith.constant 0 : i32
      %dma_wait3A_30 = tpu.memref_slice %arg13[%mul3A_18, %dma_wait3A_29] : memref<10240x16xf32, #tpu.memory_space<vmem_shared>> -> memref<640x16xf32, #tpu.memory_space<vmem_shared>>
      tpu.wait_dma2 semaphore(%run_scoped3A : memref<!tpu.dma_semaphore, #tpu.memory_space<semaphore_mem>>) src(%dma_wait3A_30 : memref<640x16xf32, #tpu.memory_space<vmem_shared>>) dst(%dma_wait3A_28 : memref<640x16xf32, #tpu.memory_space<hbm>>)
      tpu.yield
    }) : () -> ()
    return
  }
}

#map = affine_map<(d0, d1) -> (0, 0)>
#map1 = affine_map<(d0, d1) -> (0, 0, 0)>
module attributes {stable_mosaic.version = 14 : i64} {
  func.func @body(%arg0: i32, %arg1: i32, %arg2: memref<10112x64xf32, #tpu.memory_space<hbm>>, %arg3: memref<10112x64xf32, #tpu.memory_space<hbm>>, %arg4: memref<32x79x128xi32, #tpu.memory_space<hbm>>, %arg5: memref<32x79x128xi32, #tpu.memory_space<hbm>>, %arg6: memref<323584x64xf32, #tpu.memory_space<hbm>>, %arg7: memref<79x128xi32, #tpu.memory_space<vmem>>, %arg8: memref<79x128xi32, #tpu.memory_space<vmem>>, %arg9: memref<128x64xf32, #tpu.memory_space<vmem>>, %arg10: memref<128x64xf32, #tpu.memory_space<vmem>>, %arg11: memref<128x64xf32, #tpu.memory_space<vmem>>, %arg12: memref<128x64xf32, #tpu.memory_space<vmem>>, %arg13: memref<10112x64xf32, #tpu.memory_space<vmem_shared>>, %arg14: memref<8x64xf32, #tpu.memory_space<vmem_shared>>, %arg15: memref<!tpu.dma_semaphore, #tpu.memory_space<semaphore_mem>>, %arg16: memref<!tpu.dma_semaphore, #tpu.memory_space<semaphore_mem>>, %arg17: memref<!tpu.dma_semaphore, #tpu.memory_space<semaphore_mem>>, %arg18: memref<!tpu.dma_semaphore, #tpu.memory_space<semaphore_mem>>) attributes {dimension_semantics = [#tpu.dimension_semantics<core_parallel>, #tpu.dimension_semantics<subcore_parallel>], iteration_bounds = array<i64: 2, 16>, scalar_prefetch = 0 : i64, scratch_operands = 12 : i64, tpu.core_type = #tpu.core_type<sc_vector_subcore>, window_params = [{transform_indices = #map}, {transform_indices = #map}, {transform_indices = #map1}, {transform_indices = #map1}, {transform_indices = #map}]} {
    %mul3A = arith.constant 2 : i32
    %mul3A_0 = arith.muli %arg1, %mul3A : i32
    %add3A = arith.addi %mul3A_0, %arg0 : i32
    %mul3A_1 = arith.constant 10112 : i32
    %mul3A_2 = arith.muli %add3A, %mul3A_1 : i32
    %mul3A_3 = arith.constant 632 : i32
    %mul3A_4 = arith.muli %arg1, %mul3A_3 : i32
    %mul3A_5 = arith.constant 632 : i32
    %mul3A_6 = arith.muli %arg1, %mul3A_5 : i32
    "tpu.region"() ({
      %run_scoped3A = tpu.sem_alloc : memref<!tpu.dma_semaphore, #tpu.memory_space<semaphore_mem>>
      %dma_start3A_25 = arith.constant 0 : i32
      %dma_start3A_26 = tpu.memref_slice %arg13[%mul3A_6, %dma_start3A_25] : memref<10112x64xf32, #tpu.memory_space<vmem_shared>> -> memref<632x64xf32, #tpu.memory_space<vmem_shared>>
      %dma_start3A_27 = arith.constant 0 : i32
      %dma_start3A_28 = tpu.memref_slice %arg2[%mul3A_4, %dma_start3A_27] : memref<10112x64xf32, #tpu.memory_space<hbm>> -> memref<632x64xf32, #tpu.memory_space<hbm>>
      tpu.enqueue_dma source(%dma_start3A_28 : memref<632x64xf32, #tpu.memory_space<hbm>>) target(%dma_start3A_26 : memref<632x64xf32, #tpu.memory_space<vmem_shared>>) target_semaphore(%run_scoped3A : memref<!tpu.dma_semaphore, #tpu.memory_space<semaphore_mem>>)
      %dma_wait3A = arith.constant 0 : i32
      %dma_wait3A_29 = tpu.memref_slice %arg13[%mul3A_6, %dma_wait3A] : memref<10112x64xf32, #tpu.memory_space<vmem_shared>> -> memref<632x64xf32, #tpu.memory_space<vmem_shared>>
      %dma_wait3A_30 = arith.constant 0 : i32
      %dma_wait3A_31 = tpu.memref_slice %arg2[%mul3A_4, %dma_wait3A_30] : memref<10112x64xf32, #tpu.memory_space<hbm>> -> memref<632x64xf32, #tpu.memory_space<hbm>>
      tpu.wait_dma2 semaphore(%run_scoped3A : memref<!tpu.dma_semaphore, #tpu.memory_space<semaphore_mem>>) src(%dma_wait3A_31 : memref<632x64xf32, #tpu.memory_space<hbm>>) dst(%dma_wait3A_29 : memref<632x64xf32, #tpu.memory_space<vmem_shared>>)
      tpu.yield
    }) : () -> ()
    "tpu.region"() ({
      %run_scoped3A = tpu.sem_alloc : memref<!tpu.dma_semaphore, #tpu.memory_space<semaphore_mem>>
      %dma_start3A_25 = arith.constant 0 : i32
      %dma_start3A_26 = arith.constant 0 : i32
      %dma_start3A_27 = tpu.memref_slice %arg4[%add3A, %dma_start3A_25, %dma_start3A_26] : memref<32x79x128xi32, #tpu.memory_space<hbm>> -> memref<1x79x128xi32, #tpu.memory_space<hbm>>
      %dma_start3A_28 = tpu.memref_squeeze %dma_start3A_27 : memref<1x79x128xi32, #tpu.memory_space<hbm>> -> memref<79x128xi32, #tpu.memory_space<hbm>>
      %dma_start3A_29 = arith.constant 0 : i32
      %dma_start3A_30 = arith.constant 0 : i32
      %dma_start3A_31 = tpu.memref_slice %arg4[%add3A, %dma_start3A_29, %dma_start3A_30] : memref<32x79x128xi32, #tpu.memory_space<hbm>> -> memref<1x79x128xi32, #tpu.memory_space<hbm>>
      %dma_start3A_32 = tpu.memref_squeeze %dma_start3A_31 : memref<1x79x128xi32, #tpu.memory_space<hbm>> -> memref<79x128xi32, #tpu.memory_space<hbm>>
      tpu.enqueue_dma source(%dma_start3A_32 : memref<79x128xi32, #tpu.memory_space<hbm>>) target(%arg7 : memref<79x128xi32, #tpu.memory_space<vmem>>) target_semaphore(%run_scoped3A : memref<!tpu.dma_semaphore, #tpu.memory_space<semaphore_mem>>)
      %dma_wait3A = arith.constant 0 : i32
      %dma_wait3A_33 = arith.constant 0 : i32
      %dma_wait3A_34 = tpu.memref_slice %arg4[%add3A, %dma_wait3A, %dma_wait3A_33] : memref<32x79x128xi32, #tpu.memory_space<hbm>> -> memref<1x79x128xi32, #tpu.memory_space<hbm>>
      %dma_wait3A_35 = tpu.memref_squeeze %dma_wait3A_34 : memref<1x79x128xi32, #tpu.memory_space<hbm>> -> memref<79x128xi32, #tpu.memory_space<hbm>>
      %dma_wait3A_36 = arith.constant 0 : i32
      %dma_wait3A_37 = arith.constant 0 : i32
      %dma_wait3A_38 = tpu.memref_slice %arg4[%add3A, %dma_wait3A_36, %dma_wait3A_37] : memref<32x79x128xi32, #tpu.memory_space<hbm>> -> memref<1x79x128xi32, #tpu.memory_space<hbm>>
      %dma_wait3A_39 = tpu.memref_squeeze %dma_wait3A_38 : memref<1x79x128xi32, #tpu.memory_space<hbm>> -> memref<79x128xi32, #tpu.memory_space<hbm>>
      tpu.wait_dma2 semaphore(%run_scoped3A : memref<!tpu.dma_semaphore, #tpu.memory_space<semaphore_mem>>) src(%dma_wait3A_39 : memref<79x128xi32, #tpu.memory_space<hbm>>) dst(%arg7 : memref<79x128xi32, #tpu.memory_space<vmem>>)
      tpu.yield
    }) : () -> ()
    "tpu.region"() ({
      %run_scoped3A = tpu.sem_alloc : memref<!tpu.dma_semaphore, #tpu.memory_space<semaphore_mem>>
      %dma_start3A_25 = arith.constant 0 : i32
      %dma_start3A_26 = arith.constant 0 : i32
      %dma_start3A_27 = tpu.memref_slice %arg5[%add3A, %dma_start3A_25, %dma_start3A_26] : memref<32x79x128xi32, #tpu.memory_space<hbm>> -> memref<1x79x128xi32, #tpu.memory_space<hbm>>
      %dma_start3A_28 = tpu.memref_squeeze %dma_start3A_27 : memref<1x79x128xi32, #tpu.memory_space<hbm>> -> memref<79x128xi32, #tpu.memory_space<hbm>>
      %dma_start3A_29 = arith.constant 0 : i32
      %dma_start3A_30 = arith.constant 0 : i32
      %dma_start3A_31 = tpu.memref_slice %arg5[%add3A, %dma_start3A_29, %dma_start3A_30] : memref<32x79x128xi32, #tpu.memory_space<hbm>> -> memref<1x79x128xi32, #tpu.memory_space<hbm>>
      %dma_start3A_32 = tpu.memref_squeeze %dma_start3A_31 : memref<1x79x128xi32, #tpu.memory_space<hbm>> -> memref<79x128xi32, #tpu.memory_space<hbm>>
      tpu.enqueue_dma source(%dma_start3A_32 : memref<79x128xi32, #tpu.memory_space<hbm>>) target(%arg8 : memref<79x128xi32, #tpu.memory_space<vmem>>) target_semaphore(%run_scoped3A : memref<!tpu.dma_semaphore, #tpu.memory_space<semaphore_mem>>)
      %dma_wait3A = arith.constant 0 : i32
      %dma_wait3A_33 = arith.constant 0 : i32
      %dma_wait3A_34 = tpu.memref_slice %arg5[%add3A, %dma_wait3A, %dma_wait3A_33] : memref<32x79x128xi32, #tpu.memory_space<hbm>> -> memref<1x79x128xi32, #tpu.memory_space<hbm>>
      %dma_wait3A_35 = tpu.memref_squeeze %dma_wait3A_34 : memref<1x79x128xi32, #tpu.memory_space<hbm>> -> memref<79x128xi32, #tpu.memory_space<hbm>>
      %dma_wait3A_36 = arith.constant 0 : i32
      %dma_wait3A_37 = arith.constant 0 : i32
      %dma_wait3A_38 = tpu.memref_slice %arg5[%add3A, %dma_wait3A_36, %dma_wait3A_37] : memref<32x79x128xi32, #tpu.memory_space<hbm>> -> memref<1x79x128xi32, #tpu.memory_space<hbm>>
      %dma_wait3A_39 = tpu.memref_squeeze %dma_wait3A_38 : memref<1x79x128xi32, #tpu.memory_space<hbm>> -> memref<79x128xi32, #tpu.memory_space<hbm>>
      tpu.wait_dma2 semaphore(%run_scoped3A : memref<!tpu.dma_semaphore, #tpu.memory_space<semaphore_mem>>) src(%dma_wait3A_39 : memref<79x128xi32, #tpu.memory_space<hbm>>) dst(%arg8 : memref<79x128xi32, #tpu.memory_space<vmem>>)
      tpu.yield
    }) : () -> ()
    %barrier3A = arith.constant 0 : index
    tpu.barrier barrier_id(%barrier3A)
    %dma_start3A = arith.constant 0 : i32
    %dma_start3A_7 = arith.constant 0 : i32
    %dma_start3A_8 = tpu.memref_slice %arg7[%dma_start3A, %dma_start3A_7] : memref<79x128xi32, #tpu.memory_space<vmem>> -> memref<1x128xi32, #tpu.memory_space<vmem>>
    %dma_start3A_9 = tpu.memref_squeeze %dma_start3A_8 : memref<1x128xi32, #tpu.memory_space<vmem>> -> memref<128xi32, #tpu.memory_space<vmem>>
    %dma_start3A_10 = arith.constant 0 : i32
    %dma_start3A_11 = arith.constant 0 : i32
    %dma_start3A_12 = tpu.memref_slice %arg13[%dma_start3A_10, %dma_start3A_11] : memref<10112x64xf32, #tpu.memory_space<vmem_shared>> -> memref<10112x64xf32, #tpu.memory_space<vmem_shared>>
    tpu.enqueue_indirect_dma source(%dma_start3A_12 : memref<10112x64xf32, #tpu.memory_space<vmem_shared>>) target(%arg9 : memref<128x64xf32, #tpu.memory_space<vmem>>) offsets(%dma_start3A_9 : memref<128xi32, #tpu.memory_space<vmem>>) semaphore(%arg15 : memref<!tpu.dma_semaphore, #tpu.memory_space<semaphore_mem>>)
    %dma_start3A_13 = arith.constant 0 : i32
    %dma_start3A_14 = arith.constant 0 : i32
    %dma_start3A_15 = tpu.memref_slice %arg8[%dma_start3A_13, %dma_start3A_14] : memref<79x128xi32, #tpu.memory_space<vmem>> -> memref<1x128xi32, #tpu.memory_space<vmem>>
    %dma_start3A_16 = tpu.memref_squeeze %dma_start3A_15 : memref<1x128xi32, #tpu.memory_space<vmem>> -> memref<128xi32, #tpu.memory_space<vmem>>
    %dma_start3A_17 = arith.constant 0 : i32
    %dma_start3A_18 = arith.constant 0 : i32
    %dma_start3A_19 = tpu.memref_slice %arg3[%dma_start3A_17, %dma_start3A_18] : memref<10112x64xf32, #tpu.memory_space<hbm>> -> memref<10112x64xf32, #tpu.memory_space<hbm>>
    tpu.enqueue_indirect_dma source(%dma_start3A_19 : memref<10112x64xf32, #tpu.memory_space<hbm>>) target(%arg10 : memref<128x64xf32, #tpu.memory_space<vmem>>) offsets(%dma_start3A_16 : memref<128xi32, #tpu.memory_space<vmem>>) semaphore(%arg16 : memref<!tpu.dma_semaphore, #tpu.memory_space<semaphore_mem>>)
    %scan3A = arith.constant 0 : i32
    %scan3A_20 = arith.constant 0 : i32
    %scan3A_21 = arith.constant 40 : i32
    %scan3A_22 = arith.addi %scan3A_20, %scan3A_21 : i32
    %scan3A_23 = arith.constant 1 : i32
    scf.for %scan3A_25 = %scan3A_20 to %scan3A_22 step %scan3A_23  : i32 {
      %mul3A_26 = arith.constant 2 : i32
      %mul3A_27 = arith.muli %mul3A_26, %scan3A_25 : i32
      %add3A_28 = arith.constant 1 : i32
      %add3A_29 = arith.addi %mul3A_27, %add3A_28 : i32
      %lt3A = arith.constant 79 : i32
      %lt3A_30 = arith.cmpi slt, %add3A_29, %lt3A : i32
      %convert_element_type3A = arith.extui %lt3A_30 : i1 to i32
      %cond3A = arith.constant 0 : i32
      %cond3A_31 = arith.cmpi ne, %convert_element_type3A, %cond3A : i32
      scf.if %cond3A_31 {
        %dma_start3A_64 = arith.constant 0 : i32
        %dma_start3A_65 = tpu.memref_slice %arg7[%add3A_29, %dma_start3A_64] : memref<79x128xi32, #tpu.memory_space<vmem>> -> memref<1x128xi32, #tpu.memory_space<vmem>>
        %dma_start3A_66 = tpu.memref_squeeze %dma_start3A_65 : memref<1x128xi32, #tpu.memory_space<vmem>> -> memref<128xi32, #tpu.memory_space<vmem>>
        %dma_start3A_67 = arith.constant 0 : i32
        %dma_start3A_68 = arith.constant 0 : i32
        %dma_start3A_69 = tpu.memref_slice %arg13[%dma_start3A_67, %dma_start3A_68] : memref<10112x64xf32, #tpu.memory_space<vmem_shared>> -> memref<10112x64xf32, #tpu.memory_space<vmem_shared>>
        tpu.enqueue_indirect_dma source(%dma_start3A_69 : memref<10112x64xf32, #tpu.memory_space<vmem_shared>>) target(%arg11 : memref<128x64xf32, #tpu.memory_space<vmem>>) offsets(%dma_start3A_66 : memref<128xi32, #tpu.memory_space<vmem>>) semaphore(%arg17 : memref<!tpu.dma_semaphore, #tpu.memory_space<semaphore_mem>>)
        %dma_start3A_70 = arith.constant 0 : i32
        %dma_start3A_71 = tpu.memref_slice %arg8[%add3A_29, %dma_start3A_70] : memref<79x128xi32, #tpu.memory_space<vmem>> -> memref<1x128xi32, #tpu.memory_space<vmem>>
        %dma_start3A_72 = tpu.memref_squeeze %dma_start3A_71 : memref<1x128xi32, #tpu.memory_space<vmem>> -> memref<128xi32, #tpu.memory_space<vmem>>
        %dma_start3A_73 = arith.constant 0 : i32
        %dma_start3A_74 = arith.constant 0 : i32
        %dma_start3A_75 = tpu.memref_slice %arg3[%dma_start3A_73, %dma_start3A_74] : memref<10112x64xf32, #tpu.memory_space<hbm>> -> memref<10112x64xf32, #tpu.memory_space<hbm>>
        tpu.enqueue_indirect_dma source(%dma_start3A_75 : memref<10112x64xf32, #tpu.memory_space<hbm>>) target(%arg12 : memref<128x64xf32, #tpu.memory_space<vmem>>) offsets(%dma_start3A_72 : memref<128xi32, #tpu.memory_space<vmem>>) semaphore(%arg18 : memref<!tpu.dma_semaphore, #tpu.memory_space<semaphore_mem>>)
      } else {
      }
      %dma_wait3A = arith.constant 0 : i32
      %dma_wait3A_32 = tpu.memref_slice %arg7[%mul3A_27, %dma_wait3A] : memref<79x128xi32, #tpu.memory_space<vmem>> -> memref<1x128xi32, #tpu.memory_space<vmem>>
      %dma_wait3A_33 = tpu.memref_squeeze %dma_wait3A_32 : memref<1x128xi32, #tpu.memory_space<vmem>> -> memref<128xi32, #tpu.memory_space<vmem>>
      %dma_wait3A_34 = arith.constant 0 : i32
      %dma_wait3A_35 = arith.constant 0 : i32
      %dma_wait3A_36 = tpu.memref_slice %arg13[%dma_wait3A_34, %dma_wait3A_35] : memref<10112x64xf32, #tpu.memory_space<vmem_shared>> -> memref<10112x64xf32, #tpu.memory_space<vmem_shared>>
      tpu.wait_indirect_dma semaphore(%arg15 : memref<!tpu.dma_semaphore, #tpu.memory_space<semaphore_mem>>) src(%dma_wait3A_36 : memref<10112x64xf32, #tpu.memory_space<vmem_shared>>) dst(%arg9 : memref<128x64xf32, #tpu.memory_space<vmem>>)
      %dma_wait3A_37 = arith.constant 0 : i32
      %dma_wait3A_38 = tpu.memref_slice %arg8[%mul3A_27, %dma_wait3A_37] : memref<79x128xi32, #tpu.memory_space<vmem>> -> memref<1x128xi32, #tpu.memory_space<vmem>>
      %dma_wait3A_39 = tpu.memref_squeeze %dma_wait3A_38 : memref<1x128xi32, #tpu.memory_space<vmem>> -> memref<128xi32, #tpu.memory_space<vmem>>
      %dma_wait3A_40 = arith.constant 0 : i32
      %dma_wait3A_41 = arith.constant 0 : i32
      %dma_wait3A_42 = tpu.memref_slice %arg3[%dma_wait3A_40, %dma_wait3A_41] : memref<10112x64xf32, #tpu.memory_space<hbm>> -> memref<10112x64xf32, #tpu.memory_space<hbm>>
      tpu.wait_indirect_dma semaphore(%arg16 : memref<!tpu.dma_semaphore, #tpu.memory_space<semaphore_mem>>) src(%dma_wait3A_42 : memref<10112x64xf32, #tpu.memory_space<hbm>>) dst(%arg10 : memref<128x64xf32, #tpu.memory_space<vmem>>)
      %scan3A_43 = arith.constant 0 : i32
      %scan3A_44 = arith.constant 0 : i32
      %scan3A_45 = arith.constant 128 : i32
      %scan3A_46 = arith.addi %scan3A_44, %scan3A_45 : i32
      %scan3A_47 = arith.constant 1 : i32
      scf.for %scan3A_64 = %scan3A_44 to %scan3A_46 step %scan3A_47  : i32 {
        %get3A = arith.index_cast %scan3A_64 : i32 to index
        %get3A_65 = arith.constant 0 : index
        %get3A_66 = tpu.vector_load %arg9[%get3A, %get3A_65] {strides = array<i32>} : memref<128x64xf32, #tpu.memory_space<vmem>>, vector<1x16xf32>,
        %get3A_67 = vector.shape_cast %get3A_66 : vector<1x16xf32> to vector<16xf32>
        %get3A_68 = arith.index_cast %scan3A_64 : i32 to index
        %get3A_69 = arith.constant 0 : index
        %get3A_70 = tpu.vector_load %arg10[%get3A_68, %get3A_69] {strides = array<i32>} : memref<128x64xf32, #tpu.memory_space<vmem>>, vector<1x16xf32>,
        %get3A_71 = vector.shape_cast %get3A_70 : vector<1x16xf32> to vector<16xf32>
        %add3A_72 = arith.addf %get3A_67, %get3A_71 : vector<16xf32>
        %max3A = arith.constant 0.000000e+00 : f32
        %max3A_73 = vector.broadcast %max3A : f32 to vector<16xf32>
        %max3A_74 = arith.maximumf %add3A_72, %max3A_73 : vector<16xf32>
        %swap3A = arith.index_cast %scan3A_64 : i32 to index
        %swap3A_75 = arith.constant 0 : index
        %swap3A_76 = tpu.vector_load %arg9[%swap3A, %swap3A_75] {strides = array<i32>} : memref<128x64xf32, #tpu.memory_space<vmem>>, vector<1x16xf32>,
        %swap3A_77 = vector.shape_cast %swap3A_76 : vector<1x16xf32> to vector<16xf32>
        %swap3A_78 = vector.shape_cast %max3A_74 : vector<16xf32> to vector<1x16xf32>
        tpu.vector_store %arg9[%swap3A, %swap3A_75], %swap3A_78 {strides = array<i32>} : memref<128x64xf32, #tpu.memory_space<vmem>>, vector<1x16xf32>,
        %get3A_79 = arith.index_cast %scan3A_64 : i32 to index
        %get3A_80 = arith.constant 16 : index
        %get3A_81 = tpu.vector_load %arg9[%get3A_79, %get3A_80] {strides = array<i32>} : memref<128x64xf32, #tpu.memory_space<vmem>>, vector<1x16xf32>,
        %get3A_82 = vector.shape_cast %get3A_81 : vector<1x16xf32> to vector<16xf32>
        %get3A_83 = arith.index_cast %scan3A_64 : i32 to index
        %get3A_84 = arith.constant 16 : index
        %get3A_85 = tpu.vector_load %arg10[%get3A_83, %get3A_84] {strides = array<i32>} : memref<128x64xf32, #tpu.memory_space<vmem>>, vector<1x16xf32>,
        %get3A_86 = vector.shape_cast %get3A_85 : vector<1x16xf32> to vector<16xf32>
        %add3A_87 = arith.addf %get3A_82, %get3A_86 : vector<16xf32>
        %max3A_88 = arith.constant 0.000000e+00 : f32
        %max3A_89 = vector.broadcast %max3A_88 : f32 to vector<16xf32>
        %max3A_90 = arith.maximumf %add3A_87, %max3A_89 : vector<16xf32>
        %swap3A_91 = arith.index_cast %scan3A_64 : i32 to index
        %swap3A_92 = arith.constant 16 : index
        %swap3A_93 = tpu.vector_load %arg9[%swap3A_91, %swap3A_92] {strides = array<i32>} : memref<128x64xf32, #tpu.memory_space<vmem>>, vector<1x16xf32>,
        %swap3A_94 = vector.shape_cast %swap3A_93 : vector<1x16xf32> to vector<16xf32>
        %swap3A_95 = vector.shape_cast %max3A_90 : vector<16xf32> to vector<1x16xf32>
        tpu.vector_store %arg9[%swap3A_91, %swap3A_92], %swap3A_95 {strides = array<i32>} : memref<128x64xf32, #tpu.memory_space<vmem>>, vector<1x16xf32>,
        %get3A_96 = arith.index_cast %scan3A_64 : i32 to index
        %get3A_97 = arith.constant 32 : index
        %get3A_98 = tpu.vector_load %arg9[%get3A_96, %get3A_97] {strides = array<i32>} : memref<128x64xf32, #tpu.memory_space<vmem>>, vector<1x16xf32>,
        %get3A_99 = vector.shape_cast %get3A_98 : vector<1x16xf32> to vector<16xf32>
        %get3A_100 = arith.index_cast %scan3A_64 : i32 to index
        %get3A_101 = arith.constant 32 : index
        %get3A_102 = tpu.vector_load %arg10[%get3A_100, %get3A_101] {strides = array<i32>} : memref<128x64xf32, #tpu.memory_space<vmem>>, vector<1x16xf32>,
        %get3A_103 = vector.shape_cast %get3A_102 : vector<1x16xf32> to vector<16xf32>
        %add3A_104 = arith.addf %get3A_99, %get3A_103 : vector<16xf32>
        %max3A_105 = arith.constant 0.000000e+00 : f32
        %max3A_106 = vector.broadcast %max3A_105 : f32 to vector<16xf32>
        %max3A_107 = arith.maximumf %add3A_104, %max3A_106 : vector<16xf32>
        %swap3A_108 = arith.index_cast %scan3A_64 : i32 to index
        %swap3A_109 = arith.constant 32 : index
        %swap3A_110 = tpu.vector_load %arg9[%swap3A_108, %swap3A_109] {strides = array<i32>} : memref<128x64xf32, #tpu.memory_space<vmem>>, vector<1x16xf32>,
        %swap3A_111 = vector.shape_cast %swap3A_110 : vector<1x16xf32> to vector<16xf32>
        %swap3A_112 = vector.shape_cast %max3A_107 : vector<16xf32> to vector<1x16xf32>
        tpu.vector_store %arg9[%swap3A_108, %swap3A_109], %swap3A_112 {strides = array<i32>} : memref<128x64xf32, #tpu.memory_space<vmem>>, vector<1x16xf32>,
        %get3A_113 = arith.index_cast %scan3A_64 : i32 to index
        %get3A_114 = arith.constant 48 : index
        %get3A_115 = tpu.vector_load %arg9[%get3A_113, %get3A_114] {strides = array<i32>} : memref<128x64xf32, #tpu.memory_space<vmem>>, vector<1x16xf32>,
        %get3A_116 = vector.shape_cast %get3A_115 : vector<1x16xf32> to vector<16xf32>
        %get3A_117 = arith.index_cast %scan3A_64 : i32 to index
        %get3A_118 = arith.constant 48 : index
        %get3A_119 = tpu.vector_load %arg10[%get3A_117, %get3A_118] {strides = array<i32>} : memref<128x64xf32, #tpu.memory_space<vmem>>, vector<1x16xf32>,
        %get3A_120 = vector.shape_cast %get3A_119 : vector<1x16xf32> to vector<16xf32>
        %add3A_121 = arith.addf %get3A_116, %get3A_120 : vector<16xf32>
        %max3A_122 = arith.constant 0.000000e+00 : f32
        %max3A_123 = vector.broadcast %max3A_122 : f32 to vector<16xf32>
        %max3A_124 = arith.maximumf %add3A_121, %max3A_123 : vector<16xf32>
        %swap3A_125 = arith.index_cast %scan3A_64 : i32 to index
        %swap3A_126 = arith.constant 48 : index
        %swap3A_127 = tpu.vector_load %arg9[%swap3A_125, %swap3A_126] {strides = array<i32>} : memref<128x64xf32, #tpu.memory_space<vmem>>, vector<1x16xf32>,
        %swap3A_128 = vector.shape_cast %swap3A_127 : vector<1x16xf32> to vector<16xf32>
        %swap3A_129 = vector.shape_cast %max3A_124 : vector<16xf32> to vector<1x16xf32>
        tpu.vector_store %arg9[%swap3A_125, %swap3A_126], %swap3A_129 {strides = array<i32>} : memref<128x64xf32, #tpu.memory_space<vmem>>, vector<1x16xf32>,
      }
      %scan3A_48 = arith.constant 128 : i32
      %mul3A_49 = arith.constant 128 : i32
      %mul3A_50 = arith.muli %mul3A_27, %mul3A_49 : i32
      %add3A_51 = arith.addi %mul3A_2, %mul3A_50 : i32
      "tpu.region"() ({
        %run_scoped3A = tpu.sem_alloc : memref<!tpu.dma_semaphore, #tpu.memory_space<semaphore_mem>>
        %dma_start3A_64 = arith.constant 0 : i32
        %dma_start3A_65 = tpu.memref_slice %arg6[%add3A_51, %dma_start3A_64] : memref<323584x64xf32, #tpu.memory_space<hbm>> -> memref<128x64xf32, #tpu.memory_space<hbm>>
        %dma_start3A_66 = arith.constant 0 : i32
        %dma_start3A_67 = tpu.memref_slice %arg6[%add3A_51, %dma_start3A_66] : memref<323584x64xf32, #tpu.memory_space<hbm>> -> memref<128x64xf32, #tpu.memory_space<hbm>>
        tpu.enqueue_dma source(%arg9 : memref<128x64xf32, #tpu.memory_space<vmem>>) target(%dma_start3A_67 : memref<128x64xf32, #tpu.memory_space<hbm>>) target_semaphore(%run_scoped3A : memref<!tpu.dma_semaphore, #tpu.memory_space<semaphore_mem>>)
        %dma_wait3A_68 = arith.constant 0 : i32
        %dma_wait3A_69 = tpu.memref_slice %arg6[%add3A_51, %dma_wait3A_68] : memref<323584x64xf32, #tpu.memory_space<hbm>> -> memref<128x64xf32, #tpu.memory_space<hbm>>
        %dma_wait3A_70 = arith.constant 0 : i32
        %dma_wait3A_71 = tpu.memref_slice %arg6[%add3A_51, %dma_wait3A_70] : memref<323584x64xf32, #tpu.memory_space<hbm>> -> memref<128x64xf32, #tpu.memory_space<hbm>>
        tpu.wait_dma2 semaphore(%run_scoped3A : memref<!tpu.dma_semaphore, #tpu.memory_space<semaphore_mem>>) src(%arg9 : memref<128x64xf32, #tpu.memory_space<vmem>>) dst(%dma_wait3A_71 : memref<128x64xf32, #tpu.memory_space<hbm>>)
        tpu.yield
      }) : () -> ()
      %add3A_52 = arith.constant 2 : i32
      %add3A_53 = arith.addi %mul3A_27, %add3A_52 : i32
      %lt3A_54 = arith.constant 79 : i32
      %lt3A_55 = arith.cmpi slt, %add3A_53, %lt3A_54 : i32
      %convert_element_type3A_56 = arith.extui %lt3A_55 : i1 to i32
      %cond3A_57 = arith.constant 0 : i32
      %cond3A_58 = arith.cmpi ne, %convert_element_type3A_56, %cond3A_57 : i32
      scf.if %cond3A_58 {
        %add3A_64 = arith.constant 2 : i32
        %add3A_65 = arith.addi %mul3A_27, %add3A_64 : i32
        %dma_start3A_66 = arith.constant 0 : i32
        %dma_start3A_67 = tpu.memref_slice %arg7[%add3A_65, %dma_start3A_66] : memref<79x128xi32, #tpu.memory_space<vmem>> -> memref<1x128xi32, #tpu.memory_space<vmem>>
        %dma_start3A_68 = tpu.memref_squeeze %dma_start3A_67 : memref<1x128xi32, #tpu.memory_space<vmem>> -> memref<128xi32, #tpu.memory_space<vmem>>
        %dma_start3A_69 = arith.constant 0 : i32
        %dma_start3A_70 = arith.constant 0 : i32
        %dma_start3A_71 = tpu.memref_slice %arg13[%dma_start3A_69, %dma_start3A_70] : memref<10112x64xf32, #tpu.memory_space<vmem_shared>> -> memref<10112x64xf32, #tpu.memory_space<vmem_shared>>
        tpu.enqueue_indirect_dma source(%dma_start3A_71 : memref<10112x64xf32, #tpu.memory_space<vmem_shared>>) target(%arg9 : memref<128x64xf32, #tpu.memory_space<vmem>>) offsets(%dma_start3A_68 : memref<128xi32, #tpu.memory_space<vmem>>) semaphore(%arg15 : memref<!tpu.dma_semaphore, #tpu.memory_space<semaphore_mem>>)
        %add3A_72 = arith.constant 2 : i32
        %add3A_73 = arith.addi %mul3A_27, %add3A_72 : i32
        %dma_start3A_74 = arith.constant 0 : i32
        %dma_start3A_75 = tpu.memref_slice %arg8[%add3A_73, %dma_start3A_74] : memref<79x128xi32, #tpu.memory_space<vmem>> -> memref<1x128xi32, #tpu.memory_space<vmem>>
        %dma_start3A_76 = tpu.memref_squeeze %dma_start3A_75 : memref<1x128xi32, #tpu.memory_space<vmem>> -> memref<128xi32, #tpu.memory_space<vmem>>
        %dma_start3A_77 = arith.constant 0 : i32
        %dma_start3A_78 = arith.constant 0 : i32
        %dma_start3A_79 = tpu.memref_slice %arg3[%dma_start3A_77, %dma_start3A_78] : memref<10112x64xf32, #tpu.memory_space<hbm>> -> memref<10112x64xf32, #tpu.memory_space<hbm>>
        tpu.enqueue_indirect_dma source(%dma_start3A_79 : memref<10112x64xf32, #tpu.memory_space<hbm>>) target(%arg10 : memref<128x64xf32, #tpu.memory_space<vmem>>) offsets(%dma_start3A_76 : memref<128xi32, #tpu.memory_space<vmem>>) semaphore(%arg16 : memref<!tpu.dma_semaphore, #tpu.memory_space<semaphore_mem>>)
      } else {
      }
      %lt3A_59 = arith.constant 79 : i32
      %lt3A_60 = arith.cmpi slt, %add3A_29, %lt3A_59 : i32
      %convert_element_type3A_61 = arith.extui %lt3A_60 : i1 to i32
      %cond3A_62 = arith.constant 0 : i32
      %cond3A_63 = arith.cmpi ne, %convert_element_type3A_61, %cond3A_62 : i32
      scf.if %cond3A_63 {
        %dma_wait3A_64 = arith.constant 0 : i32
        %dma_wait3A_65 = tpu.memref_slice %arg7[%add3A_29, %dma_wait3A_64] : memref<79x128xi32, #tpu.memory_space<vmem>> -> memref<1x128xi32, #tpu.memory_space<vmem>>
        %dma_wait3A_66 = tpu.memref_squeeze %dma_wait3A_65 : memref<1x128xi32, #tpu.memory_space<vmem>> -> memref<128xi32, #tpu.memory_space<vmem>>
        %dma_wait3A_67 = arith.constant 0 : i32
        %dma_wait3A_68 = arith.constant 0 : i32
        %dma_wait3A_69 = tpu.memref_slice %arg13[%dma_wait3A_67, %dma_wait3A_68] : memref<10112x64xf32, #tpu.memory_space<vmem_shared>> -> memref<10112x64xf32, #tpu.memory_space<vmem_shared>>
        tpu.wait_indirect_dma semaphore(%arg17 : memref<!tpu.dma_semaphore, #tpu.memory_space<semaphore_mem>>) src(%dma_wait3A_69 : memref<10112x64xf32, #tpu.memory_space<vmem_shared>>) dst(%arg11 : memref<128x64xf32, #tpu.memory_space<vmem>>)
        %dma_wait3A_70 = arith.constant 0 : i32
        %dma_wait3A_71 = tpu.memref_slice %arg8[%add3A_29, %dma_wait3A_70] : memref<79x128xi32, #tpu.memory_space<vmem>> -> memref<1x128xi32, #tpu.memory_space<vmem>>
        %dma_wait3A_72 = tpu.memref_squeeze %dma_wait3A_71 : memref<1x128xi32, #tpu.memory_space<vmem>> -> memref<128xi32, #tpu.memory_space<vmem>>
        %dma_wait3A_73 = arith.constant 0 : i32
        %dma_wait3A_74 = arith.constant 0 : i32
        %dma_wait3A_75 = tpu.memref_slice %arg3[%dma_wait3A_73, %dma_wait3A_74] : memref<10112x64xf32, #tpu.memory_space<hbm>> -> memref<10112x64xf32, #tpu.memory_space<hbm>>
        tpu.wait_indirect_dma semaphore(%arg18 : memref<!tpu.dma_semaphore, #tpu.memory_space<semaphore_mem>>) src(%dma_wait3A_75 : memref<10112x64xf32, #tpu.memory_space<hbm>>) dst(%arg12 : memref<128x64xf32, #tpu.memory_space<vmem>>)
        %scan3A_76 = arith.constant 0 : i32
        %scan3A_77 = arith.constant 0 : i32
        %scan3A_78 = arith.constant 128 : i32
        %scan3A_79 = arith.addi %scan3A_77, %scan3A_78 : i32
        %scan3A_80 = arith.constant 1 : i32
        scf.for %scan3A_85 = %scan3A_77 to %scan3A_79 step %scan3A_80  : i32 {
          %get3A = arith.index_cast %scan3A_85 : i32 to index
          %get3A_86 = arith.constant 0 : index
          %get3A_87 = tpu.vector_load %arg11[%get3A, %get3A_86] {strides = array<i32>} : memref<128x64xf32, #tpu.memory_space<vmem>>, vector<1x16xf32>,
          %get3A_88 = vector.shape_cast %get3A_87 : vector<1x16xf32> to vector<16xf32>
          %get3A_89 = arith.index_cast %scan3A_85 : i32 to index
          %get3A_90 = arith.constant 0 : index
          %get3A_91 = tpu.vector_load %arg12[%get3A_89, %get3A_90] {strides = array<i32>} : memref<128x64xf32, #tpu.memory_space<vmem>>, vector<1x16xf32>,
          %get3A_92 = vector.shape_cast %get3A_91 : vector<1x16xf32> to vector<16xf32>
          %add3A_93 = arith.addf %get3A_88, %get3A_92 : vector<16xf32>
          %max3A = arith.constant 0.000000e+00 : f32
          %max3A_94 = vector.broadcast %max3A : f32 to vector<16xf32>
          %max3A_95 = arith.maximumf %add3A_93, %max3A_94 : vector<16xf32>
          %swap3A = arith.index_cast %scan3A_85 : i32 to index
          %swap3A_96 = arith.constant 0 : index
          %swap3A_97 = tpu.vector_load %arg11[%swap3A, %swap3A_96] {strides = array<i32>} : memref<128x64xf32, #tpu.memory_space<vmem>>, vector<1x16xf32>,
          %swap3A_98 = vector.shape_cast %swap3A_97 : vector<1x16xf32> to vector<16xf32>
          %swap3A_99 = vector.shape_cast %max3A_95 : vector<16xf32> to vector<1x16xf32>
          tpu.vector_store %arg11[%swap3A, %swap3A_96], %swap3A_99 {strides = array<i32>} : memref<128x64xf32, #tpu.memory_space<vmem>>, vector<1x16xf32>,
          %get3A_100 = arith.index_cast %scan3A_85 : i32 to index
          %get3A_101 = arith.constant 16 : index
          %get3A_102 = tpu.vector_load %arg11[%get3A_100, %get3A_101] {strides = array<i32>} : memref<128x64xf32, #tpu.memory_space<vmem>>, vector<1x16xf32>,
          %get3A_103 = vector.shape_cast %get3A_102 : vector<1x16xf32> to vector<16xf32>
          %get3A_104 = arith.index_cast %scan3A_85 : i32 to index
          %get3A_105 = arith.constant 16 : index
          %get3A_106 = tpu.vector_load %arg12[%get3A_104, %get3A_105] {strides = array<i32>} : memref<128x64xf32, #tpu.memory_space<vmem>>, vector<1x16xf32>,
          %get3A_107 = vector.shape_cast %get3A_106 : vector<1x16xf32> to vector<16xf32>
          %add3A_108 = arith.addf %get3A_103, %get3A_107 : vector<16xf32>
          %max3A_109 = arith.constant 0.000000e+00 : f32
          %max3A_110 = vector.broadcast %max3A_109 : f32 to vector<16xf32>
          %max3A_111 = arith.maximumf %add3A_108, %max3A_110 : vector<16xf32>
          %swap3A_112 = arith.index_cast %scan3A_85 : i32 to index
          %swap3A_113 = arith.constant 16 : index
          %swap3A_114 = tpu.vector_load %arg11[%swap3A_112, %swap3A_113] {strides = array<i32>} : memref<128x64xf32, #tpu.memory_space<vmem>>, vector<1x16xf32>,
          %swap3A_115 = vector.shape_cast %swap3A_114 : vector<1x16xf32> to vector<16xf32>
          %swap3A_116 = vector.shape_cast %max3A_111 : vector<16xf32> to vector<1x16xf32>
          tpu.vector_store %arg11[%swap3A_112, %swap3A_113], %swap3A_116 {strides = array<i32>} : memref<128x64xf32, #tpu.memory_space<vmem>>, vector<1x16xf32>,
          %get3A_117 = arith.index_cast %scan3A_85 : i32 to index
          %get3A_118 = arith.constant 32 : index
          %get3A_119 = tpu.vector_load %arg11[%get3A_117, %get3A_118] {strides = array<i32>} : memref<128x64xf32, #tpu.memory_space<vmem>>, vector<1x16xf32>,
          %get3A_120 = vector.shape_cast %get3A_119 : vector<1x16xf32> to vector<16xf32>
          %get3A_121 = arith.index_cast %scan3A_85 : i32 to index
          %get3A_122 = arith.constant 32 : index
          %get3A_123 = tpu.vector_load %arg12[%get3A_121, %get3A_122] {strides = array<i32>} : memref<128x64xf32, #tpu.memory_space<vmem>>, vector<1x16xf32>,
          %get3A_124 = vector.shape_cast %get3A_123 : vector<1x16xf32> to vector<16xf32>
          %add3A_125 = arith.addf %get3A_120, %get3A_124 : vector<16xf32>
          %max3A_126 = arith.constant 0.000000e+00 : f32
          %max3A_127 = vector.broadcast %max3A_126 : f32 to vector<16xf32>
          %max3A_128 = arith.maximumf %add3A_125, %max3A_127 : vector<16xf32>
          %swap3A_129 = arith.index_cast %scan3A_85 : i32 to index
          %swap3A_130 = arith.constant 32 : index
          %swap3A_131 = tpu.vector_load %arg11[%swap3A_129, %swap3A_130] {strides = array<i32>} : memref<128x64xf32, #tpu.memory_space<vmem>>, vector<1x16xf32>,
          %swap3A_132 = vector.shape_cast %swap3A_131 : vector<1x16xf32> to vector<16xf32>
          %swap3A_133 = vector.shape_cast %max3A_128 : vector<16xf32> to vector<1x16xf32>
          tpu.vector_store %arg11[%swap3A_129, %swap3A_130], %swap3A_133 {strides = array<i32>} : memref<128x64xf32, #tpu.memory_space<vmem>>, vector<1x16xf32>,
          %get3A_134 = arith.index_cast %scan3A_85 : i32 to index
          %get3A_135 = arith.constant 48 : index
          %get3A_136 = tpu.vector_load %arg11[%get3A_134, %get3A_135] {strides = array<i32>} : memref<128x64xf32, #tpu.memory_space<vmem>>, vector<1x16xf32>,
          %get3A_137 = vector.shape_cast %get3A_136 : vector<1x16xf32> to vector<16xf32>
          %get3A_138 = arith.index_cast %scan3A_85 : i32 to index
          %get3A_139 = arith.constant 48 : index
          %get3A_140 = tpu.vector_load %arg12[%get3A_138, %get3A_139] {strides = array<i32>} : memref<128x64xf32, #tpu.memory_space<vmem>>, vector<1x16xf32>,
          %get3A_141 = vector.shape_cast %get3A_140 : vector<1x16xf32> to vector<16xf32>
          %add3A_142 = arith.addf %get3A_137, %get3A_141 : vector<16xf32>
          %max3A_143 = arith.constant 0.000000e+00 : f32
          %max3A_144 = vector.broadcast %max3A_143 : f32 to vector<16xf32>
          %max3A_145 = arith.maximumf %add3A_142, %max3A_144 : vector<16xf32>
          %swap3A_146 = arith.index_cast %scan3A_85 : i32 to index
          %swap3A_147 = arith.constant 48 : index
          %swap3A_148 = tpu.vector_load %arg11[%swap3A_146, %swap3A_147] {strides = array<i32>} : memref<128x64xf32, #tpu.memory_space<vmem>>, vector<1x16xf32>,
          %swap3A_149 = vector.shape_cast %swap3A_148 : vector<1x16xf32> to vector<16xf32>
          %swap3A_150 = vector.shape_cast %max3A_145 : vector<16xf32> to vector<1x16xf32>
          tpu.vector_store %arg11[%swap3A_146, %swap3A_147], %swap3A_150 {strides = array<i32>} : memref<128x64xf32, #tpu.memory_space<vmem>>, vector<1x16xf32>,
        }
        %scan3A_81 = arith.constant 128 : i32
        %mul3A_82 = arith.constant 128 : i32
        %mul3A_83 = arith.muli %add3A_29, %mul3A_82 : i32
        %add3A_84 = arith.addi %mul3A_2, %mul3A_83 : i32
        "tpu.region"() ({
          %run_scoped3A = tpu.sem_alloc : memref<!tpu.dma_semaphore, #tpu.memory_space<semaphore_mem>>
          %dma_start3A_85 = arith.constant 0 : i32
          %dma_start3A_86 = tpu.memref_slice %arg6[%add3A_84, %dma_start3A_85] : memref<323584x64xf32, #tpu.memory_space<hbm>> -> memref<128x64xf32, #tpu.memory_space<hbm>>
          %dma_start3A_87 = arith.constant 0 : i32
          %dma_start3A_88 = tpu.memref_slice %arg6[%add3A_84, %dma_start3A_87] : memref<323584x64xf32, #tpu.memory_space<hbm>> -> memref<128x64xf32, #tpu.memory_space<hbm>>
          tpu.enqueue_dma source(%arg11 : memref<128x64xf32, #tpu.memory_space<vmem>>) target(%dma_start3A_88 : memref<128x64xf32, #tpu.memory_space<hbm>>) target_semaphore(%run_scoped3A : memref<!tpu.dma_semaphore, #tpu.memory_space<semaphore_mem>>)
          %dma_wait3A_89 = arith.constant 0 : i32
          %dma_wait3A_90 = tpu.memref_slice %arg6[%add3A_84, %dma_wait3A_89] : memref<323584x64xf32, #tpu.memory_space<hbm>> -> memref<128x64xf32, #tpu.memory_space<hbm>>
          %dma_wait3A_91 = arith.constant 0 : i32
          %dma_wait3A_92 = tpu.memref_slice %arg6[%add3A_84, %dma_wait3A_91] : memref<323584x64xf32, #tpu.memory_space<hbm>> -> memref<128x64xf32, #tpu.memory_space<hbm>>
          tpu.wait_dma2 semaphore(%run_scoped3A : memref<!tpu.dma_semaphore, #tpu.memory_space<semaphore_mem>>) src(%arg11 : memref<128x64xf32, #tpu.memory_space<vmem>>) dst(%dma_wait3A_92 : memref<128x64xf32, #tpu.memory_space<hbm>>)
          tpu.yield
        }) : () -> ()
      } else {
      }
    }
    %scan3A_24 = arith.constant 40 : i32
    return
  }
}

#map = affine_map<(d0, d1) -> (0, 0)>
#map1 = affine_map<(d0, d1) -> (0, 0, 0)>
module attributes {stable_mosaic.version = 14 : i64} {
  func.func @body(%arg0: i32, %arg1: i32, %arg2: memref<323584x64xf32, #tpu.memory_space<hbm>>, %arg3: memref<32x79x128xi32, #tpu.memory_space<hbm>>, %arg4: memref<32x79x128xi32, #tpu.memory_space<hbm>>, %arg5: memref<10240x64xf32, #tpu.memory_space<hbm>>, %arg6: memref<20480x64xf32, #tpu.memory_space<hbm>>, %arg7: memref<79x128xi32, #tpu.memory_space<vmem>>, %arg8: memref<79x128xi32, #tpu.memory_space<vmem>>, %arg9: memref<128xi32, #tpu.memory_space<vmem>>, %arg10: memref<128xi32, #tpu.memory_space<vmem>>, %arg11: memref<128x64xf32, #tpu.memory_space<vmem>>, %arg12: memref<128x64xf32, #tpu.memory_space<vmem>>, %arg13: memref<10240x64xf32, #tpu.memory_space<vmem_shared>>, %arg14: memref<!tpu.dma_semaphore, #tpu.memory_space<semaphore_mem>>, %arg15: memref<!tpu.dma_semaphore, #tpu.memory_space<semaphore_mem>>) attributes {dimension_semantics = [#tpu.dimension_semantics<core_parallel>, #tpu.dimension_semantics<subcore_parallel>], iteration_bounds = array<i64: 2, 16>, scalar_prefetch = 0 : i64, scratch_operands = 9 : i64, tpu.core_type = #tpu.core_type<sc_vector_subcore>, window_params = [{transform_indices = #map}, {transform_indices = #map1}, {transform_indices = #map1}, {transform_indices = #map}, {transform_indices = #map}]} {
    %mul3A = arith.constant 2 : i32
    %mul3A_0 = arith.muli %arg1, %mul3A : i32
    %add3A = arith.addi %mul3A_0, %arg0 : i32
    %mul3A_1 = arith.constant 640 : i32
    %mul3A_2 = arith.muli %arg1, %mul3A_1 : i32
    %mul3A_3 = arith.constant 640 : i32
    %mul3A_4 = arith.muli %arg1, %mul3A_3 : i32
    "tpu.region"() ({
      %run_scoped3A = tpu.sem_alloc : memref<!tpu.dma_semaphore, #tpu.memory_space<semaphore_mem>>
      %dma_start3A_24 = arith.constant 0 : i32
      %dma_start3A_25 = tpu.memref_slice %arg13[%mul3A_4, %dma_start3A_24] : memref<10240x64xf32, #tpu.memory_space<vmem_shared>> -> memref<640x64xf32, #tpu.memory_space<vmem_shared>>
      %dma_start3A_26 = arith.constant 0 : i32
      %dma_start3A_27 = tpu.memref_slice %arg5[%mul3A_2, %dma_start3A_26] : memref<10240x64xf32, #tpu.memory_space<hbm>> -> memref<640x64xf32, #tpu.memory_space<hbm>>
      tpu.enqueue_dma source(%dma_start3A_27 : memref<640x64xf32, #tpu.memory_space<hbm>>) target(%dma_start3A_25 : memref<640x64xf32, #tpu.memory_space<vmem_shared>>) target_semaphore(%run_scoped3A : memref<!tpu.dma_semaphore, #tpu.memory_space<semaphore_mem>>)
      %dma_wait3A = arith.constant 0 : i32
      %dma_wait3A_28 = tpu.memref_slice %arg13[%mul3A_4, %dma_wait3A] : memref<10240x64xf32, #tpu.memory_space<vmem_shared>> -> memref<640x64xf32, #tpu.memory_space<vmem_shared>>
      %dma_wait3A_29 = arith.constant 0 : i32
      %dma_wait3A_30 = tpu.memref_slice %arg5[%mul3A_2, %dma_wait3A_29] : memref<10240x64xf32, #tpu.memory_space<hbm>> -> memref<640x64xf32, #tpu.memory_space<hbm>>
      tpu.wait_dma2 semaphore(%run_scoped3A : memref<!tpu.dma_semaphore, #tpu.memory_space<semaphore_mem>>) src(%dma_wait3A_30 : memref<640x64xf32, #tpu.memory_space<hbm>>) dst(%dma_wait3A_28 : memref<640x64xf32, #tpu.memory_space<vmem_shared>>)
      tpu.yield
    }) : () -> ()
    %barrier3A = arith.constant 0 : index
    tpu.barrier barrier_id(%barrier3A)
    "tpu.region"() ({
      %run_scoped3A = tpu.sem_alloc : memref<!tpu.dma_semaphore, #tpu.memory_space<semaphore_mem>>
      %dma_start3A_24 = arith.constant 0 : i32
      %dma_start3A_25 = arith.constant 0 : i32
      %dma_start3A_26 = tpu.memref_slice %arg3[%add3A, %dma_start3A_24, %dma_start3A_25] : memref<32x79x128xi32, #tpu.memory_space<hbm>> -> memref<1x79x128xi32, #tpu.memory_space<hbm>>
      %dma_start3A_27 = tpu.memref_squeeze %dma_start3A_26 : memref<1x79x128xi32, #tpu.memory_space<hbm>> -> memref<79x128xi32, #tpu.memory_space<hbm>>
      %dma_start3A_28 = arith.constant 0 : i32
      %dma_start3A_29 = arith.constant 0 : i32
      %dma_start3A_30 = tpu.memref_slice %arg3[%add3A, %dma_start3A_28, %dma_start3A_29] : memref<32x79x128xi32, #tpu.memory_space<hbm>> -> memref<1x79x128xi32, #tpu.memory_space<hbm>>
      %dma_start3A_31 = tpu.memref_squeeze %dma_start3A_30 : memref<1x79x128xi32, #tpu.memory_space<hbm>> -> memref<79x128xi32, #tpu.memory_space<hbm>>
      tpu.enqueue_dma source(%dma_start3A_31 : memref<79x128xi32, #tpu.memory_space<hbm>>) target(%arg7 : memref<79x128xi32, #tpu.memory_space<vmem>>) target_semaphore(%run_scoped3A : memref<!tpu.dma_semaphore, #tpu.memory_space<semaphore_mem>>)
      %dma_wait3A = arith.constant 0 : i32
      %dma_wait3A_32 = arith.constant 0 : i32
      %dma_wait3A_33 = tpu.memref_slice %arg3[%add3A, %dma_wait3A, %dma_wait3A_32] : memref<32x79x128xi32, #tpu.memory_space<hbm>> -> memref<1x79x128xi32, #tpu.memory_space<hbm>>
      %dma_wait3A_34 = tpu.memref_squeeze %dma_wait3A_33 : memref<1x79x128xi32, #tpu.memory_space<hbm>> -> memref<79x128xi32, #tpu.memory_space<hbm>>
      %dma_wait3A_35 = arith.constant 0 : i32
      %dma_wait3A_36 = arith.constant 0 : i32
      %dma_wait3A_37 = tpu.memref_slice %arg3[%add3A, %dma_wait3A_35, %dma_wait3A_36] : memref<32x79x128xi32, #tpu.memory_space<hbm>> -> memref<1x79x128xi32, #tpu.memory_space<hbm>>
      %dma_wait3A_38 = tpu.memref_squeeze %dma_wait3A_37 : memref<1x79x128xi32, #tpu.memory_space<hbm>> -> memref<79x128xi32, #tpu.memory_space<hbm>>
      tpu.wait_dma2 semaphore(%run_scoped3A : memref<!tpu.dma_semaphore, #tpu.memory_space<semaphore_mem>>) src(%dma_wait3A_38 : memref<79x128xi32, #tpu.memory_space<hbm>>) dst(%arg7 : memref<79x128xi32, #tpu.memory_space<vmem>>)
      tpu.yield
    }) : () -> ()
    "tpu.region"() ({
      %run_scoped3A = tpu.sem_alloc : memref<!tpu.dma_semaphore, #tpu.memory_space<semaphore_mem>>
      %dma_start3A_24 = arith.constant 0 : i32
      %dma_start3A_25 = arith.constant 0 : i32
      %dma_start3A_26 = tpu.memref_slice %arg4[%add3A, %dma_start3A_24, %dma_start3A_25] : memref<32x79x128xi32, #tpu.memory_space<hbm>> -> memref<1x79x128xi32, #tpu.memory_space<hbm>>
      %dma_start3A_27 = tpu.memref_squeeze %dma_start3A_26 : memref<1x79x128xi32, #tpu.memory_space<hbm>> -> memref<79x128xi32, #tpu.memory_space<hbm>>
      %dma_start3A_28 = arith.constant 0 : i32
      %dma_start3A_29 = arith.constant 0 : i32
      %dma_start3A_30 = tpu.memref_slice %arg4[%add3A, %dma_start3A_28, %dma_start3A_29] : memref<32x79x128xi32, #tpu.memory_space<hbm>> -> memref<1x79x128xi32, #tpu.memory_space<hbm>>
      %dma_start3A_31 = tpu.memref_squeeze %dma_start3A_30 : memref<1x79x128xi32, #tpu.memory_space<hbm>> -> memref<79x128xi32, #tpu.memory_space<hbm>>
      tpu.enqueue_dma source(%dma_start3A_31 : memref<79x128xi32, #tpu.memory_space<hbm>>) target(%arg8 : memref<79x128xi32, #tpu.memory_space<vmem>>) target_semaphore(%run_scoped3A : memref<!tpu.dma_semaphore, #tpu.memory_space<semaphore_mem>>)
      %dma_wait3A = arith.constant 0 : i32
      %dma_wait3A_32 = arith.constant 0 : i32
      %dma_wait3A_33 = tpu.memref_slice %arg4[%add3A, %dma_wait3A, %dma_wait3A_32] : memref<32x79x128xi32, #tpu.memory_space<hbm>> -> memref<1x79x128xi32, #tpu.memory_space<hbm>>
      %dma_wait3A_34 = tpu.memref_squeeze %dma_wait3A_33 : memref<1x79x128xi32, #tpu.memory_space<hbm>> -> memref<79x128xi32, #tpu.memory_space<hbm>>
      %dma_wait3A_35 = arith.constant 0 : i32
      %dma_wait3A_36 = arith.constant 0 : i32
      %dma_wait3A_37 = tpu.memref_slice %arg4[%add3A, %dma_wait3A_35, %dma_wait3A_36] : memref<32x79x128xi32, #tpu.memory_space<hbm>> -> memref<1x79x128xi32, #tpu.memory_space<hbm>>
      %dma_wait3A_38 = tpu.memref_squeeze %dma_wait3A_37 : memref<1x79x128xi32, #tpu.memory_space<hbm>> -> memref<79x128xi32, #tpu.memory_space<hbm>>
      tpu.wait_dma2 semaphore(%run_scoped3A : memref<!tpu.dma_semaphore, #tpu.memory_space<semaphore_mem>>) src(%dma_wait3A_38 : memref<79x128xi32, #tpu.memory_space<hbm>>) dst(%arg8 : memref<79x128xi32, #tpu.memory_space<vmem>>)
      tpu.yield
    }) : () -> ()
    %dma_start3A = arith.constant 0 : i32
    %dma_start3A_5 = arith.constant 0 : i32
    %dma_start3A_6 = tpu.memref_slice %arg8[%dma_start3A, %dma_start3A_5] : memref<79x128xi32, #tpu.memory_space<vmem>> -> memref<1x128xi32, #tpu.memory_space<vmem>>
    %dma_start3A_7 = tpu.memref_squeeze %dma_start3A_6 : memref<1x128xi32, #tpu.memory_space<vmem>> -> memref<128xi32, #tpu.memory_space<vmem>>
    %dma_start3A_8 = arith.constant 0 : i32
    %dma_start3A_9 = arith.constant 0 : i32
    %dma_start3A_10 = tpu.memref_slice %arg2[%dma_start3A_8, %dma_start3A_9] : memref<323584x64xf32, #tpu.memory_space<hbm>> -> memref<323584x64xf32, #tpu.memory_space<hbm>>
    tpu.enqueue_indirect_dma source(%dma_start3A_10 : memref<323584x64xf32, #tpu.memory_space<hbm>>) target(%arg11 : memref<128x64xf32, #tpu.memory_space<vmem>>) offsets(%dma_start3A_7 : memref<128xi32, #tpu.memory_space<vmem>>) semaphore(%arg14 : memref<!tpu.dma_semaphore, #tpu.memory_space<semaphore_mem>>)
    %scan3A = arith.constant 0 : i32
    %scan3A_11 = arith.constant 0 : i32
    %scan3A_12 = arith.constant 40 : i32
    %scan3A_13 = arith.addi %scan3A_11, %scan3A_12 : i32
    %scan3A_14 = arith.constant 1 : i32
    scf.for %scan3A_24 = %scan3A_11 to %scan3A_13 step %scan3A_14  : i32 {
      %mul3A_25 = arith.constant 2 : i32
      %mul3A_26 = arith.muli %mul3A_25, %scan3A_24 : i32
      %add3A_27 = arith.constant 1 : i32
      %add3A_28 = arith.addi %mul3A_26, %add3A_27 : i32
      %lt3A = arith.constant 79 : i32
      %lt3A_29 = arith.cmpi slt, %add3A_28, %lt3A : i32
      %convert_element_type3A = arith.extui %lt3A_29 : i1 to i32
      %cond3A = arith.constant 0 : i32
      %cond3A_30 = arith.cmpi ne, %convert_element_type3A, %cond3A : i32
      scf.if %cond3A_30 {
        %dma_start3A_110 = arith.constant 0 : i32
        %dma_start3A_111 = tpu.memref_slice %arg8[%add3A_28, %dma_start3A_110] : memref<79x128xi32, #tpu.memory_space<vmem>> -> memref<1x128xi32, #tpu.memory_space<vmem>>
        %dma_start3A_112 = tpu.memref_squeeze %dma_start3A_111 : memref<1x128xi32, #tpu.memory_space<vmem>> -> memref<128xi32, #tpu.memory_space<vmem>>
        %dma_start3A_113 = arith.constant 0 : i32
        %dma_start3A_114 = arith.constant 0 : i32
        %dma_start3A_115 = tpu.memref_slice %arg2[%dma_start3A_113, %dma_start3A_114] : memref<323584x64xf32, #tpu.memory_space<hbm>> -> memref<323584x64xf32, #tpu.memory_space<hbm>>
        tpu.enqueue_indirect_dma source(%dma_start3A_115 : memref<323584x64xf32, #tpu.memory_space<hbm>>) target(%arg12 : memref<128x64xf32, #tpu.memory_space<vmem>>) offsets(%dma_start3A_112 : memref<128xi32, #tpu.memory_space<vmem>>) semaphore(%arg15 : memref<!tpu.dma_semaphore, #tpu.memory_space<semaphore_mem>>)
      } else {
      }
      %dma_wait3A = arith.constant 0 : i32
      %dma_wait3A_31 = tpu.memref_slice %arg8[%mul3A_26, %dma_wait3A] : memref<79x128xi32, #tpu.memory_space<vmem>> -> memref<1x128xi32, #tpu.memory_space<vmem>>
      %dma_wait3A_32 = tpu.memref_squeeze %dma_wait3A_31 : memref<1x128xi32, #tpu.memory_space<vmem>> -> memref<128xi32, #tpu.memory_space<vmem>>
      %dma_wait3A_33 = arith.constant 0 : i32
      %dma_wait3A_34 = arith.constant 0 : i32
      %dma_wait3A_35 = tpu.memref_slice %arg2[%dma_wait3A_33, %dma_wait3A_34] : memref<323584x64xf32, #tpu.memory_space<hbm>> -> memref<323584x64xf32, #tpu.memory_space<hbm>>
      tpu.wait_indirect_dma semaphore(%arg14 : memref<!tpu.dma_semaphore, #tpu.memory_space<semaphore_mem>>) src(%dma_wait3A_35 : memref<323584x64xf32, #tpu.memory_space<hbm>>) dst(%arg11 : memref<128x64xf32, #tpu.memory_space<vmem>>)
      %get3A = arith.index_cast %mul3A_26 : i32 to index
      %get3A_36 = arith.constant 0 : index
      %get3A_37 = tpu.vector_load %arg7[%get3A, %get3A_36] {strides = array<i32>} : memref<79x128xi32, #tpu.memory_space<vmem>>, vector<1x16xi32>,
      %get3A_38 = vector.shape_cast %get3A_37 : vector<1x16xi32> to vector<16xi32>
      %swap3A = arith.constant 0 : index
      %swap3A_39 = tpu.vector_load %arg9[%swap3A] {strides = array<i32>} : memref<128xi32, #tpu.memory_space<vmem>>, vector<16xi32>,
      %swap3A_40 = vector.shape_cast %swap3A_39 : vector<16xi32> to vector<16xi32>
      %swap3A_41 = vector.shape_cast %get3A_38 : vector<16xi32> to vector<16xi32>
      tpu.vector_store %arg9[%swap3A], %swap3A_41 {strides = array<i32>} : memref<128xi32, #tpu.memory_space<vmem>>, vector<16xi32>,
      %get3A_42 = arith.index_cast %mul3A_26 : i32 to index
      %get3A_43 = arith.constant 16 : index
      %get3A_44 = tpu.vector_load %arg7[%get3A_42, %get3A_43] {strides = array<i32>} : memref<79x128xi32, #tpu.memory_space<vmem>>, vector<1x16xi32>,
      %get3A_45 = vector.shape_cast %get3A_44 : vector<1x16xi32> to vector<16xi32>
      %swap3A_46 = arith.constant 16 : index
      %swap3A_47 = tpu.vector_load %arg9[%swap3A_46] {strides = array<i32>} : memref<128xi32, #tpu.memory_space<vmem>>, vector<16xi32>,
      %swap3A_48 = vector.shape_cast %swap3A_47 : vector<16xi32> to vector<16xi32>
      %swap3A_49 = vector.shape_cast %get3A_45 : vector<16xi32> to vector<16xi32>
      tpu.vector_store %arg9[%swap3A_46], %swap3A_49 {strides = array<i32>} : memref<128xi32, #tpu.memory_space<vmem>>, vector<16xi32>,
      %get3A_50 = arith.index_cast %mul3A_26 : i32 to index
      %get3A_51 = arith.constant 32 : index
      %get3A_52 = tpu.vector_load %arg7[%get3A_50, %get3A_51] {strides = array<i32>} : memref<79x128xi32, #tpu.memory_space<vmem>>, vector<1x16xi32>,
      %get3A_53 = vector.shape_cast %get3A_52 : vector<1x16xi32> to vector<16xi32>
      %swap3A_54 = arith.constant 32 : index
      %swap3A_55 = tpu.vector_load %arg9[%swap3A_54] {strides = array<i32>} : memref<128xi32, #tpu.memory_space<vmem>>, vector<16xi32>,
      %swap3A_56 = vector.shape_cast %swap3A_55 : vector<16xi32> to vector<16xi32>
      %swap3A_57 = vector.shape_cast %get3A_53 : vector<16xi32> to vector<16xi32>
      tpu.vector_store %arg9[%swap3A_54], %swap3A_57 {strides = array<i32>} : memref<128xi32, #tpu.memory_space<vmem>>, vector<16xi32>,
      %get3A_58 = arith.index_cast %mul3A_26 : i32 to index
      %get3A_59 = arith.constant 48 : index
      %get3A_60 = tpu.vector_load %arg7[%get3A_58, %get3A_59] {strides = array<i32>} : memref<79x128xi32, #tpu.memory_space<vmem>>, vector<1x16xi32>,
      %get3A_61 = vector.shape_cast %get3A_60 : vector<1x16xi32> to vector<16xi32>
      %swap3A_62 = arith.constant 48 : index
      %swap3A_63 = tpu.vector_load %arg9[%swap3A_62] {strides = array<i32>} : memref<128xi32, #tpu.memory_space<vmem>>, vector<16xi32>,
      %swap3A_64 = vector.shape_cast %swap3A_63 : vector<16xi32> to vector<16xi32>
      %swap3A_65 = vector.shape_cast %get3A_61 : vector<16xi32> to vector<16xi32>
      tpu.vector_store %arg9[%swap3A_62], %swap3A_65 {strides = array<i32>} : memref<128xi32, #tpu.memory_space<vmem>>, vector<16xi32>,
      %get3A_66 = arith.index_cast %mul3A_26 : i32 to index
      %get3A_67 = arith.constant 64 : index
      %get3A_68 = tpu.vector_load %arg7[%get3A_66, %get3A_67] {strides = array<i32>} : memref<79x128xi32, #tpu.memory_space<vmem>>, vector<1x16xi32>,
      %get3A_69 = vector.shape_cast %get3A_68 : vector<1x16xi32> to vector<16xi32>
      %swap3A_70 = arith.constant 64 : index
      %swap3A_71 = tpu.vector_load %arg9[%swap3A_70] {strides = array<i32>} : memref<128xi32, #tpu.memory_space<vmem>>, vector<16xi32>,
      %swap3A_72 = vector.shape_cast %swap3A_71 : vector<16xi32> to vector<16xi32>
      %swap3A_73 = vector.shape_cast %get3A_69 : vector<16xi32> to vector<16xi32>
      tpu.vector_store %arg9[%swap3A_70], %swap3A_73 {strides = array<i32>} : memref<128xi32, #tpu.memory_space<vmem>>, vector<16xi32>,
      %get3A_74 = arith.index_cast %mul3A_26 : i32 to index
      %get3A_75 = arith.constant 80 : index
      %get3A_76 = tpu.vector_load %arg7[%get3A_74, %get3A_75] {strides = array<i32>} : memref<79x128xi32, #tpu.memory_space<vmem>>, vector<1x16xi32>,
      %get3A_77 = vector.shape_cast %get3A_76 : vector<1x16xi32> to vector<16xi32>
      %swap3A_78 = arith.constant 80 : index
      %swap3A_79 = tpu.vector_load %arg9[%swap3A_78] {strides = array<i32>} : memref<128xi32, #tpu.memory_space<vmem>>, vector<16xi32>,
      %swap3A_80 = vector.shape_cast %swap3A_79 : vector<16xi32> to vector<16xi32>
      %swap3A_81 = vector.shape_cast %get3A_77 : vector<16xi32> to vector<16xi32>
      tpu.vector_store %arg9[%swap3A_78], %swap3A_81 {strides = array<i32>} : memref<128xi32, #tpu.memory_space<vmem>>, vector<16xi32>,
      %get3A_82 = arith.index_cast %mul3A_26 : i32 to index
      %get3A_83 = arith.constant 96 : index
      %get3A_84 = tpu.vector_load %arg7[%get3A_82, %get3A_83] {strides = array<i32>} : memref<79x128xi32, #tpu.memory_space<vmem>>, vector<1x16xi32>,
      %get3A_85 = vector.shape_cast %get3A_84 : vector<1x16xi32> to vector<16xi32>
      %swap3A_86 = arith.constant 96 : index
      %swap3A_87 = tpu.vector_load %arg9[%swap3A_86] {strides = array<i32>} : memref<128xi32, #tpu.memory_space<vmem>>, vector<16xi32>,
      %swap3A_88 = vector.shape_cast %swap3A_87 : vector<16xi32> to vector<16xi32>
      %swap3A_89 = vector.shape_cast %get3A_85 : vector<16xi32> to vector<16xi32>
      tpu.vector_store %arg9[%swap3A_86], %swap3A_89 {strides = array<i32>} : memref<128xi32, #tpu.memory_space<vmem>>, vector<16xi32>,
      %get3A_90 = arith.index_cast %mul3A_26 : i32 to index
      %get3A_91 = arith.constant 112 : index
      %get3A_92 = tpu.vector_load %arg7[%get3A_90, %get3A_91] {strides = array<i32>} : memref<79x128xi32, #tpu.memory_space<vmem>>, vector<1x16xi32>,
      %get3A_93 = vector.shape_cast %get3A_92 : vector<1x16xi32> to vector<16xi32>
      %swap3A_94 = arith.constant 112 : index
      %swap3A_95 = tpu.vector_load %arg9[%swap3A_94] {strides = array<i32>} : memref<128xi32, #tpu.memory_space<vmem>>, vector<16xi32>,
      %swap3A_96 = vector.shape_cast %swap3A_95 : vector<16xi32> to vector<16xi32>
      %swap3A_97 = vector.shape_cast %get3A_93 : vector<16xi32> to vector<16xi32>
      tpu.vector_store %arg9[%swap3A_94], %swap3A_97 {strides = array<i32>} : memref<128xi32, #tpu.memory_space<vmem>>, vector<16xi32>,
      "tpu.region"() ({
        %run_scoped3A = tpu.sem_alloc : memref<!tpu.dma_semaphore, #tpu.memory_space<semaphore_mem>>
        %dma_start3A_110 = arith.constant 0 : i32
        %dma_start3A_111 = arith.constant 0 : i32
        %dma_start3A_112 = tpu.memref_slice %arg13[%dma_start3A_110, %dma_start3A_111] : memref<10240x64xf32, #tpu.memory_space<vmem_shared>> -> memref<10240x64xf32, #tpu.memory_space<vmem_shared>>
        tpu.enqueue_indirect_dma source(%arg11 : memref<128x64xf32, #tpu.memory_space<vmem>>) target(%dma_start3A_112 : memref<10240x64xf32, #tpu.memory_space<vmem_shared>>) offsets(%arg9 : memref<128xi32, #tpu.memory_space<vmem>>) semaphore(%run_scoped3A : memref<!tpu.dma_semaphore, #tpu.memory_space<semaphore_mem>>) {add = true}
        %dma_wait3A_113 = arith.constant 0 : i32
        %dma_wait3A_114 = arith.constant 0 : i32
        %dma_wait3A_115 = tpu.memref_slice %arg13[%dma_wait3A_113, %dma_wait3A_114] : memref<10240x64xf32, #tpu.memory_space<vmem_shared>> -> memref<10240x64xf32, #tpu.memory_space<vmem_shared>>
        tpu.wait_indirect_dma semaphore(%run_scoped3A : memref<!tpu.dma_semaphore, #tpu.memory_space<semaphore_mem>>) src(%arg11 : memref<128x64xf32, #tpu.memory_space<vmem>>) dst(%dma_wait3A_115 : memref<10240x64xf32, #tpu.memory_space<vmem_shared>>)
        tpu.yield
      }) : () -> ()
      %add3A_98 = arith.constant 2 : i32
      %add3A_99 = arith.addi %mul3A_26, %add3A_98 : i32
      %lt3A_100 = arith.constant 79 : i32
      %lt3A_101 = arith.cmpi slt, %add3A_99, %lt3A_100 : i32
      %convert_element_type3A_102 = arith.extui %lt3A_101 : i1 to i32
      %cond3A_103 = arith.constant 0 : i32
      %cond3A_104 = arith.cmpi ne, %convert_element_type3A_102, %cond3A_103 : i32
      scf.if %cond3A_104 {
        %add3A_110 = arith.constant 2 : i32
        %add3A_111 = arith.addi %mul3A_26, %add3A_110 : i32
        %dma_start3A_112 = arith.constant 0 : i32
        %dma_start3A_113 = tpu.memref_slice %arg8[%add3A_111, %dma_start3A_112] : memref<79x128xi32, #tpu.memory_space<vmem>> -> memref<1x128xi32, #tpu.memory_space<vmem>>
        %dma_start3A_114 = tpu.memref_squeeze %dma_start3A_113 : memref<1x128xi32, #tpu.memory_space<vmem>> -> memref<128xi32, #tpu.memory_space<vmem>>
        %dma_start3A_115 = arith.constant 0 : i32
        %dma_start3A_116 = arith.constant 0 : i32
        %dma_start3A_117 = tpu.memref_slice %arg2[%dma_start3A_115, %dma_start3A_116] : memref<323584x64xf32, #tpu.memory_space<hbm>> -> memref<323584x64xf32, #tpu.memory_space<hbm>>
        tpu.enqueue_indirect_dma source(%dma_start3A_117 : memref<323584x64xf32, #tpu.memory_space<hbm>>) target(%arg11 : memref<128x64xf32, #tpu.memory_space<vmem>>) offsets(%dma_start3A_114 : memref<128xi32, #tpu.memory_space<vmem>>) semaphore(%arg14 : memref<!tpu.dma_semaphore, #tpu.memory_space<semaphore_mem>>)
      } else {
      }
      %lt3A_105 = arith.constant 79 : i32
      %lt3A_106 = arith.cmpi slt, %add3A_28, %lt3A_105 : i32
      %convert_element_type3A_107 = arith.extui %lt3A_106 : i1 to i32
      %cond3A_108 = arith.constant 0 : i32
      %cond3A_109 = arith.cmpi ne, %convert_element_type3A_107, %cond3A_108 : i32
      scf.if %cond3A_109 {
        %dma_wait3A_110 = arith.constant 0 : i32
        %dma_wait3A_111 = tpu.memref_slice %arg8[%add3A_28, %dma_wait3A_110] : memref<79x128xi32, #tpu.memory_space<vmem>> -> memref<1x128xi32, #tpu.memory_space<vmem>>
        %dma_wait3A_112 = tpu.memref_squeeze %dma_wait3A_111 : memref<1x128xi32, #tpu.memory_space<vmem>> -> memref<128xi32, #tpu.memory_space<vmem>>
        %dma_wait3A_113 = arith.constant 0 : i32
        %dma_wait3A_114 = arith.constant 0 : i32
        %dma_wait3A_115 = tpu.memref_slice %arg2[%dma_wait3A_113, %dma_wait3A_114] : memref<323584x64xf32, #tpu.memory_space<hbm>> -> memref<323584x64xf32, #tpu.memory_space<hbm>>
        tpu.wait_indirect_dma semaphore(%arg15 : memref<!tpu.dma_semaphore, #tpu.memory_space<semaphore_mem>>) src(%dma_wait3A_115 : memref<323584x64xf32, #tpu.memory_space<hbm>>) dst(%arg12 : memref<128x64xf32, #tpu.memory_space<vmem>>)
        %get3A_116 = arith.index_cast %add3A_28 : i32 to index
        %get3A_117 = arith.constant 0 : index
        %get3A_118 = tpu.vector_load %arg7[%get3A_116, %get3A_117] {strides = array<i32>} : memref<79x128xi32, #tpu.memory_space<vmem>>, vector<1x16xi32>,
        %get3A_119 = vector.shape_cast %get3A_118 : vector<1x16xi32> to vector<16xi32>
        %swap3A_120 = arith.constant 0 : index
        %swap3A_121 = tpu.vector_load %arg10[%swap3A_120] {strides = array<i32>} : memref<128xi32, #tpu.memory_space<vmem>>, vector<16xi32>,
        %swap3A_122 = vector.shape_cast %swap3A_121 : vector<16xi32> to vector<16xi32>
        %swap3A_123 = vector.shape_cast %get3A_119 : vector<16xi32> to vector<16xi32>
        tpu.vector_store %arg10[%swap3A_120], %swap3A_123 {strides = array<i32>} : memref<128xi32, #tpu.memory_space<vmem>>, vector<16xi32>,
        %get3A_124 = arith.index_cast %add3A_28 : i32 to index
        %get3A_125 = arith.constant 16 : index
        %get3A_126 = tpu.vector_load %arg7[%get3A_124, %get3A_125] {strides = array<i32>} : memref<79x128xi32, #tpu.memory_space<vmem>>, vector<1x16xi32>,
        %get3A_127 = vector.shape_cast %get3A_126 : vector<1x16xi32> to vector<16xi32>
        %swap3A_128 = arith.constant 16 : index
        %swap3A_129 = tpu.vector_load %arg10[%swap3A_128] {strides = array<i32>} : memref<128xi32, #tpu.memory_space<vmem>>, vector<16xi32>,
        %swap3A_130 = vector.shape_cast %swap3A_129 : vector<16xi32> to vector<16xi32>
        %swap3A_131 = vector.shape_cast %get3A_127 : vector<16xi32> to vector<16xi32>
        tpu.vector_store %arg10[%swap3A_128], %swap3A_131 {strides = array<i32>} : memref<128xi32, #tpu.memory_space<vmem>>, vector<16xi32>,
        %get3A_132 = arith.index_cast %add3A_28 : i32 to index
        %get3A_133 = arith.constant 32 : index
        %get3A_134 = tpu.vector_load %arg7[%get3A_132, %get3A_133] {strides = array<i32>} : memref<79x128xi32, #tpu.memory_space<vmem>>, vector<1x16xi32>,
        %get3A_135 = vector.shape_cast %get3A_134 : vector<1x16xi32> to vector<16xi32>
        %swap3A_136 = arith.constant 32 : index
        %swap3A_137 = tpu.vector_load %arg10[%swap3A_136] {strides = array<i32>} : memref<128xi32, #tpu.memory_space<vmem>>, vector<16xi32>,
        %swap3A_138 = vector.shape_cast %swap3A_137 : vector<16xi32> to vector<16xi32>
        %swap3A_139 = vector.shape_cast %get3A_135 : vector<16xi32> to vector<16xi32>
        tpu.vector_store %arg10[%swap3A_136], %swap3A_139 {strides = array<i32>} : memref<128xi32, #tpu.memory_space<vmem>>, vector<16xi32>,
        %get3A_140 = arith.index_cast %add3A_28 : i32 to index
        %get3A_141 = arith.constant 48 : index
        %get3A_142 = tpu.vector_load %arg7[%get3A_140, %get3A_141] {strides = array<i32>} : memref<79x128xi32, #tpu.memory_space<vmem>>, vector<1x16xi32>,
        %get3A_143 = vector.shape_cast %get3A_142 : vector<1x16xi32> to vector<16xi32>
        %swap3A_144 = arith.constant 48 : index
        %swap3A_145 = tpu.vector_load %arg10[%swap3A_144] {strides = array<i32>} : memref<128xi32, #tpu.memory_space<vmem>>, vector<16xi32>,
        %swap3A_146 = vector.shape_cast %swap3A_145 : vector<16xi32> to vector<16xi32>
        %swap3A_147 = vector.shape_cast %get3A_143 : vector<16xi32> to vector<16xi32>
        tpu.vector_store %arg10[%swap3A_144], %swap3A_147 {strides = array<i32>} : memref<128xi32, #tpu.memory_space<vmem>>, vector<16xi32>,
        %get3A_148 = arith.index_cast %add3A_28 : i32 to index
        %get3A_149 = arith.constant 64 : index
        %get3A_150 = tpu.vector_load %arg7[%get3A_148, %get3A_149] {strides = array<i32>} : memref<79x128xi32, #tpu.memory_space<vmem>>, vector<1x16xi32>,
        %get3A_151 = vector.shape_cast %get3A_150 : vector<1x16xi32> to vector<16xi32>
        %swap3A_152 = arith.constant 64 : index
        %swap3A_153 = tpu.vector_load %arg10[%swap3A_152] {strides = array<i32>} : memref<128xi32, #tpu.memory_space<vmem>>, vector<16xi32>,
        %swap3A_154 = vector.shape_cast %swap3A_153 : vector<16xi32> to vector<16xi32>
        %swap3A_155 = vector.shape_cast %get3A_151 : vector<16xi32> to vector<16xi32>
        tpu.vector_store %arg10[%swap3A_152], %swap3A_155 {strides = array<i32>} : memref<128xi32, #tpu.memory_space<vmem>>, vector<16xi32>,
        %get3A_156 = arith.index_cast %add3A_28 : i32 to index
        %get3A_157 = arith.constant 80 : index
        %get3A_158 = tpu.vector_load %arg7[%get3A_156, %get3A_157] {strides = array<i32>} : memref<79x128xi32, #tpu.memory_space<vmem>>, vector<1x16xi32>,
        %get3A_159 = vector.shape_cast %get3A_158 : vector<1x16xi32> to vector<16xi32>
        %swap3A_160 = arith.constant 80 : index
        %swap3A_161 = tpu.vector_load %arg10[%swap3A_160] {strides = array<i32>} : memref<128xi32, #tpu.memory_space<vmem>>, vector<16xi32>,
        %swap3A_162 = vector.shape_cast %swap3A_161 : vector<16xi32> to vector<16xi32>
        %swap3A_163 = vector.shape_cast %get3A_159 : vector<16xi32> to vector<16xi32>
        tpu.vector_store %arg10[%swap3A_160], %swap3A_163 {strides = array<i32>} : memref<128xi32, #tpu.memory_space<vmem>>, vector<16xi32>,
        %get3A_164 = arith.index_cast %add3A_28 : i32 to index
        %get3A_165 = arith.constant 96 : index
        %get3A_166 = tpu.vector_load %arg7[%get3A_164, %get3A_165] {strides = array<i32>} : memref<79x128xi32, #tpu.memory_space<vmem>>, vector<1x16xi32>,
        %get3A_167 = vector.shape_cast %get3A_166 : vector<1x16xi32> to vector<16xi32>
        %swap3A_168 = arith.constant 96 : index
        %swap3A_169 = tpu.vector_load %arg10[%swap3A_168] {strides = array<i32>} : memref<128xi32, #tpu.memory_space<vmem>>, vector<16xi32>,
        %swap3A_170 = vector.shape_cast %swap3A_169 : vector<16xi32> to vector<16xi32>
        %swap3A_171 = vector.shape_cast %get3A_167 : vector<16xi32> to vector<16xi32>
        tpu.vector_store %arg10[%swap3A_168], %swap3A_171 {strides = array<i32>} : memref<128xi32, #tpu.memory_space<vmem>>, vector<16xi32>,
        %get3A_172 = arith.index_cast %add3A_28 : i32 to index
        %get3A_173 = arith.constant 112 : index
        %get3A_174 = tpu.vector_load %arg7[%get3A_172, %get3A_173] {strides = array<i32>} : memref<79x128xi32, #tpu.memory_space<vmem>>, vector<1x16xi32>,
        %get3A_175 = vector.shape_cast %get3A_174 : vector<1x16xi32> to vector<16xi32>
        %swap3A_176 = arith.constant 112 : index
        %swap3A_177 = tpu.vector_load %arg10[%swap3A_176] {strides = array<i32>} : memref<128xi32, #tpu.memory_space<vmem>>, vector<16xi32>,
        %swap3A_178 = vector.shape_cast %swap3A_177 : vector<16xi32> to vector<16xi32>
        %swap3A_179 = vector.shape_cast %get3A_175 : vector<16xi32> to vector<16xi32>
        tpu.vector_store %arg10[%swap3A_176], %swap3A_179 {strides = array<i32>} : memref<128xi32, #tpu.memory_space<vmem>>, vector<16xi32>,
        "tpu.region"() ({
          %run_scoped3A = tpu.sem_alloc : memref<!tpu.dma_semaphore, #tpu.memory_space<semaphore_mem>>
          %dma_start3A_180 = arith.constant 0 : i32
          %dma_start3A_181 = arith.constant 0 : i32
          %dma_start3A_182 = tpu.memref_slice %arg13[%dma_start3A_180, %dma_start3A_181] : memref<10240x64xf32, #tpu.memory_space<vmem_shared>> -> memref<10240x64xf32, #tpu.memory_space<vmem_shared>>
          tpu.enqueue_indirect_dma source(%arg12 : memref<128x64xf32, #tpu.memory_space<vmem>>) target(%dma_start3A_182 : memref<10240x64xf32, #tpu.memory_space<vmem_shared>>) offsets(%arg10 : memref<128xi32, #tpu.memory_space<vmem>>) semaphore(%run_scoped3A : memref<!tpu.dma_semaphore, #tpu.memory_space<semaphore_mem>>) {add = true}
          %dma_wait3A_183 = arith.constant 0 : i32
          %dma_wait3A_184 = arith.constant 0 : i32
          %dma_wait3A_185 = tpu.memref_slice %arg13[%dma_wait3A_183, %dma_wait3A_184] : memref<10240x64xf32, #tpu.memory_space<vmem_shared>> -> memref<10240x64xf32, #tpu.memory_space<vmem_shared>>
          tpu.wait_indirect_dma semaphore(%run_scoped3A : memref<!tpu.dma_semaphore, #tpu.memory_space<semaphore_mem>>) src(%arg12 : memref<128x64xf32, #tpu.memory_space<vmem>>) dst(%dma_wait3A_185 : memref<10240x64xf32, #tpu.memory_space<vmem_shared>>)
          tpu.yield
        }) : () -> ()
      } else {
      }
    }
    %scan3A_15 = arith.constant 40 : i32
    %barrier3A_16 = arith.constant 0 : index
    tpu.barrier barrier_id(%barrier3A_16)
    %mul3A_17 = arith.constant 640 : i32
    %mul3A_18 = arith.muli %arg1, %mul3A_17 : i32
    %mul3A_19 = arith.constant 10240 : i32
    %mul3A_20 = arith.muli %arg0, %mul3A_19 : i32
    %mul3A_21 = arith.constant 640 : i32
    %mul3A_22 = arith.muli %arg1, %mul3A_21 : i32
    %add3A_23 = arith.addi %mul3A_20, %mul3A_22 : i32
    "tpu.region"() ({
      %run_scoped3A = tpu.sem_alloc : memref<!tpu.dma_semaphore, #tpu.memory_space<semaphore_mem>>
      %dma_start3A_24 = arith.constant 0 : i32
      %dma_start3A_25 = tpu.memref_slice %arg6[%add3A_23, %dma_start3A_24] : memref<20480x64xf32, #tpu.memory_space<hbm>> -> memref<640x64xf32, #tpu.memory_space<hbm>>
      %dma_start3A_26 = arith.constant 0 : i32
      %dma_start3A_27 = tpu.memref_slice %arg13[%mul3A_18, %dma_start3A_26] : memref<10240x64xf32, #tpu.memory_space<vmem_shared>> -> memref<640x64xf32, #tpu.memory_space<vmem_shared>>
      tpu.enqueue_dma source(%dma_start3A_27 : memref<640x64xf32, #tpu.memory_space<vmem_shared>>) target(%dma_start3A_25 : memref<640x64xf32, #tpu.memory_space<hbm>>) target_semaphore(%run_scoped3A : memref<!tpu.dma_semaphore, #tpu.memory_space<semaphore_mem>>)
      %dma_wait3A = arith.constant 0 : i32
      %dma_wait3A_28 = tpu.memref_slice %arg6[%add3A_23, %dma_wait3A] : memref<20480x64xf32, #tpu.memory_space<hbm>> -> memref<640x64xf32, #tpu.memory_space<hbm>>
      %dma_wait3A_29 = arith.constant 0 : i32
      %dma_wait3A_30 = tpu.memref_slice %arg13[%mul3A_18, %dma_wait3A_29] : memref<10240x64xf32, #tpu.memory_space<vmem_shared>> -> memref<640x64xf32, #tpu.memory_space<vmem_shared>>
      tpu.wait_dma2 semaphore(%run_scoped3A : memref<!tpu.dma_semaphore, #tpu.memory_space<semaphore_mem>>) src(%dma_wait3A_30 : memref<640x64xf32, #tpu.memory_space<vmem_shared>>) dst(%dma_wait3A_28 : memref<640x64xf32, #tpu.memory_space<hbm>>)
      tpu.yield
    }) : () -> ()
    return
  }
}

#map = affine_map<(d0, d1) -> (0, 0)>
#map1 = affine_map<(d0, d1) -> (0, 0, 0)>
module attributes {stable_mosaic.version = 14 : i64} {
  func.func @body(%arg0: i32, %arg1: i32, %arg2: memref<323584x64xf32, #tpu.memory_space<hbm>>, %arg3: memref<32x79x128xi32, #tpu.memory_space<hbm>>, %arg4: memref<32x79x128xi32, #tpu.memory_space<hbm>>, %arg5: memref<10240x64xf32, #tpu.memory_space<hbm>>, %arg6: memref<20480x64xf32, #tpu.memory_space<hbm>>, %arg7: memref<79x128xi32, #tpu.memory_space<vmem>>, %arg8: memref<79x128xi32, #tpu.memory_space<vmem>>, %arg9: memref<128xi32, #tpu.memory_space<vmem>>, %arg10: memref<128xi32, #tpu.memory_space<vmem>>, %arg11: memref<128x64xf32, #tpu.memory_space<vmem>>, %arg12: memref<128x64xf32, #tpu.memory_space<vmem>>, %arg13: memref<10240x64xf32, #tpu.memory_space<vmem_shared>>, %arg14: memref<!tpu.dma_semaphore, #tpu.memory_space<semaphore_mem>>, %arg15: memref<!tpu.dma_semaphore, #tpu.memory_space<semaphore_mem>>) attributes {dimension_semantics = [#tpu.dimension_semantics<core_parallel>, #tpu.dimension_semantics<subcore_parallel>], iteration_bounds = array<i64: 2, 16>, scalar_prefetch = 0 : i64, scratch_operands = 9 : i64, tpu.core_type = #tpu.core_type<sc_vector_subcore>, window_params = [{transform_indices = #map}, {transform_indices = #map1}, {transform_indices = #map1}, {transform_indices = #map}, {transform_indices = #map}]} {
    %mul3A = arith.constant 2 : i32
    %mul3A_0 = arith.muli %arg1, %mul3A : i32
    %add3A = arith.addi %mul3A_0, %arg0 : i32
    %mul3A_1 = arith.constant 640 : i32
    %mul3A_2 = arith.muli %arg1, %mul3A_1 : i32
    %mul3A_3 = arith.constant 640 : i32
    %mul3A_4 = arith.muli %arg1, %mul3A_3 : i32
    "tpu.region"() ({
      %run_scoped3A = tpu.sem_alloc : memref<!tpu.dma_semaphore, #tpu.memory_space<semaphore_mem>>
      %dma_start3A_24 = arith.constant 0 : i32
      %dma_start3A_25 = tpu.memref_slice %arg13[%mul3A_4, %dma_start3A_24] : memref<10240x64xf32, #tpu.memory_space<vmem_shared>> -> memref<640x64xf32, #tpu.memory_space<vmem_shared>>
      %dma_start3A_26 = arith.constant 0 : i32
      %dma_start3A_27 = tpu.memref_slice %arg5[%mul3A_2, %dma_start3A_26] : memref<10240x64xf32, #tpu.memory_space<hbm>> -> memref<640x64xf32, #tpu.memory_space<hbm>>
      tpu.enqueue_dma source(%dma_start3A_27 : memref<640x64xf32, #tpu.memory_space<hbm>>) target(%dma_start3A_25 : memref<640x64xf32, #tpu.memory_space<vmem_shared>>) target_semaphore(%run_scoped3A : memref<!tpu.dma_semaphore, #tpu.memory_space<semaphore_mem>>)
      %dma_wait3A = arith.constant 0 : i32
      %dma_wait3A_28 = tpu.memref_slice %arg13[%mul3A_4, %dma_wait3A] : memref<10240x64xf32, #tpu.memory_space<vmem_shared>> -> memref<640x64xf32, #tpu.memory_space<vmem_shared>>
      %dma_wait3A_29 = arith.constant 0 : i32
      %dma_wait3A_30 = tpu.memref_slice %arg5[%mul3A_2, %dma_wait3A_29] : memref<10240x64xf32, #tpu.memory_space<hbm>> -> memref<640x64xf32, #tpu.memory_space<hbm>>
      tpu.wait_dma2 semaphore(%run_scoped3A : memref<!tpu.dma_semaphore, #tpu.memory_space<semaphore_mem>>) src(%dma_wait3A_30 : memref<640x64xf32, #tpu.memory_space<hbm>>) dst(%dma_wait3A_28 : memref<640x64xf32, #tpu.memory_space<vmem_shared>>)
      tpu.yield
    }) : () -> ()
    %barrier3A = arith.constant 0 : index
    tpu.barrier barrier_id(%barrier3A)
    "tpu.region"() ({
      %run_scoped3A = tpu.sem_alloc : memref<!tpu.dma_semaphore, #tpu.memory_space<semaphore_mem>>
      %dma_start3A_24 = arith.constant 0 : i32
      %dma_start3A_25 = arith.constant 0 : i32
      %dma_start3A_26 = tpu.memref_slice %arg3[%add3A, %dma_start3A_24, %dma_start3A_25] : memref<32x79x128xi32, #tpu.memory_space<hbm>> -> memref<1x79x128xi32, #tpu.memory_space<hbm>>
      %dma_start3A_27 = tpu.memref_squeeze %dma_start3A_26 : memref<1x79x128xi32, #tpu.memory_space<hbm>> -> memref<79x128xi32, #tpu.memory_space<hbm>>
      %dma_start3A_28 = arith.constant 0 : i32
      %dma_start3A_29 = arith.constant 0 : i32
      %dma_start3A_30 = tpu.memref_slice %arg3[%add3A, %dma_start3A_28, %dma_start3A_29] : memref<32x79x128xi32, #tpu.memory_space<hbm>> -> memref<1x79x128xi32, #tpu.memory_space<hbm>>
      %dma_start3A_31 = tpu.memref_squeeze %dma_start3A_30 : memref<1x79x128xi32, #tpu.memory_space<hbm>> -> memref<79x128xi32, #tpu.memory_space<hbm>>
      tpu.enqueue_dma source(%dma_start3A_31 : memref<79x128xi32, #tpu.memory_space<hbm>>) target(%arg7 : memref<79x128xi32, #tpu.memory_space<vmem>>) target_semaphore(%run_scoped3A : memref<!tpu.dma_semaphore, #tpu.memory_space<semaphore_mem>>)
      %dma_wait3A = arith.constant 0 : i32
      %dma_wait3A_32 = arith.constant 0 : i32
      %dma_wait3A_33 = tpu.memref_slice %arg3[%add3A, %dma_wait3A, %dma_wait3A_32] : memref<32x79x128xi32, #tpu.memory_space<hbm>> -> memref<1x79x128xi32, #tpu.memory_space<hbm>>
      %dma_wait3A_34 = tpu.memref_squeeze %dma_wait3A_33 : memref<1x79x128xi32, #tpu.memory_space<hbm>> -> memref<79x128xi32, #tpu.memory_space<hbm>>
      %dma_wait3A_35 = arith.constant 0 : i32
      %dma_wait3A_36 = arith.constant 0 : i32
      %dma_wait3A_37 = tpu.memref_slice %arg3[%add3A, %dma_wait3A_35, %dma_wait3A_36] : memref<32x79x128xi32, #tpu.memory_space<hbm>> -> memref<1x79x128xi32, #tpu.memory_space<hbm>>
      %dma_wait3A_38 = tpu.memref_squeeze %dma_wait3A_37 : memref<1x79x128xi32, #tpu.memory_space<hbm>> -> memref<79x128xi32, #tpu.memory_space<hbm>>
      tpu.wait_dma2 semaphore(%run_scoped3A : memref<!tpu.dma_semaphore, #tpu.memory_space<semaphore_mem>>) src(%dma_wait3A_38 : memref<79x128xi32, #tpu.memory_space<hbm>>) dst(%arg7 : memref<79x128xi32, #tpu.memory_space<vmem>>)
      tpu.yield
    }) : () -> ()
    "tpu.region"() ({
      %run_scoped3A = tpu.sem_alloc : memref<!tpu.dma_semaphore, #tpu.memory_space<semaphore_mem>>
      %dma_start3A_24 = arith.constant 0 : i32
      %dma_start3A_25 = arith.constant 0 : i32
      %dma_start3A_26 = tpu.memref_slice %arg4[%add3A, %dma_start3A_24, %dma_start3A_25] : memref<32x79x128xi32, #tpu.memory_space<hbm>> -> memref<1x79x128xi32, #tpu.memory_space<hbm>>
      %dma_start3A_27 = tpu.memref_squeeze %dma_start3A_26 : memref<1x79x128xi32, #tpu.memory_space<hbm>> -> memref<79x128xi32, #tpu.memory_space<hbm>>
      %dma_start3A_28 = arith.constant 0 : i32
      %dma_start3A_29 = arith.constant 0 : i32
      %dma_start3A_30 = tpu.memref_slice %arg4[%add3A, %dma_start3A_28, %dma_start3A_29] : memref<32x79x128xi32, #tpu.memory_space<hbm>> -> memref<1x79x128xi32, #tpu.memory_space<hbm>>
      %dma_start3A_31 = tpu.memref_squeeze %dma_start3A_30 : memref<1x79x128xi32, #tpu.memory_space<hbm>> -> memref<79x128xi32, #tpu.memory_space<hbm>>
      tpu.enqueue_dma source(%dma_start3A_31 : memref<79x128xi32, #tpu.memory_space<hbm>>) target(%arg8 : memref<79x128xi32, #tpu.memory_space<vmem>>) target_semaphore(%run_scoped3A : memref<!tpu.dma_semaphore, #tpu.memory_space<semaphore_mem>>)
      %dma_wait3A = arith.constant 0 : i32
      %dma_wait3A_32 = arith.constant 0 : i32
      %dma_wait3A_33 = tpu.memref_slice %arg4[%add3A, %dma_wait3A, %dma_wait3A_32] : memref<32x79x128xi32, #tpu.memory_space<hbm>> -> memref<1x79x128xi32, #tpu.memory_space<hbm>>
      %dma_wait3A_34 = tpu.memref_squeeze %dma_wait3A_33 : memref<1x79x128xi32, #tpu.memory_space<hbm>> -> memref<79x128xi32, #tpu.memory_space<hbm>>
      %dma_wait3A_35 = arith.constant 0 : i32
      %dma_wait3A_36 = arith.constant 0 : i32
      %dma_wait3A_37 = tpu.memref_slice %arg4[%add3A, %dma_wait3A_35, %dma_wait3A_36] : memref<32x79x128xi32, #tpu.memory_space<hbm>> -> memref<1x79x128xi32, #tpu.memory_space<hbm>>
      %dma_wait3A_38 = tpu.memref_squeeze %dma_wait3A_37 : memref<1x79x128xi32, #tpu.memory_space<hbm>> -> memref<79x128xi32, #tpu.memory_space<hbm>>
      tpu.wait_dma2 semaphore(%run_scoped3A : memref<!tpu.dma_semaphore, #tpu.memory_space<semaphore_mem>>) src(%dma_wait3A_38 : memref<79x128xi32, #tpu.memory_space<hbm>>) dst(%arg8 : memref<79x128xi32, #tpu.memory_space<vmem>>)
      tpu.yield
    }) : () -> ()
    %dma_start3A = arith.constant 0 : i32
    %dma_start3A_5 = arith.constant 0 : i32
    %dma_start3A_6 = tpu.memref_slice %arg8[%dma_start3A, %dma_start3A_5] : memref<79x128xi32, #tpu.memory_space<vmem>> -> memref<1x128xi32, #tpu.memory_space<vmem>>
    %dma_start3A_7 = tpu.memref_squeeze %dma_start3A_6 : memref<1x128xi32, #tpu.memory_space<vmem>> -> memref<128xi32, #tpu.memory_space<vmem>>
    %dma_start3A_8 = arith.constant 0 : i32
    %dma_start3A_9 = arith.constant 0 : i32
    %dma_start3A_10 = tpu.memref_slice %arg2[%dma_start3A_8, %dma_start3A_9] : memref<323584x64xf32, #tpu.memory_space<hbm>> -> memref<323584x64xf32, #tpu.memory_space<hbm>>
    tpu.enqueue_indirect_dma source(%dma_start3A_10 : memref<323584x64xf32, #tpu.memory_space<hbm>>) target(%arg11 : memref<128x64xf32, #tpu.memory_space<vmem>>) offsets(%dma_start3A_7 : memref<128xi32, #tpu.memory_space<vmem>>) semaphore(%arg14 : memref<!tpu.dma_semaphore, #tpu.memory_space<semaphore_mem>>)
    %scan3A = arith.constant 0 : i32
    %scan3A_11 = arith.constant 0 : i32
    %scan3A_12 = arith.constant 40 : i32
    %scan3A_13 = arith.addi %scan3A_11, %scan3A_12 : i32
    %scan3A_14 = arith.constant 1 : i32
    scf.for %scan3A_24 = %scan3A_11 to %scan3A_13 step %scan3A_14  : i32 {
      %mul3A_25 = arith.constant 2 : i32
      %mul3A_26 = arith.muli %mul3A_25, %scan3A_24 : i32
      %add3A_27 = arith.constant 1 : i32
      %add3A_28 = arith.addi %mul3A_26, %add3A_27 : i32
      %lt3A = arith.constant 79 : i32
      %lt3A_29 = arith.cmpi slt, %add3A_28, %lt3A : i32
      %convert_element_type3A = arith.extui %lt3A_29 : i1 to i32
      %cond3A = arith.constant 0 : i32
      %cond3A_30 = arith.cmpi ne, %convert_element_type3A, %cond3A : i32
      scf.if %cond3A_30 {
        %dma_start3A_110 = arith.constant 0 : i32
        %dma_start3A_111 = tpu.memref_slice %arg8[%add3A_28, %dma_start3A_110] : memref<79x128xi32, #tpu.memory_space<vmem>> -> memref<1x128xi32, #tpu.memory_space<vmem>>
        %dma_start3A_112 = tpu.memref_squeeze %dma_start3A_111 : memref<1x128xi32, #tpu.memory_space<vmem>> -> memref<128xi32, #tpu.memory_space<vmem>>
        %dma_start3A_113 = arith.constant 0 : i32
        %dma_start3A_114 = arith.constant 0 : i32
        %dma_start3A_115 = tpu.memref_slice %arg2[%dma_start3A_113, %dma_start3A_114] : memref<323584x64xf32, #tpu.memory_space<hbm>> -> memref<323584x64xf32, #tpu.memory_space<hbm>>
        tpu.enqueue_indirect_dma source(%dma_start3A_115 : memref<323584x64xf32, #tpu.memory_space<hbm>>) target(%arg12 : memref<128x64xf32, #tpu.memory_space<vmem>>) offsets(%dma_start3A_112 : memref<128xi32, #tpu.memory_space<vmem>>) semaphore(%arg15 : memref<!tpu.dma_semaphore, #tpu.memory_space<semaphore_mem>>)
      } else {
      }
      %dma_wait3A = arith.constant 0 : i32
      %dma_wait3A_31 = tpu.memref_slice %arg8[%mul3A_26, %dma_wait3A] : memref<79x128xi32, #tpu.memory_space<vmem>> -> memref<1x128xi32, #tpu.memory_space<vmem>>
      %dma_wait3A_32 = tpu.memref_squeeze %dma_wait3A_31 : memref<1x128xi32, #tpu.memory_space<vmem>> -> memref<128xi32, #tpu.memory_space<vmem>>
      %dma_wait3A_33 = arith.constant 0 : i32
      %dma_wait3A_34 = arith.constant 0 : i32
      %dma_wait3A_35 = tpu.memref_slice %arg2[%dma_wait3A_33, %dma_wait3A_34] : memref<323584x64xf32, #tpu.memory_space<hbm>> -> memref<323584x64xf32, #tpu.memory_space<hbm>>
      tpu.wait_indirect_dma semaphore(%arg14 : memref<!tpu.dma_semaphore, #tpu.memory_space<semaphore_mem>>) src(%dma_wait3A_35 : memref<323584x64xf32, #tpu.memory_space<hbm>>) dst(%arg11 : memref<128x64xf32, #tpu.memory_space<vmem>>)
      %get3A = arith.index_cast %mul3A_26 : i32 to index
      %get3A_36 = arith.constant 0 : index
      %get3A_37 = tpu.vector_load %arg7[%get3A, %get3A_36] {strides = array<i32>} : memref<79x128xi32, #tpu.memory_space<vmem>>, vector<1x16xi32>,
      %get3A_38 = vector.shape_cast %get3A_37 : vector<1x16xi32> to vector<16xi32>
      %swap3A = arith.constant 0 : index
      %swap3A_39 = tpu.vector_load %arg9[%swap3A] {strides = array<i32>} : memref<128xi32, #tpu.memory_space<vmem>>, vector<16xi32>,
      %swap3A_40 = vector.shape_cast %swap3A_39 : vector<16xi32> to vector<16xi32>
      %swap3A_41 = vector.shape_cast %get3A_38 : vector<16xi32> to vector<16xi32>
      tpu.vector_store %arg9[%swap3A], %swap3A_41 {strides = array<i32>} : memref<128xi32, #tpu.memory_space<vmem>>, vector<16xi32>,
      %get3A_42 = arith.index_cast %mul3A_26 : i32 to index
      %get3A_43 = arith.constant 16 : index
      %get3A_44 = tpu.vector_load %arg7[%get3A_42, %get3A_43] {strides = array<i32>} : memref<79x128xi32, #tpu.memory_space<vmem>>, vector<1x16xi32>,
      %get3A_45 = vector.shape_cast %get3A_44 : vector<1x16xi32> to vector<16xi32>
      %swap3A_46 = arith.constant 16 : index
      %swap3A_47 = tpu.vector_load %arg9[%swap3A_46] {strides = array<i32>} : memref<128xi32, #tpu.memory_space<vmem>>, vector<16xi32>,
      %swap3A_48 = vector.shape_cast %swap3A_47 : vector<16xi32> to vector<16xi32>
      %swap3A_49 = vector.shape_cast %get3A_45 : vector<16xi32> to vector<16xi32>
      tpu.vector_store %arg9[%swap3A_46], %swap3A_49 {strides = array<i32>} : memref<128xi32, #tpu.memory_space<vmem>>, vector<16xi32>,
      %get3A_50 = arith.index_cast %mul3A_26 : i32 to index
      %get3A_51 = arith.constant 32 : index
      %get3A_52 = tpu.vector_load %arg7[%get3A_50, %get3A_51] {strides = array<i32>} : memref<79x128xi32, #tpu.memory_space<vmem>>, vector<1x16xi32>,
      %get3A_53 = vector.shape_cast %get3A_52 : vector<1x16xi32> to vector<16xi32>
      %swap3A_54 = arith.constant 32 : index
      %swap3A_55 = tpu.vector_load %arg9[%swap3A_54] {strides = array<i32>} : memref<128xi32, #tpu.memory_space<vmem>>, vector<16xi32>,
      %swap3A_56 = vector.shape_cast %swap3A_55 : vector<16xi32> to vector<16xi32>
      %swap3A_57 = vector.shape_cast %get3A_53 : vector<16xi32> to vector<16xi32>
      tpu.vector_store %arg9[%swap3A_54], %swap3A_57 {strides = array<i32>} : memref<128xi32, #tpu.memory_space<vmem>>, vector<16xi32>,
      %get3A_58 = arith.index_cast %mul3A_26 : i32 to index
      %get3A_59 = arith.constant 48 : index
      %get3A_60 = tpu.vector_load %arg7[%get3A_58, %get3A_59] {strides = array<i32>} : memref<79x128xi32, #tpu.memory_space<vmem>>, vector<1x16xi32>,
      %get3A_61 = vector.shape_cast %get3A_60 : vector<1x16xi32> to vector<16xi32>
      %swap3A_62 = arith.constant 48 : index
      %swap3A_63 = tpu.vector_load %arg9[%swap3A_62] {strides = array<i32>} : memref<128xi32, #tpu.memory_space<vmem>>, vector<16xi32>,
      %swap3A_64 = vector.shape_cast %swap3A_63 : vector<16xi32> to vector<16xi32>
      %swap3A_65 = vector.shape_cast %get3A_61 : vector<16xi32> to vector<16xi32>
      tpu.vector_store %arg9[%swap3A_62], %swap3A_65 {strides = array<i32>} : memref<128xi32, #tpu.memory_space<vmem>>, vector<16xi32>,
      %get3A_66 = arith.index_cast %mul3A_26 : i32 to index
      %get3A_67 = arith.constant 64 : index
      %get3A_68 = tpu.vector_load %arg7[%get3A_66, %get3A_67] {strides = array<i32>} : memref<79x128xi32, #tpu.memory_space<vmem>>, vector<1x16xi32>,
      %get3A_69 = vector.shape_cast %get3A_68 : vector<1x16xi32> to vector<16xi32>
      %swap3A_70 = arith.constant 64 : index
      %swap3A_71 = tpu.vector_load %arg9[%swap3A_70] {strides = array<i32>} : memref<128xi32, #tpu.memory_space<vmem>>, vector<16xi32>,
      %swap3A_72 = vector.shape_cast %swap3A_71 : vector<16xi32> to vector<16xi32>
      %swap3A_73 = vector.shape_cast %get3A_69 : vector<16xi32> to vector<16xi32>
      tpu.vector_store %arg9[%swap3A_70], %swap3A_73 {strides = array<i32>} : memref<128xi32, #tpu.memory_space<vmem>>, vector<16xi32>,
      %get3A_74 = arith.index_cast %mul3A_26 : i32 to index
      %get3A_75 = arith.constant 80 : index
      %get3A_76 = tpu.vector_load %arg7[%get3A_74, %get3A_75] {strides = array<i32>} : memref<79x128xi32, #tpu.memory_space<vmem>>, vector<1x16xi32>,
      %get3A_77 = vector.shape_cast %get3A_76 : vector<1x16xi32> to vector<16xi32>
      %swap3A_78 = arith.constant 80 : index
      %swap3A_79 = tpu.vector_load %arg9[%swap3A_78] {strides = array<i32>} : memref<128xi32, #tpu.memory_space<vmem>>, vector<16xi32>,
      %swap3A_80 = vector.shape_cast %swap3A_79 : vector<16xi32> to vector<16xi32>
      %swap3A_81 = vector.shape_cast %get3A_77 : vector<16xi32> to vector<16xi32>
      tpu.vector_store %arg9[%swap3A_78], %swap3A_81 {strides = array<i32>} : memref<128xi32, #tpu.memory_space<vmem>>, vector<16xi32>,
      %get3A_82 = arith.index_cast %mul3A_26 : i32 to index
      %get3A_83 = arith.constant 96 : index
      %get3A_84 = tpu.vector_load %arg7[%get3A_82, %get3A_83] {strides = array<i32>} : memref<79x128xi32, #tpu.memory_space<vmem>>, vector<1x16xi32>,
      %get3A_85 = vector.shape_cast %get3A_84 : vector<1x16xi32> to vector<16xi32>
      %swap3A_86 = arith.constant 96 : index
      %swap3A_87 = tpu.vector_load %arg9[%swap3A_86] {strides = array<i32>} : memref<128xi32, #tpu.memory_space<vmem>>, vector<16xi32>,
      %swap3A_88 = vector.shape_cast %swap3A_87 : vector<16xi32> to vector<16xi32>
      %swap3A_89 = vector.shape_cast %get3A_85 : vector<16xi32> to vector<16xi32>
      tpu.vector_store %arg9[%swap3A_86], %swap3A_89 {strides = array<i32>} : memref<128xi32, #tpu.memory_space<vmem>>, vector<16xi32>,
      %get3A_90 = arith.index_cast %mul3A_26 : i32 to index
      %get3A_91 = arith.constant 112 : index
      %get3A_92 = tpu.vector_load %arg7[%get3A_90, %get3A_91] {strides = array<i32>} : memref<79x128xi32, #tpu.memory_space<vmem>>, vector<1x16xi32>,
      %get3A_93 = vector.shape_cast %get3A_92 : vector<1x16xi32> to vector<16xi32>
      %swap3A_94 = arith.constant 112 : index
      %swap3A_95 = tpu.vector_load %arg9[%swap3A_94] {strides = array<i32>} : memref<128xi32, #tpu.memory_space<vmem>>, vector<16xi32>,
      %swap3A_96 = vector.shape_cast %swap3A_95 : vector<16xi32> to vector<16xi32>
      %swap3A_97 = vector.shape_cast %get3A_93 : vector<16xi32> to vector<16xi32>
      tpu.vector_store %arg9[%swap3A_94], %swap3A_97 {strides = array<i32>} : memref<128xi32, #tpu.memory_space<vmem>>, vector<16xi32>,
      "tpu.region"() ({
        %run_scoped3A = tpu.sem_alloc : memref<!tpu.dma_semaphore, #tpu.memory_space<semaphore_mem>>
        %dma_start3A_110 = arith.constant 0 : i32
        %dma_start3A_111 = arith.constant 0 : i32
        %dma_start3A_112 = tpu.memref_slice %arg13[%dma_start3A_110, %dma_start3A_111] : memref<10240x64xf32, #tpu.memory_space<vmem_shared>> -> memref<10240x64xf32, #tpu.memory_space<vmem_shared>>
        tpu.enqueue_indirect_dma source(%arg11 : memref<128x64xf32, #tpu.memory_space<vmem>>) target(%dma_start3A_112 : memref<10240x64xf32, #tpu.memory_space<vmem_shared>>) offsets(%arg9 : memref<128xi32, #tpu.memory_space<vmem>>) semaphore(%run_scoped3A : memref<!tpu.dma_semaphore, #tpu.memory_space<semaphore_mem>>) {add = true}
        %dma_wait3A_113 = arith.constant 0 : i32
        %dma_wait3A_114 = arith.constant 0 : i32
        %dma_wait3A_115 = tpu.memref_slice %arg13[%dma_wait3A_113, %dma_wait3A_114] : memref<10240x64xf32, #tpu.memory_space<vmem_shared>> -> memref<10240x64xf32, #tpu.memory_space<vmem_shared>>
        tpu.wait_indirect_dma semaphore(%run_scoped3A : memref<!tpu.dma_semaphore, #tpu.memory_space<semaphore_mem>>) src(%arg11 : memref<128x64xf32, #tpu.memory_space<vmem>>) dst(%dma_wait3A_115 : memref<10240x64xf32, #tpu.memory_space<vmem_shared>>)
        tpu.yield
      }) : () -> ()
      %add3A_98 = arith.constant 2 : i32
      %add3A_99 = arith.addi %mul3A_26, %add3A_98 : i32
      %lt3A_100 = arith.constant 79 : i32
      %lt3A_101 = arith.cmpi slt, %add3A_99, %lt3A_100 : i32
      %convert_element_type3A_102 = arith.extui %lt3A_101 : i1 to i32
      %cond3A_103 = arith.constant 0 : i32
      %cond3A_104 = arith.cmpi ne, %convert_element_type3A_102, %cond3A_103 : i32
      scf.if %cond3A_104 {
        %add3A_110 = arith.constant 2 : i32
        %add3A_111 = arith.addi %mul3A_26, %add3A_110 : i32
        %dma_start3A_112 = arith.constant 0 : i32
        %dma_start3A_113 = tpu.memref_slice %arg8[%add3A_111, %dma_start3A_112] : memref<79x128xi32, #tpu.memory_space<vmem>> -> memref<1x128xi32, #tpu.memory_space<vmem>>
        %dma_start3A_114 = tpu.memref_squeeze %dma_start3A_113 : memref<1x128xi32, #tpu.memory_space<vmem>> -> memref<128xi32, #tpu.memory_space<vmem>>
        %dma_start3A_115 = arith.constant 0 : i32
        %dma_start3A_116 = arith.constant 0 : i32
        %dma_start3A_117 = tpu.memref_slice %arg2[%dma_start3A_115, %dma_start3A_116] : memref<323584x64xf32, #tpu.memory_space<hbm>> -> memref<323584x64xf32, #tpu.memory_space<hbm>>
        tpu.enqueue_indirect_dma source(%dma_start3A_117 : memref<323584x64xf32, #tpu.memory_space<hbm>>) target(%arg11 : memref<128x64xf32, #tpu.memory_space<vmem>>) offsets(%dma_start3A_114 : memref<128xi32, #tpu.memory_space<vmem>>) semaphore(%arg14 : memref<!tpu.dma_semaphore, #tpu.memory_space<semaphore_mem>>)
      } else {
      }
      %lt3A_105 = arith.constant 79 : i32
      %lt3A_106 = arith.cmpi slt, %add3A_28, %lt3A_105 : i32
      %convert_element_type3A_107 = arith.extui %lt3A_106 : i1 to i32
      %cond3A_108 = arith.constant 0 : i32
      %cond3A_109 = arith.cmpi ne, %convert_element_type3A_107, %cond3A_108 : i32
      scf.if %cond3A_109 {
        %dma_wait3A_110 = arith.constant 0 : i32
        %dma_wait3A_111 = tpu.memref_slice %arg8[%add3A_28, %dma_wait3A_110] : memref<79x128xi32, #tpu.memory_space<vmem>> -> memref<1x128xi32, #tpu.memory_space<vmem>>
        %dma_wait3A_112 = tpu.memref_squeeze %dma_wait3A_111 : memref<1x128xi32, #tpu.memory_space<vmem>> -> memref<128xi32, #tpu.memory_space<vmem>>
        %dma_wait3A_113 = arith.constant 0 : i32
        %dma_wait3A_114 = arith.constant 0 : i32
        %dma_wait3A_115 = tpu.memref_slice %arg2[%dma_wait3A_113, %dma_wait3A_114] : memref<323584x64xf32, #tpu.memory_space<hbm>> -> memref<323584x64xf32, #tpu.memory_space<hbm>>
        tpu.wait_indirect_dma semaphore(%arg15 : memref<!tpu.dma_semaphore, #tpu.memory_space<semaphore_mem>>) src(%dma_wait3A_115 : memref<323584x64xf32, #tpu.memory_space<hbm>>) dst(%arg12 : memref<128x64xf32, #tpu.memory_space<vmem>>)
        %get3A_116 = arith.index_cast %add3A_28 : i32 to index
        %get3A_117 = arith.constant 0 : index
        %get3A_118 = tpu.vector_load %arg7[%get3A_116, %get3A_117] {strides = array<i32>} : memref<79x128xi32, #tpu.memory_space<vmem>>, vector<1x16xi32>,
        %get3A_119 = vector.shape_cast %get3A_118 : vector<1x16xi32> to vector<16xi32>
        %swap3A_120 = arith.constant 0 : index
        %swap3A_121 = tpu.vector_load %arg10[%swap3A_120] {strides = array<i32>} : memref<128xi32, #tpu.memory_space<vmem>>, vector<16xi32>,
        %swap3A_122 = vector.shape_cast %swap3A_121 : vector<16xi32> to vector<16xi32>
        %swap3A_123 = vector.shape_cast %get3A_119 : vector<16xi32> to vector<16xi32>
        tpu.vector_store %arg10[%swap3A_120], %swap3A_123 {strides = array<i32>} : memref<128xi32, #tpu.memory_space<vmem>>, vector<16xi32>,
        %get3A_124 = arith.index_cast %add3A_28 : i32 to index
        %get3A_125 = arith.constant 16 : index
        %get3A_126 = tpu.vector_load %arg7[%get3A_124, %get3A_125] {strides = array<i32>} : memref<79x128xi32, #tpu.memory_space<vmem>>, vector<1x16xi32>,
        %get3A_127 = vector.shape_cast %get3A_126 : vector<1x16xi32> to vector<16xi32>
        %swap3A_128 = arith.constant 16 : index
        %swap3A_129 = tpu.vector_load %arg10[%swap3A_128] {strides = array<i32>} : memref<128xi32, #tpu.memory_space<vmem>>, vector<16xi32>,
        %swap3A_130 = vector.shape_cast %swap3A_129 : vector<16xi32> to vector<16xi32>
        %swap3A_131 = vector.shape_cast %get3A_127 : vector<16xi32> to vector<16xi32>
        tpu.vector_store %arg10[%swap3A_128], %swap3A_131 {strides = array<i32>} : memref<128xi32, #tpu.memory_space<vmem>>, vector<16xi32>,
        %get3A_132 = arith.index_cast %add3A_28 : i32 to index
        %get3A_133 = arith.constant 32 : index
        %get3A_134 = tpu.vector_load %arg7[%get3A_132, %get3A_133] {strides = array<i32>} : memref<79x128xi32, #tpu.memory_space<vmem>>, vector<1x16xi32>,
        %get3A_135 = vector.shape_cast %get3A_134 : vector<1x16xi32> to vector<16xi32>
        %swap3A_136 = arith.constant 32 : index
        %swap3A_137 = tpu.vector_load %arg10[%swap3A_136] {strides = array<i32>} : memref<128xi32, #tpu.memory_space<vmem>>, vector<16xi32>,
        %swap3A_138 = vector.shape_cast %swap3A_137 : vector<16xi32> to vector<16xi32>
        %swap3A_139 = vector.shape_cast %get3A_135 : vector<16xi32> to vector<16xi32>
        tpu.vector_store %arg10[%swap3A_136], %swap3A_139 {strides = array<i32>} : memref<128xi32, #tpu.memory_space<vmem>>, vector<16xi32>,
        %get3A_140 = arith.index_cast %add3A_28 : i32 to index
        %get3A_141 = arith.constant 48 : index
        %get3A_142 = tpu.vector_load %arg7[%get3A_140, %get3A_141] {strides = array<i32>} : memref<79x128xi32, #tpu.memory_space<vmem>>, vector<1x16xi32>,
        %get3A_143 = vector.shape_cast %get3A_142 : vector<1x16xi32> to vector<16xi32>
        %swap3A_144 = arith.constant 48 : index
        %swap3A_145 = tpu.vector_load %arg10[%swap3A_144] {strides = array<i32>} : memref<128xi32, #tpu.memory_space<vmem>>, vector<16xi32>,
        %swap3A_146 = vector.shape_cast %swap3A_145 : vector<16xi32> to vector<16xi32>
        %swap3A_147 = vector.shape_cast %get3A_143 : vector<16xi32> to vector<16xi32>
        tpu.vector_store %arg10[%swap3A_144], %swap3A_147 {strides = array<i32>} : memref<128xi32, #tpu.memory_space<vmem>>, vector<16xi32>,
        %get3A_148 = arith.index_cast %add3A_28 : i32 to index
        %get3A_149 = arith.constant 64 : index
        %get3A_150 = tpu.vector_load %arg7[%get3A_148, %get3A_149] {strides = array<i32>} : memref<79x128xi32, #tpu.memory_space<vmem>>, vector<1x16xi32>,
        %get3A_151 = vector.shape_cast %get3A_150 : vector<1x16xi32> to vector<16xi32>
        %swap3A_152 = arith.constant 64 : index
        %swap3A_153 = tpu.vector_load %arg10[%swap3A_152] {strides = array<i32>} : memref<128xi32, #tpu.memory_space<vmem>>, vector<16xi32>,
        %swap3A_154 = vector.shape_cast %swap3A_153 : vector<16xi32> to vector<16xi32>
        %swap3A_155 = vector.shape_cast %get3A_151 : vector<16xi32> to vector<16xi32>
        tpu.vector_store %arg10[%swap3A_152], %swap3A_155 {strides = array<i32>} : memref<128xi32, #tpu.memory_space<vmem>>, vector<16xi32>,
        %get3A_156 = arith.index_cast %add3A_28 : i32 to index
        %get3A_157 = arith.constant 80 : index
        %get3A_158 = tpu.vector_load %arg7[%get3A_156, %get3A_157] {strides = array<i32>} : memref<79x128xi32, #tpu.memory_space<vmem>>, vector<1x16xi32>,
        %get3A_159 = vector.shape_cast %get3A_158 : vector<1x16xi32> to vector<16xi32>
        %swap3A_160 = arith.constant 80 : index
        %swap3A_161 = tpu.vector_load %arg10[%swap3A_160] {strides = array<i32>} : memref<128xi32, #tpu.memory_space<vmem>>, vector<16xi32>,
        %swap3A_162 = vector.shape_cast %swap3A_161 : vector<16xi32> to vector<16xi32>
        %swap3A_163 = vector.shape_cast %get3A_159 : vector<16xi32> to vector<16xi32>
        tpu.vector_store %arg10[%swap3A_160], %swap3A_163 {strides = array<i32>} : memref<128xi32, #tpu.memory_space<vmem>>, vector<16xi32>,
        %get3A_164 = arith.index_cast %add3A_28 : i32 to index
        %get3A_165 = arith.constant 96 : index
        %get3A_166 = tpu.vector_load %arg7[%get3A_164, %get3A_165] {strides = array<i32>} : memref<79x128xi32, #tpu.memory_space<vmem>>, vector<1x16xi32>,
        %get3A_167 = vector.shape_cast %get3A_166 : vector<1x16xi32> to vector<16xi32>
        %swap3A_168 = arith.constant 96 : index
        %swap3A_169 = tpu.vector_load %arg10[%swap3A_168] {strides = array<i32>} : memref<128xi32, #tpu.memory_space<vmem>>, vector<16xi32>,
        %swap3A_170 = vector.shape_cast %swap3A_169 : vector<16xi32> to vector<16xi32>
        %swap3A_171 = vector.shape_cast %get3A_167 : vector<16xi32> to vector<16xi32>
        tpu.vector_store %arg10[%swap3A_168], %swap3A_171 {strides = array<i32>} : memref<128xi32, #tpu.memory_space<vmem>>, vector<16xi32>,
        %get3A_172 = arith.index_cast %add3A_28 : i32 to index
        %get3A_173 = arith.constant 112 : index
        %get3A_174 = tpu.vector_load %arg7[%get3A_172, %get3A_173] {strides = array<i32>} : memref<79x128xi32, #tpu.memory_space<vmem>>, vector<1x16xi32>,
        %get3A_175 = vector.shape_cast %get3A_174 : vector<1x16xi32> to vector<16xi32>
        %swap3A_176 = arith.constant 112 : index
        %swap3A_177 = tpu.vector_load %arg10[%swap3A_176] {strides = array<i32>} : memref<128xi32, #tpu.memory_space<vmem>>, vector<16xi32>,
        %swap3A_178 = vector.shape_cast %swap3A_177 : vector<16xi32> to vector<16xi32>
        %swap3A_179 = vector.shape_cast %get3A_175 : vector<16xi32> to vector<16xi32>
        tpu.vector_store %arg10[%swap3A_176], %swap3A_179 {strides = array<i32>} : memref<128xi32, #tpu.memory_space<vmem>>, vector<16xi32>,
        "tpu.region"() ({
          %run_scoped3A = tpu.sem_alloc : memref<!tpu.dma_semaphore, #tpu.memory_space<semaphore_mem>>
          %dma_start3A_180 = arith.constant 0 : i32
          %dma_start3A_181 = arith.constant 0 : i32
          %dma_start3A_182 = tpu.memref_slice %arg13[%dma_start3A_180, %dma_start3A_181] : memref<10240x64xf32, #tpu.memory_space<vmem_shared>> -> memref<10240x64xf32, #tpu.memory_space<vmem_shared>>
          tpu.enqueue_indirect_dma source(%arg12 : memref<128x64xf32, #tpu.memory_space<vmem>>) target(%dma_start3A_182 : memref<10240x64xf32, #tpu.memory_space<vmem_shared>>) offsets(%arg10 : memref<128xi32, #tpu.memory_space<vmem>>) semaphore(%run_scoped3A : memref<!tpu.dma_semaphore, #tpu.memory_space<semaphore_mem>>) {add = true}
          %dma_wait3A_183 = arith.constant 0 : i32
          %dma_wait3A_184 = arith.constant 0 : i32
          %dma_wait3A_185 = tpu.memref_slice %arg13[%dma_wait3A_183, %dma_wait3A_184] : memref<10240x64xf32, #tpu.memory_space<vmem_shared>> -> memref<10240x64xf32, #tpu.memory_space<vmem_shared>>
          tpu.wait_indirect_dma semaphore(%run_scoped3A : memref<!tpu.dma_semaphore, #tpu.memory_space<semaphore_mem>>) src(%arg12 : memref<128x64xf32, #tpu.memory_space<vmem>>) dst(%dma_wait3A_185 : memref<10240x64xf32, #tpu.memory_space<vmem_shared>>)
          tpu.yield
        }) : () -> ()
      } else {
      }
    }
    %scan3A_15 = arith.constant 40 : i32
    %barrier3A_16 = arith.constant 0 : index
    tpu.barrier barrier_id(%barrier3A_16)
    %mul3A_17 = arith.constant 640 : i32
    %mul3A_18 = arith.muli %arg1, %mul3A_17 : i32
    %mul3A_19 = arith.constant 10240 : i32
    %mul3A_20 = arith.muli %arg0, %mul3A_19 : i32
    %mul3A_21 = arith.constant 640 : i32
    %mul3A_22 = arith.muli %arg1, %mul3A_21 : i32
    %add3A_23 = arith.addi %mul3A_20, %mul3A_22 : i32
    "tpu.region"() ({
      %run_scoped3A = tpu.sem_alloc : memref<!tpu.dma_semaphore, #tpu.memory_space<semaphore_mem>>
      %dma_start3A_24 = arith.constant 0 : i32
      %dma_start3A_25 = tpu.memref_slice %arg6[%add3A_23, %dma_start3A_24] : memref<20480x64xf32, #tpu.memory_space<hbm>> -> memref<640x64xf32, #tpu.memory_space<hbm>>
      %dma_start3A_26 = arith.constant 0 : i32
      %dma_start3A_27 = tpu.memref_slice %arg13[%mul3A_18, %dma_start3A_26] : memref<10240x64xf32, #tpu.memory_space<vmem_shared>> -> memref<640x64xf32, #tpu.memory_space<vmem_shared>>
      tpu.enqueue_dma source(%dma_start3A_27 : memref<640x64xf32, #tpu.memory_space<vmem_shared>>) target(%dma_start3A_25 : memref<640x64xf32, #tpu.memory_space<hbm>>) target_semaphore(%run_scoped3A : memref<!tpu.dma_semaphore, #tpu.memory_space<semaphore_mem>>)
      %dma_wait3A = arith.constant 0 : i32
      %dma_wait3A_28 = tpu.memref_slice %arg6[%add3A_23, %dma_wait3A] : memref<20480x64xf32, #tpu.memory_space<hbm>> -> memref<640x64xf32, #tpu.memory_space<hbm>>
      %dma_wait3A_29 = arith.constant 0 : i32
      %dma_wait3A_30 = tpu.memref_slice %arg13[%mul3A_18, %dma_wait3A_29] : memref<10240x64xf32, #tpu.memory_space<vmem_shared>> -> memref<640x64xf32, #tpu.memory_space<vmem_shared>>
      tpu.wait_dma2 semaphore(%run_scoped3A : memref<!tpu.dma_semaphore, #tpu.memory_space<semaphore_mem>>) src(%dma_wait3A_30 : memref<640x64xf32, #tpu.memory_space<vmem_shared>>) dst(%dma_wait3A_28 : memref<640x64xf32, #tpu.memory_space<hbm>>)
      tpu.yield
    }) : () -> ()
    return
  }
}

module attributes {stable_mosaic.version = 14 : i64} {
  func.func @body(%arg0: memref<10000x128xf32, #tpu.memory_space<vmem>>, %arg1: memref<2x10240x16xf32, #tpu.memory_space<vmem>>, %arg2: memref<128x16xf32, #tpu.memory_space<vmem>>, %arg3: memref<1x16xf32, #tpu.memory_space<vmem>>, %arg4: memref<16x64xf32, #tpu.memory_space<vmem>>, %arg5: memref<16x64xf32, #tpu.memory_space<vmem>>, %arg6: memref<1x64xf32, #tpu.memory_space<vmem>>, %arg7: memref<128x16xf32, #tpu.memory_space<vmem>>, %arg8: memref<128x16xf32, #tpu.memory_space<vmem>>, %arg9: memref<1x16xf32, #tpu.memory_space<vmem>>, %arg10: memref<10000x64xf32, #tpu.memory_space<vmem>>, %arg11: memref<10000x16xf32, #tpu.memory_space<vmem>>, %arg12: memref<10000x16xf32, #tpu.memory_space<vmem>>) attributes {dimension_semantics = [], scalar_prefetch = 0 : i64, scratch_operands = 0 : i64, tpu.core_type = #tpu.core_type<tc>} {
    %get3A = arith.constant 0 : index
    %get3A_0 = arith.constant 0 : index
    %get3A_1 = vector.load %arg0[%get3A, %get3A_0] : memref<10000x128xf32, #tpu.memory_space<vmem>>, vector<10000x128xf32>
    %get3A_2 = arith.constant 0 : index
    %get3A_3 = arith.constant 0 : index
    %get3A_4 = arith.constant 0 : index
    %get3A_5 = vector.load %arg1[%get3A_2, %get3A_3, %get3A_4] : memref<2x10240x16xf32, #tpu.memory_space<vmem>>, vector<1x10000x16xf32>
    %get3A_6 = vector.shape_cast %get3A_5 : vector<1x10000x16xf32> to vector<10000x16xf32>
    %get3A_7 = arith.constant 1 : index
    %get3A_8 = arith.constant 0 : index
    %get3A_9 = arith.constant 0 : index
    %get3A_10 = vector.load %arg1[%get3A_7, %get3A_8, %get3A_9] : memref<2x10240x16xf32, #tpu.memory_space<vmem>>, vector<1x10000x16xf32>
    %get3A_11 = vector.shape_cast %get3A_10 : vector<1x10000x16xf32> to vector<10000x16xf32>
    %add3A = arith.addf %get3A_6, %get3A_11 : vector<10000x16xf32>
    %get3A_12 = arith.constant 0 : index
    %get3A_13 = arith.constant 0 : index
    %get3A_14 = vector.load %arg2[%get3A_12, %get3A_13] : memref<128x16xf32, #tpu.memory_space<vmem>>, vector<128x16xf32>
    %dot_general3A = arith.constant dense<0.000000e+00> : vector<10000x16xf32>
    %dot_general3A_15 = tpu.matmul %get3A_1, %get3A_14, %dot_general3A {dimension_numbers = #tpu.dot_dimension_numbers<[1], [0], [0], [1], [0, 0, 1, 1], [], []>, transpose_lhs_hint = false} : vector<10000x128xf32>, vector<128x16xf32>, vector<10000x16xf32> -> vector<10000x16xf32>
    %get3A_16 = arith.constant 0 : index
    %get3A_17 = arith.constant 0 : index
    %get3A_18 = vector.load %arg3[%get3A_16, %get3A_17] : memref<1x16xf32, #tpu.memory_space<vmem>>, vector<1x16xf32>
    %add3A_19 = vector.broadcast %get3A_18 : vector<1x16xf32> to vector<10000x16xf32>
    %add3A_20 = arith.addf %dot_general3A_15, %add3A_19 : vector<10000x16xf32>
    %max3A = arith.constant 0.000000e+00 : f32
    %max3A_21 = vector.broadcast %max3A : f32 to vector<10000x16xf32>
    %max3A_22 = arith.maximumf %add3A_20, %max3A_21 : vector<10000x16xf32>
    %get3A_23 = arith.constant 0 : index
    %get3A_24 = arith.constant 0 : index
    %get3A_25 = vector.load %arg4[%get3A_23, %get3A_24] : memref<16x64xf32, #tpu.memory_space<vmem>>, vector<16x64xf32>
    %dot_general3A_26 = arith.constant dense<0.000000e+00> : vector<10000x64xf32>
    %dot_general3A_27 = tpu.matmul %max3A_22, %get3A_25, %dot_general3A_26 {dimension_numbers = #tpu.dot_dimension_numbers<[1], [0], [0], [1], [0, 0, 1, 1], [], []>, transpose_lhs_hint = false} : vector<10000x16xf32>, vector<16x64xf32>, vector<10000x64xf32> -> vector<10000x64xf32>
    %get3A_28 = arith.constant 0 : index
    %get3A_29 = arith.constant 0 : index
    %get3A_30 = vector.load %arg5[%get3A_28, %get3A_29] : memref<16x64xf32, #tpu.memory_space<vmem>>, vector<16x64xf32>
    %dot_general3A_31 = arith.constant dense<0.000000e+00> : vector<10000x64xf32>
    %dot_general3A_32 = tpu.matmul %add3A, %get3A_30, %dot_general3A_31 {dimension_numbers = #tpu.dot_dimension_numbers<[1], [0], [0], [1], [0, 0, 1, 1], [], []>, transpose_lhs_hint = false} : vector<10000x16xf32>, vector<16x64xf32>, vector<10000x64xf32> -> vector<10000x64xf32>
    %add3A_33 = arith.addf %dot_general3A_27, %dot_general3A_32 : vector<10000x64xf32>
    %get3A_34 = arith.constant 0 : index
    %get3A_35 = arith.constant 0 : index
    %get3A_36 = vector.load %arg6[%get3A_34, %get3A_35] : memref<1x64xf32, #tpu.memory_space<vmem>>, vector<1x64xf32>
    %add3A_37 = vector.broadcast %get3A_36 : vector<1x64xf32> to vector<10000x64xf32>
    %add3A_38 = arith.addf %add3A_33, %add3A_37 : vector<10000x64xf32>
    %max3A_39 = arith.constant 0.000000e+00 : f32
    %max3A_40 = vector.broadcast %max3A_39 : f32 to vector<10000x64xf32>
    %max3A_41 = arith.maximumf %add3A_38, %max3A_40 : vector<10000x64xf32>
    %swap3A = arith.constant 0 : index
    %swap3A_42 = arith.constant 0 : index
    %swap3A_43 = vector.load %arg10[%swap3A, %swap3A_42] : memref<10000x64xf32, #tpu.memory_space<vmem>>, vector<10000x64xf32>
    tpu.vector_store %arg10[%swap3A, %swap3A_42], %max3A_41 {strides = array<i32>} : memref<10000x64xf32, #tpu.memory_space<vmem>>, vector<10000x64xf32>,
    %get3A_44 = arith.constant 0 : index
    %get3A_45 = arith.constant 0 : index
    %get3A_46 = vector.load %arg7[%get3A_44, %get3A_45] : memref<128x16xf32, #tpu.memory_space<vmem>>, vector<128x16xf32>
    %dot_general3A_47 = arith.constant dense<0.000000e+00> : vector<10000x16xf32>
    %dot_general3A_48 = tpu.matmul %get3A_1, %get3A_46, %dot_general3A_47 {dimension_numbers = #tpu.dot_dimension_numbers<[1], [0], [0], [1], [0, 0, 1, 1], [], []>, transpose_lhs_hint = false} : vector<10000x128xf32>, vector<128x16xf32>, vector<10000x16xf32> -> vector<10000x16xf32>
    %get3A_49 = arith.constant 0 : index
    %get3A_50 = arith.constant 0 : index
    %get3A_51 = vector.load %arg9[%get3A_49, %get3A_50] : memref<1x16xf32, #tpu.memory_space<vmem>>, vector<1x16xf32>
    %add3A_52 = vector.broadcast %get3A_51 : vector<1x16xf32> to vector<10000x16xf32>
    %add3A_53 = arith.addf %dot_general3A_48, %add3A_52 : vector<10000x16xf32>
    %swap3A_54 = arith.constant 0 : index
    %swap3A_55 = arith.constant 0 : index
    %swap3A_56 = vector.load %arg11[%swap3A_54, %swap3A_55] : memref<10000x16xf32, #tpu.memory_space<vmem>>, vector<10000x16xf32>
    tpu.vector_store %arg11[%swap3A_54, %swap3A_55], %add3A_53 {strides = array<i32>} : memref<10000x16xf32, #tpu.memory_space<vmem>>, vector<10000x16xf32>,
    %get3A_57 = arith.constant 0 : index
    %get3A_58 = arith.constant 0 : index
    %get3A_59 = vector.load %arg8[%get3A_57, %get3A_58] : memref<128x16xf32, #tpu.memory_space<vmem>>, vector<128x16xf32>
    %dot_general3A_60 = arith.constant dense<0.000000e+00> : vector<10000x16xf32>
    %dot_general3A_61 = tpu.matmul %get3A_1, %get3A_59, %dot_general3A_60 {dimension_numbers = #tpu.dot_dimension_numbers<[1], [0], [0], [1], [0, 0, 1, 1], [], []>, transpose_lhs_hint = false} : vector<10000x128xf32>, vector<128x16xf32>, vector<10000x16xf32> -> vector<10000x16xf32>
    %swap3A_62 = arith.constant 0 : index
    %swap3A_63 = arith.constant 0 : index
    %swap3A_64 = vector.load %arg12[%swap3A_62, %swap3A_63] : memref<10000x16xf32, #tpu.memory_space<vmem>>, vector<10000x16xf32>
    tpu.vector_store %arg12[%swap3A_62, %swap3A_63], %dot_general3A_61 {strides = array<i32>} : memref<10000x16xf32, #tpu.memory_space<vmem>>, vector<10000x16xf32>,
    return
  }
}

module attributes {stable_mosaic.version = 14 : i64} {
  func.func @body(%arg0: i32, %arg1: memref<4096x16xf32, #tpu.memory_space<vmem>>, %arg2: memref<4096x16xf32, #tpu.memory_space<vmem>>, %arg3: memref<16x64xf32, #tpu.memory_space<vmem>>, %arg4: memref<1x64xf32, #tpu.memory_space<vmem>>, %arg5: memref<64x64xf32, #tpu.memory_space<vmem>>, %arg6: memref<16x64xf32, #tpu.memory_space<vmem>>, %arg7: memref<1x64xf32, #tpu.memory_space<vmem>>, %arg8: memref<4096x64xf32, #tpu.memory_space<vmem>>) attributes {dimension_semantics = [#tpu.dimension_semantics<arbitrary>], iteration_bounds = array<i64: 79>, scalar_prefetch = 0 : i64, scratch_operands = 0 : i64, tpu.core_type = #tpu.core_type<tc>, window_params = [{transform_indices = @transform_0, window_bounds = array<i64: 4096, 16>}, {transform_indices = @transform_1, window_bounds = array<i64: 4096, 16>}, {pipeline_mode = #tpu.pipeline_mode<synchronous>, transform_indices = @transform_2, window_bounds = array<i64: 16, 64>}, {pipeline_mode = #tpu.pipeline_mode<synchronous>, transform_indices = @transform_3, window_bounds = array<i64: 1, 64>}, {pipeline_mode = #tpu.pipeline_mode<synchronous>, transform_indices = @transform_4, window_bounds = array<i64: 64, 64>}, {pipeline_mode = #tpu.pipeline_mode<synchronous>, transform_indices = @transform_5, window_bounds = array<i64: 16, 64>}, {pipeline_mode = #tpu.pipeline_mode<synchronous>, transform_indices = @transform_6, window_bounds = array<i64: 1, 64>}, {transform_indices = @transform_7, window_bounds = array<i64: 4096, 64>}]} {
    %get3A = arith.constant 0 : index
    %get3A_0 = arith.constant 0 : index
    %get3A_1 = vector.load %arg1[%get3A, %get3A_0] : memref<4096x16xf32, #tpu.memory_space<vmem>>, vector<4096x16xf32>
    %get3A_2 = arith.constant 0 : index
    %get3A_3 = arith.constant 0 : index
    %get3A_4 = vector.load %arg3[%get3A_2, %get3A_3] : memref<16x64xf32, #tpu.memory_space<vmem>>, vector<16x64xf32>
    %dot_general3A = arith.constant dense<0.000000e+00> : vector<4096x64xf32>
    %dot_general3A_5 = tpu.matmul %get3A_1, %get3A_4, %dot_general3A {dimension_numbers = #tpu.dot_dimension_numbers<[1], [0], [0], [1], [0, 0, 1, 1], [], []>, transpose_lhs_hint = false} : vector<4096x16xf32>, vector<16x64xf32>, vector<4096x64xf32> -> vector<4096x64xf32>
    %get3A_6 = arith.constant 0 : index
    %get3A_7 = arith.constant 0 : index
    %get3A_8 = vector.load %arg4[%get3A_6, %get3A_7] : memref<1x64xf32, #tpu.memory_space<vmem>>, vector<1x64xf32>
    %add3A = vector.broadcast %get3A_8 : vector<1x64xf32> to vector<4096x64xf32>
    %add3A_9 = arith.addf %dot_general3A_5, %add3A : vector<4096x64xf32>
    %max3A = arith.constant 0.000000e+00 : f32
    %max3A_10 = vector.broadcast %max3A : f32 to vector<4096x64xf32>
    %max3A_11 = arith.maximumf %add3A_9, %max3A_10 : vector<4096x64xf32>
    %get3A_12 = arith.constant 0 : index
    %get3A_13 = arith.constant 0 : index
    %get3A_14 = vector.load %arg5[%get3A_12, %get3A_13] : memref<64x64xf32, #tpu.memory_space<vmem>>, vector<64x64xf32>
    %dot_general3A_15 = arith.constant dense<0.000000e+00> : vector<4096x64xf32>
    %dot_general3A_16 = tpu.matmul %max3A_11, %get3A_14, %dot_general3A_15 {dimension_numbers = #tpu.dot_dimension_numbers<[1], [0], [0], [1], [0, 0, 1, 1], [], []>, transpose_lhs_hint = false} : vector<4096x64xf32>, vector<64x64xf32>, vector<4096x64xf32> -> vector<4096x64xf32>
    %get3A_17 = arith.constant 0 : index
    %get3A_18 = arith.constant 0 : index
    %get3A_19 = vector.load %arg2[%get3A_17, %get3A_18] : memref<4096x16xf32, #tpu.memory_space<vmem>>, vector<4096x16xf32>
    %get3A_20 = arith.constant 0 : index
    %get3A_21 = arith.constant 0 : index
    %get3A_22 = vector.load %arg6[%get3A_20, %get3A_21] : memref<16x64xf32, #tpu.memory_space<vmem>>, vector<16x64xf32>
    %dot_general3A_23 = arith.constant dense<0.000000e+00> : vector<4096x64xf32>
    %dot_general3A_24 = tpu.matmul %get3A_19, %get3A_22, %dot_general3A_23 {dimension_numbers = #tpu.dot_dimension_numbers<[1], [0], [0], [1], [0, 0, 1, 1], [], []>, transpose_lhs_hint = false} : vector<4096x16xf32>, vector<16x64xf32>, vector<4096x64xf32> -> vector<4096x64xf32>
    %add3A_25 = arith.addf %dot_general3A_16, %dot_general3A_24 : vector<4096x64xf32>
    %get3A_26 = arith.constant 0 : index
    %get3A_27 = arith.constant 0 : index
    %get3A_28 = vector.load %arg7[%get3A_26, %get3A_27] : memref<1x64xf32, #tpu.memory_space<vmem>>, vector<1x64xf32>
    %add3A_29 = vector.broadcast %get3A_28 : vector<1x64xf32> to vector<4096x64xf32>
    %add3A_30 = arith.addf %add3A_25, %add3A_29 : vector<4096x64xf32>
    %max3A_31 = arith.constant 0.000000e+00 : f32
    %max3A_32 = vector.broadcast %max3A_31 : f32 to vector<4096x64xf32>
    %max3A_33 = arith.maximumf %add3A_30, %max3A_32 : vector<4096x64xf32>
    %swap3A = arith.constant 0 : index
    %swap3A_34 = arith.constant 0 : index
    %swap3A_35 = vector.load %arg8[%swap3A, %swap3A_34] : memref<4096x64xf32, #tpu.memory_space<vmem>>, vector<4096x64xf32>
    tpu.vector_store %arg8[%swap3A, %swap3A_34], %max3A_33 {strides = array<i32>} : memref<4096x64xf32, #tpu.memory_space<vmem>>, vector<4096x64xf32>,
    return
  }
  func.func @transform_0(%arg0: i32) -> (i32, i32) {
    %c0_i32 = arith.constant 0 : i32
    %c0_i32_0 = arith.constant 0 : i32
    return %arg0, %c0_i32 : i32, i32
  }
  func.func @transform_1(%arg0: i32) -> (i32, i32) {
    %c0_i32 = arith.constant 0 : i32
    %c0_i32_0 = arith.constant 0 : i32
    return %arg0, %c0_i32 : i32, i32
  }
  func.func @transform_2(%arg0: i32) -> (i32, i32) {
    %c0_i32 = arith.constant 0 : i32
    %c0_i32_0 = arith.constant 0 : i32
    %c0_i32_1 = arith.constant 0 : i32
    return %c0_i32, %c0_i32_0 : i32, i32
  }
  func.func @transform_3(%arg0: i32) -> (i32, i32) {
    %c0_i32 = arith.constant 0 : i32
    %c0_i32_0 = arith.constant 0 : i32
    %c0_i32_1 = arith.constant 0 : i32
    return %c0_i32, %c0_i32_0 : i32, i32
  }
  func.func @transform_4(%arg0: i32) -> (i32, i32) {
    %c0_i32 = arith.constant 0 : i32
    %c0_i32_0 = arith.constant 0 : i32
    %c0_i32_1 = arith.constant 0 : i32
    return %c0_i32, %c0_i32_0 : i32, i32
  }
  func.func @transform_5(%arg0: i32) -> (i32, i32) {
    %c0_i32 = arith.constant 0 : i32
    %c0_i32_0 = arith.constant 0 : i32
    %c0_i32_1 = arith.constant 0 : i32
    return %c0_i32, %c0_i32_0 : i32, i32
  }
  func.func @transform_6(%arg0: i32) -> (i32, i32) {
    %c0_i32 = arith.constant 0 : i32
    %c0_i32_0 = arith.constant 0 : i32
    %c0_i32_1 = arith.constant 0 : i32
    return %c0_i32, %c0_i32_0 : i32, i32
  }
  func.func @transform_7(%arg0: i32) -> (i32, i32) {
    %c0_i32 = arith.constant 0 : i32
    %c0_i32_0 = arith.constant 0 : i32
    return %arg0, %c0_i32 : i32, i32
  }
}

module attributes {stable_mosaic.version = 14 : i64} {
  func.func @body(%arg0: memref<10000x64xf32, #tpu.memory_space<vmem>>, %arg1: memref<2x10240x64xf32, #tpu.memory_space<vmem>>, %arg2: memref<64x64xf32, #tpu.memory_space<vmem>>, %arg3: memref<1x64xf32, #tpu.memory_space<vmem>>, %arg4: memref<64x64xf32, #tpu.memory_space<vmem>>, %arg5: memref<64x64xf32, #tpu.memory_space<vmem>>, %arg6: memref<1x64xf32, #tpu.memory_space<vmem>>, %arg7: memref<64x64xf32, #tpu.memory_space<vmem>>, %arg8: memref<64x64xf32, #tpu.memory_space<vmem>>, %arg9: memref<1x64xf32, #tpu.memory_space<vmem>>, %arg10: memref<10000x64xf32, #tpu.memory_space<vmem>>, %arg11: memref<10000x64xf32, #tpu.memory_space<vmem>>, %arg12: memref<10000x64xf32, #tpu.memory_space<vmem>>) attributes {dimension_semantics = [], scalar_prefetch = 0 : i64, scratch_operands = 0 : i64, tpu.core_type = #tpu.core_type<tc>} {
    %get3A = arith.constant 0 : index
    %get3A_0 = arith.constant 0 : index
    %get3A_1 = vector.load %arg0[%get3A, %get3A_0] : memref<10000x64xf32, #tpu.memory_space<vmem>>, vector<10000x64xf32>
    %get3A_2 = arith.constant 0 : index
    %get3A_3 = arith.constant 0 : index
    %get3A_4 = arith.constant 0 : index
    %get3A_5 = vector.load %arg1[%get3A_2, %get3A_3, %get3A_4] : memref<2x10240x64xf32, #tpu.memory_space<vmem>>, vector<1x10000x64xf32>
    %get3A_6 = vector.shape_cast %get3A_5 : vector<1x10000x64xf32> to vector<10000x64xf32>
    %get3A_7 = arith.constant 1 : index
    %get3A_8 = arith.constant 0 : index
    %get3A_9 = arith.constant 0 : index
    %get3A_10 = vector.load %arg1[%get3A_7, %get3A_8, %get3A_9] : memref<2x10240x64xf32, #tpu.memory_space<vmem>>, vector<1x10000x64xf32>
    %get3A_11 = vector.shape_cast %get3A_10 : vector<1x10000x64xf32> to vector<10000x64xf32>
    %add3A = arith.addf %get3A_6, %get3A_11 : vector<10000x64xf32>
    %get3A_12 = arith.constant 0 : index
    %get3A_13 = arith.constant 0 : index
    %get3A_14 = vector.load %arg2[%get3A_12, %get3A_13] : memref<64x64xf32, #tpu.memory_space<vmem>>, vector<64x64xf32>
    %dot_general3A = arith.constant dense<0.000000e+00> : vector<10000x64xf32>
    %dot_general3A_15 = tpu.matmul %get3A_1, %get3A_14, %dot_general3A {dimension_numbers = #tpu.dot_dimension_numbers<[1], [0], [0], [1], [0, 0, 1, 1], [], []>, transpose_lhs_hint = false} : vector<10000x64xf32>, vector<64x64xf32>, vector<10000x64xf32> -> vector<10000x64xf32>
    %get3A_16 = arith.constant 0 : index
    %get3A_17 = arith.constant 0 : index
    %get3A_18 = vector.load %arg3[%get3A_16, %get3A_17] : memref<1x64xf32, #tpu.memory_space<vmem>>, vector<1x64xf32>
    %add3A_19 = vector.broadcast %get3A_18 : vector<1x64xf32> to vector<10000x64xf32>
    %add3A_20 = arith.addf %dot_general3A_15, %add3A_19 : vector<10000x64xf32>
    %max3A = arith.constant 0.000000e+00 : f32
    %max3A_21 = vector.broadcast %max3A : f32 to vector<10000x64xf32>
    %max3A_22 = arith.maximumf %add3A_20, %max3A_21 : vector<10000x64xf32>
    %get3A_23 = arith.constant 0 : index
    %get3A_24 = arith.constant 0 : index
    %get3A_25 = vector.load %arg4[%get3A_23, %get3A_24] : memref<64x64xf32, #tpu.memory_space<vmem>>, vector<64x64xf32>
    %dot_general3A_26 = arith.constant dense<0.000000e+00> : vector<10000x64xf32>
    %dot_general3A_27 = tpu.matmul %max3A_22, %get3A_25, %dot_general3A_26 {dimension_numbers = #tpu.dot_dimension_numbers<[1], [0], [0], [1], [0, 0, 1, 1], [], []>, transpose_lhs_hint = false} : vector<10000x64xf32>, vector<64x64xf32>, vector<10000x64xf32> -> vector<10000x64xf32>
    %get3A_28 = arith.constant 0 : index
    %get3A_29 = arith.constant 0 : index
    %get3A_30 = vector.load %arg5[%get3A_28, %get3A_29] : memref<64x64xf32, #tpu.memory_space<vmem>>, vector<64x64xf32>
    %dot_general3A_31 = arith.constant dense<0.000000e+00> : vector<10000x64xf32>
    %dot_general3A_32 = tpu.matmul %add3A, %get3A_30, %dot_general3A_31 {dimension_numbers = #tpu.dot_dimension_numbers<[1], [0], [0], [1], [0, 0, 1, 1], [], []>, transpose_lhs_hint = false} : vector<10000x64xf32>, vector<64x64xf32>, vector<10000x64xf32> -> vector<10000x64xf32>
    %add3A_33 = arith.addf %dot_general3A_27, %dot_general3A_32 : vector<10000x64xf32>
    %get3A_34 = arith.constant 0 : index
    %get3A_35 = arith.constant 0 : index
    %get3A_36 = vector.load %arg6[%get3A_34, %get3A_35] : memref<1x64xf32, #tpu.memory_space<vmem>>, vector<1x64xf32>
    %add3A_37 = vector.broadcast %get3A_36 : vector<1x64xf32> to vector<10000x64xf32>
    %add3A_38 = arith.addf %add3A_33, %add3A_37 : vector<10000x64xf32>
    %max3A_39 = arith.constant 0.000000e+00 : f32
    %max3A_40 = vector.broadcast %max3A_39 : f32 to vector<10000x64xf32>
    %max3A_41 = arith.maximumf %add3A_38, %max3A_40 : vector<10000x64xf32>
    %swap3A = arith.constant 0 : index
    %swap3A_42 = arith.constant 0 : index
    %swap3A_43 = vector.load %arg10[%swap3A, %swap3A_42] : memref<10000x64xf32, #tpu.memory_space<vmem>>, vector<10000x64xf32>
    tpu.vector_store %arg10[%swap3A, %swap3A_42], %max3A_41 {strides = array<i32>} : memref<10000x64xf32, #tpu.memory_space<vmem>>, vector<10000x64xf32>,
    %get3A_44 = arith.constant 0 : index
    %get3A_45 = arith.constant 0 : index
    %get3A_46 = vector.load %arg7[%get3A_44, %get3A_45] : memref<64x64xf32, #tpu.memory_space<vmem>>, vector<64x64xf32>
    %dot_general3A_47 = arith.constant dense<0.000000e+00> : vector<10000x64xf32>
    %dot_general3A_48 = tpu.matmul %get3A_1, %get3A_46, %dot_general3A_47 {dimension_numbers = #tpu.dot_dimension_numbers<[1], [0], [0], [1], [0, 0, 1, 1], [], []>, transpose_lhs_hint = false} : vector<10000x64xf32>, vector<64x64xf32>, vector<10000x64xf32> -> vector<10000x64xf32>
    %get3A_49 = arith.constant 0 : index
    %get3A_50 = arith.constant 0 : index
    %get3A_51 = vector.load %arg9[%get3A_49, %get3A_50] : memref<1x64xf32, #tpu.memory_space<vmem>>, vector<1x64xf32>
    %add3A_52 = vector.broadcast %get3A_51 : vector<1x64xf32> to vector<10000x64xf32>
    %add3A_53 = arith.addf %dot_general3A_48, %add3A_52 : vector<10000x64xf32>
    %swap3A_54 = arith.constant 0 : index
    %swap3A_55 = arith.constant 0 : index
    %swap3A_56 = vector.load %arg11[%swap3A_54, %swap3A_55] : memref<10000x64xf32, #tpu.memory_space<vmem>>, vector<10000x64xf32>
    tpu.vector_store %arg11[%swap3A_54, %swap3A_55], %add3A_53 {strides = array<i32>} : memref<10000x64xf32, #tpu.memory_space<vmem>>, vector<10000x64xf32>,
    %get3A_57 = arith.constant 0 : index
    %get3A_58 = arith.constant 0 : index
    %get3A_59 = vector.load %arg8[%get3A_57, %get3A_58] : memref<64x64xf32, #tpu.memory_space<vmem>>, vector<64x64xf32>
    %dot_general3A_60 = arith.constant dense<0.000000e+00> : vector<10000x64xf32>
    %dot_general3A_61 = tpu.matmul %get3A_1, %get3A_59, %dot_general3A_60 {dimension_numbers = #tpu.dot_dimension_numbers<[1], [0], [0], [1], [0, 0, 1, 1], [], []>, transpose_lhs_hint = false} : vector<10000x64xf32>, vector<64x64xf32>, vector<10000x64xf32> -> vector<10000x64xf32>
    %swap3A_62 = arith.constant 0 : index
    %swap3A_63 = arith.constant 0 : index
    %swap3A_64 = vector.load %arg12[%swap3A_62, %swap3A_63] : memref<10000x64xf32, #tpu.memory_space<vmem>>, vector<10000x64xf32>
    tpu.vector_store %arg12[%swap3A_62, %swap3A_63], %dot_general3A_61 {strides = array<i32>} : memref<10000x64xf32, #tpu.memory_space<vmem>>, vector<10000x64xf32>,
    return
  }
}

module attributes {stable_mosaic.version = 14 : i64} {
  func.func @body(%arg0: i32, %arg1: memref<4096x64xf32, #tpu.memory_space<vmem>>, %arg2: memref<4096x64xf32, #tpu.memory_space<vmem>>, %arg3: memref<64x64xf32, #tpu.memory_space<vmem>>, %arg4: memref<1x64xf32, #tpu.memory_space<vmem>>, %arg5: memref<64x64xf32, #tpu.memory_space<vmem>>, %arg6: memref<64x64xf32, #tpu.memory_space<vmem>>, %arg7: memref<1x64xf32, #tpu.memory_space<vmem>>, %arg8: memref<4096x64xf32, #tpu.memory_space<vmem>>) attributes {dimension_semantics = [#tpu.dimension_semantics<arbitrary>], iteration_bounds = array<i64: 79>, scalar_prefetch = 0 : i64, scratch_operands = 0 : i64, tpu.core_type = #tpu.core_type<tc>, window_params = [{transform_indices = @transform_0, window_bounds = array<i64: 4096, 64>}, {transform_indices = @transform_1, window_bounds = array<i64: 4096, 64>}, {pipeline_mode = #tpu.pipeline_mode<synchronous>, transform_indices = @transform_2, window_bounds = array<i64: 64, 64>}, {pipeline_mode = #tpu.pipeline_mode<synchronous>, transform_indices = @transform_3, window_bounds = array<i64: 1, 64>}, {pipeline_mode = #tpu.pipeline_mode<synchronous>, transform_indices = @transform_4, window_bounds = array<i64: 64, 64>}, {pipeline_mode = #tpu.pipeline_mode<synchronous>, transform_indices = @transform_5, window_bounds = array<i64: 64, 64>}, {pipeline_mode = #tpu.pipeline_mode<synchronous>, transform_indices = @transform_6, window_bounds = array<i64: 1, 64>}, {transform_indices = @transform_7, window_bounds = array<i64: 4096, 64>}]} {
    %get3A = arith.constant 0 : index
    %get3A_0 = arith.constant 0 : index
    %get3A_1 = vector.load %arg1[%get3A, %get3A_0] : memref<4096x64xf32, #tpu.memory_space<vmem>>, vector<4096x64xf32>
    %get3A_2 = arith.constant 0 : index
    %get3A_3 = arith.constant 0 : index
    %get3A_4 = vector.load %arg3[%get3A_2, %get3A_3] : memref<64x64xf32, #tpu.memory_space<vmem>>, vector<64x64xf32>
    %dot_general3A = arith.constant dense<0.000000e+00> : vector<4096x64xf32>
    %dot_general3A_5 = tpu.matmul %get3A_1, %get3A_4, %dot_general3A {dimension_numbers = #tpu.dot_dimension_numbers<[1], [0], [0], [1], [0, 0, 1, 1], [], []>, transpose_lhs_hint = false} : vector<4096x64xf32>, vector<64x64xf32>, vector<4096x64xf32> -> vector<4096x64xf32>
    %get3A_6 = arith.constant 0 : index
    %get3A_7 = arith.constant 0 : index
    %get3A_8 = vector.load %arg4[%get3A_6, %get3A_7] : memref<1x64xf32, #tpu.memory_space<vmem>>, vector<1x64xf32>
    %add3A = vector.broadcast %get3A_8 : vector<1x64xf32> to vector<4096x64xf32>
    %add3A_9 = arith.addf %dot_general3A_5, %add3A : vector<4096x64xf32>
    %max3A = arith.constant 0.000000e+00 : f32
    %max3A_10 = vector.broadcast %max3A : f32 to vector<4096x64xf32>
    %max3A_11 = arith.maximumf %add3A_9, %max3A_10 : vector<4096x64xf32>
    %get3A_12 = arith.constant 0 : index
    %get3A_13 = arith.constant 0 : index
    %get3A_14 = vector.load %arg5[%get3A_12, %get3A_13] : memref<64x64xf32, #tpu.memory_space<vmem>>, vector<64x64xf32>
    %dot_general3A_15 = arith.constant dense<0.000000e+00> : vector<4096x64xf32>
    %dot_general3A_16 = tpu.matmul %max3A_11, %get3A_14, %dot_general3A_15 {dimension_numbers = #tpu.dot_dimension_numbers<[1], [0], [0], [1], [0, 0, 1, 1], [], []>, transpose_lhs_hint = false} : vector<4096x64xf32>, vector<64x64xf32>, vector<4096x64xf32> -> vector<4096x64xf32>
    %get3A_17 = arith.constant 0 : index
    %get3A_18 = arith.constant 0 : index
    %get3A_19 = vector.load %arg2[%get3A_17, %get3A_18] : memref<4096x64xf32, #tpu.memory_space<vmem>>, vector<4096x64xf32>
    %get3A_20 = arith.constant 0 : index
    %get3A_21 = arith.constant 0 : index
    %get3A_22 = vector.load %arg6[%get3A_20, %get3A_21] : memref<64x64xf32, #tpu.memory_space<vmem>>, vector<64x64xf32>
    %dot_general3A_23 = arith.constant dense<0.000000e+00> : vector<4096x64xf32>
    %dot_general3A_24 = tpu.matmul %get3A_19, %get3A_22, %dot_general3A_23 {dimension_numbers = #tpu.dot_dimension_numbers<[1], [0], [0], [1], [0, 0, 1, 1], [], []>, transpose_lhs_hint = false} : vector<4096x64xf32>, vector<64x64xf32>, vector<4096x64xf32> -> vector<4096x64xf32>
    %add3A_25 = arith.addf %dot_general3A_16, %dot_general3A_24 : vector<4096x64xf32>
    %get3A_26 = arith.constant 0 : index
    %get3A_27 = arith.constant 0 : index
    %get3A_28 = vector.load %arg7[%get3A_26, %get3A_27] : memref<1x64xf32, #tpu.memory_space<vmem>>, vector<1x64xf32>
    %add3A_29 = vector.broadcast %get3A_28 : vector<1x64xf32> to vector<4096x64xf32>
    %add3A_30 = arith.addf %add3A_25, %add3A_29 : vector<4096x64xf32>
    %max3A_31 = arith.constant 0.000000e+00 : f32
    %max3A_32 = vector.broadcast %max3A_31 : f32 to vector<4096x64xf32>
    %max3A_33 = arith.maximumf %add3A_30, %max3A_32 : vector<4096x64xf32>
    %swap3A = arith.constant 0 : index
    %swap3A_34 = arith.constant 0 : index
    %swap3A_35 = vector.load %arg8[%swap3A, %swap3A_34] : memref<4096x64xf32, #tpu.memory_space<vmem>>, vector<4096x64xf32>
    tpu.vector_store %arg8[%swap3A, %swap3A_34], %max3A_33 {strides = array<i32>} : memref<4096x64xf32, #tpu.memory_space<vmem>>, vector<4096x64xf32>,
    return
  }
  func.func @transform_0(%arg0: i32) -> (i32, i32) {
    %c0_i32 = arith.constant 0 : i32
    %c0_i32_0 = arith.constant 0 : i32
    return %arg0, %c0_i32 : i32, i32
  }
  func.func @transform_1(%arg0: i32) -> (i32, i32) {
    %c0_i32 = arith.constant 0 : i32
    %c0_i32_0 = arith.constant 0 : i32
    return %arg0, %c0_i32 : i32, i32
  }
  func.func @transform_2(%arg0: i32) -> (i32, i32) {
    %c0_i32 = arith.constant 0 : i32
    %c0_i32_0 = arith.constant 0 : i32
    %c0_i32_1 = arith.constant 0 : i32
    return %c0_i32, %c0_i32_0 : i32, i32
  }
  func.func @transform_3(%arg0: i32) -> (i32, i32) {
    %c0_i32 = arith.constant 0 : i32
    %c0_i32_0 = arith.constant 0 : i32
    %c0_i32_1 = arith.constant 0 : i32
    return %c0_i32, %c0_i32_0 : i32, i32
  }
  func.func @transform_4(%arg0: i32) -> (i32, i32) {
    %c0_i32 = arith.constant 0 : i32
    %c0_i32_0 = arith.constant 0 : i32
    %c0_i32_1 = arith.constant 0 : i32
    return %c0_i32, %c0_i32_0 : i32, i32
  }
  func.func @transform_5(%arg0: i32) -> (i32, i32) {
    %c0_i32 = arith.constant 0 : i32
    %c0_i32_0 = arith.constant 0 : i32
    %c0_i32_1 = arith.constant 0 : i32
    return %c0_i32, %c0_i32_0 : i32, i32
  }
  func.func @transform_6(%arg0: i32) -> (i32, i32) {
    %c0_i32 = arith.constant 0 : i32
    %c0_i32_0 = arith.constant 0 : i32
    %c0_i32_1 = arith.constant 0 : i32
    return %c0_i32, %c0_i32_0 : i32, i32
  }
  func.func @transform_7(%arg0: i32) -> (i32, i32) {
    %c0_i32 = arith.constant 0 : i32
    %c0_i32_0 = arith.constant 0 : i32
    return %arg0, %c0_i32 : i32, i32
  }
}

module attributes {stable_mosaic.version = 14 : i64} {
  func.func @body(%arg0: memref<10000x64xf32, #tpu.memory_space<vmem>>, %arg1: memref<2x10240x64xf32, #tpu.memory_space<vmem>>, %arg2: memref<64x64xf32, #tpu.memory_space<vmem>>, %arg3: memref<1x64xf32, #tpu.memory_space<vmem>>, %arg4: memref<64x64xf32, #tpu.memory_space<vmem>>, %arg5: memref<64x64xf32, #tpu.memory_space<vmem>>, %arg6: memref<1x64xf32, #tpu.memory_space<vmem>>, %arg7: memref<10000x64xf32, #tpu.memory_space<vmem>>) attributes {dimension_semantics = [], scalar_prefetch = 0 : i64, scratch_operands = 0 : i64, tpu.core_type = #tpu.core_type<tc>} {
    %get3A = arith.constant 0 : index
    %get3A_0 = arith.constant 0 : index
    %get3A_1 = vector.load %arg0[%get3A, %get3A_0] : memref<10000x64xf32, #tpu.memory_space<vmem>>, vector<10000x64xf32>
    %get3A_2 = arith.constant 0 : index
    %get3A_3 = arith.constant 0 : index
    %get3A_4 = arith.constant 0 : index
    %get3A_5 = vector.load %arg1[%get3A_2, %get3A_3, %get3A_4] : memref<2x10240x64xf32, #tpu.memory_space<vmem>>, vector<1x10000x64xf32>
    %get3A_6 = vector.shape_cast %get3A_5 : vector<1x10000x64xf32> to vector<10000x64xf32>
    %get3A_7 = arith.constant 1 : index
    %get3A_8 = arith.constant 0 : index
    %get3A_9 = arith.constant 0 : index
    %get3A_10 = vector.load %arg1[%get3A_7, %get3A_8, %get3A_9] : memref<2x10240x64xf32, #tpu.memory_space<vmem>>, vector<1x10000x64xf32>
    %get3A_11 = vector.shape_cast %get3A_10 : vector<1x10000x64xf32> to vector<10000x64xf32>
    %add3A = arith.addf %get3A_6, %get3A_11 : vector<10000x64xf32>
    %get3A_12 = arith.constant 0 : index
    %get3A_13 = arith.constant 0 : index
    %get3A_14 = vector.load %arg2[%get3A_12, %get3A_13] : memref<64x64xf32, #tpu.memory_space<vmem>>, vector<64x64xf32>
    %dot_general3A = arith.constant dense<0.000000e+00> : vector<10000x64xf32>
    %dot_general3A_15 = tpu.matmul %get3A_1, %get3A_14, %dot_general3A {dimension_numbers = #tpu.dot_dimension_numbers<[1], [0], [0], [1], [0, 0, 1, 1], [], []>, transpose_lhs_hint = false} : vector<10000x64xf32>, vector<64x64xf32>, vector<10000x64xf32> -> vector<10000x64xf32>
    %get3A_16 = arith.constant 0 : index
    %get3A_17 = arith.constant 0 : index
    %get3A_18 = vector.load %arg3[%get3A_16, %get3A_17] : memref<1x64xf32, #tpu.memory_space<vmem>>, vector<1x64xf32>
    %add3A_19 = vector.broadcast %get3A_18 : vector<1x64xf32> to vector<10000x64xf32>
    %add3A_20 = arith.addf %dot_general3A_15, %add3A_19 : vector<10000x64xf32>
    %max3A = arith.constant 0.000000e+00 : f32
    %max3A_21 = vector.broadcast %max3A : f32 to vector<10000x64xf32>
    %max3A_22 = arith.maximumf %add3A_20, %max3A_21 : vector<10000x64xf32>
    %get3A_23 = arith.constant 0 : index
    %get3A_24 = arith.constant 0 : index
    %get3A_25 = vector.load %arg4[%get3A_23, %get3A_24] : memref<64x64xf32, #tpu.memory_space<vmem>>, vector<64x64xf32>
    %dot_general3A_26 = arith.constant dense<0.000000e+00> : vector<10000x64xf32>
    %dot_general3A_27 = tpu.matmul %max3A_22, %get3A_25, %dot_general3A_26 {dimension_numbers = #tpu.dot_dimension_numbers<[1], [0], [0], [1], [0, 0, 1, 1], [], []>, transpose_lhs_hint = false} : vector<10000x64xf32>, vector<64x64xf32>, vector<10000x64xf32> -> vector<10000x64xf32>
    %get3A_28 = arith.constant 0 : index
    %get3A_29 = arith.constant 0 : index
    %get3A_30 = vector.load %arg5[%get3A_28, %get3A_29] : memref<64x64xf32, #tpu.memory_space<vmem>>, vector<64x64xf32>
    %dot_general3A_31 = arith.constant dense<0.000000e+00> : vector<10000x64xf32>
    %dot_general3A_32 = tpu.matmul %add3A, %get3A_30, %dot_general3A_31 {dimension_numbers = #tpu.dot_dimension_numbers<[1], [0], [0], [1], [0, 0, 1, 1], [], []>, transpose_lhs_hint = false} : vector<10000x64xf32>, vector<64x64xf32>, vector<10000x64xf32> -> vector<10000x64xf32>
    %add3A_33 = arith.addf %dot_general3A_27, %dot_general3A_32 : vector<10000x64xf32>
    %get3A_34 = arith.constant 0 : index
    %get3A_35 = arith.constant 0 : index
    %get3A_36 = vector.load %arg6[%get3A_34, %get3A_35] : memref<1x64xf32, #tpu.memory_space<vmem>>, vector<1x64xf32>
    %add3A_37 = vector.broadcast %get3A_36 : vector<1x64xf32> to vector<10000x64xf32>
    %add3A_38 = arith.addf %add3A_33, %add3A_37 : vector<10000x64xf32>
    %max3A_39 = arith.constant 0.000000e+00 : f32
    %max3A_40 = vector.broadcast %max3A_39 : f32 to vector<10000x64xf32>
    %max3A_41 = arith.maximumf %add3A_38, %max3A_40 : vector<10000x64xf32>
    %swap3A = arith.constant 0 : index
    %swap3A_42 = arith.constant 0 : index
    %swap3A_43 = vector.load %arg7[%swap3A, %swap3A_42] : memref<10000x64xf32, #tpu.memory_space<vmem>>, vector<10000x64xf32>
    tpu.vector_store %arg7[%swap3A, %swap3A_42], %max3A_41 {strides = array<i32>} : memref<10000x64xf32, #tpu.memory_space<vmem>>, vector<10000x64xf32>,
    return
  }
}

</mosaic_0001>

<sc_bundles>
// kernel: kernel.16.cloned.1.call-start
scs
__scs_entry_jumppad:
0x0: {  	(pc) =	sbr.rel $0x88, $3  }
0x1: {  	(tag) =	ssettag $0x0;
	lr =	simm.s32 $0x1  }
0x2: {  	[smem:$0x3F7C] =	sst lr;
	_ =	strace $0xD0000000  }
0x3: {  	_ = 	snop  }
0x4: {  	_ = 	snop  }
0x5: {  	_ = 	snop  }
0x6: {  	_ = 	snop  }
0x7: {  	_ = 	snop  }
__scs_overlays_trampoline_lowered:
0x8: {  	[smem:$0x3F8B] =	sst s0  }
0x9: {  	[smem:$0x3F8C] =	sst s1  }
0xa: {  	[smem:$0x3F8D] =	sst s2  }
0xb: {  	[smem:$0x3F8E] =	sst s3  }
0xc: {  	[smem:$0x3F8F] =	sst s4  }
0xd: {  	[smem:$0x3F90] =	sst s5  }
0xe: {  	[smem:$0x3F91] =	sst s6  }
0xf: {  	[smem:$0x3F92] =	sst s7  }
0x10: {  	[smem:$0x3F93] =	sst s8  }
0x11: {  	[smem:$0x3F94] =	sst s9;
	s0 =	simm.s32 @!p0 $0x0  }
0x12: {  	s1 =	sld [smem:$0x3F7A];
	s0 =	simm.s32 @p0 $0x1  }
0x13: {  	[smem:$0x3F95] =	sst s0;
	s0 =	simm.s32 @!p1 $0x0  }
0x14: {  	s2 =	sld [smem:$0x3F79];
	s0 =	simm.s32 @p1 $0x1  }
0x15: {  	[smem:$0x3F96] =	sst s0;
	s0 =	simm.s32 @!p2 $0x0  }
0x16: {  	s3 =	sld [smem:$0x3FDB];
	s0 =	simm.s32 @p2 $0x1  }
0x17: {  	s4 =	simm.s32 $0x1BF5;
	[smem:$0x3F98] =	sst s0  }
0x18: {  	s0 =	sld [smem:$0x3F7B];
	_ =	swait.ge [sflag:s4], $0x0  }
0x19: {  	s7 =	sld [smem:$0x3F7C]  }
0x1a: {  	s8 =	sadd.s32 $0xFFFFE003, lr  }
0x1b: {  	s9 =	sadd.s32 $0xFFFFFEF7, lr;
	s5 =	simm.s32 $0xFFFFFFFF;
	p2 =	slt.u32 s8, $0xFFFFF086  }
0x1c: {  	p1 =	slt.u32 s9, $0xF7A;
	s5 =	simm.s32 @!p2 $0x0  }
0x1d: {  	s5 =	simm.s32 @p1 $0x1;
	p0 =	seq.s32 s7, s2  }
0x1e: {  	s7 =	smul.u32 @!p0 $0xF7A, s2;
	p2 =	seq.s32 @!p0 s5, $0x0  }
0x1f: {  	s9 =	smul.u32 $0xF7A, s1;
	s8 =	simm.s32 @!p0 $0x1BF5;
	p2 =	por !p2, p0  }
0x20: {  	[sflag:s8] =	ssyncset.s32 @!p0 $0xFFFFF086;
	s6 =	sadd.s32 @!p0 s3, s7;
	s7 =	simm.s32 @!p0 $0x108  }
0x21: {  	s3 =	sadd.s32 s3, s9;
	s6 =	sadd.s32 @!p0 $0x88, s6;
	s7 =	simm.s32 @p2 $0x1082  }
0x22: {  	[simem:s7], [sflag:s8] =	dma.local @!p0 [hbm:s6], $0xF7A  }
0x23: {  	s9 =	sor.u32 $0xD0000000, s2;
	s6 =	simm.s32 $0x108;
	_ =	swait.ge @!p0 [sflag:s8], $0x0  }
0x24: {  	s3 =	sadd.s32 $0x88, s3;
	s6 =	simm.s32 @!p1 $0x1082;
	[sflag:s4] =	ssyncset.s32 $0xFFFFF086  }
0x25: {  	[simem:s6], [sflag:s4] =	dma.local [hbm:s3], $0xF7A  }
0x26: {  	[smem:$0x3F7C] =	sst s1;
	(tag) =	ssettag s2;
	_ =	strace s9  }
0x27: {  	s1 =	sld [smem:$0x3F8C]  }
0x28: {  	s2 =	sld [smem:$0x3F8D]  }
0x29: {  	s4 =	sld [smem:$0x3F8F]  }
0x2a: {  	p0 =	seq.s32 s5, $0x0;
	s5 =	sld [smem:$0x3F90]  }
0x2b: {  	s6 =	sld [smem:$0x3F91]  }
0x2c: {  	s7 =	sld [smem:$0x3F92]  }
0x2d: {  	s3 =	simm.s32 $0x108;
	s8 =	sld [smem:$0x3F93]  }
0x2e: {  	s3 =	simm.s32 @!p0 $0x1082;
	s9 =	sld [smem:$0x3F94]  }
0x2f: {  	lr =	sadd.s32 s0, s3;
	s0 =	sld [smem:$0x3F8B]  }
0x30: {  	s3 =	sld [smem:$0x3F8E]  }
0x31: {  	[smem:$0x3F97] =	sst s10  }
0x32: {  	s10 =	sld [smem:$0x3F95];
	_ =	sdelay $0x3  }
0x33: {  	p0 =	seq.s32 s10, $0x1;
	s10 =	sld [smem:$0x3F97];
	_ =	sdelay $0x3  }
0x34: {  	[smem:$0x3F97] =	sst s10  }
0x35: {  	s10 =	sld [smem:$0x3F96];
	_ =	sdelay $0x3  }
0x36: {  	p1 =	seq.s32 s10, $0x1;
	s10 =	sld [smem:$0x3F97];
	_ =	sdelay $0x3  }
0x37: {  	[smem:$0x3F97] =	sst s10  }
0x38: {  	s10 =	sld [smem:$0x3F98]  }
0x39: {  	_ = 	snop;
	(pc) =	sbr.ind lr, $3  }
0x3a: {  	_ = 	snop  }
0x3b: {  	_ = 	snop  }
0x3c: {  	p2 =	seq.s32 s10, $0x1;
	s10 =	sld [smem:$0x3F97]  }
0x3d: {  	_ =	shalt  }
0x3e: {  	_ =	shalt  }
0x3f: {  	_ =	shalt  }
0x40: {  	_ =	shalt  }
0x41: {  	_ =	shalt  }
0x42: {  	_ =	shalt  }
0x43: {  	_ =	shalt  }
0x44: {  	_ =	shalt  }
0x45: {  	_ =	shalt  }
0x46: {  	_ =	shalt  }
0x47: {  	_ =	shalt  }
0x48: {  	_ =	shalt  }
0x49: {  	_ =	shalt  }
0x4a: {  	_ =	shalt  }
0x4b: {  	_ =	shalt  }
0x4c: {  	_ =	shalt  }
0x4d: {  	_ =	shalt  }
0x4e: {  	_ =	shalt  }
0x4f: {  	_ =	shalt  }
0x50: {  	_ =	shalt  }
0x51: {  	_ =	shalt  }
0x52: {  	_ =	shalt  }
0x53: {  	_ =	shalt  }
0x54: {  	_ =	shalt  }
0x55: {  	_ =	shalt  }
0x56: {  	_ =	shalt  }
0x57: {  	_ =	shalt  }
0x58: {  	_ =	shalt  }
0x59: {  	_ =	shalt  }
0x5a: {  	_ =	shalt  }
0x5b: {  	_ =	shalt  }
0x5c: {  	_ =	shalt  }
0x5d: {  	_ =	shalt  }
0x5e: {  	_ =	shalt  }
0x5f: {  	_ =	shalt  }
0x60: {  	_ =	shalt  }
0x61: {  	_ =	shalt  }
0x62: {  	_ =	shalt  }
0x63: {  	_ =	shalt  }
0x64: {  	_ =	shalt  }
0x65: {  	_ =	shalt  }
0x66: {  	_ =	shalt  }
0x67: {  	_ =	shalt  }
0x68: {  	_ =	shalt  }
0x69: {  	_ =	shalt  }
0x6a: {  	_ =	shalt  }
0x6b: {  	_ =	shalt  }
0x6c: {  	_ =	shalt  }
0x6d: {  	_ =	shalt  }
0x6e: {  	_ =	shalt  }
0x6f: {  	_ =	shalt  }
0x70: {  	_ =	shalt  }
0x71: {  	_ =	shalt  }
0x72: {  	_ =	shalt  }
0x73: {  	_ =	shalt  }
0x74: {  	_ =	shalt  }
0x75: {  	_ =	shalt  }
0x76: {  	_ =	shalt  }
0x77: {  	_ =	shalt  }
0x78: {  	_ =	shalt  }
0x79: {  	_ =	shalt  }
0x7a: {  	_ =	shalt  }
0x7b: {  	_ =	shalt  }
0x7c: {  	_ =	shalt  }
0x7d: {  	_ =	shalt  }
0x7e: {  	_ =	shalt  }
0x7f: {  	_ =	shalt  }
0x80: {  	_ =	shalt  }
0x81: {  	_ =	shalt  }
0x82: {  	_ =	shalt  }
0x83: {  	_ =	shalt  }
0x84: {  	_ =	shalt  }
0x85: {  	_ =	shalt  }
0x86: {  	_ =	shalt  }
0x87: {  	_ =	shalt  }
.Lfunc_end0:
.L_simem_size_0:
called_computation_lowered:
.L_overlay_start_0:
0x88: {  	s2 =	sld [smem:$0x3FD9]  }
0x89: {  	s3 =	sld [smem:$0x3FFE];
	_ =	sdelay $0x1  }
0x8a: {  	s1 =	srdreg.scid  }
0x8b: {  	s0 =	sand.u32 $0x1, s1  }
0x8c: {  	s17 =	sshll.u32 s0, $0xA;
	s2 =	sadd.s32 s3, s2  }
0x8d: {  	s2 =	sadd.s32 s2, s17  }
0x8e: {  	[smem:$0x3FA3] =	sst s2  }
0x8f: {  	_ = 	snop  }
0x90: {  	s2 =	sld [smem:$0x3FD0];
	(tm) =	ssettm $0x1  }
0x91: {  	s18 =	sld [smem:$0x3FFB];
	_ =	sdelay $0x3  }
0x92: {  	_ =	strace s18  }
0x93: {  	s3 =	sld [smem:$0x3FFC];
	_ =	sdelay $0x3  }
0x94: {  	_ =	strace s3  }
0x95: {  	s3 =	sld [smem:$0x3FFD];
	_ =	sdelay $0x3  }
0x96: {  	_ =	strace s3  }
0x97: {  	_ =	strace $0x8FFFFFFF  }
0x98: {  	s19 =	sld [smem:$0x3FDB];
	_ =	sdelay $0x1  }
0x99: {  	s4 =	simm.s32 $_scs_section_size  }
0x9a: {  	s5 =	simm.s32 $_size__tile_overlayer_lowered;
	s6 =	simm.s32 $_tile_overlayer_lowered  }
0x9b: {  	s22 =	simm.s32 $0x1BFF;
	s21 =	sshll.u32 s6, $0x1;
	s3 =	sadd.s32 s4, s19  }
0x9c: {  	s7 =	simm.s32 $0x0;
	s20 =	sshll.u32 s5, $0x1;
	s5 =	sadd.s32 s21, s3  }
0x9d: {  	[timem:s7], [sflag:s22] =	dma.local [hbm:s5], s20  }
0x9e: {  	_ =	swait.ge [sflag:s22], s20  }
0x9f: {  	s4 =	ssub.s32 $0x0, s20;
	[sflag:s22] =	ssyncset.done $0x0  }
0xa0: {  	[sflag:s22] =	ssyncadd.s32 s4;
	_ =	sdelay $0x1  }
0xa1: {  	s23 =	simm.s32 $0x1B8B  }
0xa2: {  	_ =	swait.ge [sflag:s23], $0x1  }
0xa3: {  	[sflag:s23] =	ssyncset.done $0x0  }
0xa4: {  	s25 =	simm.s32 $0x1B8E;
	s24 =	sld [smem:$0x3FFE];
	[sflag:s23] =	ssyncadd.s32 $0xFFFFFFFF  }
0xa5: {  	s26 =	simm.s32 $execute0_lowered;
	[smem:$0x3FD2] =	sst s25  }
0xa6: {  	s5 =	sshll.u32 s26, $0x1;
	_ =	strace $0x80000046;
	[dreg:$0x1] =	wrdreg $0xFFFFFFFF  }
0xa7: {  	s28 =	simm.s32 $_size_execute0_lowered;
	s3 =	sadd.s32 s3, s5;
	[dreg:$0x0] =	wrdreg $0x0  }
0xa8: {  	s5 =	sshll.u32 s28, $0x1;
	[dreg:$0x2] =	wrdreg s3  }
0xa9: {  	[dreg:$0x3] =	wrdreg s5  }
0xaa: {  	[dreg:$0x4] =	wrdreg $0xC0  }
0xab: {  	_ =	task [dreg:s7], $0x5FFFF  }
0xac: {  	[dreg:$0x1] =	wrdreg $0xFFFFFFFF  }
0xad: {  	[dreg:$0x0] =	wrdreg $0x60  }
0xae: {  	[dreg:$0x2] =	wrdreg s24  }
0xaf: {  	[dreg:$0x3] =	wrdreg s2  }
0xb0: {  	[dreg:$0x4] =	wrdreg $0x60000  }
0xb1: {  	[dreg:$0x5] =	wrdreg $0x9  }
0xb2: {  	_ =	task.clear_ibuf [dreg:s7], $0x6FFFF;
	_ =	strace $0x90000046  }
0xb3: {  	s29 =	simm.s32 $0x9;
	_ =	strace $0x80000048  }
0xb4: {  	_ =	swait.ge [sflag:s29], $0x1  }
0xb5: {  	[sflag:s29] =	ssyncadd.s32 $0xFFFFFFFF  }
0xb6: {  	_ =	strace $0x90000048  }
0xb7: {  	_ =	sfence  }
0xb8: {  	s30 =	sld [smem:$0x0];
	_ =	sdelay $0x2  }
0xb9: {  	s31 =	sshll.u32 s1, $0xD;
	s1 =	sshrl.u32 s1, $0x2  }
0xba: {  	s3 =	sand.u32 $0x4000, s31;
	s1 =	sadd.s32 s1, s30  }
0xbb: {  	s0 =	sor.u32 s3, s0;
	s1 =	sshll.u32 s1, $0x11  }
0xbc: {  	s0 =	sor.u32 s1, s0  }
0xbd: {  	s0 =	sadd.s32 $0x8F2B, s0  }
0xbe: {  	[sflag:s0] =	ssyncadd.remote.s32 $0x1  }
0xbf: {  	_ =	sfence.sel $0xFFFF  }
0xc0: {  	[dreg:$0x0] =	wrdreg $0xFFFFFFFF;
	(pc) =	sbr.abs _section_cstart, $3  }
0xc1: {  	[dreg:$0x1] =	wrdreg $0xFFFFFFFF  }
0xc2: {  	_ =	task.clear_ibuf [dreg:s7], $0x2FFFF;
	_ =	strace $0x9FFFFFFF  }
0xc3: {  	(tm) =	ssettm $0x7FFFFFFF  }
tec
execute0_lowered:
.L_overlay_start_1:
0x0: {  	(tag) =	ssettag $0x1  }
0x1: {  	s5 =	rddreg [dreg:$0x0]  }
0x2: {  	s9 =	rddreg [dreg:$0x1];
	s1 =	srdreg.scid  }
0x3: {  	s0 =	stileid.u32;
	s2 =	rddreg [dreg:$0x2]  }
0x4: {  	s3 =	simm.s32 $0x0;
	s15 =	simm.s32 $0x5000;
	s16 =	simm.s32 $0x5800  }
0x5: {  	s17 =	simm.s32 $0x1;
	s18 =	simm.s32 $0x4F00;
	s19 =	simm.s32 $0x4  }
0x6: {  	s20 =	simm.s32 $0x2;
	s21 =	simm.s32 $0x4F80;
	s22 =	simm.s32 $0x0  }
0x7: {  	s6 =	sand.u32 $0x1, s1;
	s1 =	rddreg [dreg:$0x3];
	s8 =	smul.u32 $0x2800, s0  }
0x8: {  	s4 =	sshll.u32 s0, $0x1;
	[smem:$0x7FF] =	sst s3;
	s13 =	smul.u32 $0x500, s0  }
0x9: {  	s31 =	sshll.u32 s0, $0x6;
	s4 =	sor.u32 s6, s4;
	_ =	strace $0x80000047  }
0xa: {  	s28 =	ssub.s32 $0x2, s6;
	s30 =	smul.u32 $0x5000, s6;
	s6 =	sor.u32 $0x1C03, s31  }
0xb: {  	s7 =	smul.u32 $0x4F0, s4;
	s4 =	sadd.s32 $0x8A00, s5;
	s12 =	sshrl.u32 s28, $0x1  }
0xc: {  	s11 =	sshrl.u32 s8, $0x3;
	s14 =	sadd.s32 s8, s2;
	s29 =	ssub.s32 s28, s12  }
0xd: {  	s12 =	sadd.s32 s13, s30;
	s13 =	simm.s32 $0x2780;
	s10 =	sadd.s32 s7, s5  }
0xe: {  	s5 =	sadd.s32 s11, s5;
	s9 =	sadd.s32 s9, s12;
	s11 =	sshrl.u32 s14, $0x3  }
0xf: {  	s12 =	simm.s32 $0x3;
	s14 =	simm.s32 $0x80;
	s5 =	sadd.s32 $0xC4400, s5  }
0x10: {  	s7 =	sadd.s32 $0xB0800, s10;
	s8 =	sadd.s32 $0xBA600, s10;
	s10 =	smax.u32 s29, $0x1  }
.LBB2_1:
0x11: {  	[spmem:s11], [sflag:s6] =	dma.local [hbm:s5], $0x500  }
0x12: {  	_ =	swait.ge [sflag:s12], $0x500  }
0x13: {  	[sflag:s12] =	ssyncset.done $0x0  }
0x14: {  	[sflag:s12] =	ssyncadd.s32 $0xFFFFFB00  }
0x15: {  	[bflag:$0x0] =	sbarrier.arrive $0xFFFF  }
0x16: {  	[tilespmem:s3], [sflag:$0x3] =	stream.linear.gather [hbm4b:s7+s3], $0x2780, $0x38;
	[tilespmem:$0x8800] =	vst v63  }
0x17: {  	_ =	swait.ge [sflag:s12], $0x2780  }
0x18: {  	[sflag:s12] =	ssyncset.done $0x0  }
0x19: {  	[sflag:s12] =	ssyncadd.s32 $0xFFFFD880  }
0x1a: {  	[tilespmem:s13], [sflag:$0x3] =	stream.linear.gather [hbm4b:s8+s3], $0x2780, $0x38;
	[tilespmem:$0x8800] =	vst v63  }
0x1b: {  	_ =	swait.ge [sflag:s12], $0x2780  }
0x1c: {  	[sflag:s12] =	ssyncset.done $0x0  }
0x1d: {  	[sflag:s12] =	ssyncadd.s32 $0xFFFFD880  }
0x1e: {  	[tilespmem:s15], [sflag:$0x1] =	stream.indirect.gather [hbm4b:s4+s14], $0x10, s13, s14, $0xb8;
	[tilespmem:$0x8800] =	vst v63  }
0x1f: {  	s23 =	simm.s32 $0x2800  }
0x20: {  	[tilespmem:s16], [sflag:$0x2] =	stream.indirect.gather [hbm4b:s4+s14], $0x10, s23, s14, $0xb8;
	[tilespmem:$0x8800] =	vst v63  }
0x21: {  	_ =	swait.ge [sflag:s17], $0x800  }
0x22: {  	[sflag:s17] =	ssyncset.done $0x0  }
0x23: {  	s31 =	simm.s32 $0x0;
	[sflag:s17] =	ssyncadd.s32 $0xFFFFF800  }
0x24: {  	v0 =	vld [tilespmem:s31+$0x0];
	_ =	sdelay $0x4  }
0x25: {  	[tilespmem:$0x4F00] =	vst v0  }
0x26: {  	v0 =	vld [tilespmem:s31+$0x10];
	_ =	sdelay $0x4  }
0x27: {  	[tilespmem:$0x4F10] =	vst v0  }
0x28: {  	v0 =	vld [tilespmem:s31+$0x20];
	_ =	sdelay $0x4  }
0x29: {  	[tilespmem:$0x4F20] =	vst v0  }
0x2a: {  	v0 =	vld [tilespmem:s31+$0x30];
	_ =	sdelay $0x4  }
0x2b: {  	[tilespmem:$0x4F30] =	vst v0  }
0x2c: {  	v0 =	vld [tilespmem:s31+$0x40];
	_ =	sdelay $0x4  }
0x2d: {  	[tilespmem:$0x4F40] =	vst v0  }
0x2e: {  	v0 =	vld [tilespmem:s31+$0x50];
	_ =	sdelay $0x4  }
0x2f: {  	[tilespmem:$0x4F50] =	vst v0  }
0x30: {  	v0 =	vld [tilespmem:s31+$0x60];
	_ =	sdelay $0x4  }
0x31: {  	[tilespmem:$0x4F60] =	vst v0  }
0x32: {  	v0 =	vld [tilespmem:s31+$0x70];
	_ =	sdelay $0x4  }
0x33: {  	[tilespmem:$0x4F70] =	vst v0  }
0x34: {  	[spmem:s2] =	stream.indirect.scatter.add.f32 [tilespmem:s15], [sflag:$0x4], $0x10, s18, s14, $0xb8;
	[tilespmem:$0x8800] =	vst v63  }
0x35: {  	_ =	swait.ge [sflag:s19], $0x800  }
0x36: {  	[sflag:s19] =	ssyncset.done $0x0  }
0x37: {  	s24 =	simm.s32 $0x2880;
	[sflag:s19] =	ssyncadd.s32 $0xFFFFF800  }
0x38: {  	[tilespmem:s15], [sflag:$0x1] =	stream.indirect.gather [hbm4b:s4+s14], $0x10, s24, s14, $0xb8;
	[tilespmem:$0x8800] =	vst v63  }
0x39: {  	_ =	swait.ge [sflag:s20], $0x800  }
0x3a: {  	[sflag:s20] =	ssyncset.done $0x0  }
0x3b: {  	[sflag:s20] =	ssyncadd.s32 $0xFFFFF800  }
0x3c: {  	v63 =	vld [tilespmem:s31+$0x80];
	_ =	sdelay $0x4  }
0x3d: {  	[tilespmem:$0x4F80] =	vst v63  }
0x3e: {  	v0 =	vld [tilespmem:s31+$0x90];
	_ =	sdelay $0x4  }
0x3f: {  	[tilespmem:$0x4F90] =	vst v0  }
0x40: {  	v0 =	vld [tilespmem:s31+$0xA0];
	_ =	sdelay $0x4  }
0x41: {  	[tilespmem:$0x4FA0] =	vst v0  }
0x42: {  	v0 =	vld [tilespmem:s31+$0xB0];
	_ =	sdelay $0x4  }
0x43: {  	[tilespmem:$0x4FB0] =	vst v0  }
0x44: {  	v0 =	vld [tilespmem:s31+$0xC0];
	_ =	sdelay $0x4  }
0x45: {  	[tilespmem:$0x4FC0] =	vst v0  }
0x46: {  	v0 =	vld [tilespmem:s31+$0xD0];
	_ =	sdelay $0x4  }
0x47: {  	[tilespmem:$0x4FD0] =	vst v0  }
0x48: {  	v0 =	vld [tilespmem:s31+$0xE0];
	_ =	sdelay $0x4  }
0x49: {  	[tilespmem:$0x4FE0] =	vst v0  }
0x4a: {  	v0 =	vld [tilespmem:s31+$0xF0];
	_ =	sdelay $0x4  }
0x4b: {  	[tilespmem:$0x4FF0] =	vst v0  }
0x4c: {  	[spmem:s2] =	stream.indirect.scatter.add.f32 [tilespmem:s16], [sflag:$0x3], $0x10, s21, s14, $0xb8;
	[tilespmem:$0x8800] =	vst v63  }
0x4d: {  	_ =	swait.ge [sflag:s12], $0x800  }
0x4e: {  	s26 =	simm.s32 $0x800;
	s23 =	simm.s32 $0x100;
	[sflag:s12] =	ssyncset.done $0x0  }
.LBB2_2:
0x4f: {  	s28 =	sadd.s32 $0x2800, s23  }
0x50: {  	[sflag:s12] =	ssyncadd.s32 $0xFFFFF800;
	s25 =	smov.u32 s26;
	s24 =	sadd.s32 $0x400, s26  }
0x51: {  	[tilespmem:s16], [sflag:$0x2] =	stream.indirect.gather [hbm4b:s4+s14], $0x10, s28, s14, $0xb8;
	[tilespmem:$0x8800] =	vst v63  }
0x52: {  	p0 =	sne.s32 s26, $0x9800;
	_ =	swait.ge [sflag:s17], $0x800  }
0x53: {  	[sflag:s17] =	ssyncset.done $0x0  }
0x54: {  	[sflag:s17] =	ssyncadd.s32 $0xFFFFF800  }
0x55: {  	v0 =	vld [tilespmem:s23+$0x0];
	_ =	sdelay $0x4  }
0x56: {  	[tilespmem:$0x4F00] =	vst v0  }
0x57: {  	v0 =	vld [tilespmem:s23+$0x10];
	_ =	sdelay $0x4  }
0x58: {  	[tilespmem:$0x4F10] =	vst v0  }
0x59: {  	v0 =	vld [tilespmem:s23+$0x20];
	_ =	sdelay $0x4  }
0x5a: {  	[tilespmem:$0x4F20] =	vst v0  }
0x5b: {  	v0 =	vld [tilespmem:s23+$0x30];
	_ =	sdelay $0x4  }
0x5c: {  	[tilespmem:$0x4F30] =	vst v0  }
0x5d: {  	v0 =	vld [tilespmem:s23+$0x40];
	_ =	sdelay $0x4  }
0x5e: {  	[tilespmem:$0x4F40] =	vst v0  }
0x5f: {  	v0 =	vld [tilespmem:s23+$0x50];
	_ =	sdelay $0x4  }
0x60: {  	[tilespmem:$0x4F50] =	vst v0  }
0x61: {  	v0 =	vld [tilespmem:s23+$0x60];
	_ =	sdelay $0x4  }
0x62: {  	[tilespmem:$0x4F60] =	vst v0  }
0x63: {  	v0 =	vld [tilespmem:s23+$0x70];
	_ =	sdelay $0x4  }
0x64: {  	[tilespmem:$0x4F70] =	vst v0  }
0x65: {  	[spmem:s2] =	stream.indirect.scatter.add.f32 [tilespmem:s15], [sflag:$0x4], $0x10, s18, s14, $0xb8;
	[tilespmem:$0x8800] =	vst v63  }
0x66: {  	_ =	swait.ge [sflag:s19], $0x800  }
0x67: {  	[sflag:s19] =	ssyncset.done $0x0  }
0x68: {  	s26 =	sadd.s32 $0x2880, s23;
	[sflag:s19] =	ssyncadd.s32 $0xFFFFF800  }
0x69: {  	[tilespmem:s15], [sflag:$0x1] =	stream.indirect.gather [hbm4b:s4+s14], $0x10, s26, s14, $0xb8;
	[tilespmem:$0x8800] =	vst v63  }
0x6a: {  	_ =	swait.ge [sflag:s20], $0x800  }
0x6b: {  	[sflag:s20] =	ssyncset.done $0x0  }
0x6c: {  	[sflag:s20] =	ssyncadd.s32 $0xFFFFF800  }
0x6d: {  	v0 =	vld [tilespmem:s23+$0x80];
	_ =	sdelay $0x4  }
0x6e: {  	[tilespmem:$0x4F80] =	vst v0  }
0x6f: {  	v0 =	vld [tilespmem:s23+$0x90];
	_ =	sdelay $0x4  }
0x70: {  	[tilespmem:$0x4F90] =	vst v0  }
0x71: {  	v0 =	vld [tilespmem:s23+$0xA0];
	_ =	sdelay $0x4  }
0x72: {  	[tilespmem:$0x4FA0] =	vst v0  }
0x73: {  	v0 =	vld [tilespmem:s23+$0xB0];
	_ =	sdelay $0x4  }
0x74: {  	[tilespmem:$0x4FB0] =	vst v0  }
0x75: {  	v0 =	vld [tilespmem:s23+$0xC0];
	_ =	sdelay $0x4  }
0x76: {  	[tilespmem:$0x4FC0] =	vst v0  }
0x77: {  	v0 =	vld [tilespmem:s23+$0xD0];
	_ =	sdelay $0x4  }
0x78: {  	[tilespmem:$0x4FD0] =	vst v0  }
0x79: {  	v0 =	vld [tilespmem:s23+$0xE0];
	_ =	sdelay $0x4  }
0x7a: {  	[tilespmem:$0x4FE0] =	vst v0  }
0x7b: {  	v0 =	vld [tilespmem:s23+$0xF0];
	_ =	sdelay $0x3  }
.Ltmp0:
0x7c: {  	(pc) =	sbr.rel @p0 .LBB2_2-.Ltmp0, $4  }
0x7d: {  	[tilespmem:$0x4FF0] =	vst v0  }
0x7e: {  	[spmem:s2] =	stream.indirect.scatter.add.f32 [tilespmem:s16], [sflag:$0x3], $0x10, s21, s14, $0xb8;
	[tilespmem:$0x8800] =	vst v63  }
0x7f: {  	_ =	swait.ge [sflag:s12], $0x800  }
0x80: {  	s26 =	smov.u32 s24;
	s23 =	sshra.s32 s25, $0x2;
	[sflag:s12] =	ssyncset.done $0x0  }
0x81: {  	s24 =	sadd.s32 $0x2800, s23;
	[sflag:s12] =	ssyncadd.s32 $0xFFFFF800  }
0x82: {  	[tilespmem:s16], [sflag:$0x2] =	stream.indirect.gather [hbm4b:s4+s14], $0x10, s24, s14, $0xb8;
	[tilespmem:$0x8800] =	vst v63  }
0x83: {  	_ =	swait.ge [sflag:s17], $0x800  }
0x84: {  	[sflag:s17] =	ssyncset.done $0x0  }
0x85: {  	[sflag:s17] =	ssyncadd.s32 $0xFFFFF800  }
0x86: {  	v0 =	vld [tilespmem:s23+$0x0];
	_ =	sdelay $0x4  }
0x87: {  	[tilespmem:$0x4F00] =	vst v0  }
0x88: {  	v0 =	vld [tilespmem:s23+$0x10];
	_ =	sdelay $0x4  }
0x89: {  	[tilespmem:$0x4F10] =	vst v0  }
0x8a: {  	v0 =	vld [tilespmem:s23+$0x20];
	_ =	sdelay $0x4  }
0x8b: {  	[tilespmem:$0x4F20] =	vst v0  }
0x8c: {  	v0 =	vld [tilespmem:s23+$0x30];
	_ =	sdelay $0x4  }
0x8d: {  	[tilespmem:$0x4F30] =	vst v0  }
0x8e: {  	v0 =	vld [tilespmem:s23+$0x40];
	_ =	sdelay $0x4  }
0x8f: {  	[tilespmem:$0x4F40] =	vst v0  }
0x90: {  	v0 =	vld [tilespmem:s23+$0x50];
	_ =	sdelay $0x4  }
0x91: {  	[tilespmem:$0x4F50] =	vst v0  }
0x92: {  	v0 =	vld [tilespmem:s23+$0x60];
	_ =	sdelay $0x4  }
0x93: {  	[tilespmem:$0x4F60] =	vst v0  }
0x94: {  	v0 =	vld [tilespmem:s23+$0x70];
	_ =	sdelay $0x4  }
0x95: {  	[tilespmem:$0x4F70] =	vst v0  }
0x96: {  	[spmem:s2] =	stream.indirect.scatter.add.f32 [tilespmem:s15], [sflag:$0x4], $0x10, s18, s14, $0xb8;
	[tilespmem:$0x8800] =	vst v63  }
0x97: {  	_ =	swait.ge [sflag:s19], $0x800  }
0x98: {  	[sflag:s19] =	ssyncset.done $0x0  }
0x99: {  	s31 =	sadd.s32 $0x2880, s23;
	[sflag:s19] =	ssyncadd.s32 $0xFFFFF800  }
0x9a: {  	[tilespmem:s15], [sflag:$0x1] =	stream.indirect.gather [hbm4b:s4+s14], $0x10, s31, s14, $0xb8;
	[tilespmem:$0x8800] =	vst v63  }
0x9b: {  	_ =	swait.ge [sflag:s20], $0x800  }
0x9c: {  	[sflag:s20] =	ssyncset.done $0x0  }
0x9d: {  	[sflag:s20] =	ssyncadd.s32 $0xFFFFF800  }
0x9e: {  	v59 =	vld [tilespmem:s23+$0x80];
	_ =	sdelay $0x4  }
0x9f: {  	[tilespmem:$0x4F80] =	vst v59  }
0xa0: {  	v0 =	vld [tilespmem:s23+$0x90];
	_ =	sdelay $0x4  }
0xa1: {  	[tilespmem:$0x4F90] =	vst v0  }
0xa2: {  	v0 =	vld [tilespmem:s23+$0xA0];
	_ =	sdelay $0x4  }
0xa3: {  	[tilespmem:$0x4FA0] =	vst v0  }
0xa4: {  	v0 =	vld [tilespmem:s23+$0xB0];
	_ =	sdelay $0x4  }
0xa5: {  	[tilespmem:$0x4FB0] =	vst v0  }
0xa6: {  	v0 =	vld [tilespmem:s23+$0xC0];
	_ =	sdelay $0x4  }
0xa7: {  	[tilespmem:$0x4FC0] =	vst v0  }
0xa8: {  	v0 =	vld [tilespmem:s23+$0xD0];
	_ =	sdelay $0x4  }
0xa9: {  	[tilespmem:$0x4FD0] =	vst v0  }
0xaa: {  	v0 =	vld [tilespmem:s23+$0xE0];
	_ =	sdelay $0x4  }
0xab: {  	[tilespmem:$0x4FE0] =	vst v0  }
0xac: {  	v0 =	vld [tilespmem:s23+$0xF0];
	_ =	sdelay $0x4  }
0xad: {  	[tilespmem:$0x4FF0] =	vst v0  }
0xae: {  	[spmem:s2] =	stream.indirect.scatter.add.f32 [tilespmem:s16], [sflag:$0x3], $0x10, s21, s14, $0xb8;
	[tilespmem:$0x8800] =	vst v63  }
0xaf: {  	_ =	swait.ge [sflag:s12], $0x800  }
0xb0: {  	[sflag:s12] =	ssyncset.done $0x0  }
0xb1: {  	[sflag:s12] =	ssyncadd.s32 $0xFFFFF800  }
0xb2: {  	_ =	swait.ge [sflag:s17], $0x800  }
0xb3: {  	[sflag:s17] =	ssyncset.done $0x0  }
0xb4: {  	[sflag:s17] =	ssyncadd.s32 $0xFFFFF800  }
0xb5: {  	v60 =	vld [tilespmem:$0x2700]  }
0xb6: {  	v1 =	vld [tilespmem:$0x2710]  }
0xb7: {  	v2 =	vld [tilespmem:$0x2720]  }
0xb8: {  	v3 =	vld [tilespmem:$0x2730]  }
0xb9: {  	v4 =	vld [tilespmem:$0x2740]  }
0xba: {  	v61 =	vld [tilespmem:$0x2750];
	[tilespmem:$0x4F00] =	vst v60  }
0xbb: {  	v62 =	vld [tilespmem:$0x2760];
	[tilespmem:$0x4F10] =	vst v1  }
0xbc: {  	v63 =	vld [tilespmem:$0x2770];
	[tilespmem:$0x4F20] =	vst v2  }
0xbd: {  	[tilespmem:$0x4F30] =	vst v3  }
0xbe: {  	[tilespmem:$0x4F40] =	vst v4  }
0xbf: {  	[tilespmem:$0x4F50] =	vst v61  }
0xc0: {  	[tilespmem:$0x4F60] =	vst v62  }
0xc1: {  	[tilespmem:$0x4F70] =	vst v63  }
0xc2: {  	[spmem:s2] =	stream.indirect.scatter.add.f32 [tilespmem:s15], [sflag:$0x4], $0x10, s18, s14, $0xb8;
	[tilespmem:$0x8800] =	vst v63  }
0xc3: {  	_ =	swait.ge [sflag:s19], $0x800  }
0xc4: {  	s22 =	sadd.s32 $0x1, s22;
	[sflag:s19] =	ssyncset.done $0x0  }
0xc5: {  	p0 =	sne.s32 s22, s10;
	[sflag:s19] =	ssyncadd.s32 $0xFFFFF800  }
.Ltmp1:
0xc6: {  	[bflag:$0x0] =	sbarrier.arrive $0xFFFF;
	(pc) =	sbr.rel @p0 .LBB2_1-.Ltmp1, $4  }
0xc7: {  	[hbm:s9], [sflag:s6] =	dma.local [spmem:s11], $0x500  }
0xc8: {  	_ =	swait.ge [sflag:s12], $0x500  }
0xc9: {  	[sflag:s12] =	ssyncset.done $0x0  }
0xca: {  	[sflag:s12] =	ssyncadd.s32 $0xFFFFFB00  }
0xcb: {  	_ =	sfence.sel $0x180000  }
0xcc: {  	[bflag:$0x0] =	sbarrier.arrive $0xFFFF  }
0xcd: {  	p0 =	sne.s32 s0, $0x0;
	_ =	strace $0x90000047  }
0xce: {  	s0 =	sadd.s32 @!p0 $0x100000, s1;
	[bflag:$0x2] =	sbarrier.arrive $0xFFFF  }
0xcf: {  	[sflag:s0] =	ssyncadd.tile.s32 @!p0 $0x1;
	_ =	shalt  }
.Lfunc_end2:
_tile_overlayer_lowered:
.L_overlay_start_2:
0xd0: {  	(tag) =	ssettag $0x2  }
0xd1: {  	s0 =	rddreg [dreg:$0x0];
	s2 =	stileid.u32  }
0xd2: {  	s1 =	rddreg [dreg:$0x1];
	p0 =	sne.s32 s2, $0x0  }
0xd3: {  	s3 =	rddreg [dreg:$0x2];
	[bflag:$0x3] =	sbarrier.arrive $0xFFFF;
	s2 =	simm.s32 @!p0 $0x1C03  }
0xd4: {  	[timem:s3], [sflag:s2] =	dma.local @!p0 [hbm:s0], s1  }
0xd5: {  	s0 =	simm.s32 @!p0 $0x3  }
0xd6: {  	_ =	swait.ge @!p0 [sflag:s0], s1  }
0xd7: {  	s1 =	ssub.s32 @!p0 $0x0, s1;
	[sflag:s0] =	ssyncset.done @!p0 $0x0  }
0xd8: {  	[sflag:s0] =	ssyncadd.s32 @!p0 s1  }
0xd9: {  	[bflag:$0x3] =	sbarrier.arrive $0xFFFF  }
0xda: {  	_ =	shalt  }

// kernel: kernel.19.cloned.1.call-start
scs
__scs_entry_jumppad:
0x0: {  	(pc) =	sbr.rel $0x88, $3  }
0x1: {  	(tag) =	ssettag $0x0;
	lr =	simm.s32 $0x1  }
0x2: {  	[smem:$0x3F7C] =	sst lr;
	_ =	strace $0xD0000000  }
0x3: {  	_ = 	snop  }
0x4: {  	_ = 	snop  }
0x5: {  	_ = 	snop  }
0x6: {  	_ = 	snop  }
0x7: {  	_ = 	snop  }
__scs_overlays_trampoline_lowered:
0x8: {  	[smem:$0x3F8B] =	sst s0  }
0x9: {  	[smem:$0x3F8C] =	sst s1  }
0xa: {  	[smem:$0x3F8D] =	sst s2  }
0xb: {  	[smem:$0x3F8E] =	sst s3  }
0xc: {  	[smem:$0x3F8F] =	sst s4  }
0xd: {  	[smem:$0x3F90] =	sst s5  }
0xe: {  	[smem:$0x3F91] =	sst s6  }
0xf: {  	[smem:$0x3F92] =	sst s7  }
0x10: {  	[smem:$0x3F93] =	sst s8  }
0x11: {  	[smem:$0x3F94] =	sst s9;
	s0 =	simm.s32 @!p0 $0x0  }
0x12: {  	s1 =	sld [smem:$0x3F7A];
	s0 =	simm.s32 @p0 $0x1  }
0x13: {  	[smem:$0x3F95] =	sst s0;
	s0 =	simm.s32 @!p1 $0x0  }
0x14: {  	s2 =	sld [smem:$0x3F79];
	s0 =	simm.s32 @p1 $0x1  }
0x15: {  	[smem:$0x3F96] =	sst s0;
	s0 =	simm.s32 @!p2 $0x0  }
0x16: {  	s3 =	sld [smem:$0x3FDB];
	s0 =	simm.s32 @p2 $0x1  }
0x17: {  	s4 =	simm.s32 $0x1BF5;
	[smem:$0x3F98] =	sst s0  }
0x18: {  	s0 =	sld [smem:$0x3F7B];
	_ =	swait.ge [sflag:s4], $0x0  }
0x19: {  	s7 =	sld [smem:$0x3F7C]  }
0x1a: {  	s8 =	sadd.s32 $0xFFFFE003, lr  }
0x1b: {  	s9 =	sadd.s32 $0xFFFFFEF7, lr;
	s5 =	simm.s32 $0xFFFFFFFF;
	p2 =	slt.u32 s8, $0xFFFFF086  }
0x1c: {  	p1 =	slt.u32 s9, $0xF7A;
	s5 =	simm.s32 @!p2 $0x0  }
0x1d: {  	s5 =	simm.s32 @p1 $0x1;
	p0 =	seq.s32 s7, s2  }
0x1e: {  	s7 =	smul.u32 @!p0 $0xF7A, s2;
	p2 =	seq.s32 @!p0 s5, $0x0  }
0x1f: {  	s9 =	smul.u32 $0xF7A, s1;
	s8 =	simm.s32 @!p0 $0x1BF5;
	p2 =	por !p2, p0  }
0x20: {  	[sflag:s8] =	ssyncset.s32 @!p0 $0xFFFFF086;
	s6 =	sadd.s32 @!p0 s3, s7;
	s7 =	simm.s32 @!p0 $0x108  }
0x21: {  	s3 =	sadd.s32 s3, s9;
	s6 =	sadd.s32 @!p0 $0x88, s6;
	s7 =	simm.s32 @p2 $0x1082  }
0x22: {  	[simem:s7], [sflag:s8] =	dma.local @!p0 [hbm:s6], $0xF7A  }
0x23: {  	s9 =	sor.u32 $0xD0000000, s2;
	s6 =	simm.s32 $0x108;
	_ =	swait.ge @!p0 [sflag:s8], $0x0  }
0x24: {  	s3 =	sadd.s32 $0x88, s3;
	s6 =	simm.s32 @!p1 $0x1082;
	[sflag:s4] =	ssyncset.s32 $0xFFFFF086  }
0x25: {  	[simem:s6], [sflag:s4] =	dma.local [hbm:s3], $0xF7A  }
0x26: {  	[smem:$0x3F7C] =	sst s1;
	(tag) =	ssettag s2;
	_ =	strace s9  }
0x27: {  	s1 =	sld [smem:$0x3F8C]  }
0x28: {  	s2 =	sld [smem:$0x3F8D]  }
0x29: {  	s4 =	sld [smem:$0x3F8F]  }
0x2a: {  	p0 =	seq.s32 s5, $0x0;
	s5 =	sld [smem:$0x3F90]  }
0x2b: {  	s6 =	sld [smem:$0x3F91]  }
0x2c: {  	s7 =	sld [smem:$0x3F92]  }
0x2d: {  	s3 =	simm.s32 $0x108;
	s8 =	sld [smem:$0x3F93]  }
0x2e: {  	s3 =	simm.s32 @!p0 $0x1082;
	s9 =	sld [smem:$0x3F94]  }
0x2f: {  	lr =	sadd.s32 s0, s3;
	s0 =	sld [smem:$0x3F8B]  }
0x30: {  	s3 =	sld [smem:$0x3F8E]  }
0x31: {  	[smem:$0x3F97] =	sst s10  }
0x32: {  	s10 =	sld [smem:$0x3F95];
	_ =	sdelay $0x3  }
0x33: {  	p0 =	seq.s32 s10, $0x1;
	s10 =	sld [smem:$0x3F97];
	_ =	sdelay $0x3  }
0x34: {  	[smem:$0x3F97] =	sst s10  }
0x35: {  	s10 =	sld [smem:$0x3F96];
	_ =	sdelay $0x3  }
0x36: {  	p1 =	seq.s32 s10, $0x1;
	s10 =	sld [smem:$0x3F97];
	_ =	sdelay $0x3  }
0x37: {  	[smem:$0x3F97] =	sst s10  }
0x38: {  	s10 =	sld [smem:$0x3F98]  }
0x39: {  	_ = 	snop;
	(pc) =	sbr.ind lr, $3  }
0x3a: {  	_ = 	snop  }
0x3b: {  	_ = 	snop  }
0x3c: {  	p2 =	seq.s32 s10, $0x1;
	s10 =	sld [smem:$0x3F97]  }
0x3d: {  	_ =	shalt  }
0x3e: {  	_ =	shalt  }
0x3f: {  	_ =	shalt  }
0x40: {  	_ =	shalt  }
0x41: {  	_ =	shalt  }
0x42: {  	_ =	shalt  }
0x43: {  	_ =	shalt  }
0x44: {  	_ =	shalt  }
0x45: {  	_ =	shalt  }
0x46: {  	_ =	shalt  }
0x47: {  	_ =	shalt  }
0x48: {  	_ =	shalt  }
0x49: {  	_ =	shalt  }
0x4a: {  	_ =	shalt  }
0x4b: {  	_ =	shalt  }
0x4c: {  	_ =	shalt  }
0x4d: {  	_ =	shalt  }
0x4e: {  	_ =	shalt  }
0x4f: {  	_ =	shalt  }
0x50: {  	_ =	shalt  }
0x51: {  	_ =	shalt  }
0x52: {  	_ =	shalt  }
0x53: {  	_ =	shalt  }
0x54: {  	_ =	shalt  }
0x55: {  	_ =	shalt  }
0x56: {  	_ =	shalt  }
0x57: {  	_ =	shalt  }
0x58: {  	_ =	shalt  }
0x59: {  	_ =	shalt  }
0x5a: {  	_ =	shalt  }
0x5b: {  	_ =	shalt  }
0x5c: {  	_ =	shalt  }
0x5d: {  	_ =	shalt  }
0x5e: {  	_ =	shalt  }
0x5f: {  	_ =	shalt  }
0x60: {  	_ =	shalt  }
0x61: {  	_ =	shalt  }
0x62: {  	_ =	shalt  }
0x63: {  	_ =	shalt  }
0x64: {  	_ =	shalt  }
0x65: {  	_ =	shalt  }
0x66: {  	_ =	shalt  }
0x67: {  	_ =	shalt  }
0x68: {  	_ =	shalt  }
0x69: {  	_ =	shalt  }
0x6a: {  	_ =	shalt  }
0x6b: {  	_ =	shalt  }
0x6c: {  	_ =	shalt  }
0x6d: {  	_ =	shalt  }
0x6e: {  	_ =	shalt  }
0x6f: {  	_ =	shalt  }
0x70: {  	_ =	shalt  }
0x71: {  	_ =	shalt  }
0x72: {  	_ =	shalt  }
0x73: {  	_ =	shalt  }
0x74: {  	_ =	shalt  }
0x75: {  	_ =	shalt  }
0x76: {  	_ =	shalt  }
0x77: {  	_ =	shalt  }
0x78: {  	_ =	shalt  }
0x79: {  	_ =	shalt  }
0x7a: {  	_ =	shalt  }
0x7b: {  	_ =	shalt  }
0x7c: {  	_ =	shalt  }
0x7d: {  	_ =	shalt  }
0x7e: {  	_ =	shalt  }
0x7f: {  	_ =	shalt  }
0x80: {  	_ =	shalt  }
0x81: {  	_ =	shalt  }
0x82: {  	_ =	shalt  }
0x83: {  	_ =	shalt  }
0x84: {  	_ =	shalt  }
0x85: {  	_ =	shalt  }
0x86: {  	_ =	shalt  }
0x87: {  	_ =	shalt  }
.Lfunc_end0:
.L_simem_size_0:
called_computation.1_lowered:
.L_overlay_start_0:
0x88: {  	s2 =	sld [smem:$0x3FD9]  }
0x89: {  	s3 =	sld [smem:$0x3FFE];
	_ =	sdelay $0x1  }
0x8a: {  	s1 =	srdreg.scid  }
0x8b: {  	s0 =	sand.u32 $0x1, s1  }
0x8c: {  	s17 =	sshll.u32 s0, $0xA;
	s2 =	sadd.s32 s3, s2  }
0x8d: {  	s2 =	sadd.s32 s2, s17  }
0x8e: {  	[smem:$0x3FA3] =	sst s2  }
0x8f: {  	_ = 	snop  }
0x90: {  	s2 =	sld [smem:$0x3FD0];
	(tm) =	ssettm $0x1  }
0x91: {  	s18 =	sld [smem:$0x3FFB];
	_ =	sdelay $0x3  }
0x92: {  	_ =	strace s18  }
0x93: {  	s3 =	sld [smem:$0x3FFC];
	_ =	sdelay $0x3  }
0x94: {  	_ =	strace s3  }
0x95: {  	s3 =	sld [smem:$0x3FFD];
	_ =	sdelay $0x3  }
0x96: {  	_ =	strace s3  }
0x97: {  	_ =	strace $0x8FFFFFFF  }
0x98: {  	s19 =	sld [smem:$0x3FDB];
	_ =	sdelay $0x1  }
0x99: {  	s4 =	simm.s32 $_scs_section_size  }
0x9a: {  	s5 =	simm.s32 $_size__tile_overlayer_lowered;
	s6 =	simm.s32 $_tile_overlayer_lowered  }
0x9b: {  	s22 =	simm.s32 $0x1BFF;
	s21 =	sshll.u32 s6, $0x1;
	s3 =	sadd.s32 s4, s19  }
0x9c: {  	s7 =	simm.s32 $0x0;
	s20 =	sshll.u32 s5, $0x1;
	s5 =	sadd.s32 s21, s3  }
0x9d: {  	[timem:s7], [sflag:s22] =	dma.local [hbm:s5], s20  }
0x9e: {  	_ =	swait.ge [sflag:s22], s20  }
0x9f: {  	s4 =	ssub.s32 $0x0, s20;
	[sflag:s22] =	ssyncset.done $0x0  }
0xa0: {  	[sflag:s22] =	ssyncadd.s32 s4;
	_ =	sdelay $0x1  }
0xa1: {  	s23 =	simm.s32 $0x1B8B  }
0xa2: {  	_ =	swait.ge [sflag:s23], $0x1  }
0xa3: {  	[sflag:s23] =	ssyncset.done $0x0  }
0xa4: {  	s25 =	simm.s32 $0x1B8E;
	s24 =	sld [smem:$0x3FFE];
	[sflag:s23] =	ssyncadd.s32 $0xFFFFFFFF  }
0xa5: {  	s26 =	simm.s32 $execute0_lowered;
	[smem:$0x3FD2] =	sst s25  }
0xa6: {  	s5 =	sshll.u32 s26, $0x1;
	_ =	strace $0x80000049;
	[dreg:$0x1] =	wrdreg $0xFFFFFFFF  }
0xa7: {  	s28 =	simm.s32 $_size_execute0_lowered;
	s3 =	sadd.s32 s3, s5;
	[dreg:$0x0] =	wrdreg $0x0  }
0xa8: {  	s5 =	sshll.u32 s28, $0x1;
	[dreg:$0x2] =	wrdreg s3  }
0xa9: {  	[dreg:$0x3] =	wrdreg s5  }
0xaa: {  	[dreg:$0x4] =	wrdreg $0xC0  }
0xab: {  	_ =	task [dreg:s7], $0x5FFFF  }
0xac: {  	[dreg:$0x1] =	wrdreg $0xFFFFFFFF  }
0xad: {  	[dreg:$0x0] =	wrdreg $0x60  }
0xae: {  	[dreg:$0x2] =	wrdreg s2  }
0xaf: {  	[dreg:$0x3] =	wrdreg s24  }
0xb0: {  	[dreg:$0x4] =	wrdreg $0x6F000  }
0xb1: {  	[dreg:$0x5] =	wrdreg $0x96800  }
0xb2: {  	[dreg:$0x6] =	wrdreg $0x9  }
0xb3: {  	_ =	task.clear_ibuf [dreg:s7], $0x7FFFF;
	_ =	strace $0x90000049  }
0xb4: {  	s29 =	simm.s32 $0x9;
	_ =	strace $0x8000004B  }
0xb5: {  	_ =	swait.ge [sflag:s29], $0x1  }
0xb6: {  	[sflag:s29] =	ssyncadd.s32 $0xFFFFFFFF  }
0xb7: {  	_ =	strace $0x9000004B  }
0xb8: {  	_ =	sfence  }
0xb9: {  	s30 =	sld [smem:$0x0];
	_ =	sdelay $0x2  }
0xba: {  	s31 =	sshll.u32 s1, $0xD;
	s1 =	sshrl.u32 s1, $0x2  }
0xbb: {  	s3 =	sand.u32 $0x4000, s31;
	s1 =	sadd.s32 s1, s30  }
0xbc: {  	s0 =	sor.u32 s3, s0;
	s1 =	sshll.u32 s1, $0x11  }
0xbd: {  	s0 =	sor.u32 s1, s0  }
0xbe: {  	s0 =	sadd.s32 $0x8F2B, s0  }
0xbf: {  	[sflag:s0] =	ssyncadd.remote.s32 $0x1  }
0xc0: {  	_ =	sfence.sel $0xFFFF  }
0xc1: {  	[dreg:$0x0] =	wrdreg $0xFFFFFFFF;
	(pc) =	sbr.abs _section_cstart, $3  }
0xc2: {  	[dreg:$0x1] =	wrdreg $0xFFFFFFFF  }
0xc3: {  	_ =	task.clear_ibuf [dreg:s7], $0x2FFFF;
	_ =	strace $0x9FFFFFFF  }
0xc4: {  	(tm) =	ssettm $0x7FFFFFFF  }
0xc5: {  	_ =	shalt  }
tec
execute0_lowered:
.L_overlay_start_1:
0x0: {  	(tag) =	ssettag $0x1  }
0x1: {  	s6 =	rddreg [dreg:$0x0]  }
0x2: {  	s5 =	rddreg [dreg:$0x1]  }
0x3: {  	s2 =	rddreg [dreg:$0x2]  }
0x4: {  	s3 =	rddreg [dreg:$0x3]  }
0x5: {  	s4 =	simm.s32 $0x0;
	s0 =	stileid.u32;
	s7 =	srdreg.scid  }
0x6: {  	s16 =	simm.s32 $0x2780;
	s17 =	simm.s32 $0x80;
	s18 =	simm.s32 $0x4F00  }
0x7: {  	s19 =	simm.s32 $0x5700;
	s20 =	simm.s32 $0x1;
	s21 =	simm.s32 $0x2  }
0x8: {  	s22 =	simm.s32 $0x6;
	s23 =	simm.s32 $0x3;
	s24 =	simm.s32 $0x4  }
0x9: {  	s25 =	simm.s32 $0x5F00;
	s26 =	simm.s32 $0x0;
	s8 =	smul.u32 $0x2780, s0  }
0xa: {  	s7 =	sand.u32 $0x1, s7;
	s9 =	sshll.u32 s0, $0x1;
	[smem:$0x7FF] =	sst s4  }
0xb: {  	s31 =	sshll.u32 s0, $0x6;
	s11 =	sor.u32 s7, s9;
	s7 =	ssub.s32 $0x2, s7  }
0xc: {  	_ =	strace $0x8000004A;
	s30 =	sshrl.u32 s8, $0x3;
	s10 =	smul.u32 $0x4F0, s11  }
0xd: {  	s13 =	sshrl.u32 s7, $0x1;
	s14 =	sadd.s32 s8, s2;
	s11 =	smul.u32 $0x27800, s11  }
.Ltmp0:
0xe: {  	s15 =	sadd.s32 s8, s3;
	s12 =	sadd.s32 s30, s5;
	(pc) =	sbr.rel .LBB2_1-.Ltmp0, $4  }
0xf: {  	s13 =	ssub.s32 s7, s13;
	s6 =	sadd.s32 s6, s30;
	s7 =	sor.u32 $0x1C05, s31  }
0x10: {  	s15 =	sshrl.u32 s15, $0x3;
	s10 =	sadd.s32 s10, s5;
	s5 =	sadd.s32 $0xD3200, s5  }
0x11: {  	s8 =	sadd.s32 $0xC4400, s12;
	s12 =	smax.u32 s13, $0x1;
	s13 =	sshrl.u32 s14, $0x3  }
0x12: {  	s14 =	simm.s32 $0x5;
	s9 =	sadd.s32 $0xA6A00, s10;
	s10 =	sadd.s32 $0xC9400, s10  }
.LBB2_9:
0x13: {  	s26 =	sadd.s32 $0x1, s26  }
0x14: {  	p0 =	sne.s32 s26, s12  }
.Ltmp1:
0x15: {  	_ = 	snop;
	(pc) =	sbr.rel @!p0 .LBB2_10-.Ltmp1, $1  }
0x16: {  	_ =	sdelay $0x3  }
.LBB2_1:
0x17: {  	[spmem:s13], [sflag:s7] =	dma.local [hbm:s6], $0x4F0  }
0x18: {  	_ =	swait.ge [sflag:s14], $0x4F0  }
0x19: {  	[sflag:s14] =	ssyncset.done $0x0  }
0x1a: {  	[sflag:s14] =	ssyncadd.s32 $0xFFFFFB10  }
0x1b: {  	[spmem:s15], [sflag:s7] =	dma.local [hbm:s8], $0x4F0  }
0x1c: {  	_ =	swait.ge [sflag:s14], $0x4F0  }
0x1d: {  	[sflag:s14] =	ssyncset.done $0x0  }
0x1e: {  	[sflag:s14] =	ssyncadd.s32 $0xFFFFFB10  }
0x1f: {  	[tilespmem:s4], [sflag:$0x5] =	stream.linear.gather [hbm4b:s9+s4], $0x2780, $0x38;
	[tilespmem:$0xBE00] =	vst v63  }
0x20: {  	_ =	swait.ge [sflag:s14], $0x2780  }
0x21: {  	[sflag:s14] =	ssyncset.done $0x0  }
0x22: {  	[sflag:s14] =	ssyncadd.s32 $0xFFFFD880  }
0x23: {  	[tilespmem:s16], [sflag:$0x5] =	stream.linear.gather [hbm4b:s10+s4], $0x2780, $0x38;
	[tilespmem:$0xBE00] =	vst v63  }
0x24: {  	_ =	swait.ge [sflag:s14], $0x2780  }
0x25: {  	[sflag:s14] =	ssyncset.done $0x0  }
.Ltmp2:
0x26: {  	[sflag:s14] =	ssyncadd.s32 $0xFFFFD880;
	(pc) =	sbr.rel .LBB2_2-.Ltmp2, $4  }
0x27: {  	[bflag:$0x0] =	sbarrier.arrive $0xFFFF  }
0x28: {  	[tilespmem:s18], [sflag:$0x1] =	stream.indirect.gather [spmem:s2], $0x10, s4, s17, $0xb8;
	[tilespmem:$0xBE00] =	vst v63  }
0x29: {  	s28 =	simm.s32 $0x0  }
0x2a: {  	[tilespmem:s19], [sflag:$0x2] =	stream.indirect.gather [spmem:s3], $0x10, s16, s17, $0xb8;
	[tilespmem:$0xBE00] =	vst v63  }
.LBB2_8:
0x2b: {  	s28 =	sadd.s32 $0x1, s28  }
0x2c: {  	p0 =	sne.s32 s28, $0x28  }
.Ltmp3:
0x2d: {  	_ = 	snop;
	(pc) =	sbr.rel @!p0 .LBB2_9-.Ltmp3, $1  }
0x2e: {  	_ =	sdelay $0x3  }
.LBB2_2:
0x2f: {  	s29 =	sshllo.u32 s28, $0x1  }
0x30: {  	p0 =	sgt.u32 s29, $0x4E  }
0x31: {  	s30 =	sshll.u32 @!p0 s29, $0x7;
	s31 =	simm.s32 @!p0 $0x80;
	s0 =	simm.s32 @!p0 $0x5F00  }
0x32: {  	[tilespmem:s0], [sflag:$0x3] =	stream.indirect.gather @!p0 [spmem:s2], $0x10, s30, s31, $0xb8;
	[tilespmem:$0xBE00] =	vst v63  }
0x33: {  	s0 =	sadd.s32 @!p0 $0x2780, s30;
	s30 =	simm.s32 @!p0 $0x6700  }
0x34: {  	[tilespmem:s30], [sflag:$0x4] =	stream.indirect.gather @!p0 [spmem:s3], $0x10, s0, s31, $0xb8;
	[tilespmem:$0xBE00] =	vst v63  }
0x35: {  	_ =	swait.ge [sflag:s20], $0x800  }
0x36: {  	[sflag:s20] =	ssyncset.done $0x0  }
0x37: {  	[sflag:s20] =	ssyncadd.s32 $0xFFFFF800  }
0x38: {  	_ =	swait.ge [sflag:s21], $0x800  }
0x39: {  	[sflag:s21] =	ssyncset.done $0x0  }
0x3a: {  	s30 =	simm.s32 $0x0;
	[sflag:s21] =	ssyncadd.s32 $0xFFFFF800  }
0x3b: {  	s31 =	simm.s32 $0x40;
	v0 =	vld [tilespmem:s30+$0x5700]  }
.LBB2_3:
0x3c: {  	p1 =	sne.s32 s31, $0x1FC0;
	v1 =	vld [tilespmem:s30+$0x4F00];
	_ =	sdelay $0x3  }
.Ltmp4:
0x3d: {  	(pc) =	sbr.rel @p1 .LBB2_3-.Ltmp4, $3  }
0x3e: {  	v0 =	vadd.f32 v0, v1;
	_ =	sdelay $0x1  }
0x3f: {  	s0 =	sshra.s32 s31, $0x2;
	v1 =	vmax.f32 v0, $0.0e+00  }
0x40: {  	s31 =	sadd.s32 $0x40, s31;
	v0 =	vld [tilespmem:s0+$0x5700];
	[tilespmem:s30+$0x4F00] =	vst v1;
	s30 =	smov.u32 s0  }
0x41: {  	v1 =	vld [tilespmem:s30+$0x4F00];
	_ =	sdelay $0x4  }
0x42: {  	s0 =	sshll.u32 s28, $0xC;
	v0 =	vadd.f32 v0, v1  }
0x43: {  	s0 =	sadd.s32 s11, s0  }
0x44: {  	s0 =	sshrl.u32 s0, $0x3;
	v0 =	vmax.f32 v0, $0.0e+00  }
0x45: {  	p1 =	seq.s32 s28, $0x27;
	s0 =	sadd.s32 s5, s0;
	[tilespmem:s30+$0x4F00] =	vst v0  }
0x46: {  	[hbm4b:s0+s4] =	stream.linear.scatter [tilespmem:s18], [sflag:$0x6], $0x800, $0x38;
	[tilespmem:$0xBE00] =	vst v63  }
0x47: {  	s31 =	simm.s32 @!p1 $0x80;
	_ =	swait.ge [sflag:s22], $0x800  }
.Ltmp5:
0x48: {  	s0 =	sshll.u32 @!p1 s28, $0x8;
	[sflag:s22] =	ssyncset.done $0x0;
	(pc) =	sbr.rel @p0 .LBB2_8-.Ltmp5, $4  }
0x49: {  	s1 =	simm.s32 @!p1 $0x4F00;
	s30 =	sadd.s32 @!p1 $0x100, s0;
	[sflag:s22] =	ssyncadd.s32 $0xFFFFF800  }
0x4a: {  	[tilespmem:s1], [sflag:$0x1] =	stream.indirect.gather @!p1 [spmem:s2], $0x10, s30, s31, $0xb8;
	[tilespmem:$0xBE00] =	vst v63  }
0x4b: {  	s0 =	sadd.s32 @!p1 $0x2880, s0;
	s1 =	simm.s32 @!p1 $0x5700  }
0x4c: {  	[tilespmem:s1], [sflag:$0x2] =	stream.indirect.gather @!p1 [spmem:s3], $0x10, s0, s31, $0xb8;
	[tilespmem:$0xBE00] =	vst v63  }
0x4d: {  	_ =	swait.ge [sflag:s23], $0x800  }
0x4e: {  	[sflag:s23] =	ssyncset.done $0x0  }
0x4f: {  	[sflag:s23] =	ssyncadd.s32 $0xFFFFF800  }
0x50: {  	_ =	swait.ge [sflag:s24], $0x800  }
0x51: {  	[sflag:s24] =	ssyncset.done $0x0  }
0x52: {  	s30 =	simm.s32 $0x0;
	[sflag:s24] =	ssyncadd.s32 $0xFFFFF800  }
0x53: {  	s31 =	simm.s32 $0x40;
	v0 =	vld [tilespmem:s30+$0x6700]  }
.LBB2_6:
0x54: {  	p0 =	sne.s32 s31, $0x1FC0;
	v1 =	vld [tilespmem:s30+$0x5F00];
	_ =	sdelay $0x3  }
.Ltmp6:
0x55: {  	(pc) =	sbr.rel @p0 .LBB2_6-.Ltmp6, $3  }
0x56: {  	v0 =	vadd.f32 v0, v1;
	_ =	sdelay $0x1  }
0x57: {  	s0 =	sshra.s32 s31, $0x2;
	v1 =	vmax.f32 v0, $0.0e+00  }
0x58: {  	s31 =	sadd.s32 $0x40, s31;
	v0 =	vld [tilespmem:s0+$0x6700];
	[tilespmem:s30+$0x5F00] =	vst v1;
	s30 =	smov.u32 s0  }
0x59: {  	v1 =	vld [tilespmem:s30+$0x5F00];
	_ =	sdelay $0x4  }
0x5a: {  	s0 =	sshll.u32 s29, $0xB;
	v0 =	vadd.f32 v0, v1  }
0x5b: {  	s0 =	sadd.s32 s11, s0  }
0x5c: {  	s0 =	sshrl.u32 s0, $0x3;
	v0 =	vmax.f32 v0, $0.0e+00  }
.Ltmp7:
0x5d: {  	s0 =	sadd.s32 s5, s0;
	[tilespmem:s30+$0x5F00] =	vst v0;
	(pc) =	sbr.rel .LBB2_8-.Ltmp7, $4  }
0x5e: {  	[hbm4b:s0+s4] =	stream.linear.scatter [tilespmem:s25], [sflag:$0x5], $0x800, $0x38;
	[tilespmem:$0xBE00] =	vst v63  }
0x5f: {  	_ =	swait.ge [sflag:s14], $0x800  }
0x60: {  	[sflag:s14] =	ssyncset.done $0x0  }
0x61: {  	[sflag:s14] =	ssyncadd.s32 $0xFFFFF800  }
.LBB2_10:
0x62: {  	_ =	sfence.sel $0x180000  }
0x63: {  	[bflag:$0x0] =	sbarrier.arrive $0xFFFF  }
0x64: {  	_ =	strace $0x9000004A  }
0x65: {  	s0 =	stileid.u32;
	[bflag:$0x2] =	sbarrier.arrive $0xFFFF  }
0x66: {  	p0 =	sne.s32 s0, $0x0;
	s0 =	rddreg [dreg:$0x4]  }
0x67: {  	s0 =	sadd.s32 @!p0 $0x100000, s0  }
0x68: {  	[sflag:s0] =	ssyncadd.tile.s32 @!p0 $0x1;
	_ =	shalt  }
.Lfunc_end2:
_tile_overlayer_lowered:
.L_overlay_start_2:
0x69: {  	(tag) =	ssettag $0x2  }
0x6a: {  	s0 =	rddreg [dreg:$0x0];
	s2 =	stileid.u32  }
0x6b: {  	s1 =	rddreg [dreg:$0x1];
	p0 =	sne.s32 s2, $0x0  }
0x6c: {  	s3 =	rddreg [dreg:$0x2];
	[bflag:$0x3] =	sbarrier.arrive $0xFFFF;
	s2 =	simm.s32 @!p0 $0x1C05  }
0x6d: {  	[timem:s3], [sflag:s2] =	dma.local @!p0 [hbm:s0], s1  }
0x6e: {  	s0 =	simm.s32 @!p0 $0x5  }
0x6f: {  	_ =	swait.ge @!p0 [sflag:s0], s1  }
0x70: {  	s1 =	ssub.s32 @!p0 $0x0, s1;
	[sflag:s0] =	ssyncset.done @!p0 $0x0  }
0x71: {  	[sflag:s0] =	ssyncadd.s32 @!p0 s1  }
0x72: {  	[bflag:$0x3] =	sbarrier.arrive $0xFFFF  }
0x73: {  	_ =	shalt  }

// kernel: kernel.22.cloned.1.call-start
scs
__scs_entry_jumppad:
0x0: {  	(pc) =	sbr.rel $0x88, $3  }
0x1: {  	(tag) =	ssettag $0x0;
	lr =	simm.s32 $0x1  }
0x2: {  	[smem:$0x3F7C] =	sst lr;
	_ =	strace $0xD0000000  }
0x3: {  	_ = 	snop  }
0x4: {  	_ = 	snop  }
0x5: {  	_ = 	snop  }
0x6: {  	_ = 	snop  }
0x7: {  	_ = 	snop  }
__scs_overlays_trampoline_lowered:
0x8: {  	[smem:$0x3F8B] =	sst s0  }
0x9: {  	[smem:$0x3F8C] =	sst s1  }
0xa: {  	[smem:$0x3F8D] =	sst s2  }
0xb: {  	[smem:$0x3F8E] =	sst s3  }
0xc: {  	[smem:$0x3F8F] =	sst s4  }
0xd: {  	[smem:$0x3F90] =	sst s5  }
0xe: {  	[smem:$0x3F91] =	sst s6  }
0xf: {  	[smem:$0x3F92] =	sst s7  }
0x10: {  	[smem:$0x3F93] =	sst s8  }
0x11: {  	[smem:$0x3F94] =	sst s9;
	s0 =	simm.s32 @!p0 $0x0  }
0x12: {  	s1 =	sld [smem:$0x3F7A];
	s0 =	simm.s32 @p0 $0x1  }
0x13: {  	[smem:$0x3F95] =	sst s0;
	s0 =	simm.s32 @!p1 $0x0  }
0x14: {  	s2 =	sld [smem:$0x3F79];
	s0 =	simm.s32 @p1 $0x1  }
0x15: {  	[smem:$0x3F96] =	sst s0;
	s0 =	simm.s32 @!p2 $0x0  }
0x16: {  	s3 =	sld [smem:$0x3FDB];
	s0 =	simm.s32 @p2 $0x1  }
0x17: {  	s4 =	simm.s32 $0x1BF5;
	[smem:$0x3F98] =	sst s0  }
0x18: {  	s0 =	sld [smem:$0x3F7B];
	_ =	swait.ge [sflag:s4], $0x0  }
0x19: {  	s7 =	sld [smem:$0x3F7C]  }
0x1a: {  	s8 =	sadd.s32 $0xFFFFE003, lr  }
0x1b: {  	s9 =	sadd.s32 $0xFFFFFEF7, lr;
	s5 =	simm.s32 $0xFFFFFFFF;
	p2 =	slt.u32 s8, $0xFFFFF086  }
0x1c: {  	p1 =	slt.u32 s9, $0xF7A;
	s5 =	simm.s32 @!p2 $0x0  }
0x1d: {  	s5 =	simm.s32 @p1 $0x1;
	p0 =	seq.s32 s7, s2  }
0x1e: {  	s7 =	smul.u32 @!p0 $0xF7A, s2;
	p2 =	seq.s32 @!p0 s5, $0x0  }
0x1f: {  	s9 =	smul.u32 $0xF7A, s1;
	s8 =	simm.s32 @!p0 $0x1BF5;
	p2 =	por !p2, p0  }
0x20: {  	[sflag:s8] =	ssyncset.s32 @!p0 $0xFFFFF086;
	s6 =	sadd.s32 @!p0 s3, s7;
	s7 =	simm.s32 @!p0 $0x108  }
0x21: {  	s3 =	sadd.s32 s3, s9;
	s6 =	sadd.s32 @!p0 $0x88, s6;
	s7 =	simm.s32 @p2 $0x1082  }
0x22: {  	[simem:s7], [sflag:s8] =	dma.local @!p0 [hbm:s6], $0xF7A  }
0x23: {  	s9 =	sor.u32 $0xD0000000, s2;
	s6 =	simm.s32 $0x108;
	_ =	swait.ge @!p0 [sflag:s8], $0x0  }
0x24: {  	s3 =	sadd.s32 $0x88, s3;
	s6 =	simm.s32 @!p1 $0x1082;
	[sflag:s4] =	ssyncset.s32 $0xFFFFF086  }
0x25: {  	[simem:s6], [sflag:s4] =	dma.local [hbm:s3], $0xF7A  }
0x26: {  	[smem:$0x3F7C] =	sst s1;
	(tag) =	ssettag s2;
	_ =	strace s9  }
0x27: {  	s1 =	sld [smem:$0x3F8C]  }
0x28: {  	s2 =	sld [smem:$0x3F8D]  }
0x29: {  	s4 =	sld [smem:$0x3F8F]  }
0x2a: {  	p0 =	seq.s32 s5, $0x0;
	s5 =	sld [smem:$0x3F90]  }
0x2b: {  	s6 =	sld [smem:$0x3F91]  }
0x2c: {  	s7 =	sld [smem:$0x3F92]  }
0x2d: {  	s3 =	simm.s32 $0x108;
	s8 =	sld [smem:$0x3F93]  }
0x2e: {  	s3 =	simm.s32 @!p0 $0x1082;
	s9 =	sld [smem:$0x3F94]  }
0x2f: {  	lr =	sadd.s32 s0, s3;
	s0 =	sld [smem:$0x3F8B]  }
0x30: {  	s3 =	sld [smem:$0x3F8E]  }
0x31: {  	[smem:$0x3F97] =	sst s10  }
0x32: {  	s10 =	sld [smem:$0x3F95];
	_ =	sdelay $0x3  }
0x33: {  	p0 =	seq.s32 s10, $0x1;
	s10 =	sld [smem:$0x3F97];
	_ =	sdelay $0x3  }
0x34: {  	[smem:$0x3F97] =	sst s10  }
0x35: {  	s10 =	sld [smem:$0x3F96];
	_ =	sdelay $0x3  }
0x36: {  	p1 =	seq.s32 s10, $0x1;
	s10 =	sld [smem:$0x3F97];
	_ =	sdelay $0x3  }
0x37: {  	[smem:$0x3F97] =	sst s10  }
0x38: {  	s10 =	sld [smem:$0x3F98]  }
0x39: {  	_ = 	snop;
	(pc) =	sbr.ind lr, $3  }
0x3a: {  	_ = 	snop  }
0x3b: {  	_ = 	snop  }
0x3c: {  	p2 =	seq.s32 s10, $0x1;
	s10 =	sld [smem:$0x3F97]  }
0x3d: {  	_ =	shalt  }
0x3e: {  	_ =	shalt  }
0x3f: {  	_ =	shalt  }
0x40: {  	_ =	shalt  }
0x41: {  	_ =	shalt  }
0x42: {  	_ =	shalt  }
0x43: {  	_ =	shalt  }
0x44: {  	_ =	shalt  }
0x45: {  	_ =	shalt  }
0x46: {  	_ =	shalt  }
0x47: {  	_ =	shalt  }
0x48: {  	_ =	shalt  }
0x49: {  	_ =	shalt  }
0x4a: {  	_ =	shalt  }
0x4b: {  	_ =	shalt  }
0x4c: {  	_ =	shalt  }
0x4d: {  	_ =	shalt  }
0x4e: {  	_ =	shalt  }
0x4f: {  	_ =	shalt  }
0x50: {  	_ =	shalt  }
0x51: {  	_ =	shalt  }
0x52: {  	_ =	shalt  }
0x53: {  	_ =	shalt  }
0x54: {  	_ =	shalt  }
0x55: {  	_ =	shalt  }
0x56: {  	_ =	shalt  }
0x57: {  	_ =	shalt  }
0x58: {  	_ =	shalt  }
0x59: {  	_ =	shalt  }
0x5a: {  	_ =	shalt  }
0x5b: {  	_ =	shalt  }
0x5c: {  	_ =	shalt  }
0x5d: {  	_ =	shalt  }
0x5e: {  	_ =	shalt  }
0x5f: {  	_ =	shalt  }
0x60: {  	_ =	shalt  }
0x61: {  	_ =	shalt  }
0x62: {  	_ =	shalt  }
0x63: {  	_ =	shalt  }
0x64: {  	_ =	shalt  }
0x65: {  	_ =	shalt  }
0x66: {  	_ =	shalt  }
0x67: {  	_ =	shalt  }
0x68: {  	_ =	shalt  }
0x69: {  	_ =	shalt  }
0x6a: {  	_ =	shalt  }
0x6b: {  	_ =	shalt  }
0x6c: {  	_ =	shalt  }
0x6d: {  	_ =	shalt  }
0x6e: {  	_ =	shalt  }
0x6f: {  	_ =	shalt  }
0x70: {  	_ =	shalt  }
0x71: {  	_ =	shalt  }
0x72: {  	_ =	shalt  }
0x73: {  	_ =	shalt  }
0x74: {  	_ =	shalt  }
0x75: {  	_ =	shalt  }
0x76: {  	_ =	shalt  }
0x77: {  	_ =	shalt  }
0x78: {  	_ =	shalt  }
0x79: {  	_ =	shalt  }
0x7a: {  	_ =	shalt  }
0x7b: {  	_ =	shalt  }
0x7c: {  	_ =	shalt  }
0x7d: {  	_ =	shalt  }
0x7e: {  	_ =	shalt  }
0x7f: {  	_ =	shalt  }
0x80: {  	_ =	shalt  }
0x81: {  	_ =	shalt  }
0x82: {  	_ =	shalt  }
0x83: {  	_ =	shalt  }
0x84: {  	_ =	shalt  }
0x85: {  	_ =	shalt  }
0x86: {  	_ =	shalt  }
0x87: {  	_ =	shalt  }
.Lfunc_end0:
.L_simem_size_0:
called_computation.2_lowered:
.L_overlay_start_0:
0x88: {  	s2 =	sld [smem:$0x3FD9]  }
0x89: {  	s3 =	sld [smem:$0x3FFE];
	_ =	sdelay $0x1  }
0x8a: {  	s1 =	srdreg.scid  }
0x8b: {  	s0 =	sand.u32 $0x1, s1  }
0x8c: {  	s16 =	sshll.u32 s0, $0xA;
	s2 =	sadd.s32 s3, s2  }
0x8d: {  	s2 =	sadd.s32 s2, s16  }
0x8e: {  	[smem:$0x3FA3] =	sst s2  }
0x8f: {  	_ = 	snop  }
0x90: {  	(tm) =	ssettm $0x1  }
0x91: {  	s17 =	sld [smem:$0x3FFB];
	_ =	sdelay $0x3  }
0x92: {  	_ =	strace s17  }
0x93: {  	s2 =	sld [smem:$0x3FFC];
	_ =	sdelay $0x3  }
0x94: {  	_ =	strace s2  }
0x95: {  	s2 =	sld [smem:$0x3FFD];
	_ =	sdelay $0x3  }
0x96: {  	_ =	strace s2  }
0x97: {  	_ =	strace $0x8FFFFFFF  }
0x98: {  	s18 =	sld [smem:$0x3FDB];
	_ =	sdelay $0x1  }
0x99: {  	s19 =	simm.s32 $_scs_section_size  }
0x9a: {  	s4 =	simm.s32 $_size__tile_overlayer_lowered;
	s5 =	simm.s32 $_tile_overlayer_lowered  }
0x9b: {  	s22 =	simm.s32 $0x1BFF;
	s21 =	sshll.u32 s5, $0x1;
	s2 =	sadd.s32 s19, s18  }
0x9c: {  	s6 =	simm.s32 $0x0;
	s20 =	sshll.u32 s4, $0x1;
	s4 =	sadd.s32 s21, s2  }
0x9d: {  	[timem:s6], [sflag:s22] =	dma.local [hbm:s4], s20  }
0x9e: {  	_ =	swait.ge [sflag:s22], s20  }
0x9f: {  	s3 =	ssub.s32 $0x0, s20;
	[sflag:s22] =	ssyncset.done $0x0  }
0xa0: {  	[sflag:s22] =	ssyncadd.s32 s3;
	_ =	sdelay $0x1  }
0xa1: {  	s23 =	simm.s32 $0x1B8B  }
0xa2: {  	_ =	swait.ge [sflag:s23], $0x1  }
0xa3: {  	[sflag:s23] =	ssyncset.done $0x0  }
0xa4: {  	s25 =	simm.s32 $0x1B8E;
	s24 =	sld [smem:$0x3FFE];
	[sflag:s23] =	ssyncadd.s32 $0xFFFFFFFF  }
0xa5: {  	s26 =	simm.s32 $execute0_lowered;
	[smem:$0x3FD2] =	sst s25  }
0xa6: {  	s4 =	sshll.u32 s26, $0x1;
	_ =	strace $0x8000004C;
	[dreg:$0x1] =	wrdreg $0xFFFFFFFF  }
0xa7: {  	s28 =	simm.s32 $_size_execute0_lowered;
	s2 =	sadd.s32 s2, s4;
	[dreg:$0x0] =	wrdreg $0x0  }
0xa8: {  	s4 =	sshll.u32 s28, $0x1;
	[dreg:$0x2] =	wrdreg s2  }
0xa9: {  	[dreg:$0x3] =	wrdreg s4  }
0xaa: {  	[dreg:$0x4] =	wrdreg $0xC0  }
0xab: {  	_ =	task [dreg:s6], $0x5FFFF  }
0xac: {  	[dreg:$0x1] =	wrdreg $0xFFFFFFFF  }
0xad: {  	[dreg:$0x0] =	wrdreg $0x60  }
0xae: {  	[dreg:$0x2] =	wrdreg s24  }
0xaf: {  	[dreg:$0x3] =	wrdreg $0x90000  }
0xb0: {  	[dreg:$0x4] =	wrdreg $0x9  }
0xb1: {  	_ =	task.clear_ibuf [dreg:s6], $0x5FFFF;
	_ =	strace $0x9000004C  }
0xb2: {  	s29 =	simm.s32 $0x9;
	_ =	strace $0x8000004E  }
0xb3: {  	_ =	swait.ge [sflag:s29], $0x1  }
0xb4: {  	[sflag:s29] =	ssyncadd.s32 $0xFFFFFFFF  }
0xb5: {  	_ =	strace $0x9000004E  }
0xb6: {  	_ =	sfence  }
0xb7: {  	s30 =	sld [smem:$0x0];
	_ =	sdelay $0x2  }
0xb8: {  	s31 =	sshll.u32 s1, $0xD;
	s1 =	sshrl.u32 s1, $0x2  }
0xb9: {  	s3 =	sand.u32 $0x4000, s31;
	s1 =	sadd.s32 s1, s30  }
0xba: {  	s0 =	sor.u32 s3, s0;
	s1 =	sshll.u32 s1, $0x11  }
0xbb: {  	s0 =	sor.u32 s1, s0  }
0xbc: {  	s0 =	sadd.s32 $0x8F2B, s0  }
0xbd: {  	[sflag:s0] =	ssyncadd.remote.s32 $0x1  }
0xbe: {  	_ =	sfence.sel $0xFFFF  }
0xbf: {  	[dreg:$0x0] =	wrdreg $0xFFFFFFFF;
	(pc) =	sbr.abs _section_cstart, $3  }
0xc0: {  	[dreg:$0x1] =	wrdreg $0xFFFFFFFF  }
0xc1: {  	_ =	task.clear_ibuf [dreg:s6], $0x2FFFF;
	_ =	strace $0x9FFFFFFF  }
0xc2: {  	(tm) =	ssettm $0x7FFFFFFF  }
0xc3: {  	_ =	shalt  }
tec
execute0_lowered:
.L_overlay_start_1:
0x0: {  	(tag) =	ssettag $0x1  }
0x1: {  	s1 =	srdreg.scid;
	s6 =	rddreg [dreg:$0x0]  }
0x2: {  	s0 =	stileid.u32;
	s2 =	rddreg [dreg:$0x1];
	s3 =	simm.s32 $0x0  }
0x3: {  	s13 =	simm.s32 $0x2780;
	s14 =	simm.s32 $0x80;
	s15 =	simm.s32 $0x5000  }
0x4: {  	s16 =	simm.s32 $0x7000;
	s17 =	simm.s32 $0x1;
	s18 =	simm.s32 $0x4F00  }
0x5: {  	s19 =	simm.s32 $0x4;
	s20 =	simm.s32 $0x2;
	s21 =	simm.s32 $0x4F80  }
0x6: {  	s22 =	simm.s32 $0x0;
	s5 =	sand.u32 $0x1, s1;
	s8 =	smul.u32 $0xA000, s0  }
0x7: {  	s26 =	sshll.u32 s0, $0x1;
	s9 =	smul.u32 $0x1400, s0;
	[smem:$0x7FF] =	sst s3  }
0x8: {  	s4 =	sadd.s32 $0xD3200, s6;
	s1 =	sor.u32 s5, s26;
	s10 =	smul.u32 $0x14000, s5  }
0x9: {  	s31 =	sshll.u32 s0, $0x6;
	s5 =	ssub.s32 $0x2, s5;
	s7 =	smul.u32 $0x4F0, s1  }
0xa: {  	s1 =	rddreg [dreg:$0x2];
	_ =	strace $0x8000004D;
	s28 =	sshrl.u32 s8, $0x3  }
0xb: {  	s29 =	sshrl.u32 s5, $0x1;
	s12 =	sadd.s32 s8, s2;
	s9 =	sadd.s32 s9, s10  }
0xc: {  	s30 =	ssub.s32 s5, s29;
	s11 =	sadd.s32 s7, s6;
	s7 =	sadd.s32 s28, s6  }
0xd: {  	s9 =	sadd.s32 s9, s6;
	s6 =	sor.u32 $0x1C03, s31;
	s10 =	smax.u32 s30, $0x1  }
0xe: {  	s5 =	sadd.s32 $0x2FC00, s7;
	s7 =	sadd.s32 $0xB0800, s11;
	s8 =	sadd.s32 $0xBA600, s11  }
0xf: {  	s9 =	sadd.s32 $0x43C00, s9;
	s11 =	sshrl.u32 s12, $0x3;
	s12 =	simm.s32 $0x3  }
.LBB2_1:
0x10: {  	[spmem:s11], [sflag:s6] =	dma.local [hbm:s5], $0x1400  }
0x11: {  	_ =	swait.ge [sflag:s12], $0x1400  }
0x12: {  	[sflag:s12] =	ssyncset.done $0x0  }
0x13: {  	[sflag:s12] =	ssyncadd.s32 $0xFFFFEC00  }
0x14: {  	[bflag:$0x0] =	sbarrier.arrive $0xFFFF  }
0x15: {  	[tilespmem:s3], [sflag:$0x3] =	stream.linear.gather [hbm4b:s7+s3], $0x2780, $0x38;
	[tilespmem:$0x13000] =	vst v63  }
0x16: {  	_ =	swait.ge [sflag:s12], $0x2780  }
0x17: {  	[sflag:s12] =	ssyncset.done $0x0  }
0x18: {  	[sflag:s12] =	ssyncadd.s32 $0xFFFFD880  }
0x19: {  	[tilespmem:s13], [sflag:$0x3] =	stream.linear.gather [hbm4b:s8+s3], $0x2780, $0x38;
	[tilespmem:$0x13000] =	vst v63  }
0x1a: {  	_ =	swait.ge [sflag:s12], $0x2780  }
0x1b: {  	[sflag:s12] =	ssyncset.done $0x0  }
0x1c: {  	[sflag:s12] =	ssyncadd.s32 $0xFFFFD880  }
0x1d: {  	[tilespmem:s15], [sflag:$0x1] =	stream.indirect.gather [hbm4b:s4+s14], $0x40, s13, s14, $0xb8;
	[tilespmem:$0x13000] =	vst v63  }
0x1e: {  	s23 =	simm.s32 $0x2800  }
0x1f: {  	[tilespmem:s16], [sflag:$0x2] =	stream.indirect.gather [hbm4b:s4+s14], $0x40, s23, s14, $0xb8;
	[tilespmem:$0x13000] =	vst v63  }
0x20: {  	_ =	swait.ge [sflag:s17], $0x2000  }
0x21: {  	[sflag:s17] =	ssyncset.done $0x0  }
0x22: {  	s31 =	simm.s32 $0x0;
	[sflag:s17] =	ssyncadd.s32 $0xFFFFE000  }
0x23: {  	v0 =	vld [tilespmem:s31+$0x0];
	_ =	sdelay $0x4  }
0x24: {  	[tilespmem:$0x4F00] =	vst v0  }
0x25: {  	v0 =	vld [tilespmem:s31+$0x10];
	_ =	sdelay $0x4  }
0x26: {  	[tilespmem:$0x4F10] =	vst v0  }
0x27: {  	v0 =	vld [tilespmem:s31+$0x20];
	_ =	sdelay $0x4  }
0x28: {  	[tilespmem:$0x4F20] =	vst v0  }
0x29: {  	v0 =	vld [tilespmem:s31+$0x30];
	_ =	sdelay $0x4  }
0x2a: {  	[tilespmem:$0x4F30] =	vst v0  }
0x2b: {  	v0 =	vld [tilespmem:s31+$0x40];
	_ =	sdelay $0x4  }
0x2c: {  	[tilespmem:$0x4F40] =	vst v0  }
0x2d: {  	v0 =	vld [tilespmem:s31+$0x50];
	_ =	sdelay $0x4  }
0x2e: {  	[tilespmem:$0x4F50] =	vst v0  }
0x2f: {  	v0 =	vld [tilespmem:s31+$0x60];
	_ =	sdelay $0x4  }
0x30: {  	[tilespmem:$0x4F60] =	vst v0  }
0x31: {  	v0 =	vld [tilespmem:s31+$0x70];
	_ =	sdelay $0x4  }
0x32: {  	[tilespmem:$0x4F70] =	vst v0  }
0x33: {  	[spmem:s2] =	stream.indirect.scatter.add.f32 [tilespmem:s15], [sflag:$0x4], $0x40, s18, s14, $0xb8;
	[tilespmem:$0x13000] =	vst v63  }
0x34: {  	_ =	swait.ge [sflag:s19], $0x2000  }
0x35: {  	[sflag:s19] =	ssyncset.done $0x0  }
0x36: {  	s24 =	simm.s32 $0x2880;
	[sflag:s19] =	ssyncadd.s32 $0xFFFFE000  }
0x37: {  	[tilespmem:s15], [sflag:$0x1] =	stream.indirect.gather [hbm4b:s4+s14], $0x40, s24, s14, $0xb8;
	[tilespmem:$0x13000] =	vst v63  }
0x38: {  	_ =	swait.ge [sflag:s20], $0x2000  }
0x39: {  	[sflag:s20] =	ssyncset.done $0x0  }
0x3a: {  	[sflag:s20] =	ssyncadd.s32 $0xFFFFE000  }
0x3b: {  	v63 =	vld [tilespmem:s31+$0x80];
	_ =	sdelay $0x4  }
0x3c: {  	[tilespmem:$0x4F80] =	vst v63  }
0x3d: {  	v0 =	vld [tilespmem:s31+$0x90];
	_ =	sdelay $0x4  }
0x3e: {  	[tilespmem:$0x4F90] =	vst v0  }
0x3f: {  	v0 =	vld [tilespmem:s31+$0xA0];
	_ =	sdelay $0x4  }
0x40: {  	[tilespmem:$0x4FA0] =	vst v0  }
0x41: {  	v0 =	vld [tilespmem:s31+$0xB0];
	_ =	sdelay $0x4  }
0x42: {  	[tilespmem:$0x4FB0] =	vst v0  }
0x43: {  	v0 =	vld [tilespmem:s31+$0xC0];
	_ =	sdelay $0x4  }
0x44: {  	[tilespmem:$0x4FC0] =	vst v0  }
0x45: {  	v0 =	vld [tilespmem:s31+$0xD0];
	_ =	sdelay $0x4  }
0x46: {  	[tilespmem:$0x4FD0] =	vst v0  }
0x47: {  	v0 =	vld [tilespmem:s31+$0xE0];
	_ =	sdelay $0x4  }
0x48: {  	[tilespmem:$0x4FE0] =	vst v0  }
0x49: {  	v0 =	vld [tilespmem:s31+$0xF0];
	_ =	sdelay $0x4  }
0x4a: {  	[tilespmem:$0x4FF0] =	vst v0  }
0x4b: {  	[spmem:s2] =	stream.indirect.scatter.add.f32 [tilespmem:s16], [sflag:$0x3], $0x40, s21, s14, $0xb8;
	[tilespmem:$0x13000] =	vst v63  }
0x4c: {  	_ =	swait.ge [sflag:s12], $0x2000  }
0x4d: {  	s26 =	simm.s32 $0x800;
	s23 =	simm.s32 $0x100;
	[sflag:s12] =	ssyncset.done $0x0  }
.LBB2_2:
0x4e: {  	s28 =	sadd.s32 $0x2800, s23  }
0x4f: {  	[sflag:s12] =	ssyncadd.s32 $0xFFFFE000;
	s25 =	smov.u32 s26;
	s24 =	sadd.s32 $0x400, s26  }
0x50: {  	[tilespmem:s16], [sflag:$0x2] =	stream.indirect.gather [hbm4b:s4+s14], $0x40, s28, s14, $0xb8;
	[tilespmem:$0x13000] =	vst v63  }
0x51: {  	p0 =	sne.s32 s26, $0x9800;
	_ =	swait.ge [sflag:s17], $0x2000  }
0x52: {  	[sflag:s17] =	ssyncset.done $0x0  }
0x53: {  	[sflag:s17] =	ssyncadd.s32 $0xFFFFE000  }
0x54: {  	v0 =	vld [tilespmem:s23+$0x0];
	_ =	sdelay $0x4  }
0x55: {  	[tilespmem:$0x4F00] =	vst v0  }
0x56: {  	v0 =	vld [tilespmem:s23+$0x10];
	_ =	sdelay $0x4  }
0x57: {  	[tilespmem:$0x4F10] =	vst v0  }
0x58: {  	v0 =	vld [tilespmem:s23+$0x20];
	_ =	sdelay $0x4  }
0x59: {  	[tilespmem:$0x4F20] =	vst v0  }
0x5a: {  	v0 =	vld [tilespmem:s23+$0x30];
	_ =	sdelay $0x4  }
0x5b: {  	[tilespmem:$0x4F30] =	vst v0  }
0x5c: {  	v0 =	vld [tilespmem:s23+$0x40];
	_ =	sdelay $0x4  }
0x5d: {  	[tilespmem:$0x4F40] =	vst v0  }
0x5e: {  	v0 =	vld [tilespmem:s23+$0x50];
	_ =	sdelay $0x4  }
0x5f: {  	[tilespmem:$0x4F50] =	vst v0  }
0x60: {  	v0 =	vld [tilespmem:s23+$0x60];
	_ =	sdelay $0x4  }
0x61: {  	[tilespmem:$0x4F60] =	vst v0  }
0x62: {  	v0 =	vld [tilespmem:s23+$0x70];
	_ =	sdelay $0x4  }
0x63: {  	[tilespmem:$0x4F70] =	vst v0  }
0x64: {  	[spmem:s2] =	stream.indirect.scatter.add.f32 [tilespmem:s15], [sflag:$0x4], $0x40, s18, s14, $0xb8;
	[tilespmem:$0x13000] =	vst v63  }
0x65: {  	_ =	swait.ge [sflag:s19], $0x2000  }
0x66: {  	[sflag:s19] =	ssyncset.done $0x0  }
0x67: {  	s26 =	sadd.s32 $0x2880, s23;
	[sflag:s19] =	ssyncadd.s32 $0xFFFFE000  }
0x68: {  	[tilespmem:s15], [sflag:$0x1] =	stream.indirect.gather [hbm4b:s4+s14], $0x40, s26, s14, $0xb8;
	[tilespmem:$0x13000] =	vst v63  }
0x69: {  	_ =	swait.ge [sflag:s20], $0x2000  }
0x6a: {  	[sflag:s20] =	ssyncset.done $0x0  }
0x6b: {  	[sflag:s20] =	ssyncadd.s32 $0xFFFFE000  }
0x6c: {  	v0 =	vld [tilespmem:s23+$0x80];
	_ =	sdelay $0x4  }
0x6d: {  	[tilespmem:$0x4F80] =	vst v0  }
0x6e: {  	v0 =	vld [tilespmem:s23+$0x90];
	_ =	sdelay $0x4  }
0x6f: {  	[tilespmem:$0x4F90] =	vst v0  }
0x70: {  	v0 =	vld [tilespmem:s23+$0xA0];
	_ =	sdelay $0x4  }
0x71: {  	[tilespmem:$0x4FA0] =	vst v0  }
0x72: {  	v0 =	vld [tilespmem:s23+$0xB0];
	_ =	sdelay $0x4  }
0x73: {  	[tilespmem:$0x4FB0] =	vst v0  }
0x74: {  	v0 =	vld [tilespmem:s23+$0xC0];
	_ =	sdelay $0x4  }
0x75: {  	[tilespmem:$0x4FC0] =	vst v0  }
0x76: {  	v0 =	vld [tilespmem:s23+$0xD0];
	_ =	sdelay $0x4  }
0x77: {  	[tilespmem:$0x4FD0] =	vst v0  }
0x78: {  	v0 =	vld [tilespmem:s23+$0xE0];
	_ =	sdelay $0x4  }
0x79: {  	[tilespmem:$0x4FE0] =	vst v0  }
0x7a: {  	v0 =	vld [tilespmem:s23+$0xF0];
	_ =	sdelay $0x3  }
.Ltmp0:
0x7b: {  	(pc) =	sbr.rel @p0 .LBB2_2-.Ltmp0, $4  }
0x7c: {  	[tilespmem:$0x4FF0] =	vst v0  }
0x7d: {  	[spmem:s2] =	stream.indirect.scatter.add.f32 [tilespmem:s16], [sflag:$0x3], $0x40, s21, s14, $0xb8;
	[tilespmem:$0x13000] =	vst v63  }
0x7e: {  	_ =	swait.ge [sflag:s12], $0x2000  }
0x7f: {  	s26 =	smov.u32 s24;
	s23 =	sshra.s32 s25, $0x2;
	[sflag:s12] =	ssyncset.done $0x0  }
0x80: {  	s24 =	sadd.s32 $0x2800, s23;
	[sflag:s12] =	ssyncadd.s32 $0xFFFFE000  }
0x81: {  	[tilespmem:s16], [sflag:$0x2] =	stream.indirect.gather [hbm4b:s4+s14], $0x40, s24, s14, $0xb8;
	[tilespmem:$0x13000] =	vst v63  }
0x82: {  	_ =	swait.ge [sflag:s17], $0x2000  }
0x83: {  	[sflag:s17] =	ssyncset.done $0x0  }
0x84: {  	[sflag:s17] =	ssyncadd.s32 $0xFFFFE000  }
0x85: {  	v0 =	vld [tilespmem:s23+$0x0];
	_ =	sdelay $0x4  }
0x86: {  	[tilespmem:$0x4F00] =	vst v0  }
0x87: {  	v0 =	vld [tilespmem:s23+$0x10];
	_ =	sdelay $0x4  }
0x88: {  	[tilespmem:$0x4F10] =	vst v0  }
0x89: {  	v0 =	vld [tilespmem:s23+$0x20];
	_ =	sdelay $0x4  }
0x8a: {  	[tilespmem:$0x4F20] =	vst v0  }
0x8b: {  	v0 =	vld [tilespmem:s23+$0x30];
	_ =	sdelay $0x4  }
0x8c: {  	[tilespmem:$0x4F30] =	vst v0  }
0x8d: {  	v0 =	vld [tilespmem:s23+$0x40];
	_ =	sdelay $0x4  }
0x8e: {  	[tilespmem:$0x4F40] =	vst v0  }
0x8f: {  	v0 =	vld [tilespmem:s23+$0x50];
	_ =	sdelay $0x4  }
0x90: {  	[tilespmem:$0x4F50] =	vst v0  }
0x91: {  	v0 =	vld [tilespmem:s23+$0x60];
	_ =	sdelay $0x4  }
0x92: {  	[tilespmem:$0x4F60] =	vst v0  }
0x93: {  	v0 =	vld [tilespmem:s23+$0x70];
	_ =	sdelay $0x4  }
0x94: {  	[tilespmem:$0x4F70] =	vst v0  }
0x95: {  	[spmem:s2] =	stream.indirect.scatter.add.f32 [tilespmem:s15], [sflag:$0x4], $0x40, s18, s14, $0xb8;
	[tilespmem:$0x13000] =	vst v63  }
0x96: {  	_ =	swait.ge [sflag:s19], $0x2000  }
0x97: {  	[sflag:s19] =	ssyncset.done $0x0  }
0x98: {  	s31 =	sadd.s32 $0x2880, s23;
	[sflag:s19] =	ssyncadd.s32 $0xFFFFE000  }
0x99: {  	[tilespmem:s15], [sflag:$0x1] =	stream.indirect.gather [hbm4b:s4+s14], $0x40, s31, s14, $0xb8;
	[tilespmem:$0x13000] =	vst v63  }
0x9a: {  	_ =	swait.ge [sflag:s20], $0x2000  }
0x9b: {  	[sflag:s20] =	ssyncset.done $0x0  }
0x9c: {  	[sflag:s20] =	ssyncadd.s32 $0xFFFFE000  }
0x9d: {  	v59 =	vld [tilespmem:s23+$0x80];
	_ =	sdelay $0x4  }
0x9e: {  	[tilespmem:$0x4F80] =	vst v59  }
0x9f: {  	v0 =	vld [tilespmem:s23+$0x90];
	_ =	sdelay $0x4  }
0xa0: {  	[tilespmem:$0x4F90] =	vst v0  }
0xa1: {  	v0 =	vld [tilespmem:s23+$0xA0];
	_ =	sdelay $0x4  }
0xa2: {  	[tilespmem:$0x4FA0] =	vst v0  }
0xa3: {  	v0 =	vld [tilespmem:s23+$0xB0];
	_ =	sdelay $0x4  }
0xa4: {  	[tilespmem:$0x4FB0] =	vst v0  }
0xa5: {  	v0 =	vld [tilespmem:s23+$0xC0];
	_ =	sdelay $0x4  }
0xa6: {  	[tilespmem:$0x4FC0] =	vst v0  }
0xa7: {  	v0 =	vld [tilespmem:s23+$0xD0];
	_ =	sdelay $0x4  }
0xa8: {  	[tilespmem:$0x4FD0] =	vst v0  }
0xa9: {  	v0 =	vld [tilespmem:s23+$0xE0];
	_ =	sdelay $0x4  }
0xaa: {  	[tilespmem:$0x4FE0] =	vst v0  }
0xab: {  	v0 =	vld [tilespmem:s23+$0xF0];
	_ =	sdelay $0x4  }
0xac: {  	[tilespmem:$0x4FF0] =	vst v0  }
0xad: {  	[spmem:s2] =	stream.indirect.scatter.add.f32 [tilespmem:s16], [sflag:$0x3], $0x40, s21, s14, $0xb8;
	[tilespmem:$0x13000] =	vst v63  }
0xae: {  	_ =	swait.ge [sflag:s12], $0x2000  }
0xaf: {  	[sflag:s12] =	ssyncset.done $0x0  }
0xb0: {  	[sflag:s12] =	ssyncadd.s32 $0xFFFFE000  }
0xb1: {  	_ =	swait.ge [sflag:s17], $0x2000  }
0xb2: {  	[sflag:s17] =	ssyncset.done $0x0  }
0xb3: {  	[sflag:s17] =	ssyncadd.s32 $0xFFFFE000  }
0xb4: {  	v60 =	vld [tilespmem:$0x2700]  }
0xb5: {  	v1 =	vld [tilespmem:$0x2710]  }
0xb6: {  	v2 =	vld [tilespmem:$0x2720]  }
0xb7: {  	v3 =	vld [tilespmem:$0x2730]  }
0xb8: {  	v4 =	vld [tilespmem:$0x2740]  }
0xb9: {  	v61 =	vld [tilespmem:$0x2750];
	[tilespmem:$0x4F00] =	vst v60  }
0xba: {  	v62 =	vld [tilespmem:$0x2760];
	[tilespmem:$0x4F10] =	vst v1  }
0xbb: {  	v63 =	vld [tilespmem:$0x2770];
	[tilespmem:$0x4F20] =	vst v2  }
0xbc: {  	[tilespmem:$0x4F30] =	vst v3  }
0xbd: {  	[tilespmem:$0x4F40] =	vst v4  }
0xbe: {  	[tilespmem:$0x4F50] =	vst v61  }
0xbf: {  	[tilespmem:$0x4F60] =	vst v62  }
0xc0: {  	[tilespmem:$0x4F70] =	vst v63  }
0xc1: {  	[spmem:s2] =	stream.indirect.scatter.add.f32 [tilespmem:s15], [sflag:$0x4], $0x40, s18, s14, $0xb8;
	[tilespmem:$0x13000] =	vst v63  }
0xc2: {  	_ =	swait.ge [sflag:s19], $0x2000  }
0xc3: {  	s22 =	sadd.s32 $0x1, s22;
	[sflag:s19] =	ssyncset.done $0x0  }
0xc4: {  	p0 =	sne.s32 s22, s10;
	[sflag:s19] =	ssyncadd.s32 $0xFFFFE000  }
.Ltmp1:
0xc5: {  	[bflag:$0x0] =	sbarrier.arrive $0xFFFF;
	(pc) =	sbr.rel @p0 .LBB2_1-.Ltmp1, $4  }
0xc6: {  	[hbm:s9], [sflag:s6] =	dma.local [spmem:s11], $0x1400  }
0xc7: {  	_ =	swait.ge [sflag:s12], $0x1400  }
0xc8: {  	[sflag:s12] =	ssyncset.done $0x0  }
0xc9: {  	[sflag:s12] =	ssyncadd.s32 $0xFFFFEC00  }
0xca: {  	_ =	sfence.sel $0x180000  }
0xcb: {  	[bflag:$0x0] =	sbarrier.arrive $0xFFFF  }
0xcc: {  	p0 =	sne.s32 s0, $0x0;
	_ =	strace $0x9000004D  }
0xcd: {  	s0 =	sadd.s32 @!p0 $0x100000, s1;
	[bflag:$0x2] =	sbarrier.arrive $0xFFFF  }
0xce: {  	[sflag:s0] =	ssyncadd.tile.s32 @!p0 $0x1;
	_ =	shalt  }
.Lfunc_end2:
_tile_overlayer_lowered:
.L_overlay_start_2:
0xcf: {  	(tag) =	ssettag $0x2  }
0xd0: {  	s0 =	rddreg [dreg:$0x0];
	s2 =	stileid.u32  }
0xd1: {  	s1 =	rddreg [dreg:$0x1];
	p0 =	sne.s32 s2, $0x0  }
0xd2: {  	s3 =	rddreg [dreg:$0x2];
	[bflag:$0x3] =	sbarrier.arrive $0xFFFF;
	s2 =	simm.s32 @!p0 $0x1C03  }
0xd3: {  	[timem:s3], [sflag:s2] =	dma.local @!p0 [hbm:s0], s1  }
0xd4: {  	s0 =	simm.s32 @!p0 $0x3  }
0xd5: {  	_ =	swait.ge @!p0 [sflag:s0], s1  }
0xd6: {  	s1 =	ssub.s32 @!p0 $0x0, s1;
	[sflag:s0] =	ssyncset.done @!p0 $0x0  }
0xd7: {  	[sflag:s0] =	ssyncadd.s32 @!p0 s1  }
0xd8: {  	[bflag:$0x3] =	sbarrier.arrive $0xFFFF  }
0xd9: {  	_ =	shalt  }

// kernel: kernel.25.cloned.1.call-start
scs
__scs_entry_jumppad:
0x0: {  	(pc) =	sbr.rel $0x88, $3  }
0x1: {  	(tag) =	ssettag $0x0;
	lr =	simm.s32 $0x1  }
0x2: {  	[smem:$0x3F7C] =	sst lr;
	_ =	strace $0xD0000000  }
0x3: {  	_ = 	snop  }
0x4: {  	_ = 	snop  }
0x5: {  	_ = 	snop  }
0x6: {  	_ = 	snop  }
0x7: {  	_ = 	snop  }
__scs_overlays_trampoline_lowered:
0x8: {  	[smem:$0x3F8B] =	sst s0  }
0x9: {  	[smem:$0x3F8C] =	sst s1  }
0xa: {  	[smem:$0x3F8D] =	sst s2  }
0xb: {  	[smem:$0x3F8E] =	sst s3  }
0xc: {  	[smem:$0x3F8F] =	sst s4  }
0xd: {  	[smem:$0x3F90] =	sst s5  }
0xe: {  	[smem:$0x3F91] =	sst s6  }
0xf: {  	[smem:$0x3F92] =	sst s7  }
0x10: {  	[smem:$0x3F93] =	sst s8  }
0x11: {  	[smem:$0x3F94] =	sst s9;
	s0 =	simm.s32 @!p0 $0x0  }
0x12: {  	s1 =	sld [smem:$0x3F7A];
	s0 =	simm.s32 @p0 $0x1  }
0x13: {  	[smem:$0x3F95] =	sst s0;
	s0 =	simm.s32 @!p1 $0x0  }
0x14: {  	s2 =	sld [smem:$0x3F79];
	s0 =	simm.s32 @p1 $0x1  }
0x15: {  	[smem:$0x3F96] =	sst s0;
	s0 =	simm.s32 @!p2 $0x0  }
0x16: {  	s3 =	sld [smem:$0x3FDB];
	s0 =	simm.s32 @p2 $0x1  }
0x17: {  	s4 =	simm.s32 $0x1BF5;
	[smem:$0x3F98] =	sst s0  }
0x18: {  	s0 =	sld [smem:$0x3F7B];
	_ =	swait.ge [sflag:s4], $0x0  }
0x19: {  	s7 =	sld [smem:$0x3F7C]  }
0x1a: {  	s8 =	sadd.s32 $0xFFFFE003, lr  }
0x1b: {  	s9 =	sadd.s32 $0xFFFFFEF7, lr;
	s5 =	simm.s32 $0xFFFFFFFF;
	p2 =	slt.u32 s8, $0xFFFFF086  }
0x1c: {  	p1 =	slt.u32 s9, $0xF7A;
	s5 =	simm.s32 @!p2 $0x0  }
0x1d: {  	s5 =	simm.s32 @p1 $0x1;
	p0 =	seq.s32 s7, s2  }
0x1e: {  	s7 =	smul.u32 @!p0 $0xF7A, s2;
	p2 =	seq.s32 @!p0 s5, $0x0  }
0x1f: {  	s9 =	smul.u32 $0xF7A, s1;
	s8 =	simm.s32 @!p0 $0x1BF5;
	p2 =	por !p2, p0  }
0x20: {  	[sflag:s8] =	ssyncset.s32 @!p0 $0xFFFFF086;
	s6 =	sadd.s32 @!p0 s3, s7;
	s7 =	simm.s32 @!p0 $0x108  }
0x21: {  	s3 =	sadd.s32 s3, s9;
	s6 =	sadd.s32 @!p0 $0x88, s6;
	s7 =	simm.s32 @p2 $0x1082  }
0x22: {  	[simem:s7], [sflag:s8] =	dma.local @!p0 [hbm:s6], $0xF7A  }
0x23: {  	s9 =	sor.u32 $0xD0000000, s2;
	s6 =	simm.s32 $0x108;
	_ =	swait.ge @!p0 [sflag:s8], $0x0  }
0x24: {  	s3 =	sadd.s32 $0x88, s3;
	s6 =	simm.s32 @!p1 $0x1082;
	[sflag:s4] =	ssyncset.s32 $0xFFFFF086  }
0x25: {  	[simem:s6], [sflag:s4] =	dma.local [hbm:s3], $0xF7A  }
0x26: {  	[smem:$0x3F7C] =	sst s1;
	(tag) =	ssettag s2;
	_ =	strace s9  }
0x27: {  	s1 =	sld [smem:$0x3F8C]  }
0x28: {  	s2 =	sld [smem:$0x3F8D]  }
0x29: {  	s4 =	sld [smem:$0x3F8F]  }
0x2a: {  	p0 =	seq.s32 s5, $0x0;
	s5 =	sld [smem:$0x3F90]  }
0x2b: {  	s6 =	sld [smem:$0x3F91]  }
0x2c: {  	s7 =	sld [smem:$0x3F92]  }
0x2d: {  	s3 =	simm.s32 $0x108;
	s8 =	sld [smem:$0x3F93]  }
0x2e: {  	s3 =	simm.s32 @!p0 $0x1082;
	s9 =	sld [smem:$0x3F94]  }
0x2f: {  	lr =	sadd.s32 s0, s3;
	s0 =	sld [smem:$0x3F8B]  }
0x30: {  	s3 =	sld [smem:$0x3F8E]  }
0x31: {  	[smem:$0x3F97] =	sst s10  }
0x32: {  	s10 =	sld [smem:$0x3F95];
	_ =	sdelay $0x3  }
0x33: {  	p0 =	seq.s32 s10, $0x1;
	s10 =	sld [smem:$0x3F97];
	_ =	sdelay $0x3  }
0x34: {  	[smem:$0x3F97] =	sst s10  }
0x35: {  	s10 =	sld [smem:$0x3F96];
	_ =	sdelay $0x3  }
0x36: {  	p1 =	seq.s32 s10, $0x1;
	s10 =	sld [smem:$0x3F97];
	_ =	sdelay $0x3  }
0x37: {  	[smem:$0x3F97] =	sst s10  }
0x38: {  	s10 =	sld [smem:$0x3F98]  }
0x39: {  	_ = 	snop;
	(pc) =	sbr.ind lr, $3  }
0x3a: {  	_ = 	snop  }
0x3b: {  	_ = 	snop  }
0x3c: {  	p2 =	seq.s32 s10, $0x1;
	s10 =	sld [smem:$0x3F97]  }
0x3d: {  	_ =	shalt  }
0x3e: {  	_ =	shalt  }
0x3f: {  	_ =	shalt  }
0x40: {  	_ =	shalt  }
0x41: {  	_ =	shalt  }
0x42: {  	_ =	shalt  }
0x43: {  	_ =	shalt  }
0x44: {  	_ =	shalt  }
0x45: {  	_ =	shalt  }
0x46: {  	_ =	shalt  }
0x47: {  	_ =	shalt  }
0x48: {  	_ =	shalt  }
0x49: {  	_ =	shalt  }
0x4a: {  	_ =	shalt  }
0x4b: {  	_ =	shalt  }
0x4c: {  	_ =	shalt  }
0x4d: {  	_ =	shalt  }
0x4e: {  	_ =	shalt  }
0x4f: {  	_ =	shalt  }
0x50: {  	_ =	shalt  }
0x51: {  	_ =	shalt  }
0x52: {  	_ =	shalt  }
0x53: {  	_ =	shalt  }
0x54: {  	_ =	shalt  }
0x55: {  	_ =	shalt  }
0x56: {  	_ =	shalt  }
0x57: {  	_ =	shalt  }
0x58: {  	_ =	shalt  }
0x59: {  	_ =	shalt  }
0x5a: {  	_ =	shalt  }
0x5b: {  	_ =	shalt  }
0x5c: {  	_ =	shalt  }
0x5d: {  	_ =	shalt  }
0x5e: {  	_ =	shalt  }
0x5f: {  	_ =	shalt  }
0x60: {  	_ =	shalt  }
0x61: {  	_ =	shalt  }
0x62: {  	_ =	shalt  }
0x63: {  	_ =	shalt  }
0x64: {  	_ =	shalt  }
0x65: {  	_ =	shalt  }
0x66: {  	_ =	shalt  }
0x67: {  	_ =	shalt  }
0x68: {  	_ =	shalt  }
0x69: {  	_ =	shalt  }
0x6a: {  	_ =	shalt  }
0x6b: {  	_ =	shalt  }
0x6c: {  	_ =	shalt  }
0x6d: {  	_ =	shalt  }
0x6e: {  	_ =	shalt  }
0x6f: {  	_ =	shalt  }
0x70: {  	_ =	shalt  }
0x71: {  	_ =	shalt  }
0x72: {  	_ =	shalt  }
0x73: {  	_ =	shalt  }
0x74: {  	_ =	shalt  }
0x75: {  	_ =	shalt  }
0x76: {  	_ =	shalt  }
0x77: {  	_ =	shalt  }
0x78: {  	_ =	shalt  }
0x79: {  	_ =	shalt  }
0x7a: {  	_ =	shalt  }
0x7b: {  	_ =	shalt  }
0x7c: {  	_ =	shalt  }
0x7d: {  	_ =	shalt  }
0x7e: {  	_ =	shalt  }
0x7f: {  	_ =	shalt  }
0x80: {  	_ =	shalt  }
0x81: {  	_ =	shalt  }
0x82: {  	_ =	shalt  }
0x83: {  	_ =	shalt  }
0x84: {  	_ =	shalt  }
0x85: {  	_ =	shalt  }
0x86: {  	_ =	shalt  }
0x87: {  	_ =	shalt  }
.Lfunc_end0:
.L_simem_size_0:
called_computation.3_lowered:
.L_overlay_start_0:
0x88: {  	s2 =	sld [smem:$0x3FD9]  }
0x89: {  	s3 =	sld [smem:$0x3FFE];
	_ =	sdelay $0x1  }
0x8a: {  	s1 =	srdreg.scid  }
0x8b: {  	s0 =	sand.u32 $0x1, s1  }
0x8c: {  	s17 =	sshll.u32 s0, $0xA;
	s2 =	sadd.s32 s3, s2  }
0x8d: {  	s2 =	sadd.s32 s2, s17  }
0x8e: {  	[smem:$0x3FA3] =	sst s2  }
0x8f: {  	_ = 	snop  }
0x90: {  	s2 =	sld [smem:$0x3FD0];
	(tm) =	ssettm $0x1  }
0x91: {  	s18 =	sld [smem:$0x3FFB];
	_ =	sdelay $0x3  }
0x92: {  	_ =	strace s18  }
0x93: {  	s3 =	sld [smem:$0x3FFC];
	_ =	sdelay $0x3  }
0x94: {  	_ =	strace s3  }
0x95: {  	s3 =	sld [smem:$0x3FFD];
	_ =	sdelay $0x3  }
0x96: {  	_ =	strace s3  }
0x97: {  	_ =	strace $0x8FFFFFFF  }
0x98: {  	s19 =	sld [smem:$0x3FDB];
	_ =	sdelay $0x1  }
0x99: {  	s4 =	simm.s32 $_scs_section_size  }
0x9a: {  	s5 =	simm.s32 $_size__tile_overlayer_lowered;
	s6 =	simm.s32 $_tile_overlayer_lowered  }
0x9b: {  	s22 =	simm.s32 $0x1BFF;
	s21 =	sshll.u32 s6, $0x1;
	s3 =	sadd.s32 s4, s19  }
0x9c: {  	s7 =	simm.s32 $0x0;
	s20 =	sshll.u32 s5, $0x1;
	s5 =	sadd.s32 s21, s3  }
0x9d: {  	[timem:s7], [sflag:s22] =	dma.local [hbm:s5], s20  }
0x9e: {  	_ =	swait.ge [sflag:s22], s20  }
0x9f: {  	s4 =	ssub.s32 $0x0, s20;
	[sflag:s22] =	ssyncset.done $0x0  }
0xa0: {  	[sflag:s22] =	ssyncadd.s32 s4;
	_ =	sdelay $0x1  }
0xa1: {  	s23 =	simm.s32 $0x1B8B  }
0xa2: {  	_ =	swait.ge [sflag:s23], $0x1  }
0xa3: {  	[sflag:s23] =	ssyncset.done $0x0  }
0xa4: {  	s25 =	simm.s32 $0x1B8E;
	s24 =	sld [smem:$0x3FFE];
	[sflag:s23] =	ssyncadd.s32 $0xFFFFFFFF  }
0xa5: {  	s26 =	simm.s32 $execute0_lowered;
	[smem:$0x3FD2] =	sst s25  }
0xa6: {  	s5 =	sshll.u32 s26, $0x1;
	_ =	strace $0x8000004F;
	[dreg:$0x1] =	wrdreg $0xFFFFFFFF  }
0xa7: {  	s28 =	simm.s32 $_size_execute0_lowered;
	s3 =	sadd.s32 s3, s5;
	[dreg:$0x0] =	wrdreg $0x0  }
0xa8: {  	s5 =	sshll.u32 s28, $0x1;
	[dreg:$0x2] =	wrdreg s3  }
0xa9: {  	[dreg:$0x3] =	wrdreg s5  }
0xaa: {  	[dreg:$0x4] =	wrdreg $0xC0  }
0xab: {  	_ =	task [dreg:s7], $0x5FFFF  }
0xac: {  	[dreg:$0x1] =	wrdreg $0xFFFFFFFF  }
0xad: {  	[dreg:$0x0] =	wrdreg $0x60  }
0xae: {  	[dreg:$0x2] =	wrdreg s2  }
0xaf: {  	[dreg:$0x3] =	wrdreg s24  }
0xb0: {  	[dreg:$0x4] =	wrdreg $0xCF000  }
0xb1: {  	[dreg:$0x5] =	wrdreg $0x9  }
0xb2: {  	_ =	task.clear_ibuf [dreg:s7], $0x6FFFF;
	_ =	strace $0x9000004F  }
0xb3: {  	s29 =	simm.s32 $0x9;
	_ =	strace $0x80000051  }
0xb4: {  	_ =	swait.ge [sflag:s29], $0x1  }
0xb5: {  	[sflag:s29] =	ssyncadd.s32 $0xFFFFFFFF  }
0xb6: {  	_ =	strace $0x90000051  }
0xb7: {  	_ =	sfence  }
0xb8: {  	s30 =	sld [smem:$0x0];
	_ =	sdelay $0x2  }
0xb9: {  	s31 =	sshll.u32 s1, $0xD;
	s1 =	sshrl.u32 s1, $0x2  }
0xba: {  	s3 =	sand.u32 $0x4000, s31;
	s1 =	sadd.s32 s1, s30  }
0xbb: {  	s0 =	sor.u32 s3, s0;
	s1 =	sshll.u32 s1, $0x11  }
0xbc: {  	s0 =	sor.u32 s1, s0  }
0xbd: {  	s0 =	sadd.s32 $0x8F2B, s0  }
0xbe: {  	[sflag:s0] =	ssyncadd.remote.s32 $0x1  }
0xbf: {  	_ =	sfence.sel $0xFFFF  }
0xc0: {  	[dreg:$0x0] =	wrdreg $0xFFFFFFFF;
	(pc) =	sbr.abs _section_cstart, $3  }
0xc1: {  	[dreg:$0x1] =	wrdreg $0xFFFFFFFF  }
0xc2: {  	_ =	task.clear_ibuf [dreg:s7], $0x2FFFF;
	_ =	strace $0x9FFFFFFF  }
0xc3: {  	(tm) =	ssettm $0x7FFFFFFF  }
tec
execute0_lowered:
.L_overlay_start_1:
0x0: {  	(tag) =	ssettag $0x1  }
0x1: {  	s6 =	rddreg [dreg:$0x0]  }
0x2: {  	s5 =	rddreg [dreg:$0x1]  }
0x3: {  	s1 =	srdreg.scid;
	s0 =	stileid.u32  }
0x4: {  	s2 =	rddreg [dreg:$0x2];
	s3 =	simm.s32 $0x0;
	s14 =	simm.s32 $0x2780  }
0x5: {  	s15 =	simm.s32 $0x80;
	s16 =	simm.s32 $0x4F00;
	s17 =	simm.s32 $0x6F00  }
0x6: {  	s18 =	simm.s32 $0x1;
	s19 =	simm.s32 $0x2;
	s20 =	simm.s32 $0x6  }
0x7: {  	s21 =	simm.s32 $0x3;
	s22 =	simm.s32 $0x4;
	s23 =	simm.s32 $0x8F00  }
0x8: {  	s24 =	simm.s32 $0x0;
	s4 =	sand.u32 $0x1, s1;
	s1 =	rddreg [dreg:$0x3]  }
0x9: {  	s7 =	sshll.u32 s0, $0x1;
	[smem:$0x7FF] =	sst s3;
	s9 =	smul.u32 $0x9E00, s0  }
0xa: {  	s31 =	sshll.u32 s0, $0x6;
	s10 =	sor.u32 s4, s7;
	_ =	strace $0x80000050  }
0xb: {  	s8 =	ssub.s32 $0x2, s4;
	s4 =	sadd.s32 $0x43C00, s5;
	s7 =	smul.u32 $0x4F0, s10  }
.Ltmp0:
0xc: {  	s29 =	sshrl.u32 s8, $0x1;
	s30 =	sshrl.u32 s9, $0x3;
	(pc) =	sbr.rel .LBB2_1-.Ltmp0, $4  }
0xd: {  	s13 =	sadd.s32 s9, s2;
	s10 =	smul.u32 $0x9E000, s10;
	s12 =	ssub.s32 s8, s29  }
0xe: {  	s6 =	sadd.s32 s6, s30;
	s11 =	sadd.s32 s7, s5;
	s5 =	sadd.s32 $0xD3200, s5  }
0xf: {  	s7 =	sor.u32 $0x1C05, s31;
	s8 =	sadd.s32 $0xA6A00, s11;
	s9 =	sadd.s32 $0xC9400, s11  }
0x10: {  	s11 =	smax.u32 s12, $0x1;
	s12 =	sshrl.u32 s13, $0x3;
	s13 =	simm.s32 $0x5  }
.LBB2_9:
0x11: {  	s24 =	sadd.s32 $0x1, s24  }
0x12: {  	p0 =	sne.s32 s24, s11  }
.Ltmp1:
0x13: {  	_ = 	snop;
	(pc) =	sbr.rel @!p0 .LBB2_10-.Ltmp1, $1  }
0x14: {  	_ =	sdelay $0x3  }
.LBB2_1:
0x15: {  	[spmem:s12], [sflag:s7] =	dma.local [hbm:s6], $0x13C0  }
0x16: {  	_ =	swait.ge [sflag:s13], $0x13C0  }
0x17: {  	[sflag:s13] =	ssyncset.done $0x0  }
0x18: {  	[sflag:s13] =	ssyncadd.s32 $0xFFFFEC40  }
0x19: {  	[tilespmem:s3], [sflag:$0x5] =	stream.linear.gather [hbm4b:s8+s3], $0x2780, $0x38;
	[tilespmem:$0x16D00] =	vst v63  }
0x1a: {  	_ =	swait.ge [sflag:s13], $0x2780  }
0x1b: {  	[sflag:s13] =	ssyncset.done $0x0  }
0x1c: {  	[sflag:s13] =	ssyncadd.s32 $0xFFFFD880  }
0x1d: {  	[tilespmem:s14], [sflag:$0x5] =	stream.linear.gather [hbm4b:s9+s3], $0x2780, $0x38;
	[tilespmem:$0x16D00] =	vst v63  }
0x1e: {  	_ =	swait.ge [sflag:s13], $0x2780  }
0x1f: {  	[sflag:s13] =	ssyncset.done $0x0  }
.Ltmp2:
0x20: {  	[sflag:s13] =	ssyncadd.s32 $0xFFFFD880;
	(pc) =	sbr.rel .LBB2_2-.Ltmp2, $4  }
0x21: {  	[bflag:$0x0] =	sbarrier.arrive $0xFFFF  }
0x22: {  	[tilespmem:s16], [sflag:$0x1] =	stream.indirect.gather [spmem:s2], $0x40, s3, s15, $0xb8;
	[tilespmem:$0x16D00] =	vst v63  }
0x23: {  	s25 =	simm.s32 $0x0  }
0x24: {  	[tilespmem:s17], [sflag:$0x2] =	stream.indirect.gather [hbm4b:s4+s15], $0x40, s14, s15, $0xb8;
	[tilespmem:$0x16D00] =	vst v63  }
.LBB2_8:
0x25: {  	s25 =	sadd.s32 $0x1, s25  }
0x26: {  	p0 =	sne.s32 s25, $0x28  }
.Ltmp3:
0x27: {  	_ = 	snop;
	(pc) =	sbr.rel @!p0 .LBB2_9-.Ltmp3, $1  }
0x28: {  	_ =	sdelay $0x3  }
.LBB2_2:
0x29: {  	s26 =	sshllo.u32 s25, $0x1  }
0x2a: {  	p0 =	sgt.u32 s26, $0x4E  }
0x2b: {  	s28 =	sshll.u32 @!p0 s26, $0x7;
	s29 =	simm.s32 @!p0 $0x80;
	s30 =	simm.s32 @!p0 $0x8F00  }
0x2c: {  	[tilespmem:s30], [sflag:$0x3] =	stream.indirect.gather @!p0 [spmem:s2], $0x40, s28, s29, $0xb8;
	[tilespmem:$0x16D00] =	vst v63  }
0x2d: {  	s28 =	sadd.s32 @!p0 $0x2780, s28;
	s30 =	simm.s32 @!p0 $0xAF00  }
0x2e: {  	[tilespmem:s30], [sflag:$0x4] =	stream.indirect.gather @!p0 [hbm4b:s4+s29], $0x40, s28, s29, $0xb8;
	[tilespmem:$0x16D00] =	vst v63  }
0x2f: {  	_ =	swait.ge [sflag:s18], $0x2000  }
0x30: {  	[sflag:s18] =	ssyncset.done $0x0  }
0x31: {  	[sflag:s18] =	ssyncadd.s32 $0xFFFFE000  }
0x32: {  	_ =	swait.ge [sflag:s19], $0x2000  }
0x33: {  	[sflag:s19] =	ssyncset.done $0x0  }
0x34: {  	s28 =	simm.s32 $0x0;
	[sflag:s19] =	ssyncadd.s32 $0xFFFFE000  }
0x35: {  	v2 =	vld [tilespmem:s28+$0x6F00]  }
0x36: {  	v3 =	vld [tilespmem:s28+$0x6F10]  }
0x37: {  	v1 =	vld [tilespmem:s28+$0x6F20]  }
0x38: {  	v0 =	vld [tilespmem:s28+$0x6F30]  }
0x39: {  	v4 =	vld [tilespmem:s28+$0x4F00]  }
0x3a: {  	v6 =	vld [tilespmem:s28+$0x4F10]  }
0x3b: {  	s29 =	simm.s32 $0x100;
	v5 =	vld [tilespmem:s28+$0x4F20]  }
.LBB2_3:
0x3c: {  	p1 =	sne.s32 s29, $0x7F00;
	v7 =	vld [tilespmem:s28+$0x4F30]  }
0x3d: {  	s30 =	sshra.s32 s29, $0x2  }
0x3e: {  	v4 =	vadd.f32 v2, v4;
	v2 =	vld [tilespmem:s30+$0x6F00]  }
0x3f: {  	v6 =	vadd.f32 v3, v6;
	v3 =	vld [tilespmem:s30+$0x6F10]  }
.Ltmp4:
0x40: {  	v4 =	vmax.f32 v4, $0.0e+00;
	v5 =	vadd.f32 v1, v5;
	v1 =	vld [tilespmem:s30+$0x6F20];
	(pc) =	sbr.rel @p1 .LBB2_3-.Ltmp4, $4  }
0x41: {  	[tilespmem:s28+$0x4F00] =	vst v4;
	v6 =	vmax.f32 v6, $0.0e+00;
	v7 =	vadd.f32 v0, v7;
	v0 =	vld [tilespmem:s30+$0x6F30]  }
0x42: {  	v4 =	vld [tilespmem:s30+$0x4F00];
	[tilespmem:s28+$0x4F10] =	vst v6;
	v5 =	vmax.f32 v5, $0.0e+00  }
0x43: {  	v6 =	vld [tilespmem:s30+$0x4F10];
	[tilespmem:s28+$0x4F20] =	vst v5;
	v7 =	vmax.f32 v7, $0.0e+00  }
0x44: {  	s29 =	sadd.s32 $0x100, s29;
	v5 =	vld [tilespmem:s30+$0x4F20];
	[tilespmem:s28+$0x4F30] =	vst v7;
	s28 =	smov.u32 s30  }
0x45: {  	v7 =	vld [tilespmem:s28+$0x4F30];
	_ =	sdelay $0x1  }
0x46: {  	v2 =	vadd.f32 v2, v4  }
0x47: {  	v3 =	vadd.f32 v3, v6  }
0x48: {  	v2 =	vmax.f32 v2, $0.0e+00;
	v1 =	vadd.f32 v1, v5  }
0x49: {  	s29 =	sshll.u32 s25, $0xE;
	[tilespmem:s28+$0x4F00] =	vst v2;
	v63 =	vmax.f32 v3, $0.0e+00;
	v0 =	vadd.f32 v0, v7  }
0x4a: {  	s29 =	sadd.s32 s10, s29;
	[tilespmem:s28+$0x4F10] =	vst v63;
	v1 =	vmax.f32 v1, $0.0e+00  }
0x4b: {  	s29 =	sshrl.u32 s29, $0x3;
	[tilespmem:s28+$0x4F20] =	vst v1;
	v0 =	vmax.f32 v0, $0.0e+00  }
0x4c: {  	p1 =	seq.s32 s25, $0x27;
	s31 =	sadd.s32 s5, s29;
	[tilespmem:s28+$0x4F30] =	vst v0  }
0x4d: {  	[hbm4b:s31+s3] =	stream.linear.scatter [tilespmem:s16], [sflag:$0x6], $0x2000, $0x38;
	[tilespmem:$0x16D00] =	vst v63  }
0x4e: {  	s30 =	simm.s32 @!p1 $0x80;
	_ =	swait.ge [sflag:s20], $0x2000  }
.Ltmp5:
0x4f: {  	s28 =	sshll.u32 @!p1 s25, $0x8;
	[sflag:s20] =	ssyncset.done $0x0;
	(pc) =	sbr.rel @p0 .LBB2_8-.Ltmp5, $4  }
0x50: {  	s29 =	sadd.s32 @!p1 $0x100, s28;
	s31 =	simm.s32 @!p1 $0x4F00;
	[sflag:s20] =	ssyncadd.s32 $0xFFFFE000  }
0x51: {  	[tilespmem:s31], [sflag:$0x1] =	stream.indirect.gather @!p1 [spmem:s2], $0x40, s29, s30, $0xb8;
	[tilespmem:$0x16D00] =	vst v63  }
0x52: {  	s28 =	sadd.s32 @!p1 $0x2880, s28;
	s29 =	simm.s32 @!p1 $0x6F00  }
0x53: {  	[tilespmem:s29], [sflag:$0x2] =	stream.indirect.gather @!p1 [hbm4b:s4+s30], $0x40, s28, s30, $0xb8;
	[tilespmem:$0x16D00] =	vst v63  }
0x54: {  	_ =	swait.ge [sflag:s21], $0x2000  }
0x55: {  	[sflag:s21] =	ssyncset.done $0x0  }
0x56: {  	[sflag:s21] =	ssyncadd.s32 $0xFFFFE000  }
0x57: {  	_ =	swait.ge [sflag:s22], $0x2000  }
0x58: {  	[sflag:s22] =	ssyncset.done $0x0  }
0x59: {  	s28 =	simm.s32 $0x0;
	[sflag:s22] =	ssyncadd.s32 $0xFFFFE000  }
0x5a: {  	v2 =	vld [tilespmem:s28+$0xAF00]  }
0x5b: {  	v3 =	vld [tilespmem:s28+$0xAF10]  }
0x5c: {  	v1 =	vld [tilespmem:s28+$0xAF20]  }
0x5d: {  	v0 =	vld [tilespmem:s28+$0xAF30]  }
0x5e: {  	v4 =	vld [tilespmem:s28+$0x8F00]  }
0x5f: {  	v6 =	vld [tilespmem:s28+$0x8F10]  }
0x60: {  	s29 =	simm.s32 $0x100;
	v5 =	vld [tilespmem:s28+$0x8F20]  }
.LBB2_6:
0x61: {  	p0 =	sne.s32 s29, $0x7F00;
	v7 =	vld [tilespmem:s28+$0x8F30]  }
0x62: {  	s30 =	sshra.s32 s29, $0x2  }
0x63: {  	v4 =	vadd.f32 v2, v4;
	v2 =	vld [tilespmem:s30+$0xAF00]  }
0x64: {  	v6 =	vadd.f32 v3, v6;
	v3 =	vld [tilespmem:s30+$0xAF10]  }
.Ltmp6:
0x65: {  	v4 =	vmax.f32 v4, $0.0e+00;
	v5 =	vadd.f32 v1, v5;
	v1 =	vld [tilespmem:s30+$0xAF20];
	(pc) =	sbr.rel @p0 .LBB2_6-.Ltmp6, $4  }
0x66: {  	[tilespmem:s28+$0x8F00] =	vst v4;
	v6 =	vmax.f32 v6, $0.0e+00;
	v7 =	vadd.f32 v0, v7;
	v0 =	vld [tilespmem:s30+$0xAF30]  }
0x67: {  	v4 =	vld [tilespmem:s30+$0x8F00];
	[tilespmem:s28+$0x8F10] =	vst v6;
	v5 =	vmax.f32 v5, $0.0e+00  }
0x68: {  	v6 =	vld [tilespmem:s30+$0x8F10];
	[tilespmem:s28+$0x8F20] =	vst v5;
	v7 =	vmax.f32 v7, $0.0e+00  }
0x69: {  	s29 =	sadd.s32 $0x100, s29;
	v5 =	vld [tilespmem:s30+$0x8F20];
	[tilespmem:s28+$0x8F30] =	vst v7;
	s28 =	smov.u32 s30  }
0x6a: {  	v7 =	vld [tilespmem:s28+$0x8F30];
	_ =	sdelay $0x1  }
0x6b: {  	v2 =	vadd.f32 v2, v4  }
0x6c: {  	v3 =	vadd.f32 v3, v6  }
0x6d: {  	v2 =	vmax.f32 v2, $0.0e+00;
	v1 =	vadd.f32 v1, v5  }
0x6e: {  	s26 =	sshll.u32 s26, $0xD;
	[tilespmem:s28+$0x8F00] =	vst v2;
	v63 =	vmax.f32 v3, $0.0e+00;
	v0 =	vadd.f32 v0, v7  }
0x6f: {  	s26 =	sadd.s32 s10, s26;
	[tilespmem:s28+$0x8F10] =	vst v63;
	v1 =	vmax.f32 v1, $0.0e+00  }
0x70: {  	s26 =	sshrl.u32 s26, $0x3;
	[tilespmem:s28+$0x8F20] =	vst v1;
	v0 =	vmax.f32 v0, $0.0e+00  }
.Ltmp7:
0x71: {  	s26 =	sadd.s32 s5, s26;
	[tilespmem:s28+$0x8F30] =	vst v0;
	(pc) =	sbr.rel .LBB2_8-.Ltmp7, $4  }
0x72: {  	[hbm4b:s26+s3] =	stream.linear.scatter [tilespmem:s23], [sflag:$0x5], $0x2000, $0x38;
	[tilespmem:$0x16D00] =	vst v63  }
0x73: {  	_ =	swait.ge [sflag:s13], $0x2000  }
0x74: {  	[sflag:s13] =	ssyncset.done $0x0  }
0x75: {  	[sflag:s13] =	ssyncadd.s32 $0xFFFFE000  }
.LBB2_10:
0x76: {  	_ =	sfence.sel $0x180000  }
0x77: {  	[bflag:$0x0] =	sbarrier.arrive $0xFFFF  }
0x78: {  	p0 =	sne.s32 s0, $0x0;
	_ =	strace $0x90000050  }
0x79: {  	s0 =	sadd.s32 @!p0 $0x100000, s1;
	[bflag:$0x2] =	sbarrier.arrive $0xFFFF  }
0x7a: {  	[sflag:s0] =	ssyncadd.tile.s32 @!p0 $0x1;
	_ =	shalt  }
.Lfunc_end2:
_tile_overlayer_lowered:
.L_overlay_start_2:
0x7b: {  	(tag) =	ssettag $0x2  }
0x7c: {  	s0 =	rddreg [dreg:$0x0];
	s2 =	stileid.u32  }
0x7d: {  	s1 =	rddreg [dreg:$0x1];
	p0 =	sne.s32 s2, $0x0  }
0x7e: {  	s3 =	rddreg [dreg:$0x2];
	[bflag:$0x3] =	sbarrier.arrive $0xFFFF;
	s2 =	simm.s32 @!p0 $0x1C05  }
0x7f: {  	[timem:s3], [sflag:s2] =	dma.local @!p0 [hbm:s0], s1  }
0x80: {  	s0 =	simm.s32 @!p0 $0x5  }
0x81: {  	_ =	swait.ge @!p0 [sflag:s0], s1  }
0x82: {  	s1 =	ssub.s32 @!p0 $0x0, s1;
	[sflag:s0] =	ssyncset.done @!p0 $0x0  }
0x83: {  	[sflag:s0] =	ssyncadd.s32 @!p0 s1  }
0x84: {  	[bflag:$0x3] =	sbarrier.arrive $0xFFFF  }
0x85: {  	_ =	shalt  }

// kernel: kernel.28.cloned.1.call-start
scs
__scs_entry_jumppad:
0x0: {  	(pc) =	sbr.rel $0x88, $3  }
0x1: {  	(tag) =	ssettag $0x0;
	lr =	simm.s32 $0x1  }
0x2: {  	[smem:$0x3F7C] =	sst lr;
	_ =	strace $0xD0000000  }
0x3: {  	_ = 	snop  }
0x4: {  	_ = 	snop  }
0x5: {  	_ = 	snop  }
0x6: {  	_ = 	snop  }
0x7: {  	_ = 	snop  }
__scs_overlays_trampoline_lowered:
0x8: {  	[smem:$0x3F8B] =	sst s0  }
0x9: {  	[smem:$0x3F8C] =	sst s1  }
0xa: {  	[smem:$0x3F8D] =	sst s2  }
0xb: {  	[smem:$0x3F8E] =	sst s3  }
0xc: {  	[smem:$0x3F8F] =	sst s4  }
0xd: {  	[smem:$0x3F90] =	sst s5  }
0xe: {  	[smem:$0x3F91] =	sst s6  }
0xf: {  	[smem:$0x3F92] =	sst s7  }
0x10: {  	[smem:$0x3F93] =	sst s8  }
0x11: {  	[smem:$0x3F94] =	sst s9;
	s0 =	simm.s32 @!p0 $0x0  }
0x12: {  	s1 =	sld [smem:$0x3F7A];
	s0 =	simm.s32 @p0 $0x1  }
0x13: {  	[smem:$0x3F95] =	sst s0;
	s0 =	simm.s32 @!p1 $0x0  }
0x14: {  	s2 =	sld [smem:$0x3F79];
	s0 =	simm.s32 @p1 $0x1  }
0x15: {  	[smem:$0x3F96] =	sst s0;
	s0 =	simm.s32 @!p2 $0x0  }
0x16: {  	s3 =	sld [smem:$0x3FDB];
	s0 =	simm.s32 @p2 $0x1  }
0x17: {  	s4 =	simm.s32 $0x1BF5;
	[smem:$0x3F98] =	sst s0  }
0x18: {  	s0 =	sld [smem:$0x3F7B];
	_ =	swait.ge [sflag:s4], $0x0  }
0x19: {  	s7 =	sld [smem:$0x3F7C]  }
0x1a: {  	s8 =	sadd.s32 $0xFFFFE003, lr  }
0x1b: {  	s9 =	sadd.s32 $0xFFFFFEF7, lr;
	s5 =	simm.s32 $0xFFFFFFFF;
	p2 =	slt.u32 s8, $0xFFFFF086  }
0x1c: {  	p1 =	slt.u32 s9, $0xF7A;
	s5 =	simm.s32 @!p2 $0x0  }
0x1d: {  	s5 =	simm.s32 @p1 $0x1;
	p0 =	seq.s32 s7, s2  }
0x1e: {  	s7 =	smul.u32 @!p0 $0xF7A, s2;
	p2 =	seq.s32 @!p0 s5, $0x0  }
0x1f: {  	s9 =	smul.u32 $0xF7A, s1;
	s8 =	simm.s32 @!p0 $0x1BF5;
	p2 =	por !p2, p0  }
0x20: {  	[sflag:s8] =	ssyncset.s32 @!p0 $0xFFFFF086;
	s6 =	sadd.s32 @!p0 s3, s7;
	s7 =	simm.s32 @!p0 $0x108  }
0x21: {  	s3 =	sadd.s32 s3, s9;
	s6 =	sadd.s32 @!p0 $0x88, s6;
	s7 =	simm.s32 @p2 $0x1082  }
0x22: {  	[simem:s7], [sflag:s8] =	dma.local @!p0 [hbm:s6], $0xF7A  }
0x23: {  	s9 =	sor.u32 $0xD0000000, s2;
	s6 =	simm.s32 $0x108;
	_ =	swait.ge @!p0 [sflag:s8], $0x0  }
0x24: {  	s3 =	sadd.s32 $0x88, s3;
	s6 =	simm.s32 @!p1 $0x1082;
	[sflag:s4] =	ssyncset.s32 $0xFFFFF086  }
0x25: {  	[simem:s6], [sflag:s4] =	dma.local [hbm:s3], $0xF7A  }
0x26: {  	[smem:$0x3F7C] =	sst s1;
	(tag) =	ssettag s2;
	_ =	strace s9  }
0x27: {  	s1 =	sld [smem:$0x3F8C]  }
0x28: {  	s2 =	sld [smem:$0x3F8D]  }
0x29: {  	s4 =	sld [smem:$0x3F8F]  }
0x2a: {  	p0 =	seq.s32 s5, $0x0;
	s5 =	sld [smem:$0x3F90]  }
0x2b: {  	s6 =	sld [smem:$0x3F91]  }
0x2c: {  	s7 =	sld [smem:$0x3F92]  }
0x2d: {  	s3 =	simm.s32 $0x108;
	s8 =	sld [smem:$0x3F93]  }
0x2e: {  	s3 =	simm.s32 @!p0 $0x1082;
	s9 =	sld [smem:$0x3F94]  }
0x2f: {  	lr =	sadd.s32 s0, s3;
	s0 =	sld [smem:$0x3F8B]  }
0x30: {  	s3 =	sld [smem:$0x3F8E]  }
0x31: {  	[smem:$0x3F97] =	sst s10  }
0x32: {  	s10 =	sld [smem:$0x3F95];
	_ =	sdelay $0x3  }
0x33: {  	p0 =	seq.s32 s10, $0x1;
	s10 =	sld [smem:$0x3F97];
	_ =	sdelay $0x3  }
0x34: {  	[smem:$0x3F97] =	sst s10  }
0x35: {  	s10 =	sld [smem:$0x3F96];
	_ =	sdelay $0x3  }
0x36: {  	p1 =	seq.s32 s10, $0x1;
	s10 =	sld [smem:$0x3F97];
	_ =	sdelay $0x3  }
0x37: {  	[smem:$0x3F97] =	sst s10  }
0x38: {  	s10 =	sld [smem:$0x3F98]  }
0x39: {  	_ = 	snop;
	(pc) =	sbr.ind lr, $3  }
0x3a: {  	_ = 	snop  }
0x3b: {  	_ = 	snop  }
0x3c: {  	p2 =	seq.s32 s10, $0x1;
	s10 =	sld [smem:$0x3F97]  }
0x3d: {  	_ =	shalt  }
0x3e: {  	_ =	shalt  }
0x3f: {  	_ =	shalt  }
0x40: {  	_ =	shalt  }
0x41: {  	_ =	shalt  }
0x42: {  	_ =	shalt  }
0x43: {  	_ =	shalt  }
0x44: {  	_ =	shalt  }
0x45: {  	_ =	shalt  }
0x46: {  	_ =	shalt  }
0x47: {  	_ =	shalt  }
0x48: {  	_ =	shalt  }
0x49: {  	_ =	shalt  }
0x4a: {  	_ =	shalt  }
0x4b: {  	_ =	shalt  }
0x4c: {  	_ =	shalt  }
0x4d: {  	_ =	shalt  }
0x4e: {  	_ =	shalt  }
0x4f: {  	_ =	shalt  }
0x50: {  	_ =	shalt  }
0x51: {  	_ =	shalt  }
0x52: {  	_ =	shalt  }
0x53: {  	_ =	shalt  }
0x54: {  	_ =	shalt  }
0x55: {  	_ =	shalt  }
0x56: {  	_ =	shalt  }
0x57: {  	_ =	shalt  }
0x58: {  	_ =	shalt  }
0x59: {  	_ =	shalt  }
0x5a: {  	_ =	shalt  }
0x5b: {  	_ =	shalt  }
0x5c: {  	_ =	shalt  }
0x5d: {  	_ =	shalt  }
0x5e: {  	_ =	shalt  }
0x5f: {  	_ =	shalt  }
0x60: {  	_ =	shalt  }
0x61: {  	_ =	shalt  }
0x62: {  	_ =	shalt  }
0x63: {  	_ =	shalt  }
0x64: {  	_ =	shalt  }
0x65: {  	_ =	shalt  }
0x66: {  	_ =	shalt  }
0x67: {  	_ =	shalt  }
0x68: {  	_ =	shalt  }
0x69: {  	_ =	shalt  }
0x6a: {  	_ =	shalt  }
0x6b: {  	_ =	shalt  }
0x6c: {  	_ =	shalt  }
0x6d: {  	_ =	shalt  }
0x6e: {  	_ =	shalt  }
0x6f: {  	_ =	shalt  }
0x70: {  	_ =	shalt  }
0x71: {  	_ =	shalt  }
0x72: {  	_ =	shalt  }
0x73: {  	_ =	shalt  }
0x74: {  	_ =	shalt  }
0x75: {  	_ =	shalt  }
0x76: {  	_ =	shalt  }
0x77: {  	_ =	shalt  }
0x78: {  	_ =	shalt  }
0x79: {  	_ =	shalt  }
0x7a: {  	_ =	shalt  }
0x7b: {  	_ =	shalt  }
0x7c: {  	_ =	shalt  }
0x7d: {  	_ =	shalt  }
0x7e: {  	_ =	shalt  }
0x7f: {  	_ =	shalt  }
0x80: {  	_ =	shalt  }
0x81: {  	_ =	shalt  }
0x82: {  	_ =	shalt  }
0x83: {  	_ =	shalt  }
0x84: {  	_ =	shalt  }
0x85: {  	_ =	shalt  }
0x86: {  	_ =	shalt  }
0x87: {  	_ =	shalt  }
.Lfunc_end0:
.L_simem_size_0:
called_computation.4_lowered:
.L_overlay_start_0:
0x88: {  	s2 =	sld [smem:$0x3FD9]  }
0x89: {  	s3 =	sld [smem:$0x3FFE];
	_ =	sdelay $0x1  }
0x8a: {  	s1 =	srdreg.scid  }
0x8b: {  	s0 =	sand.u32 $0x1, s1  }
0x8c: {  	s16 =	sshll.u32 s0, $0xA;
	s2 =	sadd.s32 s3, s2  }
0x8d: {  	s2 =	sadd.s32 s2, s16  }
0x8e: {  	[smem:$0x3FA3] =	sst s2  }
0x8f: {  	_ = 	snop  }
0x90: {  	(tm) =	ssettm $0x1  }
0x91: {  	s17 =	sld [smem:$0x3FFB];
	_ =	sdelay $0x3  }
0x92: {  	_ =	strace s17  }
0x93: {  	s2 =	sld [smem:$0x3FFC];
	_ =	sdelay $0x3  }
0x94: {  	_ =	strace s2  }
0x95: {  	s2 =	sld [smem:$0x3FFD];
	_ =	sdelay $0x3  }
0x96: {  	_ =	strace s2  }
0x97: {  	_ =	strace $0x8FFFFFFF  }
0x98: {  	s18 =	sld [smem:$0x3FDB];
	_ =	sdelay $0x1  }
0x99: {  	s19 =	simm.s32 $_scs_section_size  }
0x9a: {  	s4 =	simm.s32 $_size__tile_overlayer_lowered;
	s5 =	simm.s32 $_tile_overlayer_lowered  }
0x9b: {  	s22 =	simm.s32 $0x1BFF;
	s21 =	sshll.u32 s5, $0x1;
	s2 =	sadd.s32 s19, s18  }
0x9c: {  	s6 =	simm.s32 $0x0;
	s20 =	sshll.u32 s4, $0x1;
	s4 =	sadd.s32 s21, s2  }
0x9d: {  	[timem:s6], [sflag:s22] =	dma.local [hbm:s4], s20  }
0x9e: {  	_ =	swait.ge [sflag:s22], s20  }
0x9f: {  	s3 =	ssub.s32 $0x0, s20;
	[sflag:s22] =	ssyncset.done $0x0  }
0xa0: {  	[sflag:s22] =	ssyncadd.s32 s3;
	_ =	sdelay $0x1  }
0xa1: {  	s23 =	simm.s32 $0x1B8B  }
0xa2: {  	_ =	swait.ge [sflag:s23], $0x1  }
0xa3: {  	[sflag:s23] =	ssyncset.done $0x0  }
0xa4: {  	s25 =	simm.s32 $0x1B8E;
	s24 =	sld [smem:$0x3FFE];
	[sflag:s23] =	ssyncadd.s32 $0xFFFFFFFF  }
0xa5: {  	s26 =	simm.s32 $execute0_lowered;
	[smem:$0x3FD2] =	sst s25  }
0xa6: {  	s4 =	sshll.u32 s26, $0x1;
	_ =	strace $0x80000052;
	[dreg:$0x1] =	wrdreg $0xFFFFFFFF  }
0xa7: {  	s28 =	simm.s32 $_size_execute0_lowered;
	s2 =	sadd.s32 s2, s4;
	[dreg:$0x0] =	wrdreg $0x0  }
0xa8: {  	s4 =	sshll.u32 s28, $0x1;
	[dreg:$0x2] =	wrdreg s2  }
0xa9: {  	[dreg:$0x3] =	wrdreg s4  }
0xaa: {  	[dreg:$0x4] =	wrdreg $0xC0  }
0xab: {  	_ =	task [dreg:s6], $0x5FFFF  }
0xac: {  	[dreg:$0x1] =	wrdreg $0xFFFFFFFF  }
0xad: {  	[dreg:$0x0] =	wrdreg $0x60  }
0xae: {  	[dreg:$0x2] =	wrdreg s24  }
0xaf: {  	[dreg:$0x3] =	wrdreg $0x90000  }
0xb0: {  	[dreg:$0x4] =	wrdreg $0x9  }
0xb1: {  	_ =	task.clear_ibuf [dreg:s6], $0x5FFFF;
	_ =	strace $0x90000052  }
0xb2: {  	s29 =	simm.s32 $0x9;
	_ =	strace $0x80000054  }
0xb3: {  	_ =	swait.ge [sflag:s29], $0x1  }
0xb4: {  	[sflag:s29] =	ssyncadd.s32 $0xFFFFFFFF  }
0xb5: {  	_ =	strace $0x90000054  }
0xb6: {  	_ =	sfence  }
0xb7: {  	s30 =	sld [smem:$0x0];
	_ =	sdelay $0x2  }
0xb8: {  	s31 =	sshll.u32 s1, $0xD;
	s1 =	sshrl.u32 s1, $0x2  }
0xb9: {  	s3 =	sand.u32 $0x4000, s31;
	s1 =	sadd.s32 s1, s30  }
0xba: {  	s0 =	sor.u32 s3, s0;
	s1 =	sshll.u32 s1, $0x11  }
0xbb: {  	s0 =	sor.u32 s1, s0  }
0xbc: {  	s0 =	sadd.s32 $0x8F2B, s0  }
0xbd: {  	[sflag:s0] =	ssyncadd.remote.s32 $0x1  }
0xbe: {  	_ =	sfence.sel $0xFFFF  }
0xbf: {  	[dreg:$0x0] =	wrdreg $0xFFFFFFFF;
	(pc) =	sbr.abs _section_cstart, $3  }
0xc0: {  	[dreg:$0x1] =	wrdreg $0xFFFFFFFF  }
0xc1: {  	_ =	task.clear_ibuf [dreg:s6], $0x2FFFF;
	_ =	strace $0x9FFFFFFF  }
0xc2: {  	(tm) =	ssettm $0x7FFFFFFF  }
0xc3: {  	_ =	shalt  }
tec
execute0_lowered:
.L_overlay_start_1:
0x0: {  	(tag) =	ssettag $0x1  }
0x1: {  	s1 =	srdreg.scid;
	s6 =	rddreg [dreg:$0x0]  }
0x2: {  	s0 =	stileid.u32;
	s2 =	rddreg [dreg:$0x1];
	s3 =	simm.s32 $0x0  }
0x3: {  	s13 =	simm.s32 $0x2780;
	s14 =	simm.s32 $0x80;
	s15 =	simm.s32 $0x5000  }
0x4: {  	s16 =	simm.s32 $0x7000;
	s17 =	simm.s32 $0x1;
	s18 =	simm.s32 $0x4F00  }
0x5: {  	s19 =	simm.s32 $0x4;
	s20 =	simm.s32 $0x2;
	s21 =	simm.s32 $0x4F80  }
0x6: {  	s22 =	simm.s32 $0x0;
	s5 =	sand.u32 $0x1, s1;
	s8 =	smul.u32 $0xA000, s0  }
0x7: {  	s26 =	sshll.u32 s0, $0x1;
	s9 =	smul.u32 $0x1400, s0;
	[smem:$0x7FF] =	sst s3  }
0x8: {  	s4 =	sadd.s32 $0xD3200, s6;
	s1 =	sor.u32 s5, s26;
	s10 =	smul.u32 $0x14000, s5  }
0x9: {  	s31 =	sshll.u32 s0, $0x6;
	s5 =	ssub.s32 $0x2, s5;
	s7 =	smul.u32 $0x4F0, s1  }
0xa: {  	s1 =	rddreg [dreg:$0x2];
	_ =	strace $0x80000053;
	s28 =	sshrl.u32 s8, $0x3  }
0xb: {  	s29 =	sshrl.u32 s5, $0x1;
	s12 =	sadd.s32 s8, s2;
	s9 =	sadd.s32 s9, s10  }
0xc: {  	s30 =	ssub.s32 s5, s29;
	s11 =	sadd.s32 s7, s6;
	s7 =	sadd.s32 s28, s6  }
0xd: {  	s9 =	sadd.s32 s9, s6;
	s6 =	sor.u32 $0x1C03, s31;
	s10 =	smax.u32 s30, $0x1  }
0xe: {  	s5 =	sadd.s32 $0x2FC00, s7;
	s7 =	sadd.s32 $0xB0800, s11;
	s8 =	sadd.s32 $0xBA600, s11  }
0xf: {  	s9 =	sadd.s32 $0x43C00, s9;
	s11 =	sshrl.u32 s12, $0x3;
	s12 =	simm.s32 $0x3  }
.LBB2_1:
0x10: {  	[spmem:s11], [sflag:s6] =	dma.local [hbm:s5], $0x1400  }
0x11: {  	_ =	swait.ge [sflag:s12], $0x1400  }
0x12: {  	[sflag:s12] =	ssyncset.done $0x0  }
0x13: {  	[sflag:s12] =	ssyncadd.s32 $0xFFFFEC00  }
0x14: {  	[bflag:$0x0] =	sbarrier.arrive $0xFFFF  }
0x15: {  	[tilespmem:s3], [sflag:$0x3] =	stream.linear.gather [hbm4b:s7+s3], $0x2780, $0x38;
	[tilespmem:$0x13000] =	vst v63  }
0x16: {  	_ =	swait.ge [sflag:s12], $0x2780  }
0x17: {  	[sflag:s12] =	ssyncset.done $0x0  }
0x18: {  	[sflag:s12] =	ssyncadd.s32 $0xFFFFD880  }
0x19: {  	[tilespmem:s13], [sflag:$0x3] =	stream.linear.gather [hbm4b:s8+s3], $0x2780, $0x38;
	[tilespmem:$0x13000] =	vst v63  }
0x1a: {  	_ =	swait.ge [sflag:s12], $0x2780  }
0x1b: {  	[sflag:s12] =	ssyncset.done $0x0  }
0x1c: {  	[sflag:s12] =	ssyncadd.s32 $0xFFFFD880  }
0x1d: {  	[tilespmem:s15], [sflag:$0x1] =	stream.indirect.gather [hbm4b:s4+s14], $0x40, s13, s14, $0xb8;
	[tilespmem:$0x13000] =	vst v63  }
0x1e: {  	s23 =	simm.s32 $0x2800  }
0x1f: {  	[tilespmem:s16], [sflag:$0x2] =	stream.indirect.gather [hbm4b:s4+s14], $0x40, s23, s14, $0xb8;
	[tilespmem:$0x13000] =	vst v63  }
0x20: {  	_ =	swait.ge [sflag:s17], $0x2000  }
0x21: {  	[sflag:s17] =	ssyncset.done $0x0  }
0x22: {  	s31 =	simm.s32 $0x0;
	[sflag:s17] =	ssyncadd.s32 $0xFFFFE000  }
0x23: {  	v0 =	vld [tilespmem:s31+$0x0];
	_ =	sdelay $0x4  }
0x24: {  	[tilespmem:$0x4F00] =	vst v0  }
0x25: {  	v0 =	vld [tilespmem:s31+$0x10];
	_ =	sdelay $0x4  }
0x26: {  	[tilespmem:$0x4F10] =	vst v0  }
0x27: {  	v0 =	vld [tilespmem:s31+$0x20];
	_ =	sdelay $0x4  }
0x28: {  	[tilespmem:$0x4F20] =	vst v0  }
0x29: {  	v0 =	vld [tilespmem:s31+$0x30];
	_ =	sdelay $0x4  }
0x2a: {  	[tilespmem:$0x4F30] =	vst v0  }
0x2b: {  	v0 =	vld [tilespmem:s31+$0x40];
	_ =	sdelay $0x4  }
0x2c: {  	[tilespmem:$0x4F40] =	vst v0  }
0x2d: {  	v0 =	vld [tilespmem:s31+$0x50];
	_ =	sdelay $0x4  }
0x2e: {  	[tilespmem:$0x4F50] =	vst v0  }
0x2f: {  	v0 =	vld [tilespmem:s31+$0x60];
	_ =	sdelay $0x4  }
0x30: {  	[tilespmem:$0x4F60] =	vst v0  }
0x31: {  	v0 =	vld [tilespmem:s31+$0x70];
	_ =	sdelay $0x4  }
0x32: {  	[tilespmem:$0x4F70] =	vst v0  }
0x33: {  	[spmem:s2] =	stream.indirect.scatter.add.f32 [tilespmem:s15], [sflag:$0x4], $0x40, s18, s14, $0xb8;
	[tilespmem:$0x13000] =	vst v63  }
0x34: {  	_ =	swait.ge [sflag:s19], $0x2000  }
0x35: {  	[sflag:s19] =	ssyncset.done $0x0  }
0x36: {  	s24 =	simm.s32 $0x2880;
	[sflag:s19] =	ssyncadd.s32 $0xFFFFE000  }
0x37: {  	[tilespmem:s15], [sflag:$0x1] =	stream.indirect.gather [hbm4b:s4+s14], $0x40, s24, s14, $0xb8;
	[tilespmem:$0x13000] =	vst v63  }
0x38: {  	_ =	swait.ge [sflag:s20], $0x2000  }
0x39: {  	[sflag:s20] =	ssyncset.done $0x0  }
0x3a: {  	[sflag:s20] =	ssyncadd.s32 $0xFFFFE000  }
0x3b: {  	v63 =	vld [tilespmem:s31+$0x80];
	_ =	sdelay $0x4  }
0x3c: {  	[tilespmem:$0x4F80] =	vst v63  }
0x3d: {  	v0 =	vld [tilespmem:s31+$0x90];
	_ =	sdelay $0x4  }
0x3e: {  	[tilespmem:$0x4F90] =	vst v0  }
0x3f: {  	v0 =	vld [tilespmem:s31+$0xA0];
	_ =	sdelay $0x4  }
0x40: {  	[tilespmem:$0x4FA0] =	vst v0  }
0x41: {  	v0 =	vld [tilespmem:s31+$0xB0];
	_ =	sdelay $0x4  }
0x42: {  	[tilespmem:$0x4FB0] =	vst v0  }
0x43: {  	v0 =	vld [tilespmem:s31+$0xC0];
	_ =	sdelay $0x4  }
0x44: {  	[tilespmem:$0x4FC0] =	vst v0  }
0x45: {  	v0 =	vld [tilespmem:s31+$0xD0];
	_ =	sdelay $0x4  }
0x46: {  	[tilespmem:$0x4FD0] =	vst v0  }
0x47: {  	v0 =	vld [tilespmem:s31+$0xE0];
	_ =	sdelay $0x4  }
0x48: {  	[tilespmem:$0x4FE0] =	vst v0  }
0x49: {  	v0 =	vld [tilespmem:s31+$0xF0];
	_ =	sdelay $0x4  }
0x4a: {  	[tilespmem:$0x4FF0] =	vst v0  }
0x4b: {  	[spmem:s2] =	stream.indirect.scatter.add.f32 [tilespmem:s16], [sflag:$0x3], $0x40, s21, s14, $0xb8;
	[tilespmem:$0x13000] =	vst v63  }
0x4c: {  	_ =	swait.ge [sflag:s12], $0x2000  }
0x4d: {  	s26 =	simm.s32 $0x800;
	s23 =	simm.s32 $0x100;
	[sflag:s12] =	ssyncset.done $0x0  }
.LBB2_2:
0x4e: {  	s28 =	sadd.s32 $0x2800, s23  }
0x4f: {  	[sflag:s12] =	ssyncadd.s32 $0xFFFFE000;
	s25 =	smov.u32 s26;
	s24 =	sadd.s32 $0x400, s26  }
0x50: {  	[tilespmem:s16], [sflag:$0x2] =	stream.indirect.gather [hbm4b:s4+s14], $0x40, s28, s14, $0xb8;
	[tilespmem:$0x13000] =	vst v63  }
0x51: {  	p0 =	sne.s32 s26, $0x9800;
	_ =	swait.ge [sflag:s17], $0x2000  }
0x52: {  	[sflag:s17] =	ssyncset.done $0x0  }
0x53: {  	[sflag:s17] =	ssyncadd.s32 $0xFFFFE000  }
0x54: {  	v0 =	vld [tilespmem:s23+$0x0];
	_ =	sdelay $0x4  }
0x55: {  	[tilespmem:$0x4F00] =	vst v0  }
0x56: {  	v0 =	vld [tilespmem:s23+$0x10];
	_ =	sdelay $0x4  }
0x57: {  	[tilespmem:$0x4F10] =	vst v0  }
0x58: {  	v0 =	vld [tilespmem:s23+$0x20];
	_ =	sdelay $0x4  }
0x59: {  	[tilespmem:$0x4F20] =	vst v0  }
0x5a: {  	v0 =	vld [tilespmem:s23+$0x30];
	_ =	sdelay $0x4  }
0x5b: {  	[tilespmem:$0x4F30] =	vst v0  }
0x5c: {  	v0 =	vld [tilespmem:s23+$0x40];
	_ =	sdelay $0x4  }
0x5d: {  	[tilespmem:$0x4F40] =	vst v0  }
0x5e: {  	v0 =	vld [tilespmem:s23+$0x50];
	_ =	sdelay $0x4  }
0x5f: {  	[tilespmem:$0x4F50] =	vst v0  }
0x60: {  	v0 =	vld [tilespmem:s23+$0x60];
	_ =	sdelay $0x4  }
0x61: {  	[tilespmem:$0x4F60] =	vst v0  }
0x62: {  	v0 =	vld [tilespmem:s23+$0x70];
	_ =	sdelay $0x4  }
0x63: {  	[tilespmem:$0x4F70] =	vst v0  }
0x64: {  	[spmem:s2] =	stream.indirect.scatter.add.f32 [tilespmem:s15], [sflag:$0x4], $0x40, s18, s14, $0xb8;
	[tilespmem:$0x13000] =	vst v63  }
0x65: {  	_ =	swait.ge [sflag:s19], $0x2000  }
0x66: {  	[sflag:s19] =	ssyncset.done $0x0  }
0x67: {  	s26 =	sadd.s32 $0x2880, s23;
	[sflag:s19] =	ssyncadd.s32 $0xFFFFE000  }
0x68: {  	[tilespmem:s15], [sflag:$0x1] =	stream.indirect.gather [hbm4b:s4+s14], $0x40, s26, s14, $0xb8;
	[tilespmem:$0x13000] =	vst v63  }
0x69: {  	_ =	swait.ge [sflag:s20], $0x2000  }
0x6a: {  	[sflag:s20] =	ssyncset.done $0x0  }
0x6b: {  	[sflag:s20] =	ssyncadd.s32 $0xFFFFE000  }
0x6c: {  	v0 =	vld [tilespmem:s23+$0x80];
	_ =	sdelay $0x4  }
0x6d: {  	[tilespmem:$0x4F80] =	vst v0  }
0x6e: {  	v0 =	vld [tilespmem:s23+$0x90];
	_ =	sdelay $0x4  }
0x6f: {  	[tilespmem:$0x4F90] =	vst v0  }
0x70: {  	v0 =	vld [tilespmem:s23+$0xA0];
	_ =	sdelay $0x4  }
0x71: {  	[tilespmem:$0x4FA0] =	vst v0  }
0x72: {  	v0 =	vld [tilespmem:s23+$0xB0];
	_ =	sdelay $0x4  }
0x73: {  	[tilespmem:$0x4FB0] =	vst v0  }
0x74: {  	v0 =	vld [tilespmem:s23+$0xC0];
	_ =	sdelay $0x4  }
0x75: {  	[tilespmem:$0x4FC0] =	vst v0  }
0x76: {  	v0 =	vld [tilespmem:s23+$0xD0];
	_ =	sdelay $0x4  }
0x77: {  	[tilespmem:$0x4FD0] =	vst v0  }
0x78: {  	v0 =	vld [tilespmem:s23+$0xE0];
	_ =	sdelay $0x4  }
0x79: {  	[tilespmem:$0x4FE0] =	vst v0  }
0x7a: {  	v0 =	vld [tilespmem:s23+$0xF0];
	_ =	sdelay $0x3  }
.Ltmp0:
0x7b: {  	(pc) =	sbr.rel @p0 .LBB2_2-.Ltmp0, $4  }
0x7c: {  	[tilespmem:$0x4FF0] =	vst v0  }
0x7d: {  	[spmem:s2] =	stream.indirect.scatter.add.f32 [tilespmem:s16], [sflag:$0x3], $0x40, s21, s14, $0xb8;
	[tilespmem:$0x13000] =	vst v63  }
0x7e: {  	_ =	swait.ge [sflag:s12], $0x2000  }
0x7f: {  	s26 =	smov.u32 s24;
	s23 =	sshra.s32 s25, $0x2;
	[sflag:s12] =	ssyncset.done $0x0  }
0x80: {  	s24 =	sadd.s32 $0x2800, s23;
	[sflag:s12] =	ssyncadd.s32 $0xFFFFE000  }
0x81: {  	[tilespmem:s16], [sflag:$0x2] =	stream.indirect.gather [hbm4b:s4+s14], $0x40, s24, s14, $0xb8;
	[tilespmem:$0x13000] =	vst v63  }
0x82: {  	_ =	swait.ge [sflag:s17], $0x2000  }
0x83: {  	[sflag:s17] =	ssyncset.done $0x0  }
0x84: {  	[sflag:s17] =	ssyncadd.s32 $0xFFFFE000  }
0x85: {  	v0 =	vld [tilespmem:s23+$0x0];
	_ =	sdelay $0x4  }
0x86: {  	[tilespmem:$0x4F00] =	vst v0  }
0x87: {  	v0 =	vld [tilespmem:s23+$0x10];
	_ =	sdelay $0x4  }
0x88: {  	[tilespmem:$0x4F10] =	vst v0  }
0x89: {  	v0 =	vld [tilespmem:s23+$0x20];
	_ =	sdelay $0x4  }
0x8a: {  	[tilespmem:$0x4F20] =	vst v0  }
0x8b: {  	v0 =	vld [tilespmem:s23+$0x30];
	_ =	sdelay $0x4  }
0x8c: {  	[tilespmem:$0x4F30] =	vst v0  }
0x8d: {  	v0 =	vld [tilespmem:s23+$0x40];
	_ =	sdelay $0x4  }
0x8e: {  	[tilespmem:$0x4F40] =	vst v0  }
0x8f: {  	v0 =	vld [tilespmem:s23+$0x50];
	_ =	sdelay $0x4  }
0x90: {  	[tilespmem:$0x4F50] =	vst v0  }
0x91: {  	v0 =	vld [tilespmem:s23+$0x60];
	_ =	sdelay $0x4  }
0x92: {  	[tilespmem:$0x4F60] =	vst v0  }
0x93: {  	v0 =	vld [tilespmem:s23+$0x70];
	_ =	sdelay $0x4  }
0x94: {  	[tilespmem:$0x4F70] =	vst v0  }
0x95: {  	[spmem:s2] =	stream.indirect.scatter.add.f32 [tilespmem:s15], [sflag:$0x4], $0x40, s18, s14, $0xb8;
	[tilespmem:$0x13000] =	vst v63  }
0x96: {  	_ =	swait.ge [sflag:s19], $0x2000  }
0x97: {  	[sflag:s19] =	ssyncset.done $0x0  }
0x98: {  	s31 =	sadd.s32 $0x2880, s23;
	[sflag:s19] =	ssyncadd.s32 $0xFFFFE000  }
0x99: {  	[tilespmem:s15], [sflag:$0x1] =	stream.indirect.gather [hbm4b:s4+s14], $0x40, s31, s14, $0xb8;
	[tilespmem:$0x13000] =	vst v63  }
0x9a: {  	_ =	swait.ge [sflag:s20], $0x2000  }
0x9b: {  	[sflag:s20] =	ssyncset.done $0x0  }
0x9c: {  	[sflag:s20] =	ssyncadd.s32 $0xFFFFE000  }
0x9d: {  	v59 =	vld [tilespmem:s23+$0x80];
	_ =	sdelay $0x4  }
0x9e: {  	[tilespmem:$0x4F80] =	vst v59  }
0x9f: {  	v0 =	vld [tilespmem:s23+$0x90];
	_ =	sdelay $0x4  }
0xa0: {  	[tilespmem:$0x4F90] =	vst v0  }
0xa1: {  	v0 =	vld [tilespmem:s23+$0xA0];
	_ =	sdelay $0x4  }
0xa2: {  	[tilespmem:$0x4FA0] =	vst v0  }
0xa3: {  	v0 =	vld [tilespmem:s23+$0xB0];
	_ =	sdelay $0x4  }
0xa4: {  	[tilespmem:$0x4FB0] =	vst v0  }
0xa5: {  	v0 =	vld [tilespmem:s23+$0xC0];
	_ =	sdelay $0x4  }
0xa6: {  	[tilespmem:$0x4FC0] =	vst v0  }
0xa7: {  	v0 =	vld [tilespmem:s23+$0xD0];
	_ =	sdelay $0x4  }
0xa8: {  	[tilespmem:$0x4FD0] =	vst v0  }
0xa9: {  	v0 =	vld [tilespmem:s23+$0xE0];
	_ =	sdelay $0x4  }
0xaa: {  	[tilespmem:$0x4FE0] =	vst v0  }
0xab: {  	v0 =	vld [tilespmem:s23+$0xF0];
	_ =	sdelay $0x4  }
0xac: {  	[tilespmem:$0x4FF0] =	vst v0  }
0xad: {  	[spmem:s2] =	stream.indirect.scatter.add.f32 [tilespmem:s16], [sflag:$0x3], $0x40, s21, s14, $0xb8;
	[tilespmem:$0x13000] =	vst v63  }
0xae: {  	_ =	swait.ge [sflag:s12], $0x2000  }
0xaf: {  	[sflag:s12] =	ssyncset.done $0x0  }
0xb0: {  	[sflag:s12] =	ssyncadd.s32 $0xFFFFE000  }
0xb1: {  	_ =	swait.ge [sflag:s17], $0x2000  }
0xb2: {  	[sflag:s17] =	ssyncset.done $0x0  }
0xb3: {  	[sflag:s17] =	ssyncadd.s32 $0xFFFFE000  }
0xb4: {  	v60 =	vld [tilespmem:$0x2700]  }
0xb5: {  	v1 =	vld [tilespmem:$0x2710]  }
0xb6: {  	v2 =	vld [tilespmem:$0x2720]  }
0xb7: {  	v3 =	vld [tilespmem:$0x2730]  }
0xb8: {  	v4 =	vld [tilespmem:$0x2740]  }
0xb9: {  	v61 =	vld [tilespmem:$0x2750];
	[tilespmem:$0x4F00] =	vst v60  }
0xba: {  	v62 =	vld [tilespmem:$0x2760];
	[tilespmem:$0x4F10] =	vst v1  }
0xbb: {  	v63 =	vld [tilespmem:$0x2770];
	[tilespmem:$0x4F20] =	vst v2  }
0xbc: {  	[tilespmem:$0x4F30] =	vst v3  }
0xbd: {  	[tilespmem:$0x4F40] =	vst v4  }
0xbe: {  	[tilespmem:$0x4F50] =	vst v61  }
0xbf: {  	[tilespmem:$0x4F60] =	vst v62  }
0xc0: {  	[tilespmem:$0x4F70] =	vst v63  }
0xc1: {  	[spmem:s2] =	stream.indirect.scatter.add.f32 [tilespmem:s15], [sflag:$0x4], $0x40, s18, s14, $0xb8;
	[tilespmem:$0x13000] =	vst v63  }
0xc2: {  	_ =	swait.ge [sflag:s19], $0x2000  }
0xc3: {  	s22 =	sadd.s32 $0x1, s22;
	[sflag:s19] =	ssyncset.done $0x0  }
0xc4: {  	p0 =	sne.s32 s22, s10;
	[sflag:s19] =	ssyncadd.s32 $0xFFFFE000  }
.Ltmp1:
0xc5: {  	[bflag:$0x0] =	sbarrier.arrive $0xFFFF;
	(pc) =	sbr.rel @p0 .LBB2_1-.Ltmp1, $4  }
0xc6: {  	[hbm:s9], [sflag:s6] =	dma.local [spmem:s11], $0x1400  }
0xc7: {  	_ =	swait.ge [sflag:s12], $0x1400  }
0xc8: {  	[sflag:s12] =	ssyncset.done $0x0  }
0xc9: {  	[sflag:s12] =	ssyncadd.s32 $0xFFFFEC00  }
0xca: {  	_ =	sfence.sel $0x180000  }
0xcb: {  	[bflag:$0x0] =	sbarrier.arrive $0xFFFF  }
0xcc: {  	p0 =	sne.s32 s0, $0x0;
	_ =	strace $0x90000053  }
0xcd: {  	s0 =	sadd.s32 @!p0 $0x100000, s1;
	[bflag:$0x2] =	sbarrier.arrive $0xFFFF  }
0xce: {  	[sflag:s0] =	ssyncadd.tile.s32 @!p0 $0x1;
	_ =	shalt  }
.Lfunc_end2:
_tile_overlayer_lowered:
.L_overlay_start_2:
0xcf: {  	(tag) =	ssettag $0x2  }
0xd0: {  	s0 =	rddreg [dreg:$0x0];
	s2 =	stileid.u32  }
0xd1: {  	s1 =	rddreg [dreg:$0x1];
	p0 =	sne.s32 s2, $0x0  }
0xd2: {  	s3 =	rddreg [dreg:$0x2];
	[bflag:$0x3] =	sbarrier.arrive $0xFFFF;
	s2 =	simm.s32 @!p0 $0x1C03  }
0xd3: {  	[timem:s3], [sflag:s2] =	dma.local @!p0 [hbm:s0], s1  }
0xd4: {  	s0 =	simm.s32 @!p0 $0x3  }
0xd5: {  	_ =	swait.ge @!p0 [sflag:s0], s1  }
0xd6: {  	s1 =	ssub.s32 @!p0 $0x0, s1;
	[sflag:s0] =	ssyncset.done @!p0 $0x0  }
0xd7: {  	[sflag:s0] =	ssyncadd.s32 @!p0 s1  }
0xd8: {  	[bflag:$0x3] =	sbarrier.arrive $0xFFFF  }
0xd9: {  	_ =	shalt  }

// kernel: kernel.31.cloned.1.call-start
scs
__scs_entry_jumppad:
0x0: {  	(pc) =	sbr.rel $0x88, $3  }
0x1: {  	(tag) =	ssettag $0x0;
	lr =	simm.s32 $0x1  }
0x2: {  	[smem:$0x3F7C] =	sst lr;
	_ =	strace $0xD0000000  }
0x3: {  	_ = 	snop  }
0x4: {  	_ = 	snop  }
0x5: {  	_ = 	snop  }
0x6: {  	_ = 	snop  }
0x7: {  	_ = 	snop  }
__scs_overlays_trampoline_lowered:
0x8: {  	[smem:$0x3F8B] =	sst s0  }
0x9: {  	[smem:$0x3F8C] =	sst s1  }
0xa: {  	[smem:$0x3F8D] =	sst s2  }
0xb: {  	[smem:$0x3F8E] =	sst s3  }
0xc: {  	[smem:$0x3F8F] =	sst s4  }
0xd: {  	[smem:$0x3F90] =	sst s5  }
0xe: {  	[smem:$0x3F91] =	sst s6  }
0xf: {  	[smem:$0x3F92] =	sst s7  }
0x10: {  	[smem:$0x3F93] =	sst s8  }
0x11: {  	[smem:$0x3F94] =	sst s9;
	s0 =	simm.s32 @!p0 $0x0  }
0x12: {  	s1 =	sld [smem:$0x3F7A];
	s0 =	simm.s32 @p0 $0x1  }
0x13: {  	[smem:$0x3F95] =	sst s0;
	s0 =	simm.s32 @!p1 $0x0  }
0x14: {  	s2 =	sld [smem:$0x3F79];
	s0 =	simm.s32 @p1 $0x1  }
0x15: {  	[smem:$0x3F96] =	sst s0;
	s0 =	simm.s32 @!p2 $0x0  }
0x16: {  	s3 =	sld [smem:$0x3FDB];
	s0 =	simm.s32 @p2 $0x1  }
0x17: {  	s4 =	simm.s32 $0x1BF5;
	[smem:$0x3F98] =	sst s0  }
0x18: {  	s0 =	sld [smem:$0x3F7B];
	_ =	swait.ge [sflag:s4], $0x0  }
0x19: {  	s7 =	sld [smem:$0x3F7C]  }
0x1a: {  	s8 =	sadd.s32 $0xFFFFE003, lr  }
0x1b: {  	s9 =	sadd.s32 $0xFFFFFEF7, lr;
	s5 =	simm.s32 $0xFFFFFFFF;
	p2 =	slt.u32 s8, $0xFFFFF086  }
0x1c: {  	p1 =	slt.u32 s9, $0xF7A;
	s5 =	simm.s32 @!p2 $0x0  }
0x1d: {  	s5 =	simm.s32 @p1 $0x1;
	p0 =	seq.s32 s7, s2  }
0x1e: {  	s7 =	smul.u32 @!p0 $0xF7A, s2;
	p2 =	seq.s32 @!p0 s5, $0x0  }
0x1f: {  	s9 =	smul.u32 $0xF7A, s1;
	s8 =	simm.s32 @!p0 $0x1BF5;
	p2 =	por !p2, p0  }
0x20: {  	[sflag:s8] =	ssyncset.s32 @!p0 $0xFFFFF086;
	s6 =	sadd.s32 @!p0 s3, s7;
	s7 =	simm.s32 @!p0 $0x108  }
0x21: {  	s3 =	sadd.s32 s3, s9;
	s6 =	sadd.s32 @!p0 $0x88, s6;
	s7 =	simm.s32 @p2 $0x1082  }
0x22: {  	[simem:s7], [sflag:s8] =	dma.local @!p0 [hbm:s6], $0xF7A  }
0x23: {  	s9 =	sor.u32 $0xD0000000, s2;
	s6 =	simm.s32 $0x108;
	_ =	swait.ge @!p0 [sflag:s8], $0x0  }
0x24: {  	s3 =	sadd.s32 $0x88, s3;
	s6 =	simm.s32 @!p1 $0x1082;
	[sflag:s4] =	ssyncset.s32 $0xFFFFF086  }
0x25: {  	[simem:s6], [sflag:s4] =	dma.local [hbm:s3], $0xF7A  }
0x26: {  	[smem:$0x3F7C] =	sst s1;
	(tag) =	ssettag s2;
	_ =	strace s9  }
0x27: {  	s1 =	sld [smem:$0x3F8C]  }
0x28: {  	s2 =	sld [smem:$0x3F8D]  }
0x29: {  	s4 =	sld [smem:$0x3F8F]  }
0x2a: {  	p0 =	seq.s32 s5, $0x0;
	s5 =	sld [smem:$0x3F90]  }
0x2b: {  	s6 =	sld [smem:$0x3F91]  }
0x2c: {  	s7 =	sld [smem:$0x3F92]  }
0x2d: {  	s3 =	simm.s32 $0x108;
	s8 =	sld [smem:$0x3F93]  }
0x2e: {  	s3 =	simm.s32 @!p0 $0x1082;
	s9 =	sld [smem:$0x3F94]  }
0x2f: {  	lr =	sadd.s32 s0, s3;
	s0 =	sld [smem:$0x3F8B]  }
0x30: {  	s3 =	sld [smem:$0x3F8E]  }
0x31: {  	[smem:$0x3F97] =	sst s10  }
0x32: {  	s10 =	sld [smem:$0x3F95];
	_ =	sdelay $0x3  }
0x33: {  	p0 =	seq.s32 s10, $0x1;
	s10 =	sld [smem:$0x3F97];
	_ =	sdelay $0x3  }
0x34: {  	[smem:$0x3F97] =	sst s10  }
0x35: {  	s10 =	sld [smem:$0x3F96];
	_ =	sdelay $0x3  }
0x36: {  	p1 =	seq.s32 s10, $0x1;
	s10 =	sld [smem:$0x3F97];
	_ =	sdelay $0x3  }
0x37: {  	[smem:$0x3F97] =	sst s10  }
0x38: {  	s10 =	sld [smem:$0x3F98]  }
0x39: {  	_ = 	snop;
	(pc) =	sbr.ind lr, $3  }
0x3a: {  	_ = 	snop  }
0x3b: {  	_ = 	snop  }
0x3c: {  	p2 =	seq.s32 s10, $0x1;
	s10 =	sld [smem:$0x3F97]  }
0x3d: {  	_ =	shalt  }
0x3e: {  	_ =	shalt  }
0x3f: {  	_ =	shalt  }
0x40: {  	_ =	shalt  }
0x41: {  	_ =	shalt  }
0x42: {  	_ =	shalt  }
0x43: {  	_ =	shalt  }
0x44: {  	_ =	shalt  }
0x45: {  	_ =	shalt  }
0x46: {  	_ =	shalt  }
0x47: {  	_ =	shalt  }
0x48: {  	_ =	shalt  }
0x49: {  	_ =	shalt  }
0x4a: {  	_ =	shalt  }
0x4b: {  	_ =	shalt  }
0x4c: {  	_ =	shalt  }
0x4d: {  	_ =	shalt  }
0x4e: {  	_ =	shalt  }
0x4f: {  	_ =	shalt  }
0x50: {  	_ =	shalt  }
0x51: {  	_ =	shalt  }
0x52: {  	_ =	shalt  }
0x53: {  	_ =	shalt  }
0x54: {  	_ =	shalt  }
0x55: {  	_ =	shalt  }
0x56: {  	_ =	shalt  }
0x57: {  	_ =	shalt  }
0x58: {  	_ =	shalt  }
0x59: {  	_ =	shalt  }
0x5a: {  	_ =	shalt  }
0x5b: {  	_ =	shalt  }
0x5c: {  	_ =	shalt  }
0x5d: {  	_ =	shalt  }
0x5e: {  	_ =	shalt  }
0x5f: {  	_ =	shalt  }
0x60: {  	_ =	shalt  }
0x61: {  	_ =	shalt  }
0x62: {  	_ =	shalt  }
0x63: {  	_ =	shalt  }
0x64: {  	_ =	shalt  }
0x65: {  	_ =	shalt  }
0x66: {  	_ =	shalt  }
0x67: {  	_ =	shalt  }
0x68: {  	_ =	shalt  }
0x69: {  	_ =	shalt  }
0x6a: {  	_ =	shalt  }
0x6b: {  	_ =	shalt  }
0x6c: {  	_ =	shalt  }
0x6d: {  	_ =	shalt  }
0x6e: {  	_ =	shalt  }
0x6f: {  	_ =	shalt  }
0x70: {  	_ =	shalt  }
0x71: {  	_ =	shalt  }
0x72: {  	_ =	shalt  }
0x73: {  	_ =	shalt  }
0x74: {  	_ =	shalt  }
0x75: {  	_ =	shalt  }
0x76: {  	_ =	shalt  }
0x77: {  	_ =	shalt  }
0x78: {  	_ =	shalt  }
0x79: {  	_ =	shalt  }
0x7a: {  	_ =	shalt  }
0x7b: {  	_ =	shalt  }
0x7c: {  	_ =	shalt  }
0x7d: {  	_ =	shalt  }
0x7e: {  	_ =	shalt  }
0x7f: {  	_ =	shalt  }
0x80: {  	_ =	shalt  }
0x81: {  	_ =	shalt  }
0x82: {  	_ =	shalt  }
0x83: {  	_ =	shalt  }
0x84: {  	_ =	shalt  }
0x85: {  	_ =	shalt  }
0x86: {  	_ =	shalt  }
0x87: {  	_ =	shalt  }
.Lfunc_end0:
.L_simem_size_0:
called_computation.5_lowered:
.L_overlay_start_0:
0x88: {  	s2 =	sld [smem:$0x3FD9]  }
0x89: {  	s3 =	sld [smem:$0x3FFE];
	_ =	sdelay $0x1  }
0x8a: {  	s1 =	srdreg.scid  }
0x8b: {  	s0 =	sand.u32 $0x1, s1  }
0x8c: {  	s17 =	sshll.u32 s0, $0xA;
	s2 =	sadd.s32 s3, s2  }
0x8d: {  	s2 =	sadd.s32 s2, s17  }
0x8e: {  	[smem:$0x3FA3] =	sst s2  }
0x8f: {  	_ = 	snop  }
0x90: {  	s2 =	sld [smem:$0x3FD0];
	(tm) =	ssettm $0x1  }
0x91: {  	s18 =	sld [smem:$0x3FFB];
	_ =	sdelay $0x3  }
0x92: {  	_ =	strace s18  }
0x93: {  	s3 =	sld [smem:$0x3FFC];
	_ =	sdelay $0x3  }
0x94: {  	_ =	strace s3  }
0x95: {  	s3 =	sld [smem:$0x3FFD];
	_ =	sdelay $0x3  }
0x96: {  	_ =	strace s3  }
0x97: {  	_ =	strace $0x8FFFFFFF  }
0x98: {  	s19 =	sld [smem:$0x3FDB];
	_ =	sdelay $0x1  }
0x99: {  	s4 =	simm.s32 $_scs_section_size  }
0x9a: {  	s5 =	simm.s32 $_size__tile_overlayer_lowered;
	s6 =	simm.s32 $_tile_overlayer_lowered  }
0x9b: {  	s22 =	simm.s32 $0x1BFF;
	s21 =	sshll.u32 s6, $0x1;
	s3 =	sadd.s32 s4, s19  }
0x9c: {  	s7 =	simm.s32 $0x0;
	s20 =	sshll.u32 s5, $0x1;
	s5 =	sadd.s32 s21, s3  }
0x9d: {  	[timem:s7], [sflag:s22] =	dma.local [hbm:s5], s20  }
0x9e: {  	_ =	swait.ge [sflag:s22], s20  }
0x9f: {  	s4 =	ssub.s32 $0x0, s20;
	[sflag:s22] =	ssyncset.done $0x0  }
0xa0: {  	[sflag:s22] =	ssyncadd.s32 s4;
	_ =	sdelay $0x1  }
0xa1: {  	s23 =	simm.s32 $0x1B8B  }
0xa2: {  	_ =	swait.ge [sflag:s23], $0x1  }
0xa3: {  	[sflag:s23] =	ssyncset.done $0x0  }
0xa4: {  	s25 =	simm.s32 $0x1B8E;
	s24 =	sld [smem:$0x3FFE];
	[sflag:s23] =	ssyncadd.s32 $0xFFFFFFFF  }
0xa5: {  	s26 =	simm.s32 $execute0_lowered;
	[smem:$0x3FD2] =	sst s25  }
0xa6: {  	s5 =	sshll.u32 s26, $0x1;
	_ =	strace $0x80000055;
	[dreg:$0x1] =	wrdreg $0xFFFFFFFF  }
0xa7: {  	s28 =	simm.s32 $_size_execute0_lowered;
	s3 =	sadd.s32 s3, s5;
	[dreg:$0x0] =	wrdreg $0x0  }
0xa8: {  	s5 =	sshll.u32 s28, $0x1;
	[dreg:$0x2] =	wrdreg s3  }
0xa9: {  	[dreg:$0x3] =	wrdreg s5  }
0xaa: {  	[dreg:$0x4] =	wrdreg $0xC0  }
0xab: {  	_ =	task [dreg:s7], $0x5FFFF  }
0xac: {  	[dreg:$0x1] =	wrdreg $0xFFFFFFFF  }
0xad: {  	[dreg:$0x0] =	wrdreg $0x60  }
0xae: {  	[dreg:$0x2] =	wrdreg s2  }
0xaf: {  	[dreg:$0x3] =	wrdreg s24  }
0xb0: {  	[dreg:$0x4] =	wrdreg $0xCF000  }
0xb1: {  	[dreg:$0x5] =	wrdreg $0x9  }
0xb2: {  	_ =	task.clear_ibuf [dreg:s7], $0x6FFFF;
	_ =	strace $0x90000055  }
0xb3: {  	s29 =	simm.s32 $0x9;
	_ =	strace $0x80000057  }
0xb4: {  	_ =	swait.ge [sflag:s29], $0x1  }
0xb5: {  	[sflag:s29] =	ssyncadd.s32 $0xFFFFFFFF  }
0xb6: {  	_ =	strace $0x90000057  }
0xb7: {  	_ =	sfence  }
0xb8: {  	s30 =	sld [smem:$0x0];
	_ =	sdelay $0x2  }
0xb9: {  	s31 =	sshll.u32 s1, $0xD;
	s1 =	sshrl.u32 s1, $0x2  }
0xba: {  	s3 =	sand.u32 $0x4000, s31;
	s1 =	sadd.s32 s1, s30  }
0xbb: {  	s0 =	sor.u32 s3, s0;
	s1 =	sshll.u32 s1, $0x11  }
0xbc: {  	s0 =	sor.u32 s1, s0  }
0xbd: {  	s0 =	sadd.s32 $0x8F2B, s0  }
0xbe: {  	[sflag:s0] =	ssyncadd.remote.s32 $0x1  }
0xbf: {  	_ =	sfence.sel $0xFFFF  }
0xc0: {  	[dreg:$0x0] =	wrdreg $0xFFFFFFFF;
	(pc) =	sbr.abs _section_cstart, $3  }
0xc1: {  	[dreg:$0x1] =	wrdreg $0xFFFFFFFF  }
0xc2: {  	_ =	task.clear_ibuf [dreg:s7], $0x2FFFF;
	_ =	strace $0x9FFFFFFF  }
0xc3: {  	(tm) =	ssettm $0x7FFFFFFF  }
tec
execute0_lowered:
.L_overlay_start_1:
0x0: {  	(tag) =	ssettag $0x1  }
0x1: {  	s6 =	rddreg [dreg:$0x0]  }
0x2: {  	s5 =	rddreg [dreg:$0x1]  }
0x3: {  	s1 =	srdreg.scid;
	s0 =	stileid.u32  }
0x4: {  	s2 =	rddreg [dreg:$0x2];
	s3 =	simm.s32 $0x0;
	s14 =	simm.s32 $0x2780  }
0x5: {  	s15 =	simm.s32 $0x80;
	s16 =	simm.s32 $0x4F00;
	s17 =	simm.s32 $0x6F00  }
0x6: {  	s18 =	simm.s32 $0x1;
	s19 =	simm.s32 $0x2;
	s20 =	simm.s32 $0x6  }
0x7: {  	s21 =	simm.s32 $0x3;
	s22 =	simm.s32 $0x4;
	s23 =	simm.s32 $0x8F00  }
0x8: {  	s24 =	simm.s32 $0x0;
	s4 =	sand.u32 $0x1, s1;
	s1 =	rddreg [dreg:$0x3]  }
0x9: {  	s7 =	sshll.u32 s0, $0x1;
	[smem:$0x7FF] =	sst s3;
	s9 =	smul.u32 $0x9E00, s0  }
0xa: {  	s31 =	sshll.u32 s0, $0x6;
	s10 =	sor.u32 s4, s7;
	_ =	strace $0x80000056  }
0xb: {  	s8 =	ssub.s32 $0x2, s4;
	s4 =	sadd.s32 $0x43C00, s5;
	s7 =	smul.u32 $0x4F0, s10  }
.Ltmp0:
0xc: {  	s29 =	sshrl.u32 s8, $0x1;
	s30 =	sshrl.u32 s9, $0x3;
	(pc) =	sbr.rel .LBB2_1-.Ltmp0, $4  }
0xd: {  	s13 =	sadd.s32 s9, s2;
	s10 =	smul.u32 $0x9E000, s10;
	s12 =	ssub.s32 s8, s29  }
0xe: {  	s6 =	sadd.s32 s6, s30;
	s11 =	sadd.s32 s7, s5;
	s5 =	sadd.s32 $0xD3200, s5  }
0xf: {  	s7 =	sor.u32 $0x1C05, s31;
	s8 =	sadd.s32 $0xA6A00, s11;
	s9 =	sadd.s32 $0xC9400, s11  }
0x10: {  	s11 =	smax.u32 s12, $0x1;
	s12 =	sshrl.u32 s13, $0x3;
	s13 =	simm.s32 $0x5  }
.LBB2_9:
0x11: {  	s24 =	sadd.s32 $0x1, s24  }
0x12: {  	p0 =	sne.s32 s24, s11  }
.Ltmp1:
0x13: {  	_ = 	snop;
	(pc) =	sbr.rel @!p0 .LBB2_10-.Ltmp1, $1  }
0x14: {  	_ =	sdelay $0x3  }
.LBB2_1:
0x15: {  	[spmem:s12], [sflag:s7] =	dma.local [hbm:s6], $0x13C0  }
0x16: {  	_ =	swait.ge [sflag:s13], $0x13C0  }
0x17: {  	[sflag:s13] =	ssyncset.done $0x0  }
0x18: {  	[sflag:s13] =	ssyncadd.s32 $0xFFFFEC40  }
0x19: {  	[tilespmem:s3], [sflag:$0x5] =	stream.linear.gather [hbm4b:s8+s3], $0x2780, $0x38;
	[tilespmem:$0x16D00] =	vst v63  }
0x1a: {  	_ =	swait.ge [sflag:s13], $0x2780  }
0x1b: {  	[sflag:s13] =	ssyncset.done $0x0  }
0x1c: {  	[sflag:s13] =	ssyncadd.s32 $0xFFFFD880  }
0x1d: {  	[tilespmem:s14], [sflag:$0x5] =	stream.linear.gather [hbm4b:s9+s3], $0x2780, $0x38;
	[tilespmem:$0x16D00] =	vst v63  }
0x1e: {  	_ =	swait.ge [sflag:s13], $0x2780  }
0x1f: {  	[sflag:s13] =	ssyncset.done $0x0  }
.Ltmp2:
0x20: {  	[sflag:s13] =	ssyncadd.s32 $0xFFFFD880;
	(pc) =	sbr.rel .LBB2_2-.Ltmp2, $4  }
0x21: {  	[bflag:$0x0] =	sbarrier.arrive $0xFFFF  }
0x22: {  	[tilespmem:s16], [sflag:$0x1] =	stream.indirect.gather [spmem:s2], $0x40, s3, s15, $0xb8;
	[tilespmem:$0x16D00] =	vst v63  }
0x23: {  	s25 =	simm.s32 $0x0  }
0x24: {  	[tilespmem:s17], [sflag:$0x2] =	stream.indirect.gather [hbm4b:s4+s15], $0x40, s14, s15, $0xb8;
	[tilespmem:$0x16D00] =	vst v63  }
.LBB2_8:
0x25: {  	s25 =	sadd.s32 $0x1, s25  }
0x26: {  	p0 =	sne.s32 s25, $0x28  }
.Ltmp3:
0x27: {  	_ = 	snop;
	(pc) =	sbr.rel @!p0 .LBB2_9-.Ltmp3, $1  }
0x28: {  	_ =	sdelay $0x3  }
.LBB2_2:
0x29: {  	s26 =	sshllo.u32 s25, $0x1  }
0x2a: {  	p0 =	sgt.u32 s26, $0x4E  }
0x2b: {  	s28 =	sshll.u32 @!p0 s26, $0x7;
	s29 =	simm.s32 @!p0 $0x80;
	s30 =	simm.s32 @!p0 $0x8F00  }
0x2c: {  	[tilespmem:s30], [sflag:$0x3] =	stream.indirect.gather @!p0 [spmem:s2], $0x40, s28, s29, $0xb8;
	[tilespmem:$0x16D00] =	vst v63  }
0x2d: {  	s28 =	sadd.s32 @!p0 $0x2780, s28;
	s30 =	simm.s32 @!p0 $0xAF00  }
0x2e: {  	[tilespmem:s30], [sflag:$0x4] =	stream.indirect.gather @!p0 [hbm4b:s4+s29], $0x40, s28, s29, $0xb8;
	[tilespmem:$0x16D00] =	vst v63  }
0x2f: {  	_ =	swait.ge [sflag:s18], $0x2000  }
0x30: {  	[sflag:s18] =	ssyncset.done $0x0  }
0x31: {  	[sflag:s18] =	ssyncadd.s32 $0xFFFFE000  }
0x32: {  	_ =	swait.ge [sflag:s19], $0x2000  }
0x33: {  	[sflag:s19] =	ssyncset.done $0x0  }
0x34: {  	s28 =	simm.s32 $0x0;
	[sflag:s19] =	ssyncadd.s32 $0xFFFFE000  }
0x35: {  	v2 =	vld [tilespmem:s28+$0x6F00]  }
0x36: {  	v3 =	vld [tilespmem:s28+$0x6F10]  }
0x37: {  	v1 =	vld [tilespmem:s28+$0x6F20]  }
0x38: {  	v0 =	vld [tilespmem:s28+$0x6F30]  }
0x39: {  	v4 =	vld [tilespmem:s28+$0x4F00]  }
0x3a: {  	v6 =	vld [tilespmem:s28+$0x4F10]  }
0x3b: {  	s29 =	simm.s32 $0x100;
	v5 =	vld [tilespmem:s28+$0x4F20]  }
.LBB2_3:
0x3c: {  	p1 =	sne.s32 s29, $0x7F00;
	v7 =	vld [tilespmem:s28+$0x4F30]  }
0x3d: {  	s30 =	sshra.s32 s29, $0x2  }
0x3e: {  	v4 =	vadd.f32 v2, v4;
	v2 =	vld [tilespmem:s30+$0x6F00]  }
0x3f: {  	v6 =	vadd.f32 v3, v6;
	v3 =	vld [tilespmem:s30+$0x6F10]  }
.Ltmp4:
0x40: {  	v4 =	vmax.f32 v4, $0.0e+00;
	v5 =	vadd.f32 v1, v5;
	v1 =	vld [tilespmem:s30+$0x6F20];
	(pc) =	sbr.rel @p1 .LBB2_3-.Ltmp4, $4  }
0x41: {  	[tilespmem:s28+$0x4F00] =	vst v4;
	v6 =	vmax.f32 v6, $0.0e+00;
	v7 =	vadd.f32 v0, v7;
	v0 =	vld [tilespmem:s30+$0x6F30]  }
0x42: {  	v4 =	vld [tilespmem:s30+$0x4F00];
	[tilespmem:s28+$0x4F10] =	vst v6;
	v5 =	vmax.f32 v5, $0.0e+00  }
0x43: {  	v6 =	vld [tilespmem:s30+$0x4F10];
	[tilespmem:s28+$0x4F20] =	vst v5;
	v7 =	vmax.f32 v7, $0.0e+00  }
0x44: {  	s29 =	sadd.s32 $0x100, s29;
	v5 =	vld [tilespmem:s30+$0x4F20];
	[tilespmem:s28+$0x4F30] =	vst v7;
	s28 =	smov.u32 s30  }
0x45: {  	v7 =	vld [tilespmem:s28+$0x4F30];
	_ =	sdelay $0x1  }
0x46: {  	v2 =	vadd.f32 v2, v4  }
0x47: {  	v3 =	vadd.f32 v3, v6  }
0x48: {  	v2 =	vmax.f32 v2, $0.0e+00;
	v1 =	vadd.f32 v1, v5  }
0x49: {  	s29 =	sshll.u32 s25, $0xE;
	[tilespmem:s28+$0x4F00] =	vst v2;
	v63 =	vmax.f32 v3, $0.0e+00;
	v0 =	vadd.f32 v0, v7  }
0x4a: {  	s29 =	sadd.s32 s10, s29;
	[tilespmem:s28+$0x4F10] =	vst v63;
	v1 =	vmax.f32 v1, $0.0e+00  }
0x4b: {  	s29 =	sshrl.u32 s29, $0x3;
	[tilespmem:s28+$0x4F20] =	vst v1;
	v0 =	vmax.f32 v0, $0.0e+00  }
0x4c: {  	p1 =	seq.s32 s25, $0x27;
	s31 =	sadd.s32 s5, s29;
	[tilespmem:s28+$0x4F30] =	vst v0  }
0x4d: {  	[hbm4b:s31+s3] =	stream.linear.scatter [tilespmem:s16], [sflag:$0x6], $0x2000, $0x38;
	[tilespmem:$0x16D00] =	vst v63  }
0x4e: {  	s30 =	simm.s32 @!p1 $0x80;
	_ =	swait.ge [sflag:s20], $0x2000  }
.Ltmp5:
0x4f: {  	s28 =	sshll.u32 @!p1 s25, $0x8;
	[sflag:s20] =	ssyncset.done $0x0;
	(pc) =	sbr.rel @p0 .LBB2_8-.Ltmp5, $4  }
0x50: {  	s29 =	sadd.s32 @!p1 $0x100, s28;
	s31 =	simm.s32 @!p1 $0x4F00;
	[sflag:s20] =	ssyncadd.s32 $0xFFFFE000  }
0x51: {  	[tilespmem:s31], [sflag:$0x1] =	stream.indirect.gather @!p1 [spmem:s2], $0x40, s29, s30, $0xb8;
	[tilespmem:$0x16D00] =	vst v63  }
0x52: {  	s28 =	sadd.s32 @!p1 $0x2880, s28;
	s29 =	simm.s32 @!p1 $0x6F00  }
0x53: {  	[tilespmem:s29], [sflag:$0x2] =	stream.indirect.gather @!p1 [hbm4b:s4+s30], $0x40, s28, s30, $0xb8;
	[tilespmem:$0x16D00] =	vst v63  }
0x54: {  	_ =	swait.ge [sflag:s21], $0x2000  }
0x55: {  	[sflag:s21] =	ssyncset.done $0x0  }
0x56: {  	[sflag:s21] =	ssyncadd.s32 $0xFFFFE000  }
0x57: {  	_ =	swait.ge [sflag:s22], $0x2000  }
0x58: {  	[sflag:s22] =	ssyncset.done $0x0  }
0x59: {  	s28 =	simm.s32 $0x0;
	[sflag:s22] =	ssyncadd.s32 $0xFFFFE000  }
0x5a: {  	v2 =	vld [tilespmem:s28+$0xAF00]  }
0x5b: {  	v3 =	vld [tilespmem:s28+$0xAF10]  }
0x5c: {  	v1 =	vld [tilespmem:s28+$0xAF20]  }
0x5d: {  	v0 =	vld [tilespmem:s28+$0xAF30]  }
0x5e: {  	v4 =	vld [tilespmem:s28+$0x8F00]  }
0x5f: {  	v6 =	vld [tilespmem:s28+$0x8F10]  }
0x60: {  	s29 =	simm.s32 $0x100;
	v5 =	vld [tilespmem:s28+$0x8F20]  }
.LBB2_6:
0x61: {  	p0 =	sne.s32 s29, $0x7F00;
	v7 =	vld [tilespmem:s28+$0x8F30]  }
0x62: {  	s30 =	sshra.s32 s29, $0x2  }
0x63: {  	v4 =	vadd.f32 v2, v4;
	v2 =	vld [tilespmem:s30+$0xAF00]  }
0x64: {  	v6 =	vadd.f32 v3, v6;
	v3 =	vld [tilespmem:s30+$0xAF10]  }
.Ltmp6:
0x65: {  	v4 =	vmax.f32 v4, $0.0e+00;
	v5 =	vadd.f32 v1, v5;
	v1 =	vld [tilespmem:s30+$0xAF20];
	(pc) =	sbr.rel @p0 .LBB2_6-.Ltmp6, $4  }
0x66: {  	[tilespmem:s28+$0x8F00] =	vst v4;
	v6 =	vmax.f32 v6, $0.0e+00;
	v7 =	vadd.f32 v0, v7;
	v0 =	vld [tilespmem:s30+$0xAF30]  }
0x67: {  	v4 =	vld [tilespmem:s30+$0x8F00];
	[tilespmem:s28+$0x8F10] =	vst v6;
	v5 =	vmax.f32 v5, $0.0e+00  }
0x68: {  	v6 =	vld [tilespmem:s30+$0x8F10];
	[tilespmem:s28+$0x8F20] =	vst v5;
	v7 =	vmax.f32 v7, $0.0e+00  }
0x69: {  	s29 =	sadd.s32 $0x100, s29;
	v5 =	vld [tilespmem:s30+$0x8F20];
	[tilespmem:s28+$0x8F30] =	vst v7;
	s28 =	smov.u32 s30  }
0x6a: {  	v7 =	vld [tilespmem:s28+$0x8F30];
	_ =	sdelay $0x1  }
0x6b: {  	v2 =	vadd.f32 v2, v4  }
0x6c: {  	v3 =	vadd.f32 v3, v6  }
0x6d: {  	v2 =	vmax.f32 v2, $0.0e+00;
	v1 =	vadd.f32 v1, v5  }
0x6e: {  	s26 =	sshll.u32 s26, $0xD;
	[tilespmem:s28+$0x8F00] =	vst v2;
	v63 =	vmax.f32 v3, $0.0e+00;
	v0 =	vadd.f32 v0, v7  }
0x6f: {  	s26 =	sadd.s32 s10, s26;
	[tilespmem:s28+$0x8F10] =	vst v63;
	v1 =	vmax.f32 v1, $0.0e+00  }
0x70: {  	s26 =	sshrl.u32 s26, $0x3;
	[tilespmem:s28+$0x8F20] =	vst v1;
	v0 =	vmax.f32 v0, $0.0e+00  }
.Ltmp7:
0x71: {  	s26 =	sadd.s32 s5, s26;
	[tilespmem:s28+$0x8F30] =	vst v0;
	(pc) =	sbr.rel .LBB2_8-.Ltmp7, $4  }
0x72: {  	[hbm4b:s26+s3] =	stream.linear.scatter [tilespmem:s23], [sflag:$0x5], $0x2000, $0x38;
	[tilespmem:$0x16D00] =	vst v63  }
0x73: {  	_ =	swait.ge [sflag:s13], $0x2000  }
0x74: {  	[sflag:s13] =	ssyncset.done $0x0  }
0x75: {  	[sflag:s13] =	ssyncadd.s32 $0xFFFFE000  }
.LBB2_10:
0x76: {  	_ =	sfence.sel $0x180000  }
0x77: {  	[bflag:$0x0] =	sbarrier.arrive $0xFFFF  }
0x78: {  	p0 =	sne.s32 s0, $0x0;
	_ =	strace $0x90000056  }
0x79: {  	s0 =	sadd.s32 @!p0 $0x100000, s1;
	[bflag:$0x2] =	sbarrier.arrive $0xFFFF  }
0x7a: {  	[sflag:s0] =	ssyncadd.tile.s32 @!p0 $0x1;
	_ =	shalt  }
.Lfunc_end2:
_tile_overlayer_lowered:
.L_overlay_start_2:
0x7b: {  	(tag) =	ssettag $0x2  }
0x7c: {  	s0 =	rddreg [dreg:$0x0];
	s2 =	stileid.u32  }
0x7d: {  	s1 =	rddreg [dreg:$0x1];
	p0 =	sne.s32 s2, $0x0  }
0x7e: {  	s3 =	rddreg [dreg:$0x2];
	[bflag:$0x3] =	sbarrier.arrive $0xFFFF;
	s2 =	simm.s32 @!p0 $0x1C05  }
0x7f: {  	[timem:s3], [sflag:s2] =	dma.local @!p0 [hbm:s0], s1  }
0x80: {  	s0 =	simm.s32 @!p0 $0x5  }
0x81: {  	_ =	swait.ge @!p0 [sflag:s0], s1  }
0x82: {  	s1 =	ssub.s32 @!p0 $0x0, s1;
	[sflag:s0] =	ssyncset.done @!p0 $0x0  }
0x83: {  	[sflag:s0] =	ssyncadd.s32 @!p0 s1  }
0x84: {  	[bflag:$0x3] =	sbarrier.arrive $0xFFFF  }
0x85: {  	_ =	shalt  }

// kernel: kernel.34.cloned.1.call-start
scs
__scs_entry_jumppad:
0x0: {  	(pc) =	sbr.rel $0x88, $3  }
0x1: {  	(tag) =	ssettag $0x0;
	lr =	simm.s32 $0x1  }
0x2: {  	[smem:$0x3F7C] =	sst lr;
	_ =	strace $0xD0000000  }
0x3: {  	_ = 	snop  }
0x4: {  	_ = 	snop  }
0x5: {  	_ = 	snop  }
0x6: {  	_ = 	snop  }
0x7: {  	_ = 	snop  }
__scs_overlays_trampoline_lowered:
0x8: {  	[smem:$0x3F8B] =	sst s0  }
0x9: {  	[smem:$0x3F8C] =	sst s1  }
0xa: {  	[smem:$0x3F8D] =	sst s2  }
0xb: {  	[smem:$0x3F8E] =	sst s3  }
0xc: {  	[smem:$0x3F8F] =	sst s4  }
0xd: {  	[smem:$0x3F90] =	sst s5  }
0xe: {  	[smem:$0x3F91] =	sst s6  }
0xf: {  	[smem:$0x3F92] =	sst s7  }
0x10: {  	[smem:$0x3F93] =	sst s8  }
0x11: {  	[smem:$0x3F94] =	sst s9;
	s0 =	simm.s32 @!p0 $0x0  }
0x12: {  	s1 =	sld [smem:$0x3F7A];
	s0 =	simm.s32 @p0 $0x1  }
0x13: {  	[smem:$0x3F95] =	sst s0;
	s0 =	simm.s32 @!p1 $0x0  }
0x14: {  	s2 =	sld [smem:$0x3F79];
	s0 =	simm.s32 @p1 $0x1  }
0x15: {  	[smem:$0x3F96] =	sst s0;
	s0 =	simm.s32 @!p2 $0x0  }
0x16: {  	s3 =	sld [smem:$0x3FDB];
	s0 =	simm.s32 @p2 $0x1  }
0x17: {  	s4 =	simm.s32 $0x1BF5;
	[smem:$0x3F98] =	sst s0  }
0x18: {  	s0 =	sld [smem:$0x3F7B];
	_ =	swait.ge [sflag:s4], $0x0  }
0x19: {  	s7 =	sld [smem:$0x3F7C]  }
0x1a: {  	s8 =	sadd.s32 $0xFFFFE003, lr  }
0x1b: {  	s9 =	sadd.s32 $0xFFFFFEF7, lr;
	s5 =	simm.s32 $0xFFFFFFFF;
	p2 =	slt.u32 s8, $0xFFFFF086  }
0x1c: {  	p1 =	slt.u32 s9, $0xF7A;
	s5 =	simm.s32 @!p2 $0x0  }
0x1d: {  	s5 =	simm.s32 @p1 $0x1;
	p0 =	seq.s32 s7, s2  }
0x1e: {  	s7 =	smul.u32 @!p0 $0xF7A, s2;
	p2 =	seq.s32 @!p0 s5, $0x0  }
0x1f: {  	s9 =	smul.u32 $0xF7A, s1;
	s8 =	simm.s32 @!p0 $0x1BF5;
	p2 =	por !p2, p0  }
0x20: {  	[sflag:s8] =	ssyncset.s32 @!p0 $0xFFFFF086;
	s6 =	sadd.s32 @!p0 s3, s7;
	s7 =	simm.s32 @!p0 $0x108  }
0x21: {  	s3 =	sadd.s32 s3, s9;
	s6 =	sadd.s32 @!p0 $0x88, s6;
	s7 =	simm.s32 @p2 $0x1082  }
0x22: {  	[simem:s7], [sflag:s8] =	dma.local @!p0 [hbm:s6], $0xF7A  }
0x23: {  	s9 =	sor.u32 $0xD0000000, s2;
	s6 =	simm.s32 $0x108;
	_ =	swait.ge @!p0 [sflag:s8], $0x0  }
0x24: {  	s3 =	sadd.s32 $0x88, s3;
	s6 =	simm.s32 @!p1 $0x1082;
	[sflag:s4] =	ssyncset.s32 $0xFFFFF086  }
0x25: {  	[simem:s6], [sflag:s4] =	dma.local [hbm:s3], $0xF7A  }
0x26: {  	[smem:$0x3F7C] =	sst s1;
	(tag) =	ssettag s2;
	_ =	strace s9  }
0x27: {  	s1 =	sld [smem:$0x3F8C]  }
0x28: {  	s2 =	sld [smem:$0x3F8D]  }
0x29: {  	s4 =	sld [smem:$0x3F8F]  }
0x2a: {  	p0 =	seq.s32 s5, $0x0;
	s5 =	sld [smem:$0x3F90]  }
0x2b: {  	s6 =	sld [smem:$0x3F91]  }
0x2c: {  	s7 =	sld [smem:$0x3F92]  }
0x2d: {  	s3 =	simm.s32 $0x108;
	s8 =	sld [smem:$0x3F93]  }
0x2e: {  	s3 =	simm.s32 @!p0 $0x1082;
	s9 =	sld [smem:$0x3F94]  }
0x2f: {  	lr =	sadd.s32 s0, s3;
	s0 =	sld [smem:$0x3F8B]  }
0x30: {  	s3 =	sld [smem:$0x3F8E]  }
0x31: {  	[smem:$0x3F97] =	sst s10  }
0x32: {  	s10 =	sld [smem:$0x3F95];
	_ =	sdelay $0x3  }
0x33: {  	p0 =	seq.s32 s10, $0x1;
	s10 =	sld [smem:$0x3F97];
	_ =	sdelay $0x3  }
0x34: {  	[smem:$0x3F97] =	sst s10  }
0x35: {  	s10 =	sld [smem:$0x3F96];
	_ =	sdelay $0x3  }
0x36: {  	p1 =	seq.s32 s10, $0x1;
	s10 =	sld [smem:$0x3F97];
	_ =	sdelay $0x3  }
0x37: {  	[smem:$0x3F97] =	sst s10  }
0x38: {  	s10 =	sld [smem:$0x3F98]  }
0x39: {  	_ = 	snop;
	(pc) =	sbr.ind lr, $3  }
0x3a: {  	_ = 	snop  }
0x3b: {  	_ = 	snop  }
0x3c: {  	p2 =	seq.s32 s10, $0x1;
	s10 =	sld [smem:$0x3F97]  }
0x3d: {  	_ =	shalt  }
0x3e: {  	_ =	shalt  }
0x3f: {  	_ =	shalt  }
0x40: {  	_ =	shalt  }
0x41: {  	_ =	shalt  }
0x42: {  	_ =	shalt  }
0x43: {  	_ =	shalt  }
0x44: {  	_ =	shalt  }
0x45: {  	_ =	shalt  }
0x46: {  	_ =	shalt  }
0x47: {  	_ =	shalt  }
0x48: {  	_ =	shalt  }
0x49: {  	_ =	shalt  }
0x4a: {  	_ =	shalt  }
0x4b: {  	_ =	shalt  }
0x4c: {  	_ =	shalt  }
0x4d: {  	_ =	shalt  }
0x4e: {  	_ =	shalt  }
0x4f: {  	_ =	shalt  }
0x50: {  	_ =	shalt  }
0x51: {  	_ =	shalt  }
0x52: {  	_ =	shalt  }
0x53: {  	_ =	shalt  }
0x54: {  	_ =	shalt  }
0x55: {  	_ =	shalt  }
0x56: {  	_ =	shalt  }
0x57: {  	_ =	shalt  }
0x58: {  	_ =	shalt  }
0x59: {  	_ =	shalt  }
0x5a: {  	_ =	shalt  }
0x5b: {  	_ =	shalt  }
0x5c: {  	_ =	shalt  }
0x5d: {  	_ =	shalt  }
0x5e: {  	_ =	shalt  }
0x5f: {  	_ =	shalt  }
0x60: {  	_ =	shalt  }
0x61: {  	_ =	shalt  }
0x62: {  	_ =	shalt  }
0x63: {  	_ =	shalt  }
0x64: {  	_ =	shalt  }
0x65: {  	_ =	shalt  }
0x66: {  	_ =	shalt  }
0x67: {  	_ =	shalt  }
0x68: {  	_ =	shalt  }
0x69: {  	_ =	shalt  }
0x6a: {  	_ =	shalt  }
0x6b: {  	_ =	shalt  }
0x6c: {  	_ =	shalt  }
0x6d: {  	_ =	shalt  }
0x6e: {  	_ =	shalt  }
0x6f: {  	_ =	shalt  }
0x70: {  	_ =	shalt  }
0x71: {  	_ =	shalt  }
0x72: {  	_ =	shalt  }
0x73: {  	_ =	shalt  }
0x74: {  	_ =	shalt  }
0x75: {  	_ =	shalt  }
0x76: {  	_ =	shalt  }
0x77: {  	_ =	shalt  }
0x78: {  	_ =	shalt  }
0x79: {  	_ =	shalt  }
0x7a: {  	_ =	shalt  }
0x7b: {  	_ =	shalt  }
0x7c: {  	_ =	shalt  }
0x7d: {  	_ =	shalt  }
0x7e: {  	_ =	shalt  }
0x7f: {  	_ =	shalt  }
0x80: {  	_ =	shalt  }
0x81: {  	_ =	shalt  }
0x82: {  	_ =	shalt  }
0x83: {  	_ =	shalt  }
0x84: {  	_ =	shalt  }
0x85: {  	_ =	shalt  }
0x86: {  	_ =	shalt  }
0x87: {  	_ =	shalt  }
.Lfunc_end0:
.L_simem_size_0:
called_computation.6_lowered:
.L_overlay_start_0:
0x88: {  	s2 =	sld [smem:$0x3FD9]  }
0x89: {  	s3 =	sld [smem:$0x3FFE];
	_ =	sdelay $0x1  }
0x8a: {  	s1 =	srdreg.scid  }
0x8b: {  	s0 =	sand.u32 $0x1, s1  }
0x8c: {  	s16 =	sshll.u32 s0, $0xA;
	s2 =	sadd.s32 s3, s2  }
0x8d: {  	s2 =	sadd.s32 s2, s16  }
0x8e: {  	[smem:$0x3FA3] =	sst s2  }
0x8f: {  	_ = 	snop  }
0x90: {  	(tm) =	ssettm $0x1  }
0x91: {  	s17 =	sld [smem:$0x3FFB];
	_ =	sdelay $0x3  }
0x92: {  	_ =	strace s17  }
0x93: {  	s2 =	sld [smem:$0x3FFC];
	_ =	sdelay $0x3  }
0x94: {  	_ =	strace s2  }
0x95: {  	s2 =	sld [smem:$0x3FFD];
	_ =	sdelay $0x3  }
0x96: {  	_ =	strace s2  }
0x97: {  	_ =	strace $0x8FFFFFFF  }
0x98: {  	s18 =	sld [smem:$0x3FDB];
	_ =	sdelay $0x1  }
0x99: {  	s19 =	simm.s32 $_scs_section_size  }
0x9a: {  	s4 =	simm.s32 $_size__tile_overlayer_lowered;
	s5 =	simm.s32 $_tile_overlayer_lowered  }
0x9b: {  	s22 =	simm.s32 $0x1BFF;
	s21 =	sshll.u32 s5, $0x1;
	s2 =	sadd.s32 s19, s18  }
0x9c: {  	s6 =	simm.s32 $0x0;
	s20 =	sshll.u32 s4, $0x1;
	s4 =	sadd.s32 s21, s2  }
0x9d: {  	[timem:s6], [sflag:s22] =	dma.local [hbm:s4], s20  }
0x9e: {  	_ =	swait.ge [sflag:s22], s20  }
0x9f: {  	s3 =	ssub.s32 $0x0, s20;
	[sflag:s22] =	ssyncset.done $0x0  }
0xa0: {  	[sflag:s22] =	ssyncadd.s32 s3;
	_ =	sdelay $0x1  }
0xa1: {  	s23 =	simm.s32 $0x1B8B  }
0xa2: {  	_ =	swait.ge [sflag:s23], $0x1  }
0xa3: {  	[sflag:s23] =	ssyncset.done $0x0  }
0xa4: {  	s25 =	simm.s32 $0x1B8E;
	s24 =	sld [smem:$0x3FFE];
	[sflag:s23] =	ssyncadd.s32 $0xFFFFFFFF  }
0xa5: {  	s26 =	simm.s32 $execute0_lowered;
	[smem:$0x3FD2] =	sst s25  }
0xa6: {  	s4 =	sshll.u32 s26, $0x1;
	_ =	strace $0x80000058;
	[dreg:$0x1] =	wrdreg $0xFFFFFFFF  }
0xa7: {  	s28 =	simm.s32 $_size_execute0_lowered;
	s2 =	sadd.s32 s2, s4;
	[dreg:$0x0] =	wrdreg $0x0  }
0xa8: {  	s4 =	sshll.u32 s28, $0x1;
	[dreg:$0x2] =	wrdreg s2  }
0xa9: {  	[dreg:$0x3] =	wrdreg s4  }
0xaa: {  	[dreg:$0x4] =	wrdreg $0xC0  }
0xab: {  	_ =	task [dreg:s6], $0x5FFFF  }
0xac: {  	[dreg:$0x1] =	wrdreg $0xFFFFFFFF  }
0xad: {  	[dreg:$0x0] =	wrdreg $0x60  }
0xae: {  	[dreg:$0x2] =	wrdreg s24  }
0xaf: {  	[dreg:$0x3] =	wrdreg $0x90000  }
0xb0: {  	[dreg:$0x4] =	wrdreg $0x9  }
0xb1: {  	_ =	task.clear_ibuf [dreg:s6], $0x5FFFF;
	_ =	strace $0x90000058  }
0xb2: {  	s29 =	simm.s32 $0x9;
	_ =	strace $0x8000005A  }
0xb3: {  	_ =	swait.ge [sflag:s29], $0x1  }
0xb4: {  	[sflag:s29] =	ssyncadd.s32 $0xFFFFFFFF  }
0xb5: {  	_ =	strace $0x9000005A  }
0xb6: {  	_ =	sfence  }
0xb7: {  	s30 =	sld [smem:$0x0];
	_ =	sdelay $0x2  }
0xb8: {  	s31 =	sshll.u32 s1, $0xD;
	s1 =	sshrl.u32 s1, $0x2  }
0xb9: {  	s3 =	sand.u32 $0x4000, s31;
	s1 =	sadd.s32 s1, s30  }
0xba: {  	s0 =	sor.u32 s3, s0;
	s1 =	sshll.u32 s1, $0x11  }
0xbb: {  	s0 =	sor.u32 s1, s0  }
0xbc: {  	s0 =	sadd.s32 $0x8F2B, s0  }
0xbd: {  	[sflag:s0] =	ssyncadd.remote.s32 $0x1  }
0xbe: {  	_ =	sfence.sel $0xFFFF  }
0xbf: {  	[dreg:$0x0] =	wrdreg $0xFFFFFFFF;
	(pc) =	sbr.abs _section_cstart, $3  }
0xc0: {  	[dreg:$0x1] =	wrdreg $0xFFFFFFFF  }
0xc1: {  	_ =	task.clear_ibuf [dreg:s6], $0x2FFFF;
	_ =	strace $0x9FFFFFFF  }
0xc2: {  	(tm) =	ssettm $0x7FFFFFFF  }
0xc3: {  	_ =	shalt  }
tec
execute0_lowered:
.L_overlay_start_1:
0x0: {  	(tag) =	ssettag $0x1  }
0x1: {  	s1 =	srdreg.scid;
	s6 =	rddreg [dreg:$0x0]  }
0x2: {  	s0 =	stileid.u32;
	s2 =	rddreg [dreg:$0x1];
	s3 =	simm.s32 $0x0  }
0x3: {  	s13 =	simm.s32 $0x2780;
	s14 =	simm.s32 $0x80;
	s15 =	simm.s32 $0x5000  }
0x4: {  	s16 =	simm.s32 $0x7000;
	s17 =	simm.s32 $0x1;
	s18 =	simm.s32 $0x4F00  }
0x5: {  	s19 =	simm.s32 $0x4;
	s20 =	simm.s32 $0x2;
	s21 =	simm.s32 $0x4F80  }
0x6: {  	s22 =	simm.s32 $0x0;
	s5 =	sand.u32 $0x1, s1;
	s8 =	smul.u32 $0xA000, s0  }
0x7: {  	s26 =	sshll.u32 s0, $0x1;
	s9 =	smul.u32 $0x1400, s0;
	[smem:$0x7FF] =	sst s3  }
0x8: {  	s4 =	sadd.s32 $0xC4400, s6;
	s1 =	sor.u32 s5, s26;
	s10 =	smul.u32 $0x14000, s5  }
0x9: {  	s31 =	sshll.u32 s0, $0x6;
	s5 =	ssub.s32 $0x2, s5;
	s7 =	smul.u32 $0x4F0, s1  }
0xa: {  	s1 =	rddreg [dreg:$0x2];
	_ =	strace $0x80000059;
	s28 =	sshrl.u32 s8, $0x3  }
0xb: {  	s29 =	sshrl.u32 s5, $0x1;
	s12 =	sadd.s32 s8, s2;
	s9 =	sadd.s32 s9, s10  }
0xc: {  	s30 =	ssub.s32 s5, s29;
	s11 =	sadd.s32 s7, s6;
	s7 =	sadd.s32 s28, s6  }
0xd: {  	s9 =	sadd.s32 s9, s6;
	s6 =	sor.u32 $0x1C03, s31;
	s10 =	smax.u32 s30, $0x1  }
0xe: {  	s5 =	sadd.s32 $0x2FC00, s7;
	s7 =	sadd.s32 $0xB0800, s11;
	s8 =	sadd.s32 $0xBA600, s11  }
0xf: {  	s9 =	sadd.s32 $0x43C00, s9;
	s11 =	sshrl.u32 s12, $0x3;
	s12 =	simm.s32 $0x3  }
.LBB2_1:
0x10: {  	[spmem:s11], [sflag:s6] =	dma.local [hbm:s5], $0x1400  }
0x11: {  	_ =	swait.ge [sflag:s12], $0x1400  }
0x12: {  	[sflag:s12] =	ssyncset.done $0x0  }
0x13: {  	[sflag:s12] =	ssyncadd.s32 $0xFFFFEC00  }
0x14: {  	[bflag:$0x0] =	sbarrier.arrive $0xFFFF  }
0x15: {  	[tilespmem:s3], [sflag:$0x3] =	stream.linear.gather [hbm4b:s7+s3], $0x2780, $0x38;
	[tilespmem:$0x13000] =	vst v63  }
0x16: {  	_ =	swait.ge [sflag:s12], $0x2780  }
0x17: {  	[sflag:s12] =	ssyncset.done $0x0  }
0x18: {  	[sflag:s12] =	ssyncadd.s32 $0xFFFFD880  }
0x19: {  	[tilespmem:s13], [sflag:$0x3] =	stream.linear.gather [hbm4b:s8+s3], $0x2780, $0x38;
	[tilespmem:$0x13000] =	vst v63  }
0x1a: {  	_ =	swait.ge [sflag:s12], $0x2780  }
0x1b: {  	[sflag:s12] =	ssyncset.done $0x0  }
0x1c: {  	[sflag:s12] =	ssyncadd.s32 $0xFFFFD880  }
0x1d: {  	[tilespmem:s15], [sflag:$0x1] =	stream.indirect.gather [hbm4b:s4+s14], $0x40, s13, s14, $0xb8;
	[tilespmem:$0x13000] =	vst v63  }
0x1e: {  	s23 =	simm.s32 $0x2800  }
0x1f: {  	[tilespmem:s16], [sflag:$0x2] =	stream.indirect.gather [hbm4b:s4+s14], $0x40, s23, s14, $0xb8;
	[tilespmem:$0x13000] =	vst v63  }
0x20: {  	_ =	swait.ge [sflag:s17], $0x2000  }
0x21: {  	[sflag:s17] =	ssyncset.done $0x0  }
0x22: {  	s31 =	simm.s32 $0x0;
	[sflag:s17] =	ssyncadd.s32 $0xFFFFE000  }
0x23: {  	v0 =	vld [tilespmem:s31+$0x0];
	_ =	sdelay $0x4  }
0x24: {  	[tilespmem:$0x4F00] =	vst v0  }
0x25: {  	v0 =	vld [tilespmem:s31+$0x10];
	_ =	sdelay $0x4  }
0x26: {  	[tilespmem:$0x4F10] =	vst v0  }
0x27: {  	v0 =	vld [tilespmem:s31+$0x20];
	_ =	sdelay $0x4  }
0x28: {  	[tilespmem:$0x4F20] =	vst v0  }
0x29: {  	v0 =	vld [tilespmem:s31+$0x30];
	_ =	sdelay $0x4  }
0x2a: {  	[tilespmem:$0x4F30] =	vst v0  }
0x2b: {  	v0 =	vld [tilespmem:s31+$0x40];
	_ =	sdelay $0x4  }
0x2c: {  	[tilespmem:$0x4F40] =	vst v0  }
0x2d: {  	v0 =	vld [tilespmem:s31+$0x50];
	_ =	sdelay $0x4  }
0x2e: {  	[tilespmem:$0x4F50] =	vst v0  }
0x2f: {  	v0 =	vld [tilespmem:s31+$0x60];
	_ =	sdelay $0x4  }
0x30: {  	[tilespmem:$0x4F60] =	vst v0  }
0x31: {  	v0 =	vld [tilespmem:s31+$0x70];
	_ =	sdelay $0x4  }
0x32: {  	[tilespmem:$0x4F70] =	vst v0  }
0x33: {  	[spmem:s2] =	stream.indirect.scatter.add.f32 [tilespmem:s15], [sflag:$0x4], $0x40, s18, s14, $0xb8;
	[tilespmem:$0x13000] =	vst v63  }
0x34: {  	_ =	swait.ge [sflag:s19], $0x2000  }
0x35: {  	[sflag:s19] =	ssyncset.done $0x0  }
0x36: {  	s24 =	simm.s32 $0x2880;
	[sflag:s19] =	ssyncadd.s32 $0xFFFFE000  }
0x37: {  	[tilespmem:s15], [sflag:$0x1] =	stream.indirect.gather [hbm4b:s4+s14], $0x40, s24, s14, $0xb8;
	[tilespmem:$0x13000] =	vst v63  }
0x38: {  	_ =	swait.ge [sflag:s20], $0x2000  }
0x39: {  	[sflag:s20] =	ssyncset.done $0x0  }
0x3a: {  	[sflag:s20] =	ssyncadd.s32 $0xFFFFE000  }
0x3b: {  	v63 =	vld [tilespmem:s31+$0x80];
	_ =	sdelay $0x4  }
0x3c: {  	[tilespmem:$0x4F80] =	vst v63  }
0x3d: {  	v0 =	vld [tilespmem:s31+$0x90];
	_ =	sdelay $0x4  }
0x3e: {  	[tilespmem:$0x4F90] =	vst v0  }
0x3f: {  	v0 =	vld [tilespmem:s31+$0xA0];
	_ =	sdelay $0x4  }
0x40: {  	[tilespmem:$0x4FA0] =	vst v0  }
0x41: {  	v0 =	vld [tilespmem:s31+$0xB0];
	_ =	sdelay $0x4  }
0x42: {  	[tilespmem:$0x4FB0] =	vst v0  }
0x43: {  	v0 =	vld [tilespmem:s31+$0xC0];
	_ =	sdelay $0x4  }
0x44: {  	[tilespmem:$0x4FC0] =	vst v0  }
0x45: {  	v0 =	vld [tilespmem:s31+$0xD0];
	_ =	sdelay $0x4  }
0x46: {  	[tilespmem:$0x4FD0] =	vst v0  }
0x47: {  	v0 =	vld [tilespmem:s31+$0xE0];
	_ =	sdelay $0x4  }
0x48: {  	[tilespmem:$0x4FE0] =	vst v0  }
0x49: {  	v0 =	vld [tilespmem:s31+$0xF0];
	_ =	sdelay $0x4  }
0x4a: {  	[tilespmem:$0x4FF0] =	vst v0  }
0x4b: {  	[spmem:s2] =	stream.indirect.scatter.add.f32 [tilespmem:s16], [sflag:$0x3], $0x40, s21, s14, $0xb8;
	[tilespmem:$0x13000] =	vst v63  }
0x4c: {  	_ =	swait.ge [sflag:s12], $0x2000  }
0x4d: {  	s26 =	simm.s32 $0x800;
	s23 =	simm.s32 $0x100;
	[sflag:s12] =	ssyncset.done $0x0  }
.LBB2_2:
0x4e: {  	s28 =	sadd.s32 $0x2800, s23  }
0x4f: {  	[sflag:s12] =	ssyncadd.s32 $0xFFFFE000;
	s25 =	smov.u32 s26;
	s24 =	sadd.s32 $0x400, s26  }
0x50: {  	[tilespmem:s16], [sflag:$0x2] =	stream.indirect.gather [hbm4b:s4+s14], $0x40, s28, s14, $0xb8;
	[tilespmem:$0x13000] =	vst v63  }
0x51: {  	p0 =	sne.s32 s26, $0x9800;
	_ =	swait.ge [sflag:s17], $0x2000  }
0x52: {  	[sflag:s17] =	ssyncset.done $0x0  }
0x53: {  	[sflag:s17] =	ssyncadd.s32 $0xFFFFE000  }
0x54: {  	v0 =	vld [tilespmem:s23+$0x0];
	_ =	sdelay $0x4  }
0x55: {  	[tilespmem:$0x4F00] =	vst v0  }
0x56: {  	v0 =	vld [tilespmem:s23+$0x10];
	_ =	sdelay $0x4  }
0x57: {  	[tilespmem:$0x4F10] =	vst v0  }
0x58: {  	v0 =	vld [tilespmem:s23+$0x20];
	_ =	sdelay $0x4  }
0x59: {  	[tilespmem:$0x4F20] =	vst v0  }
0x5a: {  	v0 =	vld [tilespmem:s23+$0x30];
	_ =	sdelay $0x4  }
0x5b: {  	[tilespmem:$0x4F30] =	vst v0  }
0x5c: {  	v0 =	vld [tilespmem:s23+$0x40];
	_ =	sdelay $0x4  }
0x5d: {  	[tilespmem:$0x4F40] =	vst v0  }
0x5e: {  	v0 =	vld [tilespmem:s23+$0x50];
	_ =	sdelay $0x4  }
0x5f: {  	[tilespmem:$0x4F50] =	vst v0  }
0x60: {  	v0 =	vld [tilespmem:s23+$0x60];
	_ =	sdelay $0x4  }
0x61: {  	[tilespmem:$0x4F60] =	vst v0  }
0x62: {  	v0 =	vld [tilespmem:s23+$0x70];
	_ =	sdelay $0x4  }
0x63: {  	[tilespmem:$0x4F70] =	vst v0  }
0x64: {  	[spmem:s2] =	stream.indirect.scatter.add.f32 [tilespmem:s15], [sflag:$0x4], $0x40, s18, s14, $0xb8;
	[tilespmem:$0x13000] =	vst v63  }
0x65: {  	_ =	swait.ge [sflag:s19], $0x2000  }
0x66: {  	[sflag:s19] =	ssyncset.done $0x0  }
0x67: {  	s26 =	sadd.s32 $0x2880, s23;
	[sflag:s19] =	ssyncadd.s32 $0xFFFFE000  }
0x68: {  	[tilespmem:s15], [sflag:$0x1] =	stream.indirect.gather [hbm4b:s4+s14], $0x40, s26, s14, $0xb8;
	[tilespmem:$0x13000] =	vst v63  }
0x69: {  	_ =	swait.ge [sflag:s20], $0x2000  }
0x6a: {  	[sflag:s20] =	ssyncset.done $0x0  }
0x6b: {  	[sflag:s20] =	ssyncadd.s32 $0xFFFFE000  }
0x6c: {  	v0 =	vld [tilespmem:s23+$0x80];
	_ =	sdelay $0x4  }
0x6d: {  	[tilespmem:$0x4F80] =	vst v0  }
0x6e: {  	v0 =	vld [tilespmem:s23+$0x90];
	_ =	sdelay $0x4  }
0x6f: {  	[tilespmem:$0x4F90] =	vst v0  }
0x70: {  	v0 =	vld [tilespmem:s23+$0xA0];
	_ =	sdelay $0x4  }
0x71: {  	[tilespmem:$0x4FA0] =	vst v0  }
0x72: {  	v0 =	vld [tilespmem:s23+$0xB0];
	_ =	sdelay $0x4  }
0x73: {  	[tilespmem:$0x4FB0] =	vst v0  }
0x74: {  	v0 =	vld [tilespmem:s23+$0xC0];
	_ =	sdelay $0x4  }
0x75: {  	[tilespmem:$0x4FC0] =	vst v0  }
0x76: {  	v0 =	vld [tilespmem:s23+$0xD0];
	_ =	sdelay $0x4  }
0x77: {  	[tilespmem:$0x4FD0] =	vst v0  }
0x78: {  	v0 =	vld [tilespmem:s23+$0xE0];
	_ =	sdelay $0x4  }
0x79: {  	[tilespmem:$0x4FE0] =	vst v0  }
0x7a: {  	v0 =	vld [tilespmem:s23+$0xF0];
	_ =	sdelay $0x3  }
.Ltmp0:
0x7b: {  	(pc) =	sbr.rel @p0 .LBB2_2-.Ltmp0, $4  }
0x7c: {  	[tilespmem:$0x4FF0] =	vst v0  }
0x7d: {  	[spmem:s2] =	stream.indirect.scatter.add.f32 [tilespmem:s16], [sflag:$0x3], $0x40, s21, s14, $0xb8;
	[tilespmem:$0x13000] =	vst v63  }
0x7e: {  	_ =	swait.ge [sflag:s12], $0x2000  }
0x7f: {  	s26 =	smov.u32 s24;
	s23 =	sshra.s32 s25, $0x2;
	[sflag:s12] =	ssyncset.done $0x0  }
0x80: {  	s24 =	sadd.s32 $0x2800, s23;
	[sflag:s12] =	ssyncadd.s32 $0xFFFFE000  }
0x81: {  	[tilespmem:s16], [sflag:$0x2] =	stream.indirect.gather [hbm4b:s4+s14], $0x40, s24, s14, $0xb8;
	[tilespmem:$0x13000] =	vst v63  }
0x82: {  	_ =	swait.ge [sflag:s17], $0x2000  }
0x83: {  	[sflag:s17] =	ssyncset.done $0x0  }
0x84: {  	[sflag:s17] =	ssyncadd.s32 $0xFFFFE000  }
0x85: {  	v0 =	vld [tilespmem:s23+$0x0];
	_ =	sdelay $0x4  }
0x86: {  	[tilespmem:$0x4F00] =	vst v0  }
0x87: {  	v0 =	vld [tilespmem:s23+$0x10];
	_ =	sdelay $0x4  }
0x88: {  	[tilespmem:$0x4F10] =	vst v0  }
0x89: {  	v0 =	vld [tilespmem:s23+$0x20];
	_ =	sdelay $0x4  }
0x8a: {  	[tilespmem:$0x4F20] =	vst v0  }
0x8b: {  	v0 =	vld [tilespmem:s23+$0x30];
	_ =	sdelay $0x4  }
0x8c: {  	[tilespmem:$0x4F30] =	vst v0  }
0x8d: {  	v0 =	vld [tilespmem:s23+$0x40];
	_ =	sdelay $0x4  }
0x8e: {  	[tilespmem:$0x4F40] =	vst v0  }
0x8f: {  	v0 =	vld [tilespmem:s23+$0x50];
	_ =	sdelay $0x4  }
0x90: {  	[tilespmem:$0x4F50] =	vst v0  }
0x91: {  	v0 =	vld [tilespmem:s23+$0x60];
	_ =	sdelay $0x4  }
0x92: {  	[tilespmem:$0x4F60] =	vst v0  }
0x93: {  	v0 =	vld [tilespmem:s23+$0x70];
	_ =	sdelay $0x4  }
0x94: {  	[tilespmem:$0x4F70] =	vst v0  }
0x95: {  	[spmem:s2] =	stream.indirect.scatter.add.f32 [tilespmem:s15], [sflag:$0x4], $0x40, s18, s14, $0xb8;
	[tilespmem:$0x13000] =	vst v63  }
0x96: {  	_ =	swait.ge [sflag:s19], $0x2000  }
0x97: {  	[sflag:s19] =	ssyncset.done $0x0  }
0x98: {  	s31 =	sadd.s32 $0x2880, s23;
	[sflag:s19] =	ssyncadd.s32 $0xFFFFE000  }
0x99: {  	[tilespmem:s15], [sflag:$0x1] =	stream.indirect.gather [hbm4b:s4+s14], $0x40, s31, s14, $0xb8;
	[tilespmem:$0x13000] =	vst v63  }
0x9a: {  	_ =	swait.ge [sflag:s20], $0x2000  }
0x9b: {  	[sflag:s20] =	ssyncset.done $0x0  }
0x9c: {  	[sflag:s20] =	ssyncadd.s32 $0xFFFFE000  }
0x9d: {  	v59 =	vld [tilespmem:s23+$0x80];
	_ =	sdelay $0x4  }
0x9e: {  	[tilespmem:$0x4F80] =	vst v59  }
0x9f: {  	v0 =	vld [tilespmem:s23+$0x90];
	_ =	sdelay $0x4  }
0xa0: {  	[tilespmem:$0x4F90] =	vst v0  }
0xa1: {  	v0 =	vld [tilespmem:s23+$0xA0];
	_ =	sdelay $0x4  }
0xa2: {  	[tilespmem:$0x4FA0] =	vst v0  }
0xa3: {  	v0 =	vld [tilespmem:s23+$0xB0];
	_ =	sdelay $0x4  }
0xa4: {  	[tilespmem:$0x4FB0] =	vst v0  }
0xa5: {  	v0 =	vld [tilespmem:s23+$0xC0];
	_ =	sdelay $0x4  }
0xa6: {  	[tilespmem:$0x4FC0] =	vst v0  }
0xa7: {  	v0 =	vld [tilespmem:s23+$0xD0];
	_ =	sdelay $0x4  }
0xa8: {  	[tilespmem:$0x4FD0] =	vst v0  }
0xa9: {  	v0 =	vld [tilespmem:s23+$0xE0];
	_ =	sdelay $0x4  }
0xaa: {  	[tilespmem:$0x4FE0] =	vst v0  }
0xab: {  	v0 =	vld [tilespmem:s23+$0xF0];
	_ =	sdelay $0x4  }
0xac: {  	[tilespmem:$0x4FF0] =	vst v0  }
0xad: {  	[spmem:s2] =	stream.indirect.scatter.add.f32 [tilespmem:s16], [sflag:$0x3], $0x40, s21, s14, $0xb8;
	[tilespmem:$0x13000] =	vst v63  }
0xae: {  	_ =	swait.ge [sflag:s12], $0x2000  }
0xaf: {  	[sflag:s12] =	ssyncset.done $0x0  }
0xb0: {  	[sflag:s12] =	ssyncadd.s32 $0xFFFFE000  }
0xb1: {  	_ =	swait.ge [sflag:s17], $0x2000  }
0xb2: {  	[sflag:s17] =	ssyncset.done $0x0  }
0xb3: {  	[sflag:s17] =	ssyncadd.s32 $0xFFFFE000  }
0xb4: {  	v60 =	vld [tilespmem:$0x2700]  }
0xb5: {  	v1 =	vld [tilespmem:$0x2710]  }
0xb6: {  	v2 =	vld [tilespmem:$0x2720]  }
0xb7: {  	v3 =	vld [tilespmem:$0x2730]  }
0xb8: {  	v4 =	vld [tilespmem:$0x2740]  }
0xb9: {  	v61 =	vld [tilespmem:$0x2750];
	[tilespmem:$0x4F00] =	vst v60  }
0xba: {  	v62 =	vld [tilespmem:$0x2760];
	[tilespmem:$0x4F10] =	vst v1  }
0xbb: {  	v63 =	vld [tilespmem:$0x2770];
	[tilespmem:$0x4F20] =	vst v2  }
0xbc: {  	[tilespmem:$0x4F30] =	vst v3  }
0xbd: {  	[tilespmem:$0x4F40] =	vst v4  }
0xbe: {  	[tilespmem:$0x4F50] =	vst v61  }
0xbf: {  	[tilespmem:$0x4F60] =	vst v62  }
0xc0: {  	[tilespmem:$0x4F70] =	vst v63  }
0xc1: {  	[spmem:s2] =	stream.indirect.scatter.add.f32 [tilespmem:s15], [sflag:$0x4], $0x40, s18, s14, $0xb8;
	[tilespmem:$0x13000] =	vst v63  }
0xc2: {  	_ =	swait.ge [sflag:s19], $0x2000  }
0xc3: {  	s22 =	sadd.s32 $0x1, s22;
	[sflag:s19] =	ssyncset.done $0x0  }
0xc4: {  	p0 =	sne.s32 s22, s10;
	[sflag:s19] =	ssyncadd.s32 $0xFFFFE000  }
.Ltmp1:
0xc5: {  	[bflag:$0x0] =	sbarrier.arrive $0xFFFF;
	(pc) =	sbr.rel @p0 .LBB2_1-.Ltmp1, $4  }
0xc6: {  	[hbm:s9], [sflag:s6] =	dma.local [spmem:s11], $0x1400  }
0xc7: {  	_ =	swait.ge [sflag:s12], $0x1400  }
0xc8: {  	[sflag:s12] =	ssyncset.done $0x0  }
0xc9: {  	[sflag:s12] =	ssyncadd.s32 $0xFFFFEC00  }
0xca: {  	_ =	sfence.sel $0x180000  }
0xcb: {  	[bflag:$0x0] =	sbarrier.arrive $0xFFFF  }
0xcc: {  	p0 =	sne.s32 s0, $0x0;
	_ =	strace $0x90000059  }
0xcd: {  	s0 =	sadd.s32 @!p0 $0x100000, s1;
	[bflag:$0x2] =	sbarrier.arrive $0xFFFF  }
0xce: {  	[sflag:s0] =	ssyncadd.tile.s32 @!p0 $0x1;
	_ =	shalt  }
.Lfunc_end2:
_tile_overlayer_lowered:
.L_overlay_start_2:
0xcf: {  	(tag) =	ssettag $0x2  }
0xd0: {  	s0 =	rddreg [dreg:$0x0];
	s2 =	stileid.u32  }
0xd1: {  	s1 =	rddreg [dreg:$0x1];
	p0 =	sne.s32 s2, $0x0  }
0xd2: {  	s3 =	rddreg [dreg:$0x2];
	[bflag:$0x3] =	sbarrier.arrive $0xFFFF;
	s2 =	simm.s32 @!p0 $0x1C03  }
0xd3: {  	[timem:s3], [sflag:s2] =	dma.local @!p0 [hbm:s0], s1  }
0xd4: {  	s0 =	simm.s32 @!p0 $0x3  }
0xd5: {  	_ =	swait.ge @!p0 [sflag:s0], s1  }
0xd6: {  	s1 =	ssub.s32 @!p0 $0x0, s1;
	[sflag:s0] =	ssyncset.done @!p0 $0x0  }
0xd7: {  	[sflag:s0] =	ssyncadd.s32 @!p0 s1  }
0xd8: {  	[bflag:$0x3] =	sbarrier.arrive $0xFFFF  }
0xd9: {  	_ =	shalt  }

</sc_bundles>
